<compile_context>
chip_gen: v7x
topology: tpu7x:2x2x1
jax: 0.10.2.dev20260603
libtpu: 0.0.44.dev20260713+nightly
codegen_flags: <defaults>
</compile_context>

<pallas_src>
import functools

import jax
import jax.numpy as jnp
from jax import lax
from jax.experimental import pallas as pl
from jax.experimental.pallas import tpu as pltpu
from jax.experimental.pallas import tpu_sc as plsc

_CUTOFF = 6.0
_B = 64
_BP = 1024
_CH = 128


def _sc_embed(zemb, zf):
    n_nodes = zf.shape[0]
    z_dim = zemb.shape[1]
    info = plsc.get_sparse_core_info()
    nc, ns = info.num_cores, info.num_subcores
    nw = nc * ns
    bpw = n_nodes // nw
    ch = 64
    nch = bpw // ch
    mesh = plsc.VectorSubcoreMesh(core_axis_name="c", subcore_axis_name="s")

    @functools.partial(
        pl.kernel,
        mesh=mesh,
        out_type=jax.ShapeDtypeStruct((n_nodes, z_dim), jnp.float32),
        scratch_types=[
            pltpu.VMEM((bpw,), jnp.int32),
            pltpu.VMEM((ch, z_dim), jnp.float32),
            pltpu.SemaphoreType.DMA,
        ],
    )
    def embed_kernel(zemb_hbm, zf_hbm, emb_out, zf_v, rows_v, sem):
        wid = lax.axis_index("s") * nc + lax.axis_index("c")
        base = wid * bpw
        pltpu.sync_copy(zf_hbm.at[pl.ds(base, bpw)], zf_v)
        for c in range(nch):
            off = c * ch
            pltpu.async_copy(
                zemb_hbm.at[zf_v.at[pl.ds(off, ch)]], rows_v, sem).wait()
            pltpu.sync_copy(rows_v, emb_out.at[pl.ds(base + off, ch)])

    return embed_kernel(zemb, zf)


def _sc_gather(u, v, zemb, zf, pj, pk):
    n_nodes, atom_dim = u.shape
    z_dim = zemb.shape[1]
    pp = pj.shape[0]
    emb = _sc_embed(zemb, zf)
    info = plsc.get_sparse_core_info()
    nc, ns = info.num_cores, info.num_subcores
    nw = nc * ns
    bpw = pp // nw
    ch = 64
    nch = bpw // ch
    mesh = plsc.VectorSubcoreMesh(core_axis_name="c", subcore_axis_name="s")

    buf_types = []
    for dim in (atom_dim, atom_dim, z_dim, z_dim):
        buf_types += [pltpu.VMEM((ch, dim), jnp.float32)] * 2
    sem_types = [pltpu.SemaphoreType.DMA] * 16

    @functools.partial(
        pl.kernel,
        mesh=mesh,
        out_type=(
            jax.ShapeDtypeStruct((pp, atom_dim), jnp.float32),
            jax.ShapeDtypeStruct((pp, atom_dim), jnp.float32),
            jax.ShapeDtypeStruct((pp, z_dim), jnp.float32),
            jax.ShapeDtypeStruct((pp, z_dim), jnp.float32),
        ),
        scratch_types=(
            [pltpu.VMEM((bpw,), jnp.int32)] * 2 + buf_types + sem_types),
    )
    def gather_kernel(u_hbm, v_hbm, emb_hbm, pj_hbm, pk_hbm,
                      hj_out, hk_out, ej_out, ek_out,
                      pj_v, pk_v, *bufs_and_sems):
        bufs = [[bufs_and_sems[2 * s], bufs_and_sems[2 * s + 1]]
                for s in range(4)]
        gsems = [[bufs_and_sems[8 + 2 * s], bufs_and_sems[8 + 2 * s + 1]]
                 for s in range(4)]
        wsems = [[bufs_and_sems[16 + 2 * s], bufs_and_sems[16 + 2 * s + 1]]
                 for s in range(4)]
        wid = lax.axis_index("s") * nc + lax.axis_index("c")
        base = wid * bpw
        pltpu.sync_copy(pj_hbm.at[pl.ds(base, bpw)], pj_v)
        pltpu.sync_copy(pk_hbm.at[pl.ds(base, bpw)], pk_v)
        tables = [u_hbm, v_hbm, emb_hbm, emb_hbm]
        idxs = [pj_v, pk_v, pj_v, pk_v]
        outs = [hj_out, hk_out, ej_out, ek_out]

        def issue_gathers(c):
            par = c % 2
            off = c * ch
            return [
                pltpu.async_copy(
                    tables[s].at[idxs[s].at[pl.ds(off, ch)]],
                    bufs[s][par], gsems[s][par])
                for s in range(4)]

        def issue_writes(c):
            par = c % 2
            off = c * ch
            return [
                pltpu.async_copy(
                    bufs[s][par], outs[s].at[pl.ds(base + off, ch)],
                    wsems[s][par])
                for s in range(4)]

        g_pending = {0: issue_gathers(0)}
        w_pending = {}
        for c in range(nch):
            if c + 1 < nch:
                if c - 1 in w_pending:
                    for cp in w_pending.pop(c - 1):
                        cp.wait()
                g_pending[c + 1] = issue_gathers(c + 1)
            for cp in g_pending.pop(c):
                cp.wait()
            w_pending[c] = issue_writes(c)
        for c in sorted(w_pending):
            for cp in w_pending[c]:
                cp.wait()

    return gather_kernel(u, v, emb, pj, pk)


def _prep_body(h_ref, wj_ref, wk_ref, u_ref, v_ref):
    u_ref[...] = jnp.dot(h_ref[...], wj_ref[...],
                         preferred_element_type=jnp.float32)
    v_ref[...] = jnp.dot(h_ref[...], wk_ref[...],
                         preferred_element_type=jnp.float32)


def _make_main_body(bp, b, n_en, s_dim, rbf_dim, cutoff, z_dim):
    f32 = jnp.float32
    width = cutoff / (rbf_dim - 1)

    def body(hj_ref, hk_ref, ej_ref, ek_ref, r0j_ref, r0k_ref, rjk_ref,
             ca_ref, segr_ref, rcw_ref,
             wg1a_ref, wg1b_ref, wg1c_ref, wg1cos_ref,
             bg1_ref, wg2_ref, bg2_ref, wg3_ref, bg3_ref,
             ef2_ref, w1pj_ref, w1pk_ref, w1pe2_ref, b1d_ref,
             w2d_ref, b2d_ref, w3d_ref, b3d_ref,
             agg_ref, norm_ref):
        @pl.when(pl.program_id(0) == 0)
        def _init():
            agg_ref[...] = jnp.zeros_like(agg_ref)
            norm_ref[...] = jnp.zeros_like(norm_ref)

        cent = lax.broadcasted_iota(
            jnp.int32, (1, rbf_dim), 1).astype(f32) * width

        def dot(a, bb):
            return jnp.dot(a, bb, preferred_element_type=f32)

        def rbf(rc):
            rr = jnp.minimum(rc, cutoff)
            return jnp.exp(-0.5 * ((rr - cent) / width) ** 2)

        r0j = r0j_ref[...]
        r0k = r0k_ref[...]
        rjk = rjk_ref[...]
        x = (hj_ref[...]
             + hk_ref[...]
             + dot(rbf(r0j), wg1a_ref[...])
             + dot(rbf(r0k), wg1b_ref[...])
             + dot(rbf(rjk), wg1c_ref[...])
             + ca_ref[...] * wg1cos_ref[...]
             + bg1_ref[...])
        x = jax.nn.silu(x)
        x = jax.nn.silu(
            dot(x.astype(jnp.bfloat16), wg2_ref[...].astype(jnp.bfloat16))
            + bg2_ref[...])
        gg = (dot(x.astype(jnp.bfloat16), wg3_ref[...].astype(jnp.bfloat16))
              + bg3_ref[...])

        rc1 = rcw_ref[...].reshape(1, 3 * bp)
        c1 = 0.5 * (jnp.cos(jnp.pi * rc1 / cutoff) + 1.0) * (
            rc1 < cutoff).astype(f32)
        cw1 = c1[:, 0:bp] * c1[:, bp:2 * bp] * c1[:, 2 * bp:3 * bp]
        s1 = segr_ref[...].reshape(1, bp)
        ohwt = jnp.where(
            s1 == lax.broadcasted_iota(jnp.int32, (b, 1), 0),
            cw1, 0.0)

        ne2 = n_en // 2
        epre2 = dot(ef2_ref[...], w1pe2_ref[...]) + b1d_ref[...]
        gp = (dot(ej_ref[...][:, :z_dim], w1pj_ref[...])
              + dot(ek_ref[...][:, :z_dim], w1pk_ref[...]))
        gp2 = jnp.concatenate([gp, gp], axis=1)
        pre = jnp.concatenate(
            [gp2 + epre2[e2:e2 + 1, :] for e2 in range(ne2)], axis=0)
        pre16 = pre.astype(jnp.bfloat16)
        h1 = pre16 * jax.nn.sigmoid(pre16)
        z2 = (dot(h1, w2d_ref[...]) + b2d_ref[...]).astype(jnp.bfloat16)
        h2 = z2 * jax.nn.sigmoid(z2)
        ge = dot(h2, w3d_ref[...]) + b3d_ref[...]

        m = jnp.concatenate(
            [ge[(e // 2) * bp:(e // 2 + 1) * bp,
                (e % 2) * s_dim:(e % 2 + 1) * s_dim] * gg
             for e in range(n_en)], axis=1)
        agg_ref[...] += dot(
            ohwt.astype(jnp.bfloat16), m.astype(jnp.bfloat16))
        norm_ref[...] += jnp.sum(ohwt, axis=1, keepdims=True)

    return body


def _out_body(agg_ref, nrm_ref, wo1_ref, bo1_ref, wo2_ref, bo2_ref, out_ref):
    x = agg_ref[...] / jnp.maximum(nrm_ref[...], 1e-8)
    h = jax.nn.silu(
        jnp.dot(x, wo1_ref[...], preferred_element_type=jnp.float32)
        + bo1_ref[...])
    out_ref[...] = (
        jnp.dot(h, wo2_ref[...], preferred_element_type=jnp.float32)
        + bo2_ref[...])


def _main_call(args, bp, b, n_en, s_dim, rbf_dim, z_dim, interp_shapes):
    pp, atom_dim = interp_shapes["hj"]
    ze_pad = interp_shapes["ej"][1]
    nblk = pp // bp
    row_spec = lambda d: pl.BlockSpec((bp, d), lambda i: (i, 0))
    full = lambda shape: pl.BlockSpec(shape, lambda i: (0, 0))
    in_specs = [
        row_spec(atom_dim), row_spec(atom_dim), row_spec(ze_pad),
        row_spec(ze_pad), row_spec(1), row_spec(1), row_spec(1), row_spec(1),
        pl.BlockSpec((1, 1, bp), lambda i: (i, 0, 0)),
        pl.BlockSpec((1, 1, 3 * bp), lambda i: (i, 0, 0)),
    ] + [full(a.shape) for a in args[10:]]
    out_specs = [
        pl.BlockSpec((b, n_en * s_dim), lambda i: (0, 0)),
        pl.BlockSpec((b, 1), lambda i: (0, 0)),
    ]
    out_shape = [
        jax.ShapeDtypeStruct((b, n_en * s_dim), jnp.float32),
        jax.ShapeDtypeStruct((b, 1), jnp.float32),
    ]
    return pl.pallas_call(
        _make_main_body(bp, b, n_en, s_dim, rbf_dim, _CUTOFF, z_dim),
        grid=(nblk,),
        in_specs=in_specs,
        out_specs=out_specs,
        out_shape=out_shape,
    )(*args)


def kernel(h_flat, z_flat, e_feat, path_j, path_k, path_r0j, path_r0k,
           path_rjk, path_cosangle, path_batch, bsz, params):
    f32 = jnp.float32
    i32 = jnp.int32
    h_flat = h_flat.astype(f32)
    e_feat = e_feat.astype(f32)
    zemb = params["z_emb"].astype(f32)
    atom_dim = h_flat.shape[1]
    z_dim = zemb.shape[1]
    n_en = e_feat.shape[0]

    (g_w1, g_b1), (g_w2, g_b2), (g_w3, g_b3) = params["geom_mlp"]
    (p_w1, p_b1), (p_w2, p_b2), (p_w3, p_b3) = params["pair_mlp"]
    (o_w1, o_b1), (o_w2, o_b2) = params["out_mlp"]
    s_dim = g_w3.shape[1]
    rbf_dim = (g_w1.shape[0] - 2 * atom_dim - 1) // 3
    out_dim = o_w2.shape[1]

    p = path_j.shape[0]
    p_pad = ((p + 4095) // 4096) * 4096
    pad = p_pad - p
    pj = jnp.pad(path_j.astype(i32), (0, pad))
    pk = jnp.pad(path_k.astype(i32), (0, pad))
    seg = jnp.pad(jnp.minimum(path_batch, bsz - 1).astype(i32), (0, pad))
    r0j = jnp.pad(path_r0j.astype(f32), (0, pad), constant_values=1e9)
    r0k = jnp.pad(path_r0k.astype(f32), (0, pad), constant_values=1e9)
    rjk = jnp.pad(path_rjk.astype(f32), (0, pad), constant_values=1e9)
    ca = jnp.pad(path_cosangle.astype(f32), (0, pad))

    zemb_pad = jnp.pad(zemb, ((0, 0), (0, 128 - z_dim)))
    g_hidden = g_w2.shape[0]
    wg1hj_full = g_w1[0:atom_dim]
    wg1hk_full = g_w1[atom_dim:2 * atom_dim]
    u, v = pl.pallas_call(
        _prep_body,
        out_shape=[
            jax.ShapeDtypeStruct((h_flat.shape[0], g_hidden), jnp.float32),
            jax.ShapeDtypeStruct((h_flat.shape[0], g_hidden), jnp.float32),
        ],
    )(h_flat, wg1hj_full, wg1hk_full)
    hj, hk, ej, ek = _sc_gather(u, v, zemb_pad, z_flat.astype(i32), pj, pk)

    a = atom_dim
    r = rbf_dim
    wg1a = g_w1[2 * a:2 * a + r]
    wg1b = g_w1[2 * a + r:2 * a + 2 * r]
    wg1c = g_w1[2 * a + 2 * r:2 * a + 3 * r]
    wg1cos = g_w1[2 * a + 3 * r:2 * a + 3 * r + 1]
    w1pj = p_w1[0:z_dim]
    w1pk = p_w1[z_dim:2 * z_dim]
    w1pe = p_w1[2 * z_dim:2 * z_dim + e_feat.shape[1]]

    e_dim = e_feat.shape[1]
    p_hid = p_w2.shape[0]
    bf16 = jnp.bfloat16
    ef2 = e_feat.reshape(n_en // 2, 2 * e_dim)
    w1pe2 = jnp.zeros((2 * e_dim, 2 * p_hid), f32)
    w1pe2 = w1pe2.at[:e_dim, :p_hid].set(w1pe).at[e_dim:, p_hid:].set(w1pe)
    b1d = jnp.concatenate([p_b1, p_b1]).reshape(1, -1)
    w2d = jnp.zeros((2 * p_hid, 2 * p_hid), f32)
    w2d = w2d.at[:p_hid, :p_hid].set(p_w2).at[p_hid:, p_hid:].set(p_w2)
    b2d = jnp.concatenate([p_b2, p_b2]).reshape(1, -1)
    w3d = jnp.zeros((2 * p_hid, 2 * s_dim), f32)
    w3d = w3d.at[:p_hid, :s_dim].set(p_w3).at[p_hid:, s_dim:].set(p_w3)
    b3d = jnp.concatenate([p_b3, p_b3]).reshape(1, -1)

    nblk = p_pad // _BP
    rcw = jnp.concatenate(
        [r0j.reshape(nblk, 1, _BP), r0k.reshape(nblk, 1, _BP),
         rjk.reshape(nblk, 1, _BP)], axis=2)
    segr = seg.reshape(nblk, 1, _BP)

    args = (
        hj, hk, ej, ek,
        r0j.reshape(p_pad, 1), r0k.reshape(p_pad, 1), rjk.reshape(p_pad, 1),
        ca.reshape(p_pad, 1), segr, rcw,
        wg1a, wg1b, wg1c, wg1cos, g_b1.reshape(1, -1),
        g_w2, g_b2.reshape(1, -1), g_w3, g_b3.reshape(1, -1),
        ef2, w1pj, w1pk, w1pe2, b1d,
        w2d.astype(bf16), b2d, w3d.astype(bf16), b3d,
    )
    agg, normv = _main_call(
        args, _BP, _B, n_en, s_dim, rbf_dim, z_dim,
        {"hj": hj.shape, "ej": ej.shape})

    aggr = agg.reshape(_B, n_en, s_dim).reshape(_B * n_en, s_dim)
    nrep = jnp.broadcast_to(normv, (_B, n_en)).reshape(_B * n_en, 1)
    out2 = pl.pallas_call(
        _out_body,
        out_shape=jax.ShapeDtypeStruct((_B * n_en, out_dim), jnp.float32),
    )(aggr, nrep, o_w1, o_b1.reshape(1, -1), o_w2, o_b2.reshape(1, -1))
    return out2.reshape(_B, n_en, out_dim)

# --- scband reference (transcript-rebuilt; emitter-appended) ---
"""Pipeline reference for scband-absorber-path-aggregator-34797825032825 (READ-ONLY COPY).

The authoritative reference and input builder live on the scoring server;
editing this copy changes nothing except your own understanding.
"""

import jax, jax.numpy as jnp
import numpy as np

ATOM_DIM = 128
RBF_DIM = 32
GEOM_HIDDEN = 128
SCATTER_DIM = 32
OUT_DIM = 64
CUTOFF = 6.0
MAX_Z = 100
Z_EMB_DIM = 16
E_DIM = 16
PAIR_HIDDEN = 64
N_ENERGIES = 32
N_PATHS = 24000
N_NODES_FLAT = 10240
BSZ = 64


def _linear_init(key, din, dout):
    k1, k2 = jax.random.split(key)
    lim = 1.0 / np.sqrt(din)
    W = jax.random.uniform(k1, (din, dout), jnp.float32, -lim, lim)
    b = jax.random.uniform(k2, (dout,), jnp.float32, -lim, lim)
    return (W, b)


def _mlp_init(key, dims):
    layers = []
    for i in range(len(dims) - 1):
        key, sub = jax.random.split(key)
        layers.append(_linear_init(sub, dims[i], dims[i + 1]))
    return layers


def _mlp_apply(layers, x):
    n = len(layers)
    for i, (W, b) in enumerate(layers):
        x = x @ W + b
        if i < n - 1:
            x = jax.nn.silu(x)
    return x


def _gaussian_rbf(r, cutoff, n_rbf):
    centers = jnp.linspace(0.0, cutoff, n_rbf)
    width = centers[1] - centers[0]
    return jnp.exp(-0.5 * ((r[..., None] - centers) / width) ** 2)


def _cosine_cutoff(r, cutoff):
    return 0.5 * (jnp.cos(jnp.pi * r / cutoff) + 1.0) * (r < cutoff).astype(r.dtype)


def setup_inputs(seed: int = 0):
    key = jax.random.key(seed)
    ks = jax.random.split(key, 16)
    h_flat = jax.random.normal(ks[0], (N_NODES_FLAT, ATOM_DIM), jnp.float32)
    z_flat = jax.random.randint(ks[1], (N_NODES_FLAT,), 0, MAX_Z)
    e_feat = jax.random.normal(ks[2], (N_ENERGIES, E_DIM), jnp.float32)
    path_j = jax.random.randint(ks[3], (N_PATHS,), 0, N_NODES_FLAT)
    path_k = jax.random.randint(ks[4], (N_PATHS,), 0, N_NODES_FLAT)
    path_r0j = jax.random.uniform(ks[5], (N_PATHS,), jnp.float32) * CUTOFF
    path_r0k = jax.random.uniform(ks[6], (N_PATHS,), jnp.float32) * CUTOFF
    path_rjk = jax.random.uniform(ks[7], (N_PATHS,), jnp.float32) * CUTOFF
    path_cosangle = jax.random.uniform(ks[8], (N_PATHS,), jnp.float32, -1.0, 1.0)
    path_batch = jnp.sort(jax.random.randint(ks[9], (N_PATHS,), 0, BSZ))
    params = {
        "z_emb": jax.random.normal(ks[10], (MAX_Z + 1, Z_EMB_DIM), jnp.float32),
        "pair_mlp": _mlp_init(ks[11], [2 * Z_EMB_DIM + E_DIM, PAIR_HIDDEN, PAIR_HIDDEN, SCATTER_DIM]),
        "geom_mlp": _mlp_init(ks[12], [2 * ATOM_DIM + 3 * RBF_DIM + 1, GEOM_HIDDEN, GEOM_HIDDEN, SCATTER_DIM]),
        "out_mlp": _mlp_init(ks[13], [SCATTER_DIM, GEOM_HIDDEN, OUT_DIM]),
    }
    return {
        "h_flat": h_flat,
        "z_flat": z_flat,
        "e_feat": e_feat,
        "path_j": path_j,
        "path_k": path_k,
        "path_r0j": path_r0j,
        "path_r0k": path_r0k,
        "path_rjk": path_rjk,
        "path_cosangle": path_cosangle,
        "path_batch": path_batch,
        "bsz": BSZ,
        "params": params,
    }


def _forward(h_flat, e_feat, path_r0j, path_r0k, path_rjk, path_cosangle, params, z_flat, path_j, path_k, path_batch, bsz):
    n_energies = e_feat.shape[0]
    n_paths = path_j.shape[0]
    # gathers (memory-bound)
    hj = h_flat[path_j]
    hk = h_flat[path_k]
    f0j = _gaussian_rbf(jnp.minimum(path_r0j, CUTOFF), CUTOFF, RBF_DIM)
    f0k = _gaussian_rbf(jnp.minimum(path_r0k, CUTOFF), CUTOFF, RBF_DIM)
    fjk = _gaussian_rbf(jnp.minimum(path_rjk, CUTOFF), CUTOFF, RBF_DIM)
    geom_in = jnp.concatenate([hj, hk, f0j, f0k, fjk, path_cosangle[:, None]], axis=-1)
    g_geom = _mlp_apply(params["geom_mlp"], geom_in)  # (P, S)
    # PairElementEnergyScattering
    zj = z_flat[path_j]
    zk = z_flat[path_k]
    ej = jnp.broadcast_to(params["z_emb"][zj][:, None, :], (n_paths, n_energies, Z_EMB_DIM))
    ek = jnp.broadcast_to(params["z_emb"][zk][:, None, :], (n_paths, n_energies, Z_EMB_DIM))
    ef = jnp.broadcast_to(e_feat[None, :, :], (n_paths, n_energies, e_feat.shape[1]))
    g_elem = _mlp_apply(params["pair_mlp"], jnp.concatenate([ej, ek, ef], axis=-1))  # (P, nE, S)
    cw = _cosine_cutoff(path_r0j, CUTOFF) * _cosine_cutoff(path_r0k, CUTOFF) * _cosine_cutoff(path_rjk, CUTOFF)
    contrib = g_geom[:, None, :] * g_elem * cw[:, None, None]
    # scatter-add aggregation over batch (memory-bound)
    seg_ids = jnp.minimum(path_batch, bsz - 1)
    agg = jax.ops.segment_sum(contrib, seg_ids, num_segments=BSZ)
    norm = jax.ops.segment_sum(cw, seg_ids, num_segments=BSZ)
    agg = agg / jnp.maximum(norm, 1e-08)[:, None, None]
    return _mlp_apply(params["out_mlp"], agg)  # (B, nE, out_dim)


def reference(h_flat, z_flat, e_feat, path_j, path_k, path_r0j, path_r0k, path_rjk, path_cosangle, path_batch, bsz, params):
    return _forward(h_flat, e_feat, path_r0j, path_r0k, path_rjk, path_cosangle, params, z_flat, path_j, path_k, path_batch, bsz)

if __name__ == "__main__":
    import jax
    _d = setup_inputs()
    print(jax.jit(kernel)(*tuple(_d.values())))

</pallas_src>

<mosaic_0001>
#map = affine_map<(d0, d1) -> (0, 0)>
#map1 = affine_map<(d0, d1) -> (0)>
module attributes {stable_mosaic.version = 14 : i64} {
  func.func @gather_kernel(%arg0: i32, %arg1: i32, %arg2: memref<10240x128xf32, #tpu.memory_space<hbm>>, %arg3: memref<10240x128xf32, #tpu.memory_space<hbm>>, %arg4: memref<10240x128xf32, #tpu.memory_space<hbm>>, %arg5: memref<24576xi32, #tpu.memory_space<hbm>>, %arg6: memref<24576xi32, #tpu.memory_space<hbm>>, %arg7: memref<24576x128xf32, #tpu.memory_space<hbm>>, %arg8: memref<24576x128xf32, #tpu.memory_space<hbm>>, %arg9: memref<24576x128xf32, #tpu.memory_space<hbm>>, %arg10: memref<24576x128xf32, #tpu.memory_space<hbm>>, %arg11: memref<768xi32, #tpu.memory_space<vmem>>, %arg12: memref<768xi32, #tpu.memory_space<vmem>>, %arg13: memref<64x128xf32, #tpu.memory_space<vmem>>, %arg14: memref<64x128xf32, #tpu.memory_space<vmem>>, %arg15: memref<64x128xf32, #tpu.memory_space<vmem>>, %arg16: memref<64x128xf32, #tpu.memory_space<vmem>>, %arg17: memref<64x128xf32, #tpu.memory_space<vmem>>, %arg18: memref<64x128xf32, #tpu.memory_space<vmem>>, %arg19: memref<64x128xf32, #tpu.memory_space<vmem>>, %arg20: memref<64x128xf32, #tpu.memory_space<vmem>>, %arg21: memref<!tpu.dma_semaphore, #tpu.memory_space<semaphore_mem>>, %arg22: memref<!tpu.dma_semaphore, #tpu.memory_space<semaphore_mem>>, %arg23: memref<!tpu.dma_semaphore, #tpu.memory_space<semaphore_mem>>, %arg24: memref<!tpu.dma_semaphore, #tpu.memory_space<semaphore_mem>>, %arg25: memref<!tpu.dma_semaphore, #tpu.memory_space<semaphore_mem>>, %arg26: memref<!tpu.dma_semaphore, #tpu.memory_space<semaphore_mem>>, %arg27: memref<!tpu.dma_semaphore, #tpu.memory_space<semaphore_mem>>, %arg28: memref<!tpu.dma_semaphore, #tpu.memory_space<semaphore_mem>>, %arg29: memref<!tpu.dma_semaphore, #tpu.memory_space<semaphore_mem>>, %arg30: memref<!tpu.dma_semaphore, #tpu.memory_space<semaphore_mem>>, %arg31: memref<!tpu.dma_semaphore, #tpu.memory_space<semaphore_mem>>, %arg32: memref<!tpu.dma_semaphore, #tpu.memory_space<semaphore_mem>>, %arg33: memref<!tpu.dma_semaphore, #tpu.memory_space<semaphore_mem>>, %arg34: memref<!tpu.dma_semaphore, #tpu.memory_space<semaphore_mem>>, %arg35: memref<!tpu.dma_semaphore, #tpu.memory_space<semaphore_mem>>, %arg36: memref<!tpu.dma_semaphore, #tpu.memory_space<semaphore_mem>>) attributes {dimension_semantics = [#tpu.dimension_semantics<core_parallel>, #tpu.dimension_semantics<subcore_parallel>], iteration_bounds = array<i64: 2, 16>, scalar_prefetch = 0 : i64, scratch_operands = 26 : i64, tpu.core_type = #tpu.core_type<sc_vector_subcore>, window_params = [{transform_indices = #map}, {transform_indices = #map}, {transform_indices = #map}, {transform_indices = #map1}, {transform_indices = #map1}, {transform_indices = #map}, {transform_indices = #map}, {transform_indices = #map}, {transform_indices = #map}]} {
    %mul3A = arith.constant 2 : i32
    %mul3A_0 = arith.muli %arg1, %mul3A : i32
    %add3A = arith.addi %mul3A_0, %arg0 : i32
    %mul3A_1 = arith.constant 768 : i32
    %mul3A_2 = arith.muli %add3A, %mul3A_1 : i32
    "tpu.region"() ({
      %run_scoped3A = tpu.sem_alloc : memref<!tpu.dma_semaphore, #tpu.memory_space<semaphore_mem>>
      %dma_start3A_961 = tpu.memref_slice %arg5[%mul3A_2] : memref<24576xi32, #tpu.memory_space<hbm>> -> memref<768xi32, #tpu.memory_space<hbm>>
      %dma_start3A_962 = tpu.memref_slice %arg5[%mul3A_2] : memref<24576xi32, #tpu.memory_space<hbm>> -> memref<768xi32, #tpu.memory_space<hbm>>
      tpu.enqueue_dma source(%dma_start3A_962 : memref<768xi32, #tpu.memory_space<hbm>>) target(%arg11 : memref<768xi32, #tpu.memory_space<vmem>>) target_semaphore(%run_scoped3A : memref<!tpu.dma_semaphore, #tpu.memory_space<semaphore_mem>>)
      %dma_wait3A_963 = tpu.memref_slice %arg5[%mul3A_2] : memref<24576xi32, #tpu.memory_space<hbm>> -> memref<768xi32, #tpu.memory_space<hbm>>
      %dma_wait3A_964 = tpu.memref_slice %arg5[%mul3A_2] : memref<24576xi32, #tpu.memory_space<hbm>> -> memref<768xi32, #tpu.memory_space<hbm>>
      tpu.wait_dma2 semaphore(%run_scoped3A : memref<!tpu.dma_semaphore, #tpu.memory_space<semaphore_mem>>) src(%dma_wait3A_964 : memref<768xi32, #tpu.memory_space<hbm>>) dst(%arg11 : memref<768xi32, #tpu.memory_space<vmem>>)
      tpu.yield
    }) : () -> ()
    "tpu.region"() ({
      %run_scoped3A = tpu.sem_alloc : memref<!tpu.dma_semaphore, #tpu.memory_space<semaphore_mem>>
      %dma_start3A_961 = tpu.memref_slice %arg6[%mul3A_2] : memref<24576xi32, #tpu.memory_space<hbm>> -> memref<768xi32, #tpu.memory_space<hbm>>
      %dma_start3A_962 = tpu.memref_slice %arg6[%mul3A_2] : memref<24576xi32, #tpu.memory_space<hbm>> -> memref<768xi32, #tpu.memory_space<hbm>>
      tpu.enqueue_dma source(%dma_start3A_962 : memref<768xi32, #tpu.memory_space<hbm>>) target(%arg12 : memref<768xi32, #tpu.memory_space<vmem>>) target_semaphore(%run_scoped3A : memref<!tpu.dma_semaphore, #tpu.memory_space<semaphore_mem>>)
      %dma_wait3A_963 = tpu.memref_slice %arg6[%mul3A_2] : memref<24576xi32, #tpu.memory_space<hbm>> -> memref<768xi32, #tpu.memory_space<hbm>>
      %dma_wait3A_964 = tpu.memref_slice %arg6[%mul3A_2] : memref<24576xi32, #tpu.memory_space<hbm>> -> memref<768xi32, #tpu.memory_space<hbm>>
      tpu.wait_dma2 semaphore(%run_scoped3A : memref<!tpu.dma_semaphore, #tpu.memory_space<semaphore_mem>>) src(%dma_wait3A_964 : memref<768xi32, #tpu.memory_space<hbm>>) dst(%arg12 : memref<768xi32, #tpu.memory_space<vmem>>)
      tpu.yield
    }) : () -> ()
    %dma_start3A = arith.constant 0 : i32
    %dma_start3A_3 = tpu.memref_slice %arg11[%dma_start3A] : memref<768xi32, #tpu.memory_space<vmem>> -> memref<64xi32, #tpu.memory_space<vmem>>
    %dma_start3A_4 = arith.constant 0 : i32
    %dma_start3A_5 = arith.constant 0 : i32
    %dma_start3A_6 = tpu.memref_slice %arg2[%dma_start3A_4, %dma_start3A_5] : memref<10240x128xf32, #tpu.memory_space<hbm>> -> memref<10240x128xf32, #tpu.memory_space<hbm>>
    tpu.enqueue_indirect_dma source(%dma_start3A_6 : memref<10240x128xf32, #tpu.memory_space<hbm>>) target(%arg13 : memref<64x128xf32, #tpu.memory_space<vmem>>) offsets(%dma_start3A_3 : memref<64xi32, #tpu.memory_space<vmem>>) semaphore(%arg21 : memref<!tpu.dma_semaphore, #tpu.memory_space<semaphore_mem>>)
    %dma_start3A_7 = arith.constant 0 : i32
    %dma_start3A_8 = tpu.memref_slice %arg12[%dma_start3A_7] : memref<768xi32, #tpu.memory_space<vmem>> -> memref<64xi32, #tpu.memory_space<vmem>>
    %dma_start3A_9 = arith.constant 0 : i32
    %dma_start3A_10 = arith.constant 0 : i32
    %dma_start3A_11 = tpu.memref_slice %arg3[%dma_start3A_9, %dma_start3A_10] : memref<10240x128xf32, #tpu.memory_space<hbm>> -> memref<10240x128xf32, #tpu.memory_space<hbm>>
    tpu.enqueue_indirect_dma source(%dma_start3A_11 : memref<10240x128xf32, #tpu.memory_space<hbm>>) target(%arg15 : memref<64x128xf32, #tpu.memory_space<vmem>>) offsets(%dma_start3A_8 : memref<64xi32, #tpu.memory_space<vmem>>) semaphore(%arg23 : memref<!tpu.dma_semaphore, #tpu.memory_space<semaphore_mem>>)
    %dma_start3A_12 = arith.constant 0 : i32
    %dma_start3A_13 = tpu.memref_slice %arg11[%dma_start3A_12] : memref<768xi32, #tpu.memory_space<vmem>> -> memref<64xi32, #tpu.memory_space<vmem>>
    %dma_start3A_14 = arith.constant 0 : i32
    %dma_start3A_15 = arith.constant 0 : i32
    %dma_start3A_16 = tpu.memref_slice %arg4[%dma_start3A_14, %dma_start3A_15] : memref<10240x128xf32, #tpu.memory_space<hbm>> -> memref<10240x128xf32, #tpu.memory_space<hbm>>
    tpu.enqueue_indirect_dma source(%dma_start3A_16 : memref<10240x128xf32, #tpu.memory_space<hbm>>) target(%arg17 : memref<64x128xf32, #tpu.memory_space<vmem>>) offsets(%dma_start3A_13 : memref<64xi32, #tpu.memory_space<vmem>>) semaphore(%arg25 : memref<!tpu.dma_semaphore, #tpu.memory_space<semaphore_mem>>)
    %dma_start3A_17 = arith.constant 0 : i32
    %dma_start3A_18 = tpu.memref_slice %arg12[%dma_start3A_17] : memref<768xi32, #tpu.memory_space<vmem>> -> memref<64xi32, #tpu.memory_space<vmem>>
    %dma_start3A_19 = arith.constant 0 : i32
    %dma_start3A_20 = arith.constant 0 : i32
    %dma_start3A_21 = tpu.memref_slice %arg4[%dma_start3A_19, %dma_start3A_20] : memref<10240x128xf32, #tpu.memory_space<hbm>> -> memref<10240x128xf32, #tpu.memory_space<hbm>>
    tpu.enqueue_indirect_dma source(%dma_start3A_21 : memref<10240x128xf32, #tpu.memory_space<hbm>>) target(%arg19 : memref<64x128xf32, #tpu.memory_space<vmem>>) offsets(%dma_start3A_18 : memref<64xi32, #tpu.memory_space<vmem>>) semaphore(%arg27 : memref<!tpu.dma_semaphore, #tpu.memory_space<semaphore_mem>>)
    %dma_start3A_22 = arith.constant 64 : i32
    %dma_start3A_23 = tpu.memref_slice %arg11[%dma_start3A_22] : memref<768xi32, #tpu.memory_space<vmem>> -> memref<64xi32, #tpu.memory_space<vmem>>
    %dma_start3A_24 = arith.constant 0 : i32
    %dma_start3A_25 = arith.constant 0 : i32
    %dma_start3A_26 = tpu.memref_slice %arg2[%dma_start3A_24, %dma_start3A_25] : memref<10240x128xf32, #tpu.memory_space<hbm>> -> memref<10240x128xf32, #tpu.memory_space<hbm>>
    tpu.enqueue_indirect_dma source(%dma_start3A_26 : memref<10240x128xf32, #tpu.memory_space<hbm>>) target(%arg14 : memref<64x128xf32, #tpu.memory_space<vmem>>) offsets(%dma_start3A_23 : memref<64xi32, #tpu.memory_space<vmem>>) semaphore(%arg22 : memref<!tpu.dma_semaphore, #tpu.memory_space<semaphore_mem>>)
    %dma_start3A_27 = arith.constant 64 : i32
    %dma_start3A_28 = tpu.memref_slice %arg12[%dma_start3A_27] : memref<768xi32, #tpu.memory_space<vmem>> -> memref<64xi32, #tpu.memory_space<vmem>>
    %dma_start3A_29 = arith.constant 0 : i32
    %dma_start3A_30 = arith.constant 0 : i32
    %dma_start3A_31 = tpu.memref_slice %arg3[%dma_start3A_29, %dma_start3A_30] : memref<10240x128xf32, #tpu.memory_space<hbm>> -> memref<10240x128xf32, #tpu.memory_space<hbm>>
    tpu.enqueue_indirect_dma source(%dma_start3A_31 : memref<10240x128xf32, #tpu.memory_space<hbm>>) target(%arg16 : memref<64x128xf32, #tpu.memory_space<vmem>>) offsets(%dma_start3A_28 : memref<64xi32, #tpu.memory_space<vmem>>) semaphore(%arg24 : memref<!tpu.dma_semaphore, #tpu.memory_space<semaphore_mem>>)
    %dma_start3A_32 = arith.constant 64 : i32
    %dma_start3A_33 = tpu.memref_slice %arg11[%dma_start3A_32] : memref<768xi32, #tpu.memory_space<vmem>> -> memref<64xi32, #tpu.memory_space<vmem>>
    %dma_start3A_34 = arith.constant 0 : i32
    %dma_start3A_35 = arith.constant 0 : i32
    %dma_start3A_36 = tpu.memref_slice %arg4[%dma_start3A_34, %dma_start3A_35] : memref<10240x128xf32, #tpu.memory_space<hbm>> -> memref<10240x128xf32, #tpu.memory_space<hbm>>
    tpu.enqueue_indirect_dma source(%dma_start3A_36 : memref<10240x128xf32, #tpu.memory_space<hbm>>) target(%arg18 : memref<64x128xf32, #tpu.memory_space<vmem>>) offsets(%dma_start3A_33 : memref<64xi32, #tpu.memory_space<vmem>>) semaphore(%arg26 : memref<!tpu.dma_semaphore, #tpu.memory_space<semaphore_mem>>)
    %dma_start3A_37 = arith.constant 64 : i32
    %dma_start3A_38 = tpu.memref_slice %arg12[%dma_start3A_37] : memref<768xi32, #tpu.memory_space<vmem>> -> memref<64xi32, #tpu.memory_space<vmem>>
    %dma_start3A_39 = arith.constant 0 : i32
    %dma_start3A_40 = arith.constant 0 : i32
    %dma_start3A_41 = tpu.memref_slice %arg4[%dma_start3A_39, %dma_start3A_40] : memref<10240x128xf32, #tpu.memory_space<hbm>> -> memref<10240x128xf32, #tpu.memory_space<hbm>>
    tpu.enqueue_indirect_dma source(%dma_start3A_41 : memref<10240x128xf32, #tpu.memory_space<hbm>>) target(%arg20 : memref<64x128xf32, #tpu.memory_space<vmem>>) offsets(%dma_start3A_38 : memref<64xi32, #tpu.memory_space<vmem>>) semaphore(%arg28 : memref<!tpu.dma_semaphore, #tpu.memory_space<semaphore_mem>>)
    %dma_wait3A = arith.constant 0 : i32
    %dma_wait3A_42 = tpu.memref_slice %arg11[%dma_wait3A] : memref<768xi32, #tpu.memory_space<vmem>> -> memref<64xi32, #tpu.memory_space<vmem>>
    %dma_wait3A_43 = arith.constant 0 : i32
    %dma_wait3A_44 = arith.constant 0 : i32
    %dma_wait3A_45 = tpu.memref_slice %arg2[%dma_wait3A_43, %dma_wait3A_44] : memref<10240x128xf32, #tpu.memory_space<hbm>> -> memref<10240x128xf32, #tpu.memory_space<hbm>>
    tpu.wait_indirect_dma semaphore(%arg21 : memref<!tpu.dma_semaphore, #tpu.memory_space<semaphore_mem>>) src(%dma_wait3A_45 : memref<10240x128xf32, #tpu.memory_space<hbm>>) dst(%arg13 : memref<64x128xf32, #tpu.memory_space<vmem>>)
    %dma_wait3A_46 = arith.constant 0 : i32
    %dma_wait3A_47 = tpu.memref_slice %arg12[%dma_wait3A_46] : memref<768xi32, #tpu.memory_space<vmem>> -> memref<64xi32, #tpu.memory_space<vmem>>
    %dma_wait3A_48 = arith.constant 0 : i32
    %dma_wait3A_49 = arith.constant 0 : i32
    %dma_wait3A_50 = tpu.memref_slice %arg3[%dma_wait3A_48, %dma_wait3A_49] : memref<10240x128xf32, #tpu.memory_space<hbm>> -> memref<10240x128xf32, #tpu.memory_space<hbm>>
    tpu.wait_indirect_dma semaphore(%arg23 : memref<!tpu.dma_semaphore, #tpu.memory_space<semaphore_mem>>) src(%dma_wait3A_50 : memref<10240x128xf32, #tpu.memory_space<hbm>>) dst(%arg15 : memref<64x128xf32, #tpu.memory_space<vmem>>)
    %dma_wait3A_51 = arith.constant 0 : i32
    %dma_wait3A_52 = tpu.memref_slice %arg11[%dma_wait3A_51] : memref<768xi32, #tpu.memory_space<vmem>> -> memref<64xi32, #tpu.memory_space<vmem>>
    %dma_wait3A_53 = arith.constant 0 : i32
    %dma_wait3A_54 = arith.constant 0 : i32
    %dma_wait3A_55 = tpu.memref_slice %arg4[%dma_wait3A_53, %dma_wait3A_54] : memref<10240x128xf32, #tpu.memory_space<hbm>> -> memref<10240x128xf32, #tpu.memory_space<hbm>>
    tpu.wait_indirect_dma semaphore(%arg25 : memref<!tpu.dma_semaphore, #tpu.memory_space<semaphore_mem>>) src(%dma_wait3A_55 : memref<10240x128xf32, #tpu.memory_space<hbm>>) dst(%arg17 : memref<64x128xf32, #tpu.memory_space<vmem>>)
    %dma_wait3A_56 = arith.constant 0 : i32
    %dma_wait3A_57 = tpu.memref_slice %arg12[%dma_wait3A_56] : memref<768xi32, #tpu.memory_space<vmem>> -> memref<64xi32, #tpu.memory_space<vmem>>
    %dma_wait3A_58 = arith.constant 0 : i32
    %dma_wait3A_59 = arith.constant 0 : i32
    %dma_wait3A_60 = tpu.memref_slice %arg4[%dma_wait3A_58, %dma_wait3A_59] : memref<10240x128xf32, #tpu.memory_space<hbm>> -> memref<10240x128xf32, #tpu.memory_space<hbm>>
    tpu.wait_indirect_dma semaphore(%arg27 : memref<!tpu.dma_semaphore, #tpu.memory_space<semaphore_mem>>) src(%dma_wait3A_60 : memref<10240x128xf32, #tpu.memory_space<hbm>>) dst(%arg19 : memref<64x128xf32, #tpu.memory_space<vmem>>)
    %add3A_61 = arith.constant 0 : i32
    %add3A_62 = arith.addi %mul3A_2, %add3A_61 : i32
    %dma_start3A_63 = arith.constant 0 : i32
    %dma_start3A_64 = tpu.memref_slice %arg7[%add3A_62, %dma_start3A_63] : memref<24576x128xf32, #tpu.memory_space<hbm>> -> memref<64x128xf32, #tpu.memory_space<hbm>>
    %dma_start3A_65 = arith.constant 0 : i32
    %dma_start3A_66 = tpu.memref_slice %arg7[%add3A_62, %dma_start3A_65] : memref<24576x128xf32, #tpu.memory_space<hbm>> -> memref<64x128xf32, #tpu.memory_space<hbm>>
    tpu.enqueue_dma source(%arg13 : memref<64x128xf32, #tpu.memory_space<vmem>>) target(%dma_start3A_66 : memref<64x128xf32, #tpu.memory_space<hbm>>) target_semaphore(%arg29 : memref<!tpu.dma_semaphore, #tpu.memory_space<semaphore_mem>>)
    %add3A_67 = arith.constant 0 : i32
    %add3A_68 = arith.addi %mul3A_2, %add3A_67 : i32
    %dma_start3A_69 = arith.constant 0 : i32
    %dma_start3A_70 = tpu.memref_slice %arg8[%add3A_68, %dma_start3A_69] : memref<24576x128xf32, #tpu.memory_space<hbm>> -> memref<64x128xf32, #tpu.memory_space<hbm>>
    %dma_start3A_71 = arith.constant 0 : i32
    %dma_start3A_72 = tpu.memref_slice %arg8[%add3A_68, %dma_start3A_71] : memref<24576x128xf32, #tpu.memory_space<hbm>> -> memref<64x128xf32, #tpu.memory_space<hbm>>
    tpu.enqueue_dma source(%arg15 : memref<64x128xf32, #tpu.memory_space<vmem>>) target(%dma_start3A_72 : memref<64x128xf32, #tpu.memory_space<hbm>>) target_semaphore(%arg31 : memref<!tpu.dma_semaphore, #tpu.memory_space<semaphore_mem>>)
    %add3A_73 = arith.constant 0 : i32
    %add3A_74 = arith.addi %mul3A_2, %add3A_73 : i32
    %dma_start3A_75 = arith.constant 0 : i32
    %dma_start3A_76 = tpu.memref_slice %arg9[%add3A_74, %dma_start3A_75] : memref<24576x128xf32, #tpu.memory_space<hbm>> -> memref<64x128xf32, #tpu.memory_space<hbm>>
    %dma_start3A_77 = arith.constant 0 : i32
    %dma_start3A_78 = tpu.memref_slice %arg9[%add3A_74, %dma_start3A_77] : memref<24576x128xf32, #tpu.memory_space<hbm>> -> memref<64x128xf32, #tpu.memory_space<hbm>>
    tpu.enqueue_dma source(%arg17 : memref<64x128xf32, #tpu.memory_space<vmem>>) target(%dma_start3A_78 : memref<64x128xf32, #tpu.memory_space<hbm>>) target_semaphore(%arg33 : memref<!tpu.dma_semaphore, #tpu.memory_space<semaphore_mem>>)
    %add3A_79 = arith.constant 0 : i32
    %add3A_80 = arith.addi %mul3A_2, %add3A_79 : i32
    %dma_start3A_81 = arith.constant 0 : i32
    %dma_start3A_82 = tpu.memref_slice %arg10[%add3A_80, %dma_start3A_81] : memref<24576x128xf32, #tpu.memory_space<hbm>> -> memref<64x128xf32, #tpu.memory_space<hbm>>
    %dma_start3A_83 = arith.constant 0 : i32
    %dma_start3A_84 = tpu.memref_slice %arg10[%add3A_80, %dma_start3A_83] : memref<24576x128xf32, #tpu.memory_space<hbm>> -> memref<64x128xf32, #tpu.memory_space<hbm>>
    tpu.enqueue_dma source(%arg19 : memref<64x128xf32, #tpu.memory_space<vmem>>) target(%dma_start3A_84 : memref<64x128xf32, #tpu.memory_space<hbm>>) target_semaphore(%arg35 : memref<!tpu.dma_semaphore, #tpu.memory_space<semaphore_mem>>)
    %dma_wait3A_85 = arith.constant 0 : i32
    %dma_wait3A_86 = tpu.memref_slice %arg7[%add3A_62, %dma_wait3A_85] : memref<24576x128xf32, #tpu.memory_space<hbm>> -> memref<64x128xf32, #tpu.memory_space<hbm>>
    %dma_wait3A_87 = arith.constant 0 : i32
    %dma_wait3A_88 = tpu.memref_slice %arg7[%add3A_62, %dma_wait3A_87] : memref<24576x128xf32, #tpu.memory_space<hbm>> -> memref<64x128xf32, #tpu.memory_space<hbm>>
    tpu.wait_dma2 semaphore(%arg29 : memref<!tpu.dma_semaphore, #tpu.memory_space<semaphore_mem>>) src(%arg13 : memref<64x128xf32, #tpu.memory_space<vmem>>) dst(%dma_wait3A_88 : memref<64x128xf32, #tpu.memory_space<hbm>>)
    %dma_wait3A_89 = arith.constant 0 : i32
    %dma_wait3A_90 = tpu.memref_slice %arg8[%add3A_68, %dma_wait3A_89] : memref<24576x128xf32, #tpu.memory_space<hbm>> -> memref<64x128xf32, #tpu.memory_space<hbm>>
    %dma_wait3A_91 = arith.constant 0 : i32
    %dma_wait3A_92 = tpu.memref_slice %arg8[%add3A_68, %dma_wait3A_91] : memref<24576x128xf32, #tpu.memory_space<hbm>> -> memref<64x128xf32, #tpu.memory_space<hbm>>
    tpu.wait_dma2 semaphore(%arg31 : memref<!tpu.dma_semaphore, #tpu.memory_space<semaphore_mem>>) src(%arg15 : memref<64x128xf32, #tpu.memory_space<vmem>>) dst(%dma_wait3A_92 : memref<64x128xf32, #tpu.memory_space<hbm>>)
    %dma_wait3A_93 = arith.constant 0 : i32
    %dma_wait3A_94 = tpu.memref_slice %arg9[%add3A_74, %dma_wait3A_93] : memref<24576x128xf32, #tpu.memory_space<hbm>> -> memref<64x128xf32, #tpu.memory_space<hbm>>
    %dma_wait3A_95 = arith.constant 0 : i32
    %dma_wait3A_96 = tpu.memref_slice %arg9[%add3A_74, %dma_wait3A_95] : memref<24576x128xf32, #tpu.memory_space<hbm>> -> memref<64x128xf32, #tpu.memory_space<hbm>>
    tpu.wait_dma2 semaphore(%arg33 : memref<!tpu.dma_semaphore, #tpu.memory_space<semaphore_mem>>) src(%arg17 : memref<64x128xf32, #tpu.memory_space<vmem>>) dst(%dma_wait3A_96 : memref<64x128xf32, #tpu.memory_space<hbm>>)
    %dma_wait3A_97 = arith.constant 0 : i32
    %dma_wait3A_98 = tpu.memref_slice %arg10[%add3A_80, %dma_wait3A_97] : memref<24576x128xf32, #tpu.memory_space<hbm>> -> memref<64x128xf32, #tpu.memory_space<hbm>>
    %dma_wait3A_99 = arith.constant 0 : i32
    %dma_wait3A_100 = tpu.memref_slice %arg10[%add3A_80, %dma_wait3A_99] : memref<24576x128xf32, #tpu.memory_space<hbm>> -> memref<64x128xf32, #tpu.memory_space<hbm>>
    tpu.wait_dma2 semaphore(%arg35 : memref<!tpu.dma_semaphore, #tpu.memory_space<semaphore_mem>>) src(%arg19 : memref<64x128xf32, #tpu.memory_space<vmem>>) dst(%dma_wait3A_100 : memref<64x128xf32, #tpu.memory_space<hbm>>)
    %dma_start3A_101 = arith.constant 128 : i32
    %dma_start3A_102 = tpu.memref_slice %arg11[%dma_start3A_101] : memref<768xi32, #tpu.memory_space<vmem>> -> memref<64xi32, #tpu.memory_space<vmem>>
    %dma_start3A_103 = arith.constant 0 : i32
    %dma_start3A_104 = arith.constant 0 : i32
    %dma_start3A_105 = tpu.memref_slice %arg2[%dma_start3A_103, %dma_start3A_104] : memref<10240x128xf32, #tpu.memory_space<hbm>> -> memref<10240x128xf32, #tpu.memory_space<hbm>>
    tpu.enqueue_indirect_dma source(%dma_start3A_105 : memref<10240x128xf32, #tpu.memory_space<hbm>>) target(%arg13 : memref<64x128xf32, #tpu.memory_space<vmem>>) offsets(%dma_start3A_102 : memref<64xi32, #tpu.memory_space<vmem>>) semaphore(%arg21 : memref<!tpu.dma_semaphore, #tpu.memory_space<semaphore_mem>>)
    %dma_start3A_106 = arith.constant 128 : i32
    %dma_start3A_107 = tpu.memref_slice %arg12[%dma_start3A_106] : memref<768xi32, #tpu.memory_space<vmem>> -> memref<64xi32, #tpu.memory_space<vmem>>
    %dma_start3A_108 = arith.constant 0 : i32
    %dma_start3A_109 = arith.constant 0 : i32
    %dma_start3A_110 = tpu.memref_slice %arg3[%dma_start3A_108, %dma_start3A_109] : memref<10240x128xf32, #tpu.memory_space<hbm>> -> memref<10240x128xf32, #tpu.memory_space<hbm>>
    tpu.enqueue_indirect_dma source(%dma_start3A_110 : memref<10240x128xf32, #tpu.memory_space<hbm>>) target(%arg15 : memref<64x128xf32, #tpu.memory_space<vmem>>) offsets(%dma_start3A_107 : memref<64xi32, #tpu.memory_space<vmem>>) semaphore(%arg23 : memref<!tpu.dma_semaphore, #tpu.memory_space<semaphore_mem>>)
    %dma_start3A_111 = arith.constant 128 : i32
    %dma_start3A_112 = tpu.memref_slice %arg11[%dma_start3A_111] : memref<768xi32, #tpu.memory_space<vmem>> -> memref<64xi32, #tpu.memory_space<vmem>>
    %dma_start3A_113 = arith.constant 0 : i32
    %dma_start3A_114 = arith.constant 0 : i32
    %dma_start3A_115 = tpu.memref_slice %arg4[%dma_start3A_113, %dma_start3A_114] : memref<10240x128xf32, #tpu.memory_space<hbm>> -> memref<10240x128xf32, #tpu.memory_space<hbm>>
    tpu.enqueue_indirect_dma source(%dma_start3A_115 : memref<10240x128xf32, #tpu.memory_space<hbm>>) target(%arg17 : memref<64x128xf32, #tpu.memory_space<vmem>>) offsets(%dma_start3A_112 : memref<64xi32, #tpu.memory_space<vmem>>) semaphore(%arg25 : memref<!tpu.dma_semaphore, #tpu.memory_space<semaphore_mem>>)
    %dma_start3A_116 = arith.constant 128 : i32
    %dma_start3A_117 = tpu.memref_slice %arg12[%dma_start3A_116] : memref<768xi32, #tpu.memory_space<vmem>> -> memref<64xi32, #tpu.memory_space<vmem>>
    %dma_start3A_118 = arith.constant 0 : i32
    %dma_start3A_119 = arith.constant 0 : i32
    %dma_start3A_120 = tpu.memref_slice %arg4[%dma_start3A_118, %dma_start3A_119] : memref<10240x128xf32, #tpu.memory_space<hbm>> -> memref<10240x128xf32, #tpu.memory_space<hbm>>
    tpu.enqueue_indirect_dma source(%dma_start3A_120 : memref<10240x128xf32, #tpu.memory_space<hbm>>) target(%arg19 : memref<64x128xf32, #tpu.memory_space<vmem>>) offsets(%dma_start3A_117 : memref<64xi32, #tpu.memory_space<vmem>>) semaphore(%arg27 : memref<!tpu.dma_semaphore, #tpu.memory_space<semaphore_mem>>)
    %dma_wait3A_121 = arith.constant 64 : i32
    %dma_wait3A_122 = tpu.memref_slice %arg11[%dma_wait3A_121] : memref<768xi32, #tpu.memory_space<vmem>> -> memref<64xi32, #tpu.memory_space<vmem>>
    %dma_wait3A_123 = arith.constant 0 : i32
    %dma_wait3A_124 = arith.constant 0 : i32
    %dma_wait3A_125 = tpu.memref_slice %arg2[%dma_wait3A_123, %dma_wait3A_124] : memref<10240x128xf32, #tpu.memory_space<hbm>> -> memref<10240x128xf32, #tpu.memory_space<hbm>>
    tpu.wait_indirect_dma semaphore(%arg22 : memref<!tpu.dma_semaphore, #tpu.memory_space<semaphore_mem>>) src(%dma_wait3A_125 : memref<10240x128xf32, #tpu.memory_space<hbm>>) dst(%arg14 : memref<64x128xf32, #tpu.memory_space<vmem>>)
    %dma_wait3A_126 = arith.constant 64 : i32
    %dma_wait3A_127 = tpu.memref_slice %arg12[%dma_wait3A_126] : memref<768xi32, #tpu.memory_space<vmem>> -> memref<64xi32, #tpu.memory_space<vmem>>
    %dma_wait3A_128 = arith.constant 0 : i32
    %dma_wait3A_129 = arith.constant 0 : i32
    %dma_wait3A_130 = tpu.memref_slice %arg3[%dma_wait3A_128, %dma_wait3A_129] : memref<10240x128xf32, #tpu.memory_space<hbm>> -> memref<10240x128xf32, #tpu.memory_space<hbm>>
    tpu.wait_indirect_dma semaphore(%arg24 : memref<!tpu.dma_semaphore, #tpu.memory_space<semaphore_mem>>) src(%dma_wait3A_130 : memref<10240x128xf32, #tpu.memory_space<hbm>>) dst(%arg16 : memref<64x128xf32, #tpu.memory_space<vmem>>)
    %dma_wait3A_131 = arith.constant 64 : i32
    %dma_wait3A_132 = tpu.memref_slice %arg11[%dma_wait3A_131] : memref<768xi32, #tpu.memory_space<vmem>> -> memref<64xi32, #tpu.memory_space<vmem>>
    %dma_wait3A_133 = arith.constant 0 : i32
    %dma_wait3A_134 = arith.constant 0 : i32
    %dma_wait3A_135 = tpu.memref_slice %arg4[%dma_wait3A_133, %dma_wait3A_134] : memref<10240x128xf32, #tpu.memory_space<hbm>> -> memref<10240x128xf32, #tpu.memory_space<hbm>>
    tpu.wait_indirect_dma semaphore(%arg26 : memref<!tpu.dma_semaphore, #tpu.memory_space<semaphore_mem>>) src(%dma_wait3A_135 : memref<10240x128xf32, #tpu.memory_space<hbm>>) dst(%arg18 : memref<64x128xf32, #tpu.memory_space<vmem>>)
    %dma_wait3A_136 = arith.constant 64 : i32
    %dma_wait3A_137 = tpu.memref_slice %arg12[%dma_wait3A_136] : memref<768xi32, #tpu.memory_space<vmem>> -> memref<64xi32, #tpu.memory_space<vmem>>
    %dma_wait3A_138 = arith.constant 0 : i32
    %dma_wait3A_139 = arith.constant 0 : i32
    %dma_wait3A_140 = tpu.memref_slice %arg4[%dma_wait3A_138, %dma_wait3A_139] : memref<10240x128xf32, #tpu.memory_space<hbm>> -> memref<10240x128xf32, #tpu.memory_space<hbm>>
    tpu.wait_indirect_dma semaphore(%arg28 : memref<!tpu.dma_semaphore, #tpu.memory_space<semaphore_mem>>) src(%dma_wait3A_140 : memref<10240x128xf32, #tpu.memory_space<hbm>>) dst(%arg20 : memref<64x128xf32, #tpu.memory_space<vmem>>)
    %add3A_141 = arith.constant 64 : i32
    %add3A_142 = arith.addi %mul3A_2, %add3A_141 : i32
    %dma_start3A_143 = arith.constant 0 : i32
    %dma_start3A_144 = tpu.memref_slice %arg7[%add3A_142, %dma_start3A_143] : memref<24576x128xf32, #tpu.memory_space<hbm>> -> memref<64x128xf32, #tpu.memory_space<hbm>>
    %dma_start3A_145 = arith.constant 0 : i32
    %dma_start3A_146 = tpu.memref_slice %arg7[%add3A_142, %dma_start3A_145] : memref<24576x128xf32, #tpu.memory_space<hbm>> -> memref<64x128xf32, #tpu.memory_space<hbm>>
    tpu.enqueue_dma source(%arg14 : memref<64x128xf32, #tpu.memory_space<vmem>>) target(%dma_start3A_146 : memref<64x128xf32, #tpu.memory_space<hbm>>) target_semaphore(%arg30 : memref<!tpu.dma_semaphore, #tpu.memory_space<semaphore_mem>>)
    %add3A_147 = arith.constant 64 : i32
    %add3A_148 = arith.addi %mul3A_2, %add3A_147 : i32
    %dma_start3A_149 = arith.constant 0 : i32
    %dma_start3A_150 = tpu.memref_slice %arg8[%add3A_148, %dma_start3A_149] : memref<24576x128xf32, #tpu.memory_space<hbm>> -> memref<64x128xf32, #tpu.memory_space<hbm>>
    %dma_start3A_151 = arith.constant 0 : i32
    %dma_start3A_152 = tpu.memref_slice %arg8[%add3A_148, %dma_start3A_151] : memref<24576x128xf32, #tpu.memory_space<hbm>> -> memref<64x128xf32, #tpu.memory_space<hbm>>
    tpu.enqueue_dma source(%arg16 : memref<64x128xf32, #tpu.memory_space<vmem>>) target(%dma_start3A_152 : memref<64x128xf32, #tpu.memory_space<hbm>>) target_semaphore(%arg32 : memref<!tpu.dma_semaphore, #tpu.memory_space<semaphore_mem>>)
    %add3A_153 = arith.constant 64 : i32
    %add3A_154 = arith.addi %mul3A_2, %add3A_153 : i32
    %dma_start3A_155 = arith.constant 0 : i32
    %dma_start3A_156 = tpu.memref_slice %arg9[%add3A_154, %dma_start3A_155] : memref<24576x128xf32, #tpu.memory_space<hbm>> -> memref<64x128xf32, #tpu.memory_space<hbm>>
    %dma_start3A_157 = arith.constant 0 : i32
    %dma_start3A_158 = tpu.memref_slice %arg9[%add3A_154, %dma_start3A_157] : memref<24576x128xf32, #tpu.memory_space<hbm>> -> memref<64x128xf32, #tpu.memory_space<hbm>>
    tpu.enqueue_dma source(%arg18 : memref<64x128xf32, #tpu.memory_space<vmem>>) target(%dma_start3A_158 : memref<64x128xf32, #tpu.memory_space<hbm>>) target_semaphore(%arg34 : memref<!tpu.dma_semaphore, #tpu.memory_space<semaphore_mem>>)
    %add3A_159 = arith.constant 64 : i32
    %add3A_160 = arith.addi %mul3A_2, %add3A_159 : i32
    %dma_start3A_161 = arith.constant 0 : i32
    %dma_start3A_162 = tpu.memref_slice %arg10[%add3A_160, %dma_start3A_161] : memref<24576x128xf32, #tpu.memory_space<hbm>> -> memref<64x128xf32, #tpu.memory_space<hbm>>
    %dma_start3A_163 = arith.constant 0 : i32
    %dma_start3A_164 = tpu.memref_slice %arg10[%add3A_160, %dma_start3A_163] : memref<24576x128xf32, #tpu.memory_space<hbm>> -> memref<64x128xf32, #tpu.memory_space<hbm>>
    tpu.enqueue_dma source(%arg20 : memref<64x128xf32, #tpu.memory_space<vmem>>) target(%dma_start3A_164 : memref<64x128xf32, #tpu.memory_space<hbm>>) target_semaphore(%arg36 : memref<!tpu.dma_semaphore, #tpu.memory_space<semaphore_mem>>)
    %dma_wait3A_165 = arith.constant 0 : i32
    %dma_wait3A_166 = tpu.memref_slice %arg7[%add3A_142, %dma_wait3A_165] : memref<24576x128xf32, #tpu.memory_space<hbm>> -> memref<64x128xf32, #tpu.memory_space<hbm>>
    %dma_wait3A_167 = arith.constant 0 : i32
    %dma_wait3A_168 = tpu.memref_slice %arg7[%add3A_142, %dma_wait3A_167] : memref<24576x128xf32, #tpu.memory_space<hbm>> -> memref<64x128xf32, #tpu.memory_space<hbm>>
    tpu.wait_dma2 semaphore(%arg30 : memref<!tpu.dma_semaphore, #tpu.memory_space<semaphore_mem>>) src(%arg14 : memref<64x128xf32, #tpu.memory_space<vmem>>) dst(%dma_wait3A_168 : memref<64x128xf32, #tpu.memory_space<hbm>>)
    %dma_wait3A_169 = arith.constant 0 : i32
    %dma_wait3A_170 = tpu.memref_slice %arg8[%add3A_148, %dma_wait3A_169] : memref<24576x128xf32, #tpu.memory_space<hbm>> -> memref<64x128xf32, #tpu.memory_space<hbm>>
    %dma_wait3A_171 = arith.constant 0 : i32
    %dma_wait3A_172 = tpu.memref_slice %arg8[%add3A_148, %dma_wait3A_171] : memref<24576x128xf32, #tpu.memory_space<hbm>> -> memref<64x128xf32, #tpu.memory_space<hbm>>
    tpu.wait_dma2 semaphore(%arg32 : memref<!tpu.dma_semaphore, #tpu.memory_space<semaphore_mem>>) src(%arg16 : memref<64x128xf32, #tpu.memory_space<vmem>>) dst(%dma_wait3A_172 : memref<64x128xf32, #tpu.memory_space<hbm>>)
    %dma_wait3A_173 = arith.constant 0 : i32
    %dma_wait3A_174 = tpu.memref_slice %arg9[%add3A_154, %dma_wait3A_173] : memref<24576x128xf32, #tpu.memory_space<hbm>> -> memref<64x128xf32, #tpu.memory_space<hbm>>
    %dma_wait3A_175 = arith.constant 0 : i32
    %dma_wait3A_176 = tpu.memref_slice %arg9[%add3A_154, %dma_wait3A_175] : memref<24576x128xf32, #tpu.memory_space<hbm>> -> memref<64x128xf32, #tpu.memory_space<hbm>>
    tpu.wait_dma2 semaphore(%arg34 : memref<!tpu.dma_semaphore, #tpu.memory_space<semaphore_mem>>) src(%arg18 : memref<64x128xf32, #tpu.memory_space<vmem>>) dst(%dma_wait3A_176 : memref<64x128xf32, #tpu.memory_space<hbm>>)
    %dma_wait3A_177 = arith.constant 0 : i32
    %dma_wait3A_178 = tpu.memref_slice %arg10[%add3A_160, %dma_wait3A_177] : memref<24576x128xf32, #tpu.memory_space<hbm>> -> memref<64x128xf32, #tpu.memory_space<hbm>>
    %dma_wait3A_179 = arith.constant 0 : i32
    %dma_wait3A_180 = tpu.memref_slice %arg10[%add3A_160, %dma_wait3A_179] : memref<24576x128xf32, #tpu.memory_space<hbm>> -> memref<64x128xf32, #tpu.memory_space<hbm>>
    tpu.wait_dma2 semaphore(%arg36 : memref<!tpu.dma_semaphore, #tpu.memory_space<semaphore_mem>>) src(%arg20 : memref<64x128xf32, #tpu.memory_space<vmem>>) dst(%dma_wait3A_180 : memref<64x128xf32, #tpu.memory_space<hbm>>)
    %dma_start3A_181 = arith.constant 192 : i32
    %dma_start3A_182 = tpu.memref_slice %arg11[%dma_start3A_181] : memref<768xi32, #tpu.memory_space<vmem>> -> memref<64xi32, #tpu.memory_space<vmem>>
    %dma_start3A_183 = arith.constant 0 : i32
    %dma_start3A_184 = arith.constant 0 : i32
    %dma_start3A_185 = tpu.memref_slice %arg2[%dma_start3A_183, %dma_start3A_184] : memref<10240x128xf32, #tpu.memory_space<hbm>> -> memref<10240x128xf32, #tpu.memory_space<hbm>>
    tpu.enqueue_indirect_dma source(%dma_start3A_185 : memref<10240x128xf32, #tpu.memory_space<hbm>>) target(%arg14 : memref<64x128xf32, #tpu.memory_space<vmem>>) offsets(%dma_start3A_182 : memref<64xi32, #tpu.memory_space<vmem>>) semaphore(%arg22 : memref<!tpu.dma_semaphore, #tpu.memory_space<semaphore_mem>>)
    %dma_start3A_186 = arith.constant 192 : i32
    %dma_start3A_187 = tpu.memref_slice %arg12[%dma_start3A_186] : memref<768xi32, #tpu.memory_space<vmem>> -> memref<64xi32, #tpu.memory_space<vmem>>
    %dma_start3A_188 = arith.constant 0 : i32
    %dma_start3A_189 = arith.constant 0 : i32
    %dma_start3A_190 = tpu.memref_slice %arg3[%dma_start3A_188, %dma_start3A_189] : memref<10240x128xf32, #tpu.memory_space<hbm>> -> memref<10240x128xf32, #tpu.memory_space<hbm>>
    tpu.enqueue_indirect_dma source(%dma_start3A_190 : memref<10240x128xf32, #tpu.memory_space<hbm>>) target(%arg16 : memref<64x128xf32, #tpu.memory_space<vmem>>) offsets(%dma_start3A_187 : memref<64xi32, #tpu.memory_space<vmem>>) semaphore(%arg24 : memref<!tpu.dma_semaphore, #tpu.memory_space<semaphore_mem>>)
    %dma_start3A_191 = arith.constant 192 : i32
    %dma_start3A_192 = tpu.memref_slice %arg11[%dma_start3A_191] : memref<768xi32, #tpu.memory_space<vmem>> -> memref<64xi32, #tpu.memory_space<vmem>>
    %dma_start3A_193 = arith.constant 0 : i32
    %dma_start3A_194 = arith.constant 0 : i32
    %dma_start3A_195 = tpu.memref_slice %arg4[%dma_start3A_193, %dma_start3A_194] : memref<10240x128xf32, #tpu.memory_space<hbm>> -> memref<10240x128xf32, #tpu.memory_space<hbm>>
    tpu.enqueue_indirect_dma source(%dma_start3A_195 : memref<10240x128xf32, #tpu.memory_space<hbm>>) target(%arg18 : memref<64x128xf32, #tpu.memory_space<vmem>>) offsets(%dma_start3A_192 : memref<64xi32, #tpu.memory_space<vmem>>) semaphore(%arg26 : memref<!tpu.dma_semaphore, #tpu.memory_space<semaphore_mem>>)
    %dma_start3A_196 = arith.constant 192 : i32
    %dma_start3A_197 = tpu.memref_slice %arg12[%dma_start3A_196] : memref<768xi32, #tpu.memory_space<vmem>> -> memref<64xi32, #tpu.memory_space<vmem>>
    %dma_start3A_198 = arith.constant 0 : i32
    %dma_start3A_199 = arith.constant 0 : i32
    %dma_start3A_200 = tpu.memref_slice %arg4[%dma_start3A_198, %dma_start3A_199] : memref<10240x128xf32, #tpu.memory_space<hbm>> -> memref<10240x128xf32, #tpu.memory_space<hbm>>
    tpu.enqueue_indirect_dma source(%dma_start3A_200 : memref<10240x128xf32, #tpu.memory_space<hbm>>) target(%arg20 : memref<64x128xf32, #tpu.memory_space<vmem>>) offsets(%dma_start3A_197 : memref<64xi32, #tpu.memory_space<vmem>>) semaphore(%arg28 : memref<!tpu.dma_semaphore, #tpu.memory_space<semaphore_mem>>)
    %dma_wait3A_201 = arith.constant 128 : i32
    %dma_wait3A_202 = tpu.memref_slice %arg11[%dma_wait3A_201] : memref<768xi32, #tpu.memory_space<vmem>> -> memref<64xi32, #tpu.memory_space<vmem>>
    %dma_wait3A_203 = arith.constant 0 : i32
    %dma_wait3A_204 = arith.constant 0 : i32
    %dma_wait3A_205 = tpu.memref_slice %arg2[%dma_wait3A_203, %dma_wait3A_204] : memref<10240x128xf32, #tpu.memory_space<hbm>> -> memref<10240x128xf32, #tpu.memory_space<hbm>>
    tpu.wait_indirect_dma semaphore(%arg21 : memref<!tpu.dma_semaphore, #tpu.memory_space<semaphore_mem>>) src(%dma_wait3A_205 : memref<10240x128xf32, #tpu.memory_space<hbm>>) dst(%arg13 : memref<64x128xf32, #tpu.memory_space<vmem>>)
    %dma_wait3A_206 = arith.constant 128 : i32
    %dma_wait3A_207 = tpu.memref_slice %arg12[%dma_wait3A_206] : memref<768xi32, #tpu.memory_space<vmem>> -> memref<64xi32, #tpu.memory_space<vmem>>
    %dma_wait3A_208 = arith.constant 0 : i32
    %dma_wait3A_209 = arith.constant 0 : i32
    %dma_wait3A_210 = tpu.memref_slice %arg3[%dma_wait3A_208, %dma_wait3A_209] : memref<10240x128xf32, #tpu.memory_space<hbm>> -> memref<10240x128xf32, #tpu.memory_space<hbm>>
    tpu.wait_indirect_dma semaphore(%arg23 : memref<!tpu.dma_semaphore, #tpu.memory_space<semaphore_mem>>) src(%dma_wait3A_210 : memref<10240x128xf32, #tpu.memory_space<hbm>>) dst(%arg15 : memref<64x128xf32, #tpu.memory_space<vmem>>)
    %dma_wait3A_211 = arith.constant 128 : i32
    %dma_wait3A_212 = tpu.memref_slice %arg11[%dma_wait3A_211] : memref<768xi32, #tpu.memory_space<vmem>> -> memref<64xi32, #tpu.memory_space<vmem>>
    %dma_wait3A_213 = arith.constant 0 : i32
    %dma_wait3A_214 = arith.constant 0 : i32
    %dma_wait3A_215 = tpu.memref_slice %arg4[%dma_wait3A_213, %dma_wait3A_214] : memref<10240x128xf32, #tpu.memory_space<hbm>> -> memref<10240x128xf32, #tpu.memory_space<hbm>>
    tpu.wait_indirect_dma semaphore(%arg25 : memref<!tpu.dma_semaphore, #tpu.memory_space<semaphore_mem>>) src(%dma_wait3A_215 : memref<10240x128xf32, #tpu.memory_space<hbm>>) dst(%arg17 : memref<64x128xf32, #tpu.memory_space<vmem>>)
    %dma_wait3A_216 = arith.constant 128 : i32
    %dma_wait3A_217 = tpu.memref_slice %arg12[%dma_wait3A_216] : memref<768xi32, #tpu.memory_space<vmem>> -> memref<64xi32, #tpu.memory_space<vmem>>
    %dma_wait3A_218 = arith.constant 0 : i32
    %dma_wait3A_219 = arith.constant 0 : i32
    %dma_wait3A_220 = tpu.memref_slice %arg4[%dma_wait3A_218, %dma_wait3A_219] : memref<10240x128xf32, #tpu.memory_space<hbm>> -> memref<10240x128xf32, #tpu.memory_space<hbm>>
    tpu.wait_indirect_dma semaphore(%arg27 : memref<!tpu.dma_semaphore, #tpu.memory_space<semaphore_mem>>) src(%dma_wait3A_220 : memref<10240x128xf32, #tpu.memory_space<hbm>>) dst(%arg19 : memref<64x128xf32, #tpu.memory_space<vmem>>)
    %add3A_221 = arith.constant 128 : i32
    %add3A_222 = arith.addi %mul3A_2, %add3A_221 : i32
    %dma_start3A_223 = arith.constant 0 : i32
    %dma_start3A_224 = tpu.memref_slice %arg7[%add3A_222, %dma_start3A_223] : memref<24576x128xf32, #tpu.memory_space<hbm>> -> memref<64x128xf32, #tpu.memory_space<hbm>>
    %dma_start3A_225 = arith.constant 0 : i32
    %dma_start3A_226 = tpu.memref_slice %arg7[%add3A_222, %dma_start3A_225] : memref<24576x128xf32, #tpu.memory_space<hbm>> -> memref<64x128xf32, #tpu.memory_space<hbm>>
    tpu.enqueue_dma source(%arg13 : memref<64x128xf32, #tpu.memory_space<vmem>>) target(%dma_start3A_226 : memref<64x128xf32, #tpu.memory_space<hbm>>) target_semaphore(%arg29 : memref<!tpu.dma_semaphore, #tpu.memory_space<semaphore_mem>>)
    %add3A_227 = arith.constant 128 : i32
    %add3A_228 = arith.addi %mul3A_2, %add3A_227 : i32
    %dma_start3A_229 = arith.constant 0 : i32
    %dma_start3A_230 = tpu.memref_slice %arg8[%add3A_228, %dma_start3A_229] : memref<24576x128xf32, #tpu.memory_space<hbm>> -> memref<64x128xf32, #tpu.memory_space<hbm>>
    %dma_start3A_231 = arith.constant 0 : i32
    %dma_start3A_232 = tpu.memref_slice %arg8[%add3A_228, %dma_start3A_231] : memref<24576x128xf32, #tpu.memory_space<hbm>> -> memref<64x128xf32, #tpu.memory_space<hbm>>
    tpu.enqueue_dma source(%arg15 : memref<64x128xf32, #tpu.memory_space<vmem>>) target(%dma_start3A_232 : memref<64x128xf32, #tpu.memory_space<hbm>>) target_semaphore(%arg31 : memref<!tpu.dma_semaphore, #tpu.memory_space<semaphore_mem>>)
    %add3A_233 = arith.constant 128 : i32
    %add3A_234 = arith.addi %mul3A_2, %add3A_233 : i32
    %dma_start3A_235 = arith.constant 0 : i32
    %dma_start3A_236 = tpu.memref_slice %arg9[%add3A_234, %dma_start3A_235] : memref<24576x128xf32, #tpu.memory_space<hbm>> -> memref<64x128xf32, #tpu.memory_space<hbm>>
    %dma_start3A_237 = arith.constant 0 : i32
    %dma_start3A_238 = tpu.memref_slice %arg9[%add3A_234, %dma_start3A_237] : memref<24576x128xf32, #tpu.memory_space<hbm>> -> memref<64x128xf32, #tpu.memory_space<hbm>>
    tpu.enqueue_dma source(%arg17 : memref<64x128xf32, #tpu.memory_space<vmem>>) target(%dma_start3A_238 : memref<64x128xf32, #tpu.memory_space<hbm>>) target_semaphore(%arg33 : memref<!tpu.dma_semaphore, #tpu.memory_space<semaphore_mem>>)
    %add3A_239 = arith.constant 128 : i32
    %add3A_240 = arith.addi %mul3A_2, %add3A_239 : i32
    %dma_start3A_241 = arith.constant 0 : i32
    %dma_start3A_242 = tpu.memref_slice %arg10[%add3A_240, %dma_start3A_241] : memref<24576x128xf32, #tpu.memory_space<hbm>> -> memref<64x128xf32, #tpu.memory_space<hbm>>
    %dma_start3A_243 = arith.constant 0 : i32
    %dma_start3A_244 = tpu.memref_slice %arg10[%add3A_240, %dma_start3A_243] : memref<24576x128xf32, #tpu.memory_space<hbm>> -> memref<64x128xf32, #tpu.memory_space<hbm>>
    tpu.enqueue_dma source(%arg19 : memref<64x128xf32, #tpu.memory_space<vmem>>) target(%dma_start3A_244 : memref<64x128xf32, #tpu.memory_space<hbm>>) target_semaphore(%arg35 : memref<!tpu.dma_semaphore, #tpu.memory_space<semaphore_mem>>)
    %dma_wait3A_245 = arith.constant 0 : i32
    %dma_wait3A_246 = tpu.memref_slice %arg7[%add3A_222, %dma_wait3A_245] : memref<24576x128xf32, #tpu.memory_space<hbm>> -> memref<64x128xf32, #tpu.memory_space<hbm>>
    %dma_wait3A_247 = arith.constant 0 : i32
    %dma_wait3A_248 = tpu.memref_slice %arg7[%add3A_222, %dma_wait3A_247] : memref<24576x128xf32, #tpu.memory_space<hbm>> -> memref<64x128xf32, #tpu.memory_space<hbm>>
    tpu.wait_dma2 semaphore(%arg29 : memref<!tpu.dma_semaphore, #tpu.memory_space<semaphore_mem>>) src(%arg13 : memref<64x128xf32, #tpu.memory_space<vmem>>) dst(%dma_wait3A_248 : memref<64x128xf32, #tpu.memory_space<hbm>>)
    %dma_wait3A_249 = arith.constant 0 : i32
    %dma_wait3A_250 = tpu.memref_slice %arg8[%add3A_228, %dma_wait3A_249] : memref<24576x128xf32, #tpu.memory_space<hbm>> -> memref<64x128xf32, #tpu.memory_space<hbm>>
    %dma_wait3A_251 = arith.constant 0 : i32
    %dma_wait3A_252 = tpu.memref_slice %arg8[%add3A_228, %dma_wait3A_251] : memref<24576x128xf32, #tpu.memory_space<hbm>> -> memref<64x128xf32, #tpu.memory_space<hbm>>
    tpu.wait_dma2 semaphore(%arg31 : memref<!tpu.dma_semaphore, #tpu.memory_space<semaphore_mem>>) src(%arg15 : memref<64x128xf32, #tpu.memory_space<vmem>>) dst(%dma_wait3A_252 : memref<64x128xf32, #tpu.memory_space<hbm>>)
    %dma_wait3A_253 = arith.constant 0 : i32
    %dma_wait3A_254 = tpu.memref_slice %arg9[%add3A_234, %dma_wait3A_253] : memref<24576x128xf32, #tpu.memory_space<hbm>> -> memref<64x128xf32, #tpu.memory_space<hbm>>
    %dma_wait3A_255 = arith.constant 0 : i32
    %dma_wait3A_256 = tpu.memref_slice %arg9[%add3A_234, %dma_wait3A_255] : memref<24576x128xf32, #tpu.memory_space<hbm>> -> memref<64x128xf32, #tpu.memory_space<hbm>>
    tpu.wait_dma2 semaphore(%arg33 : memref<!tpu.dma_semaphore, #tpu.memory_space<semaphore_mem>>) src(%arg17 : memref<64x128xf32, #tpu.memory_space<vmem>>) dst(%dma_wait3A_256 : memref<64x128xf32, #tpu.memory_space<hbm>>)
    %dma_wait3A_257 = arith.constant 0 : i32
    %dma_wait3A_258 = tpu.memref_slice %arg10[%add3A_240, %dma_wait3A_257] : memref<24576x128xf32, #tpu.memory_space<hbm>> -> memref<64x128xf32, #tpu.memory_space<hbm>>
    %dma_wait3A_259 = arith.constant 0 : i32
    %dma_wait3A_260 = tpu.memref_slice %arg10[%add3A_240, %dma_wait3A_259] : memref<24576x128xf32, #tpu.memory_space<hbm>> -> memref<64x128xf32, #tpu.memory_space<hbm>>
    tpu.wait_dma2 semaphore(%arg35 : memref<!tpu.dma_semaphore, #tpu.memory_space<semaphore_mem>>) src(%arg19 : memref<64x128xf32, #tpu.memory_space<vmem>>) dst(%dma_wait3A_260 : memref<64x128xf32, #tpu.memory_space<hbm>>)
    %dma_start3A_261 = arith.constant 256 : i32
    %dma_start3A_262 = tpu.memref_slice %arg11[%dma_start3A_261] : memref<768xi32, #tpu.memory_space<vmem>> -> memref<64xi32, #tpu.memory_space<vmem>>
    %dma_start3A_263 = arith.constant 0 : i32
    %dma_start3A_264 = arith.constant 0 : i32
    %dma_start3A_265 = tpu.memref_slice %arg2[%dma_start3A_263, %dma_start3A_264] : memref<10240x128xf32, #tpu.memory_space<hbm>> -> memref<10240x128xf32, #tpu.memory_space<hbm>>
    tpu.enqueue_indirect_dma source(%dma_start3A_265 : memref<10240x128xf32, #tpu.memory_space<hbm>>) target(%arg13 : memref<64x128xf32, #tpu.memory_space<vmem>>) offsets(%dma_start3A_262 : memref<64xi32, #tpu.memory_space<vmem>>) semaphore(%arg21 : memref<!tpu.dma_semaphore, #tpu.memory_space<semaphore_mem>>)
    %dma_start3A_266 = arith.constant 256 : i32
    %dma_start3A_267 = tpu.memref_slice %arg12[%dma_start3A_266] : memref<768xi32, #tpu.memory_space<vmem>> -> memref<64xi32, #tpu.memory_space<vmem>>
    %dma_start3A_268 = arith.constant 0 : i32
    %dma_start3A_269 = arith.constant 0 : i32
    %dma_start3A_270 = tpu.memref_slice %arg3[%dma_start3A_268, %dma_start3A_269] : memref<10240x128xf32, #tpu.memory_space<hbm>> -> memref<10240x128xf32, #tpu.memory_space<hbm>>
    tpu.enqueue_indirect_dma source(%dma_start3A_270 : memref<10240x128xf32, #tpu.memory_space<hbm>>) target(%arg15 : memref<64x128xf32, #tpu.memory_space<vmem>>) offsets(%dma_start3A_267 : memref<64xi32, #tpu.memory_space<vmem>>) semaphore(%arg23 : memref<!tpu.dma_semaphore, #tpu.memory_space<semaphore_mem>>)
    %dma_start3A_271 = arith.constant 256 : i32
    %dma_start3A_272 = tpu.memref_slice %arg11[%dma_start3A_271] : memref<768xi32, #tpu.memory_space<vmem>> -> memref<64xi32, #tpu.memory_space<vmem>>
    %dma_start3A_273 = arith.constant 0 : i32
    %dma_start3A_274 = arith.constant 0 : i32
    %dma_start3A_275 = tpu.memref_slice %arg4[%dma_start3A_273, %dma_start3A_274] : memref<10240x128xf32, #tpu.memory_space<hbm>> -> memref<10240x128xf32, #tpu.memory_space<hbm>>
    tpu.enqueue_indirect_dma source(%dma_start3A_275 : memref<10240x128xf32, #tpu.memory_space<hbm>>) target(%arg17 : memref<64x128xf32, #tpu.memory_space<vmem>>) offsets(%dma_start3A_272 : memref<64xi32, #tpu.memory_space<vmem>>) semaphore(%arg25 : memref<!tpu.dma_semaphore, #tpu.memory_space<semaphore_mem>>)
    %dma_start3A_276 = arith.constant 256 : i32
    %dma_start3A_277 = tpu.memref_slice %arg12[%dma_start3A_276] : memref<768xi32, #tpu.memory_space<vmem>> -> memref<64xi32, #tpu.memory_space<vmem>>
    %dma_start3A_278 = arith.constant 0 : i32
    %dma_start3A_279 = arith.constant 0 : i32
    %dma_start3A_280 = tpu.memref_slice %arg4[%dma_start3A_278, %dma_start3A_279] : memref<10240x128xf32, #tpu.memory_space<hbm>> -> memref<10240x128xf32, #tpu.memory_space<hbm>>
    tpu.enqueue_indirect_dma source(%dma_start3A_280 : memref<10240x128xf32, #tpu.memory_space<hbm>>) target(%arg19 : memref<64x128xf32, #tpu.memory_space<vmem>>) offsets(%dma_start3A_277 : memref<64xi32, #tpu.memory_space<vmem>>) semaphore(%arg27 : memref<!tpu.dma_semaphore, #tpu.memory_space<semaphore_mem>>)
    %dma_wait3A_281 = arith.constant 192 : i32
    %dma_wait3A_282 = tpu.memref_slice %arg11[%dma_wait3A_281] : memref<768xi32, #tpu.memory_space<vmem>> -> memref<64xi32, #tpu.memory_space<vmem>>
    %dma_wait3A_283 = arith.constant 0 : i32
    %dma_wait3A_284 = arith.constant 0 : i32
    %dma_wait3A_285 = tpu.memref_slice %arg2[%dma_wait3A_283, %dma_wait3A_284] : memref<10240x128xf32, #tpu.memory_space<hbm>> -> memref<10240x128xf32, #tpu.memory_space<hbm>>
    tpu.wait_indirect_dma semaphore(%arg22 : memref<!tpu.dma_semaphore, #tpu.memory_space<semaphore_mem>>) src(%dma_wait3A_285 : memref<10240x128xf32, #tpu.memory_space<hbm>>) dst(%arg14 : memref<64x128xf32, #tpu.memory_space<vmem>>)
    %dma_wait3A_286 = arith.constant 192 : i32
    %dma_wait3A_287 = tpu.memref_slice %arg12[%dma_wait3A_286] : memref<768xi32, #tpu.memory_space<vmem>> -> memref<64xi32, #tpu.memory_space<vmem>>
    %dma_wait3A_288 = arith.constant 0 : i32
    %dma_wait3A_289 = arith.constant 0 : i32
    %dma_wait3A_290 = tpu.memref_slice %arg3[%dma_wait3A_288, %dma_wait3A_289] : memref<10240x128xf32, #tpu.memory_space<hbm>> -> memref<10240x128xf32, #tpu.memory_space<hbm>>
    tpu.wait_indirect_dma semaphore(%arg24 : memref<!tpu.dma_semaphore, #tpu.memory_space<semaphore_mem>>) src(%dma_wait3A_290 : memref<10240x128xf32, #tpu.memory_space<hbm>>) dst(%arg16 : memref<64x128xf32, #tpu.memory_space<vmem>>)
    %dma_wait3A_291 = arith.constant 192 : i32
    %dma_wait3A_292 = tpu.memref_slice %arg11[%dma_wait3A_291] : memref<768xi32, #tpu.memory_space<vmem>> -> memref<64xi32, #tpu.memory_space<vmem>>
    %dma_wait3A_293 = arith.constant 0 : i32
    %dma_wait3A_294 = arith.constant 0 : i32
    %dma_wait3A_295 = tpu.memref_slice %arg4[%dma_wait3A_293, %dma_wait3A_294] : memref<10240x128xf32, #tpu.memory_space<hbm>> -> memref<10240x128xf32, #tpu.memory_space<hbm>>
    tpu.wait_indirect_dma semaphore(%arg26 : memref<!tpu.dma_semaphore, #tpu.memory_space<semaphore_mem>>) src(%dma_wait3A_295 : memref<10240x128xf32, #tpu.memory_space<hbm>>) dst(%arg18 : memref<64x128xf32, #tpu.memory_space<vmem>>)
    %dma_wait3A_296 = arith.constant 192 : i32
    %dma_wait3A_297 = tpu.memref_slice %arg12[%dma_wait3A_296] : memref<768xi32, #tpu.memory_space<vmem>> -> memref<64xi32, #tpu.memory_space<vmem>>
    %dma_wait3A_298 = arith.constant 0 : i32
    %dma_wait3A_299 = arith.constant 0 : i32
    %dma_wait3A_300 = tpu.memref_slice %arg4[%dma_wait3A_298, %dma_wait3A_299] : memref<10240x128xf32, #tpu.memory_space<hbm>> -> memref<10240x128xf32, #tpu.memory_space<hbm>>
    tpu.wait_indirect_dma semaphore(%arg28 : memref<!tpu.dma_semaphore, #tpu.memory_space<semaphore_mem>>) src(%dma_wait3A_300 : memref<10240x128xf32, #tpu.memory_space<hbm>>) dst(%arg20 : memref<64x128xf32, #tpu.memory_space<vmem>>)
    %add3A_301 = arith.constant 192 : i32
    %add3A_302 = arith.addi %mul3A_2, %add3A_301 : i32
    %dma_start3A_303 = arith.constant 0 : i32
    %dma_start3A_304 = tpu.memref_slice %arg7[%add3A_302, %dma_start3A_303] : memref<24576x128xf32, #tpu.memory_space<hbm>> -> memref<64x128xf32, #tpu.memory_space<hbm>>
    %dma_start3A_305 = arith.constant 0 : i32
    %dma_start3A_306 = tpu.memref_slice %arg7[%add3A_302, %dma_start3A_305] : memref<24576x128xf32, #tpu.memory_space<hbm>> -> memref<64x128xf32, #tpu.memory_space<hbm>>
    tpu.enqueue_dma source(%arg14 : memref<64x128xf32, #tpu.memory_space<vmem>>) target(%dma_start3A_306 : memref<64x128xf32, #tpu.memory_space<hbm>>) target_semaphore(%arg30 : memref<!tpu.dma_semaphore, #tpu.memory_space<semaphore_mem>>)
    %add3A_307 = arith.constant 192 : i32
    %add3A_308 = arith.addi %mul3A_2, %add3A_307 : i32
    %dma_start3A_309 = arith.constant 0 : i32
    %dma_start3A_310 = tpu.memref_slice %arg8[%add3A_308, %dma_start3A_309] : memref<24576x128xf32, #tpu.memory_space<hbm>> -> memref<64x128xf32, #tpu.memory_space<hbm>>
    %dma_start3A_311 = arith.constant 0 : i32
    %dma_start3A_312 = tpu.memref_slice %arg8[%add3A_308, %dma_start3A_311] : memref<24576x128xf32, #tpu.memory_space<hbm>> -> memref<64x128xf32, #tpu.memory_space<hbm>>
    tpu.enqueue_dma source(%arg16 : memref<64x128xf32, #tpu.memory_space<vmem>>) target(%dma_start3A_312 : memref<64x128xf32, #tpu.memory_space<hbm>>) target_semaphore(%arg32 : memref<!tpu.dma_semaphore, #tpu.memory_space<semaphore_mem>>)
    %add3A_313 = arith.constant 192 : i32
    %add3A_314 = arith.addi %mul3A_2, %add3A_313 : i32
    %dma_start3A_315 = arith.constant 0 : i32
    %dma_start3A_316 = tpu.memref_slice %arg9[%add3A_314, %dma_start3A_315] : memref<24576x128xf32, #tpu.memory_space<hbm>> -> memref<64x128xf32, #tpu.memory_space<hbm>>
    %dma_start3A_317 = arith.constant 0 : i32
    %dma_start3A_318 = tpu.memref_slice %arg9[%add3A_314, %dma_start3A_317] : memref<24576x128xf32, #tpu.memory_space<hbm>> -> memref<64x128xf32, #tpu.memory_space<hbm>>
    tpu.enqueue_dma source(%arg18 : memref<64x128xf32, #tpu.memory_space<vmem>>) target(%dma_start3A_318 : memref<64x128xf32, #tpu.memory_space<hbm>>) target_semaphore(%arg34 : memref<!tpu.dma_semaphore, #tpu.memory_space<semaphore_mem>>)
    %add3A_319 = arith.constant 192 : i32
    %add3A_320 = arith.addi %mul3A_2, %add3A_319 : i32
    %dma_start3A_321 = arith.constant 0 : i32
    %dma_start3A_322 = tpu.memref_slice %arg10[%add3A_320, %dma_start3A_321] : memref<24576x128xf32, #tpu.memory_space<hbm>> -> memref<64x128xf32, #tpu.memory_space<hbm>>
    %dma_start3A_323 = arith.constant 0 : i32
    %dma_start3A_324 = tpu.memref_slice %arg10[%add3A_320, %dma_start3A_323] : memref<24576x128xf32, #tpu.memory_space<hbm>> -> memref<64x128xf32, #tpu.memory_space<hbm>>
    tpu.enqueue_dma source(%arg20 : memref<64x128xf32, #tpu.memory_space<vmem>>) target(%dma_start3A_324 : memref<64x128xf32, #tpu.memory_space<hbm>>) target_semaphore(%arg36 : memref<!tpu.dma_semaphore, #tpu.memory_space<semaphore_mem>>)
    %dma_wait3A_325 = arith.constant 0 : i32
    %dma_wait3A_326 = tpu.memref_slice %arg7[%add3A_302, %dma_wait3A_325] : memref<24576x128xf32, #tpu.memory_space<hbm>> -> memref<64x128xf32, #tpu.memory_space<hbm>>
    %dma_wait3A_327 = arith.constant 0 : i32
    %dma_wait3A_328 = tpu.memref_slice %arg7[%add3A_302, %dma_wait3A_327] : memref<24576x128xf32, #tpu.memory_space<hbm>> -> memref<64x128xf32, #tpu.memory_space<hbm>>
    tpu.wait_dma2 semaphore(%arg30 : memref<!tpu.dma_semaphore, #tpu.memory_space<semaphore_mem>>) src(%arg14 : memref<64x128xf32, #tpu.memory_space<vmem>>) dst(%dma_wait3A_328 : memref<64x128xf32, #tpu.memory_space<hbm>>)
    %dma_wait3A_329 = arith.constant 0 : i32
    %dma_wait3A_330 = tpu.memref_slice %arg8[%add3A_308, %dma_wait3A_329] : memref<24576x128xf32, #tpu.memory_space<hbm>> -> memref<64x128xf32, #tpu.memory_space<hbm>>
    %dma_wait3A_331 = arith.constant 0 : i32
    %dma_wait3A_332 = tpu.memref_slice %arg8[%add3A_308, %dma_wait3A_331] : memref<24576x128xf32, #tpu.memory_space<hbm>> -> memref<64x128xf32, #tpu.memory_space<hbm>>
    tpu.wait_dma2 semaphore(%arg32 : memref<!tpu.dma_semaphore, #tpu.memory_space<semaphore_mem>>) src(%arg16 : memref<64x128xf32, #tpu.memory_space<vmem>>) dst(%dma_wait3A_332 : memref<64x128xf32, #tpu.memory_space<hbm>>)
    %dma_wait3A_333 = arith.constant 0 : i32
    %dma_wait3A_334 = tpu.memref_slice %arg9[%add3A_314, %dma_wait3A_333] : memref<24576x128xf32, #tpu.memory_space<hbm>> -> memref<64x128xf32, #tpu.memory_space<hbm>>
    %dma_wait3A_335 = arith.constant 0 : i32
    %dma_wait3A_336 = tpu.memref_slice %arg9[%add3A_314, %dma_wait3A_335] : memref<24576x128xf32, #tpu.memory_space<hbm>> -> memref<64x128xf32, #tpu.memory_space<hbm>>
    tpu.wait_dma2 semaphore(%arg34 : memref<!tpu.dma_semaphore, #tpu.memory_space<semaphore_mem>>) src(%arg18 : memref<64x128xf32, #tpu.memory_space<vmem>>) dst(%dma_wait3A_336 : memref<64x128xf32, #tpu.memory_space<hbm>>)
    %dma_wait3A_337 = arith.constant 0 : i32
    %dma_wait3A_338 = tpu.memref_slice %arg10[%add3A_320, %dma_wait3A_337] : memref<24576x128xf32, #tpu.memory_space<hbm>> -> memref<64x128xf32, #tpu.memory_space<hbm>>
    %dma_wait3A_339 = arith.constant 0 : i32
    %dma_wait3A_340 = tpu.memref_slice %arg10[%add3A_320, %dma_wait3A_339] : memref<24576x128xf32, #tpu.memory_space<hbm>> -> memref<64x128xf32, #tpu.memory_space<hbm>>
    tpu.wait_dma2 semaphore(%arg36 : memref<!tpu.dma_semaphore, #tpu.memory_space<semaphore_mem>>) src(%arg20 : memref<64x128xf32, #tpu.memory_space<vmem>>) dst(%dma_wait3A_340 : memref<64x128xf32, #tpu.memory_space<hbm>>)
    %dma_start3A_341 = arith.constant 320 : i32
    %dma_start3A_342 = tpu.memref_slice %arg11[%dma_start3A_341] : memref<768xi32, #tpu.memory_space<vmem>> -> memref<64xi32, #tpu.memory_space<vmem>>
    %dma_start3A_343 = arith.constant 0 : i32
    %dma_start3A_344 = arith.constant 0 : i32
    %dma_start3A_345 = tpu.memref_slice %arg2[%dma_start3A_343, %dma_start3A_344] : memref<10240x128xf32, #tpu.memory_space<hbm>> -> memref<10240x128xf32, #tpu.memory_space<hbm>>
    tpu.enqueue_indirect_dma source(%dma_start3A_345 : memref<10240x128xf32, #tpu.memory_space<hbm>>) target(%arg14 : memref<64x128xf32, #tpu.memory_space<vmem>>) offsets(%dma_start3A_342 : memref<64xi32, #tpu.memory_space<vmem>>) semaphore(%arg22 : memref<!tpu.dma_semaphore, #tpu.memory_space<semaphore_mem>>)
    %dma_start3A_346 = arith.constant 320 : i32
    %dma_start3A_347 = tpu.memref_slice %arg12[%dma_start3A_346] : memref<768xi32, #tpu.memory_space<vmem>> -> memref<64xi32, #tpu.memory_space<vmem>>
    %dma_start3A_348 = arith.constant 0 : i32
    %dma_start3A_349 = arith.constant 0 : i32
    %dma_start3A_350 = tpu.memref_slice %arg3[%dma_start3A_348, %dma_start3A_349] : memref<10240x128xf32, #tpu.memory_space<hbm>> -> memref<10240x128xf32, #tpu.memory_space<hbm>>
    tpu.enqueue_indirect_dma source(%dma_start3A_350 : memref<10240x128xf32, #tpu.memory_space<hbm>>) target(%arg16 : memref<64x128xf32, #tpu.memory_space<vmem>>) offsets(%dma_start3A_347 : memref<64xi32, #tpu.memory_space<vmem>>) semaphore(%arg24 : memref<!tpu.dma_semaphore, #tpu.memory_space<semaphore_mem>>)
    %dma_start3A_351 = arith.constant 320 : i32
    %dma_start3A_352 = tpu.memref_slice %arg11[%dma_start3A_351] : memref<768xi32, #tpu.memory_space<vmem>> -> memref<64xi32, #tpu.memory_space<vmem>>
    %dma_start3A_353 = arith.constant 0 : i32
    %dma_start3A_354 = arith.constant 0 : i32
    %dma_start3A_355 = tpu.memref_slice %arg4[%dma_start3A_353, %dma_start3A_354] : memref<10240x128xf32, #tpu.memory_space<hbm>> -> memref<10240x128xf32, #tpu.memory_space<hbm>>
    tpu.enqueue_indirect_dma source(%dma_start3A_355 : memref<10240x128xf32, #tpu.memory_space<hbm>>) target(%arg18 : memref<64x128xf32, #tpu.memory_space<vmem>>) offsets(%dma_start3A_352 : memref<64xi32, #tpu.memory_space<vmem>>) semaphore(%arg26 : memref<!tpu.dma_semaphore, #tpu.memory_space<semaphore_mem>>)
    %dma_start3A_356 = arith.constant 320 : i32
    %dma_start3A_357 = tpu.memref_slice %arg12[%dma_start3A_356] : memref<768xi32, #tpu.memory_space<vmem>> -> memref<64xi32, #tpu.memory_space<vmem>>
    %dma_start3A_358 = arith.constant 0 : i32
    %dma_start3A_359 = arith.constant 0 : i32
    %dma_start3A_360 = tpu.memref_slice %arg4[%dma_start3A_358, %dma_start3A_359] : memref<10240x128xf32, #tpu.memory_space<hbm>> -> memref<10240x128xf32, #tpu.memory_space<hbm>>
    tpu.enqueue_indirect_dma source(%dma_start3A_360 : memref<10240x128xf32, #tpu.memory_space<hbm>>) target(%arg20 : memref<64x128xf32, #tpu.memory_space<vmem>>) offsets(%dma_start3A_357 : memref<64xi32, #tpu.memory_space<vmem>>) semaphore(%arg28 : memref<!tpu.dma_semaphore, #tpu.memory_space<semaphore_mem>>)
    %dma_wait3A_361 = arith.constant 256 : i32
    %dma_wait3A_362 = tpu.memref_slice %arg11[%dma_wait3A_361] : memref<768xi32, #tpu.memory_space<vmem>> -> memref<64xi32, #tpu.memory_space<vmem>>
    %dma_wait3A_363 = arith.constant 0 : i32
    %dma_wait3A_364 = arith.constant 0 : i32
    %dma_wait3A_365 = tpu.memref_slice %arg2[%dma_wait3A_363, %dma_wait3A_364] : memref<10240x128xf32, #tpu.memory_space<hbm>> -> memref<10240x128xf32, #tpu.memory_space<hbm>>
    tpu.wait_indirect_dma semaphore(%arg21 : memref<!tpu.dma_semaphore, #tpu.memory_space<semaphore_mem>>) src(%dma_wait3A_365 : memref<10240x128xf32, #tpu.memory_space<hbm>>) dst(%arg13 : memref<64x128xf32, #tpu.memory_space<vmem>>)
    %dma_wait3A_366 = arith.constant 256 : i32
    %dma_wait3A_367 = tpu.memref_slice %arg12[%dma_wait3A_366] : memref<768xi32, #tpu.memory_space<vmem>> -> memref<64xi32, #tpu.memory_space<vmem>>
    %dma_wait3A_368 = arith.constant 0 : i32
    %dma_wait3A_369 = arith.constant 0 : i32
    %dma_wait3A_370 = tpu.memref_slice %arg3[%dma_wait3A_368, %dma_wait3A_369] : memref<10240x128xf32, #tpu.memory_space<hbm>> -> memref<10240x128xf32, #tpu.memory_space<hbm>>
    tpu.wait_indirect_dma semaphore(%arg23 : memref<!tpu.dma_semaphore, #tpu.memory_space<semaphore_mem>>) src(%dma_wait3A_370 : memref<10240x128xf32, #tpu.memory_space<hbm>>) dst(%arg15 : memref<64x128xf32, #tpu.memory_space<vmem>>)
    %dma_wait3A_371 = arith.constant 256 : i32
    %dma_wait3A_372 = tpu.memref_slice %arg11[%dma_wait3A_371] : memref<768xi32, #tpu.memory_space<vmem>> -> memref<64xi32, #tpu.memory_space<vmem>>
    %dma_wait3A_373 = arith.constant 0 : i32
    %dma_wait3A_374 = arith.constant 0 : i32
    %dma_wait3A_375 = tpu.memref_slice %arg4[%dma_wait3A_373, %dma_wait3A_374] : memref<10240x128xf32, #tpu.memory_space<hbm>> -> memref<10240x128xf32, #tpu.memory_space<hbm>>
    tpu.wait_indirect_dma semaphore(%arg25 : memref<!tpu.dma_semaphore, #tpu.memory_space<semaphore_mem>>) src(%dma_wait3A_375 : memref<10240x128xf32, #tpu.memory_space<hbm>>) dst(%arg17 : memref<64x128xf32, #tpu.memory_space<vmem>>)
    %dma_wait3A_376 = arith.constant 256 : i32
    %dma_wait3A_377 = tpu.memref_slice %arg12[%dma_wait3A_376] : memref<768xi32, #tpu.memory_space<vmem>> -> memref<64xi32, #tpu.memory_space<vmem>>
    %dma_wait3A_378 = arith.constant 0 : i32
    %dma_wait3A_379 = arith.constant 0 : i32
    %dma_wait3A_380 = tpu.memref_slice %arg4[%dma_wait3A_378, %dma_wait3A_379] : memref<10240x128xf32, #tpu.memory_space<hbm>> -> memref<10240x128xf32, #tpu.memory_space<hbm>>
    tpu.wait_indirect_dma semaphore(%arg27 : memref<!tpu.dma_semaphore, #tpu.memory_space<semaphore_mem>>) src(%dma_wait3A_380 : memref<10240x128xf32, #tpu.memory_space<hbm>>) dst(%arg19 : memref<64x128xf32, #tpu.memory_space<vmem>>)
    %add3A_381 = arith.constant 256 : i32
    %add3A_382 = arith.addi %mul3A_2, %add3A_381 : i32
    %dma_start3A_383 = arith.constant 0 : i32
    %dma_start3A_384 = tpu.memref_slice %arg7[%add3A_382, %dma_start3A_383] : memref<24576x128xf32, #tpu.memory_space<hbm>> -> memref<64x128xf32, #tpu.memory_space<hbm>>
    %dma_start3A_385 = arith.constant 0 : i32
    %dma_start3A_386 = tpu.memref_slice %arg7[%add3A_382, %dma_start3A_385] : memref<24576x128xf32, #tpu.memory_space<hbm>> -> memref<64x128xf32, #tpu.memory_space<hbm>>
    tpu.enqueue_dma source(%arg13 : memref<64x128xf32, #tpu.memory_space<vmem>>) target(%dma_start3A_386 : memref<64x128xf32, #tpu.memory_space<hbm>>) target_semaphore(%arg29 : memref<!tpu.dma_semaphore, #tpu.memory_space<semaphore_mem>>)
    %add3A_387 = arith.constant 256 : i32
    %add3A_388 = arith.addi %mul3A_2, %add3A_387 : i32
    %dma_start3A_389 = arith.constant 0 : i32
    %dma_start3A_390 = tpu.memref_slice %arg8[%add3A_388, %dma_start3A_389] : memref<24576x128xf32, #tpu.memory_space<hbm>> -> memref<64x128xf32, #tpu.memory_space<hbm>>
    %dma_start3A_391 = arith.constant 0 : i32
    %dma_start3A_392 = tpu.memref_slice %arg8[%add3A_388, %dma_start3A_391] : memref<24576x128xf32, #tpu.memory_space<hbm>> -> memref<64x128xf32, #tpu.memory_space<hbm>>
    tpu.enqueue_dma source(%arg15 : memref<64x128xf32, #tpu.memory_space<vmem>>) target(%dma_start3A_392 : memref<64x128xf32, #tpu.memory_space<hbm>>) target_semaphore(%arg31 : memref<!tpu.dma_semaphore, #tpu.memory_space<semaphore_mem>>)
    %add3A_393 = arith.constant 256 : i32
    %add3A_394 = arith.addi %mul3A_2, %add3A_393 : i32
    %dma_start3A_395 = arith.constant 0 : i32
    %dma_start3A_396 = tpu.memref_slice %arg9[%add3A_394, %dma_start3A_395] : memref<24576x128xf32, #tpu.memory_space<hbm>> -> memref<64x128xf32, #tpu.memory_space<hbm>>
    %dma_start3A_397 = arith.constant 0 : i32
    %dma_start3A_398 = tpu.memref_slice %arg9[%add3A_394, %dma_start3A_397] : memref<24576x128xf32, #tpu.memory_space<hbm>> -> memref<64x128xf32, #tpu.memory_space<hbm>>
    tpu.enqueue_dma source(%arg17 : memref<64x128xf32, #tpu.memory_space<vmem>>) target(%dma_start3A_398 : memref<64x128xf32, #tpu.memory_space<hbm>>) target_semaphore(%arg33 : memref<!tpu.dma_semaphore, #tpu.memory_space<semaphore_mem>>)
    %add3A_399 = arith.constant 256 : i32
    %add3A_400 = arith.addi %mul3A_2, %add3A_399 : i32
    %dma_start3A_401 = arith.constant 0 : i32
    %dma_start3A_402 = tpu.memref_slice %arg10[%add3A_400, %dma_start3A_401] : memref<24576x128xf32, #tpu.memory_space<hbm>> -> memref<64x128xf32, #tpu.memory_space<hbm>>
    %dma_start3A_403 = arith.constant 0 : i32
    %dma_start3A_404 = tpu.memref_slice %arg10[%add3A_400, %dma_start3A_403] : memref<24576x128xf32, #tpu.memory_space<hbm>> -> memref<64x128xf32, #tpu.memory_space<hbm>>
    tpu.enqueue_dma source(%arg19 : memref<64x128xf32, #tpu.memory_space<vmem>>) target(%dma_start3A_404 : memref<64x128xf32, #tpu.memory_space<hbm>>) target_semaphore(%arg35 : memref<!tpu.dma_semaphore, #tpu.memory_space<semaphore_mem>>)
    %dma_wait3A_405 = arith.constant 0 : i32
    %dma_wait3A_406 = tpu.memref_slice %arg7[%add3A_382, %dma_wait3A_405] : memref<24576x128xf32, #tpu.memory_space<hbm>> -> memref<64x128xf32, #tpu.memory_space<hbm>>
    %dma_wait3A_407 = arith.constant 0 : i32
    %dma_wait3A_408 = tpu.memref_slice %arg7[%add3A_382, %dma_wait3A_407] : memref<24576x128xf32, #tpu.memory_space<hbm>> -> memref<64x128xf32, #tpu.memory_space<hbm>>
    tpu.wait_dma2 semaphore(%arg29 : memref<!tpu.dma_semaphore, #tpu.memory_space<semaphore_mem>>) src(%arg13 : memref<64x128xf32, #tpu.memory_space<vmem>>) dst(%dma_wait3A_408 : memref<64x128xf32, #tpu.memory_space<hbm>>)
    %dma_wait3A_409 = arith.constant 0 : i32
    %dma_wait3A_410 = tpu.memref_slice %arg8[%add3A_388, %dma_wait3A_409] : memref<24576x128xf32, #tpu.memory_space<hbm>> -> memref<64x128xf32, #tpu.memory_space<hbm>>
    %dma_wait3A_411 = arith.constant 0 : i32
    %dma_wait3A_412 = tpu.memref_slice %arg8[%add3A_388, %dma_wait3A_411] : memref<24576x128xf32, #tpu.memory_space<hbm>> -> memref<64x128xf32, #tpu.memory_space<hbm>>
    tpu.wait_dma2 semaphore(%arg31 : memref<!tpu.dma_semaphore, #tpu.memory_space<semaphore_mem>>) src(%arg15 : memref<64x128xf32, #tpu.memory_space<vmem>>) dst(%dma_wait3A_412 : memref<64x128xf32, #tpu.memory_space<hbm>>)
    %dma_wait3A_413 = arith.constant 0 : i32
    %dma_wait3A_414 = tpu.memref_slice %arg9[%add3A_394, %dma_wait3A_413] : memref<24576x128xf32, #tpu.memory_space<hbm>> -> memref<64x128xf32, #tpu.memory_space<hbm>>
    %dma_wait3A_415 = arith.constant 0 : i32
    %dma_wait3A_416 = tpu.memref_slice %arg9[%add3A_394, %dma_wait3A_415] : memref<24576x128xf32, #tpu.memory_space<hbm>> -> memref<64x128xf32, #tpu.memory_space<hbm>>
    tpu.wait_dma2 semaphore(%arg33 : memref<!tpu.dma_semaphore, #tpu.memory_space<semaphore_mem>>) src(%arg17 : memref<64x128xf32, #tpu.memory_space<vmem>>) dst(%dma_wait3A_416 : memref<64x128xf32, #tpu.memory_space<hbm>>)
    %dma_wait3A_417 = arith.constant 0 : i32
    %dma_wait3A_418 = tpu.memref_slice %arg10[%add3A_400, %dma_wait3A_417] : memref<24576x128xf32, #tpu.memory_space<hbm>> -> memref<64x128xf32, #tpu.memory_space<hbm>>
    %dma_wait3A_419 = arith.constant 0 : i32
    %dma_wait3A_420 = tpu.memref_slice %arg10[%add3A_400, %dma_wait3A_419] : memref<24576x128xf32, #tpu.memory_space<hbm>> -> memref<64x128xf32, #tpu.memory_space<hbm>>
    tpu.wait_dma2 semaphore(%arg35 : memref<!tpu.dma_semaphore, #tpu.memory_space<semaphore_mem>>) src(%arg19 : memref<64x128xf32, #tpu.memory_space<vmem>>) dst(%dma_wait3A_420 : memref<64x128xf32, #tpu.memory_space<hbm>>)
    %dma_start3A_421 = arith.constant 384 : i32
    %dma_start3A_422 = tpu.memref_slice %arg11[%dma_start3A_421] : memref<768xi32, #tpu.memory_space<vmem>> -> memref<64xi32, #tpu.memory_space<vmem>>
    %dma_start3A_423 = arith.constant 0 : i32
    %dma_start3A_424 = arith.constant 0 : i32
    %dma_start3A_425 = tpu.memref_slice %arg2[%dma_start3A_423, %dma_start3A_424] : memref<10240x128xf32, #tpu.memory_space<hbm>> -> memref<10240x128xf32, #tpu.memory_space<hbm>>
    tpu.enqueue_indirect_dma source(%dma_start3A_425 : memref<10240x128xf32, #tpu.memory_space<hbm>>) target(%arg13 : memref<64x128xf32, #tpu.memory_space<vmem>>) offsets(%dma_start3A_422 : memref<64xi32, #tpu.memory_space<vmem>>) semaphore(%arg21 : memref<!tpu.dma_semaphore, #tpu.memory_space<semaphore_mem>>)
    %dma_start3A_426 = arith.constant 384 : i32
    %dma_start3A_427 = tpu.memref_slice %arg12[%dma_start3A_426] : memref<768xi32, #tpu.memory_space<vmem>> -> memref<64xi32, #tpu.memory_space<vmem>>
    %dma_start3A_428 = arith.constant 0 : i32
    %dma_start3A_429 = arith.constant 0 : i32
    %dma_start3A_430 = tpu.memref_slice %arg3[%dma_start3A_428, %dma_start3A_429] : memref<10240x128xf32, #tpu.memory_space<hbm>> -> memref<10240x128xf32, #tpu.memory_space<hbm>>
    tpu.enqueue_indirect_dma source(%dma_start3A_430 : memref<10240x128xf32, #tpu.memory_space<hbm>>) target(%arg15 : memref<64x128xf32, #tpu.memory_space<vmem>>) offsets(%dma_start3A_427 : memref<64xi32, #tpu.memory_space<vmem>>) semaphore(%arg23 : memref<!tpu.dma_semaphore, #tpu.memory_space<semaphore_mem>>)
    %dma_start3A_431 = arith.constant 384 : i32
    %dma_start3A_432 = tpu.memref_slice %arg11[%dma_start3A_431] : memref<768xi32, #tpu.memory_space<vmem>> -> memref<64xi32, #tpu.memory_space<vmem>>
    %dma_start3A_433 = arith.constant 0 : i32
    %dma_start3A_434 = arith.constant 0 : i32
    %dma_start3A_435 = tpu.memref_slice %arg4[%dma_start3A_433, %dma_start3A_434] : memref<10240x128xf32, #tpu.memory_space<hbm>> -> memref<10240x128xf32, #tpu.memory_space<hbm>>
    tpu.enqueue_indirect_dma source(%dma_start3A_435 : memref<10240x128xf32, #tpu.memory_space<hbm>>) target(%arg17 : memref<64x128xf32, #tpu.memory_space<vmem>>) offsets(%dma_start3A_432 : memref<64xi32, #tpu.memory_space<vmem>>) semaphore(%arg25 : memref<!tpu.dma_semaphore, #tpu.memory_space<semaphore_mem>>)
    %dma_start3A_436 = arith.constant 384 : i32
    %dma_start3A_437 = tpu.memref_slice %arg12[%dma_start3A_436] : memref<768xi32, #tpu.memory_space<vmem>> -> memref<64xi32, #tpu.memory_space<vmem>>
    %dma_start3A_438 = arith.constant 0 : i32
    %dma_start3A_439 = arith.constant 0 : i32
    %dma_start3A_440 = tpu.memref_slice %arg4[%dma_start3A_438, %dma_start3A_439] : memref<10240x128xf32, #tpu.memory_space<hbm>> -> memref<10240x128xf32, #tpu.memory_space<hbm>>
    tpu.enqueue_indirect_dma source(%dma_start3A_440 : memref<10240x128xf32, #tpu.memory_space<hbm>>) target(%arg19 : memref<64x128xf32, #tpu.memory_space<vmem>>) offsets(%dma_start3A_437 : memref<64xi32, #tpu.memory_space<vmem>>) semaphore(%arg27 : memref<!tpu.dma_semaphore, #tpu.memory_space<semaphore_mem>>)
    %dma_wait3A_441 = arith.constant 320 : i32
    %dma_wait3A_442 = tpu.memref_slice %arg11[%dma_wait3A_441] : memref<768xi32, #tpu.memory_space<vmem>> -> memref<64xi32, #tpu.memory_space<vmem>>
    %dma_wait3A_443 = arith.constant 0 : i32
    %dma_wait3A_444 = arith.constant 0 : i32
    %dma_wait3A_445 = tpu.memref_slice %arg2[%dma_wait3A_443, %dma_wait3A_444] : memref<10240x128xf32, #tpu.memory_space<hbm>> -> memref<10240x128xf32, #tpu.memory_space<hbm>>
    tpu.wait_indirect_dma semaphore(%arg22 : memref<!tpu.dma_semaphore, #tpu.memory_space<semaphore_mem>>) src(%dma_wait3A_445 : memref<10240x128xf32, #tpu.memory_space<hbm>>) dst(%arg14 : memref<64x128xf32, #tpu.memory_space<vmem>>)
    %dma_wait3A_446 = arith.constant 320 : i32
    %dma_wait3A_447 = tpu.memref_slice %arg12[%dma_wait3A_446] : memref<768xi32, #tpu.memory_space<vmem>> -> memref<64xi32, #tpu.memory_space<vmem>>
    %dma_wait3A_448 = arith.constant 0 : i32
    %dma_wait3A_449 = arith.constant 0 : i32
    %dma_wait3A_450 = tpu.memref_slice %arg3[%dma_wait3A_448, %dma_wait3A_449] : memref<10240x128xf32, #tpu.memory_space<hbm>> -> memref<10240x128xf32, #tpu.memory_space<hbm>>
    tpu.wait_indirect_dma semaphore(%arg24 : memref<!tpu.dma_semaphore, #tpu.memory_space<semaphore_mem>>) src(%dma_wait3A_450 : memref<10240x128xf32, #tpu.memory_space<hbm>>) dst(%arg16 : memref<64x128xf32, #tpu.memory_space<vmem>>)
    %dma_wait3A_451 = arith.constant 320 : i32
    %dma_wait3A_452 = tpu.memref_slice %arg11[%dma_wait3A_451] : memref<768xi32, #tpu.memory_space<vmem>> -> memref<64xi32, #tpu.memory_space<vmem>>
    %dma_wait3A_453 = arith.constant 0 : i32
    %dma_wait3A_454 = arith.constant 0 : i32
    %dma_wait3A_455 = tpu.memref_slice %arg4[%dma_wait3A_453, %dma_wait3A_454] : memref<10240x128xf32, #tpu.memory_space<hbm>> -> memref<10240x128xf32, #tpu.memory_space<hbm>>
    tpu.wait_indirect_dma semaphore(%arg26 : memref<!tpu.dma_semaphore, #tpu.memory_space<semaphore_mem>>) src(%dma_wait3A_455 : memref<10240x128xf32, #tpu.memory_space<hbm>>) dst(%arg18 : memref<64x128xf32, #tpu.memory_space<vmem>>)
    %dma_wait3A_456 = arith.constant 320 : i32
    %dma_wait3A_457 = tpu.memref_slice %arg12[%dma_wait3A_456] : memref<768xi32, #tpu.memory_space<vmem>> -> memref<64xi32, #tpu.memory_space<vmem>>
    %dma_wait3A_458 = arith.constant 0 : i32
    %dma_wait3A_459 = arith.constant 0 : i32
    %dma_wait3A_460 = tpu.memref_slice %arg4[%dma_wait3A_458, %dma_wait3A_459] : memref<10240x128xf32, #tpu.memory_space<hbm>> -> memref<10240x128xf32, #tpu.memory_space<hbm>>
    tpu.wait_indirect_dma semaphore(%arg28 : memref<!tpu.dma_semaphore, #tpu.memory_space<semaphore_mem>>) src(%dma_wait3A_460 : memref<10240x128xf32, #tpu.memory_space<hbm>>) dst(%arg20 : memref<64x128xf32, #tpu.memory_space<vmem>>)
    %add3A_461 = arith.constant 320 : i32
    %add3A_462 = arith.addi %mul3A_2, %add3A_461 : i32
    %dma_start3A_463 = arith.constant 0 : i32
    %dma_start3A_464 = tpu.memref_slice %arg7[%add3A_462, %dma_start3A_463] : memref<24576x128xf32, #tpu.memory_space<hbm>> -> memref<64x128xf32, #tpu.memory_space<hbm>>
    %dma_start3A_465 = arith.constant 0 : i32
    %dma_start3A_466 = tpu.memref_slice %arg7[%add3A_462, %dma_start3A_465] : memref<24576x128xf32, #tpu.memory_space<hbm>> -> memref<64x128xf32, #tpu.memory_space<hbm>>
    tpu.enqueue_dma source(%arg14 : memref<64x128xf32, #tpu.memory_space<vmem>>) target(%dma_start3A_466 : memref<64x128xf32, #tpu.memory_space<hbm>>) target_semaphore(%arg30 : memref<!tpu.dma_semaphore, #tpu.memory_space<semaphore_mem>>)
    %add3A_467 = arith.constant 320 : i32
    %add3A_468 = arith.addi %mul3A_2, %add3A_467 : i32
    %dma_start3A_469 = arith.constant 0 : i32
    %dma_start3A_470 = tpu.memref_slice %arg8[%add3A_468, %dma_start3A_469] : memref<24576x128xf32, #tpu.memory_space<hbm>> -> memref<64x128xf32, #tpu.memory_space<hbm>>
    %dma_start3A_471 = arith.constant 0 : i32
    %dma_start3A_472 = tpu.memref_slice %arg8[%add3A_468, %dma_start3A_471] : memref<24576x128xf32, #tpu.memory_space<hbm>> -> memref<64x128xf32, #tpu.memory_space<hbm>>
    tpu.enqueue_dma source(%arg16 : memref<64x128xf32, #tpu.memory_space<vmem>>) target(%dma_start3A_472 : memref<64x128xf32, #tpu.memory_space<hbm>>) target_semaphore(%arg32 : memref<!tpu.dma_semaphore, #tpu.memory_space<semaphore_mem>>)
    %add3A_473 = arith.constant 320 : i32
    %add3A_474 = arith.addi %mul3A_2, %add3A_473 : i32
    %dma_start3A_475 = arith.constant 0 : i32
    %dma_start3A_476 = tpu.memref_slice %arg9[%add3A_474, %dma_start3A_475] : memref<24576x128xf32, #tpu.memory_space<hbm>> -> memref<64x128xf32, #tpu.memory_space<hbm>>
    %dma_start3A_477 = arith.constant 0 : i32
    %dma_start3A_478 = tpu.memref_slice %arg9[%add3A_474, %dma_start3A_477] : memref<24576x128xf32, #tpu.memory_space<hbm>> -> memref<64x128xf32, #tpu.memory_space<hbm>>
    tpu.enqueue_dma source(%arg18 : memref<64x128xf32, #tpu.memory_space<vmem>>) target(%dma_start3A_478 : memref<64x128xf32, #tpu.memory_space<hbm>>) target_semaphore(%arg34 : memref<!tpu.dma_semaphore, #tpu.memory_space<semaphore_mem>>)
    %add3A_479 = arith.constant 320 : i32
    %add3A_480 = arith.addi %mul3A_2, %add3A_479 : i32
    %dma_start3A_481 = arith.constant 0 : i32
    %dma_start3A_482 = tpu.memref_slice %arg10[%add3A_480, %dma_start3A_481] : memref<24576x128xf32, #tpu.memory_space<hbm>> -> memref<64x128xf32, #tpu.memory_space<hbm>>
    %dma_start3A_483 = arith.constant 0 : i32
    %dma_start3A_484 = tpu.memref_slice %arg10[%add3A_480, %dma_start3A_483] : memref<24576x128xf32, #tpu.memory_space<hbm>> -> memref<64x128xf32, #tpu.memory_space<hbm>>
    tpu.enqueue_dma source(%arg20 : memref<64x128xf32, #tpu.memory_space<vmem>>) target(%dma_start3A_484 : memref<64x128xf32, #tpu.memory_space<hbm>>) target_semaphore(%arg36 : memref<!tpu.dma_semaphore, #tpu.memory_space<semaphore_mem>>)
    %dma_wait3A_485 = arith.constant 0 : i32
    %dma_wait3A_486 = tpu.memref_slice %arg7[%add3A_462, %dma_wait3A_485] : memref<24576x128xf32, #tpu.memory_space<hbm>> -> memref<64x128xf32, #tpu.memory_space<hbm>>
    %dma_wait3A_487 = arith.constant 0 : i32
    %dma_wait3A_488 = tpu.memref_slice %arg7[%add3A_462, %dma_wait3A_487] : memref<24576x128xf32, #tpu.memory_space<hbm>> -> memref<64x128xf32, #tpu.memory_space<hbm>>
    tpu.wait_dma2 semaphore(%arg30 : memref<!tpu.dma_semaphore, #tpu.memory_space<semaphore_mem>>) src(%arg14 : memref<64x128xf32, #tpu.memory_space<vmem>>) dst(%dma_wait3A_488 : memref<64x128xf32, #tpu.memory_space<hbm>>)
    %dma_wait3A_489 = arith.constant 0 : i32
    %dma_wait3A_490 = tpu.memref_slice %arg8[%add3A_468, %dma_wait3A_489] : memref<24576x128xf32, #tpu.memory_space<hbm>> -> memref<64x128xf32, #tpu.memory_space<hbm>>
    %dma_wait3A_491 = arith.constant 0 : i32
    %dma_wait3A_492 = tpu.memref_slice %arg8[%add3A_468, %dma_wait3A_491] : memref<24576x128xf32, #tpu.memory_space<hbm>> -> memref<64x128xf32, #tpu.memory_space<hbm>>
    tpu.wait_dma2 semaphore(%arg32 : memref<!tpu.dma_semaphore, #tpu.memory_space<semaphore_mem>>) src(%arg16 : memref<64x128xf32, #tpu.memory_space<vmem>>) dst(%dma_wait3A_492 : memref<64x128xf32, #tpu.memory_space<hbm>>)
    %dma_wait3A_493 = arith.constant 0 : i32
    %dma_wait3A_494 = tpu.memref_slice %arg9[%add3A_474, %dma_wait3A_493] : memref<24576x128xf32, #tpu.memory_space<hbm>> -> memref<64x128xf32, #tpu.memory_space<hbm>>
    %dma_wait3A_495 = arith.constant 0 : i32
    %dma_wait3A_496 = tpu.memref_slice %arg9[%add3A_474, %dma_wait3A_495] : memref<24576x128xf32, #tpu.memory_space<hbm>> -> memref<64x128xf32, #tpu.memory_space<hbm>>
    tpu.wait_dma2 semaphore(%arg34 : memref<!tpu.dma_semaphore, #tpu.memory_space<semaphore_mem>>) src(%arg18 : memref<64x128xf32, #tpu.memory_space<vmem>>) dst(%dma_wait3A_496 : memref<64x128xf32, #tpu.memory_space<hbm>>)
    %dma_wait3A_497 = arith.constant 0 : i32
    %dma_wait3A_498 = tpu.memref_slice %arg10[%add3A_480, %dma_wait3A_497] : memref<24576x128xf32, #tpu.memory_space<hbm>> -> memref<64x128xf32, #tpu.memory_space<hbm>>
    %dma_wait3A_499 = arith.constant 0 : i32
    %dma_wait3A_500 = tpu.memref_slice %arg10[%add3A_480, %dma_wait3A_499] : memref<24576x128xf32, #tpu.memory_space<hbm>> -> memref<64x128xf32, #tpu.memory_space<hbm>>
    tpu.wait_dma2 semaphore(%arg36 : memref<!tpu.dma_semaphore, #tpu.memory_space<semaphore_mem>>) src(%arg20 : memref<64x128xf32, #tpu.memory_space<vmem>>) dst(%dma_wait3A_500 : memref<64x128xf32, #tpu.memory_space<hbm>>)
    %dma_start3A_501 = arith.constant 448 : i32
    %dma_start3A_502 = tpu.memref_slice %arg11[%dma_start3A_501] : memref<768xi32, #tpu.memory_space<vmem>> -> memref<64xi32, #tpu.memory_space<vmem>>
    %dma_start3A_503 = arith.constant 0 : i32
    %dma_start3A_504 = arith.constant 0 : i32
    %dma_start3A_505 = tpu.memref_slice %arg2[%dma_start3A_503, %dma_start3A_504] : memref<10240x128xf32, #tpu.memory_space<hbm>> -> memref<10240x128xf32, #tpu.memory_space<hbm>>
    tpu.enqueue_indirect_dma source(%dma_start3A_505 : memref<10240x128xf32, #tpu.memory_space<hbm>>) target(%arg14 : memref<64x128xf32, #tpu.memory_space<vmem>>) offsets(%dma_start3A_502 : memref<64xi32, #tpu.memory_space<vmem>>) semaphore(%arg22 : memref<!tpu.dma_semaphore, #tpu.memory_space<semaphore_mem>>)
    %dma_start3A_506 = arith.constant 448 : i32
    %dma_start3A_507 = tpu.memref_slice %arg12[%dma_start3A_506] : memref<768xi32, #tpu.memory_space<vmem>> -> memref<64xi32, #tpu.memory_space<vmem>>
    %dma_start3A_508 = arith.constant 0 : i32
    %dma_start3A_509 = arith.constant 0 : i32
    %dma_start3A_510 = tpu.memref_slice %arg3[%dma_start3A_508, %dma_start3A_509] : memref<10240x128xf32, #tpu.memory_space<hbm>> -> memref<10240x128xf32, #tpu.memory_space<hbm>>
    tpu.enqueue_indirect_dma source(%dma_start3A_510 : memref<10240x128xf32, #tpu.memory_space<hbm>>) target(%arg16 : memref<64x128xf32, #tpu.memory_space<vmem>>) offsets(%dma_start3A_507 : memref<64xi32, #tpu.memory_space<vmem>>) semaphore(%arg24 : memref<!tpu.dma_semaphore, #tpu.memory_space<semaphore_mem>>)
    %dma_start3A_511 = arith.constant 448 : i32
    %dma_start3A_512 = tpu.memref_slice %arg11[%dma_start3A_511] : memref<768xi32, #tpu.memory_space<vmem>> -> memref<64xi32, #tpu.memory_space<vmem>>
    %dma_start3A_513 = arith.constant 0 : i32
    %dma_start3A_514 = arith.constant 0 : i32
    %dma_start3A_515 = tpu.memref_slice %arg4[%dma_start3A_513, %dma_start3A_514] : memref<10240x128xf32, #tpu.memory_space<hbm>> -> memref<10240x128xf32, #tpu.memory_space<hbm>>
    tpu.enqueue_indirect_dma source(%dma_start3A_515 : memref<10240x128xf32, #tpu.memory_space<hbm>>) target(%arg18 : memref<64x128xf32, #tpu.memory_space<vmem>>) offsets(%dma_start3A_512 : memref<64xi32, #tpu.memory_space<vmem>>) semaphore(%arg26 : memref<!tpu.dma_semaphore, #tpu.memory_space<semaphore_mem>>)
    %dma_start3A_516 = arith.constant 448 : i32
    %dma_start3A_517 = tpu.memref_slice %arg12[%dma_start3A_516] : memref<768xi32, #tpu.memory_space<vmem>> -> memref<64xi32, #tpu.memory_space<vmem>>
    %dma_start3A_518 = arith.constant 0 : i32
    %dma_start3A_519 = arith.constant 0 : i32
    %dma_start3A_520 = tpu.memref_slice %arg4[%dma_start3A_518, %dma_start3A_519] : memref<10240x128xf32, #tpu.memory_space<hbm>> -> memref<10240x128xf32, #tpu.memory_space<hbm>>
    tpu.enqueue_indirect_dma source(%dma_start3A_520 : memref<10240x128xf32, #tpu.memory_space<hbm>>) target(%arg20 : memref<64x128xf32, #tpu.memory_space<vmem>>) offsets(%dma_start3A_517 : memref<64xi32, #tpu.memory_space<vmem>>) semaphore(%arg28 : memref<!tpu.dma_semaphore, #tpu.memory_space<semaphore_mem>>)
    %dma_wait3A_521 = arith.constant 384 : i32
    %dma_wait3A_522 = tpu.memref_slice %arg11[%dma_wait3A_521] : memref<768xi32, #tpu.memory_space<vmem>> -> memref<64xi32, #tpu.memory_space<vmem>>
    %dma_wait3A_523 = arith.constant 0 : i32
    %dma_wait3A_524 = arith.constant 0 : i32
    %dma_wait3A_525 = tpu.memref_slice %arg2[%dma_wait3A_523, %dma_wait3A_524] : memref<10240x128xf32, #tpu.memory_space<hbm>> -> memref<10240x128xf32, #tpu.memory_space<hbm>>
    tpu.wait_indirect_dma semaphore(%arg21 : memref<!tpu.dma_semaphore, #tpu.memory_space<semaphore_mem>>) src(%dma_wait3A_525 : memref<10240x128xf32, #tpu.memory_space<hbm>>) dst(%arg13 : memref<64x128xf32, #tpu.memory_space<vmem>>)
    %dma_wait3A_526 = arith.constant 384 : i32
    %dma_wait3A_527 = tpu.memref_slice %arg12[%dma_wait3A_526] : memref<768xi32, #tpu.memory_space<vmem>> -> memref<64xi32, #tpu.memory_space<vmem>>
    %dma_wait3A_528 = arith.constant 0 : i32
    %dma_wait3A_529 = arith.constant 0 : i32
    %dma_wait3A_530 = tpu.memref_slice %arg3[%dma_wait3A_528, %dma_wait3A_529] : memref<10240x128xf32, #tpu.memory_space<hbm>> -> memref<10240x128xf32, #tpu.memory_space<hbm>>
    tpu.wait_indirect_dma semaphore(%arg23 : memref<!tpu.dma_semaphore, #tpu.memory_space<semaphore_mem>>) src(%dma_wait3A_530 : memref<10240x128xf32, #tpu.memory_space<hbm>>) dst(%arg15 : memref<64x128xf32, #tpu.memory_space<vmem>>)
    %dma_wait3A_531 = arith.constant 384 : i32
    %dma_wait3A_532 = tpu.memref_slice %arg11[%dma_wait3A_531] : memref<768xi32, #tpu.memory_space<vmem>> -> memref<64xi32, #tpu.memory_space<vmem>>
    %dma_wait3A_533 = arith.constant 0 : i32
    %dma_wait3A_534 = arith.constant 0 : i32
    %dma_wait3A_535 = tpu.memref_slice %arg4[%dma_wait3A_533, %dma_wait3A_534] : memref<10240x128xf32, #tpu.memory_space<hbm>> -> memref<10240x128xf32, #tpu.memory_space<hbm>>
    tpu.wait_indirect_dma semaphore(%arg25 : memref<!tpu.dma_semaphore, #tpu.memory_space<semaphore_mem>>) src(%dma_wait3A_535 : memref<10240x128xf32, #tpu.memory_space<hbm>>) dst(%arg17 : memref<64x128xf32, #tpu.memory_space<vmem>>)
    %dma_wait3A_536 = arith.constant 384 : i32
    %dma_wait3A_537 = tpu.memref_slice %arg12[%dma_wait3A_536] : memref<768xi32, #tpu.memory_space<vmem>> -> memref<64xi32, #tpu.memory_space<vmem>>
    %dma_wait3A_538 = arith.constant 0 : i32
    %dma_wait3A_539 = arith.constant 0 : i32
    %dma_wait3A_540 = tpu.memref_slice %arg4[%dma_wait3A_538, %dma_wait3A_539] : memref<10240x128xf32, #tpu.memory_space<hbm>> -> memref<10240x128xf32, #tpu.memory_space<hbm>>
    tpu.wait_indirect_dma semaphore(%arg27 : memref<!tpu.dma_semaphore, #tpu.memory_space<semaphore_mem>>) src(%dma_wait3A_540 : memref<10240x128xf32, #tpu.memory_space<hbm>>) dst(%arg19 : memref<64x128xf32, #tpu.memory_space<vmem>>)
    %add3A_541 = arith.constant 384 : i32
    %add3A_542 = arith.addi %mul3A_2, %add3A_541 : i32
    %dma_start3A_543 = arith.constant 0 : i32
    %dma_start3A_544 = tpu.memref_slice %arg7[%add3A_542, %dma_start3A_543] : memref<24576x128xf32, #tpu.memory_space<hbm>> -> memref<64x128xf32, #tpu.memory_space<hbm>>
    %dma_start3A_545 = arith.constant 0 : i32
    %dma_start3A_546 = tpu.memref_slice %arg7[%add3A_542, %dma_start3A_545] : memref<24576x128xf32, #tpu.memory_space<hbm>> -> memref<64x128xf32, #tpu.memory_space<hbm>>
    tpu.enqueue_dma source(%arg13 : memref<64x128xf32, #tpu.memory_space<vmem>>) target(%dma_start3A_546 : memref<64x128xf32, #tpu.memory_space<hbm>>) target_semaphore(%arg29 : memref<!tpu.dma_semaphore, #tpu.memory_space<semaphore_mem>>)
    %add3A_547 = arith.constant 384 : i32
    %add3A_548 = arith.addi %mul3A_2, %add3A_547 : i32
    %dma_start3A_549 = arith.constant 0 : i32
    %dma_start3A_550 = tpu.memref_slice %arg8[%add3A_548, %dma_start3A_549] : memref<24576x128xf32, #tpu.memory_space<hbm>> -> memref<64x128xf32, #tpu.memory_space<hbm>>
    %dma_start3A_551 = arith.constant 0 : i32
    %dma_start3A_552 = tpu.memref_slice %arg8[%add3A_548, %dma_start3A_551] : memref<24576x128xf32, #tpu.memory_space<hbm>> -> memref<64x128xf32, #tpu.memory_space<hbm>>
    tpu.enqueue_dma source(%arg15 : memref<64x128xf32, #tpu.memory_space<vmem>>) target(%dma_start3A_552 : memref<64x128xf32, #tpu.memory_space<hbm>>) target_semaphore(%arg31 : memref<!tpu.dma_semaphore, #tpu.memory_space<semaphore_mem>>)
    %add3A_553 = arith.constant 384 : i32
    %add3A_554 = arith.addi %mul3A_2, %add3A_553 : i32
    %dma_start3A_555 = arith.constant 0 : i32
    %dma_start3A_556 = tpu.memref_slice %arg9[%add3A_554, %dma_start3A_555] : memref<24576x128xf32, #tpu.memory_space<hbm>> -> memref<64x128xf32, #tpu.memory_space<hbm>>
    %dma_start3A_557 = arith.constant 0 : i32
    %dma_start3A_558 = tpu.memref_slice %arg9[%add3A_554, %dma_start3A_557] : memref<24576x128xf32, #tpu.memory_space<hbm>> -> memref<64x128xf32, #tpu.memory_space<hbm>>
    tpu.enqueue_dma source(%arg17 : memref<64x128xf32, #tpu.memory_space<vmem>>) target(%dma_start3A_558 : memref<64x128xf32, #tpu.memory_space<hbm>>) target_semaphore(%arg33 : memref<!tpu.dma_semaphore, #tpu.memory_space<semaphore_mem>>)
    %add3A_559 = arith.constant 384 : i32
    %add3A_560 = arith.addi %mul3A_2, %add3A_559 : i32
    %dma_start3A_561 = arith.constant 0 : i32
    %dma_start3A_562 = tpu.memref_slice %arg10[%add3A_560, %dma_start3A_561] : memref<24576x128xf32, #tpu.memory_space<hbm>> -> memref<64x128xf32, #tpu.memory_space<hbm>>
    %dma_start3A_563 = arith.constant 0 : i32
    %dma_start3A_564 = tpu.memref_slice %arg10[%add3A_560, %dma_start3A_563] : memref<24576x128xf32, #tpu.memory_space<hbm>> -> memref<64x128xf32, #tpu.memory_space<hbm>>
    tpu.enqueue_dma source(%arg19 : memref<64x128xf32, #tpu.memory_space<vmem>>) target(%dma_start3A_564 : memref<64x128xf32, #tpu.memory_space<hbm>>) target_semaphore(%arg35 : memref<!tpu.dma_semaphore, #tpu.memory_space<semaphore_mem>>)
    %dma_wait3A_565 = arith.constant 0 : i32
    %dma_wait3A_566 = tpu.memref_slice %arg7[%add3A_542, %dma_wait3A_565] : memref<24576x128xf32, #tpu.memory_space<hbm>> -> memref<64x128xf32, #tpu.memory_space<hbm>>
    %dma_wait3A_567 = arith.constant 0 : i32
    %dma_wait3A_568 = tpu.memref_slice %arg7[%add3A_542, %dma_wait3A_567] : memref<24576x128xf32, #tpu.memory_space<hbm>> -> memref<64x128xf32, #tpu.memory_space<hbm>>
    tpu.wait_dma2 semaphore(%arg29 : memref<!tpu.dma_semaphore, #tpu.memory_space<semaphore_mem>>) src(%arg13 : memref<64x128xf32, #tpu.memory_space<vmem>>) dst(%dma_wait3A_568 : memref<64x128xf32, #tpu.memory_space<hbm>>)
    %dma_wait3A_569 = arith.constant 0 : i32
    %dma_wait3A_570 = tpu.memref_slice %arg8[%add3A_548, %dma_wait3A_569] : memref<24576x128xf32, #tpu.memory_space<hbm>> -> memref<64x128xf32, #tpu.memory_space<hbm>>
    %dma_wait3A_571 = arith.constant 0 : i32
    %dma_wait3A_572 = tpu.memref_slice %arg8[%add3A_548, %dma_wait3A_571] : memref<24576x128xf32, #tpu.memory_space<hbm>> -> memref<64x128xf32, #tpu.memory_space<hbm>>
    tpu.wait_dma2 semaphore(%arg31 : memref<!tpu.dma_semaphore, #tpu.memory_space<semaphore_mem>>) src(%arg15 : memref<64x128xf32, #tpu.memory_space<vmem>>) dst(%dma_wait3A_572 : memref<64x128xf32, #tpu.memory_space<hbm>>)
    %dma_wait3A_573 = arith.constant 0 : i32
    %dma_wait3A_574 = tpu.memref_slice %arg9[%add3A_554, %dma_wait3A_573] : memref<24576x128xf32, #tpu.memory_space<hbm>> -> memref<64x128xf32, #tpu.memory_space<hbm>>
    %dma_wait3A_575 = arith.constant 0 : i32
    %dma_wait3A_576 = tpu.memref_slice %arg9[%add3A_554, %dma_wait3A_575] : memref<24576x128xf32, #tpu.memory_space<hbm>> -> memref<64x128xf32, #tpu.memory_space<hbm>>
    tpu.wait_dma2 semaphore(%arg33 : memref<!tpu.dma_semaphore, #tpu.memory_space<semaphore_mem>>) src(%arg17 : memref<64x128xf32, #tpu.memory_space<vmem>>) dst(%dma_wait3A_576 : memref<64x128xf32, #tpu.memory_space<hbm>>)
    %dma_wait3A_577 = arith.constant 0 : i32
    %dma_wait3A_578 = tpu.memref_slice %arg10[%add3A_560, %dma_wait3A_577] : memref<24576x128xf32, #tpu.memory_space<hbm>> -> memref<64x128xf32, #tpu.memory_space<hbm>>
    %dma_wait3A_579 = arith.constant 0 : i32
    %dma_wait3A_580 = tpu.memref_slice %arg10[%add3A_560, %dma_wait3A_579] : memref<24576x128xf32, #tpu.memory_space<hbm>> -> memref<64x128xf32, #tpu.memory_space<hbm>>
    tpu.wait_dma2 semaphore(%arg35 : memref<!tpu.dma_semaphore, #tpu.memory_space<semaphore_mem>>) src(%arg19 : memref<64x128xf32, #tpu.memory_space<vmem>>) dst(%dma_wait3A_580 : memref<64x128xf32, #tpu.memory_space<hbm>>)
    %dma_start3A_581 = arith.constant 512 : i32
    %dma_start3A_582 = tpu.memref_slice %arg11[%dma_start3A_581] : memref<768xi32, #tpu.memory_space<vmem>> -> memref<64xi32, #tpu.memory_space<vmem>>
    %dma_start3A_583 = arith.constant 0 : i32
    %dma_start3A_584 = arith.constant 0 : i32
    %dma_start3A_585 = tpu.memref_slice %arg2[%dma_start3A_583, %dma_start3A_584] : memref<10240x128xf32, #tpu.memory_space<hbm>> -> memref<10240x128xf32, #tpu.memory_space<hbm>>
    tpu.enqueue_indirect_dma source(%dma_start3A_585 : memref<10240x128xf32, #tpu.memory_space<hbm>>) target(%arg13 : memref<64x128xf32, #tpu.memory_space<vmem>>) offsets(%dma_start3A_582 : memref<64xi32, #tpu.memory_space<vmem>>) semaphore(%arg21 : memref<!tpu.dma_semaphore, #tpu.memory_space<semaphore_mem>>)
    %dma_start3A_586 = arith.constant 512 : i32
    %dma_start3A_587 = tpu.memref_slice %arg12[%dma_start3A_586] : memref<768xi32, #tpu.memory_space<vmem>> -> memref<64xi32, #tpu.memory_space<vmem>>
    %dma_start3A_588 = arith.constant 0 : i32
    %dma_start3A_589 = arith.constant 0 : i32
    %dma_start3A_590 = tpu.memref_slice %arg3[%dma_start3A_588, %dma_start3A_589] : memref<10240x128xf32, #tpu.memory_space<hbm>> -> memref<10240x128xf32, #tpu.memory_space<hbm>>
    tpu.enqueue_indirect_dma source(%dma_start3A_590 : memref<10240x128xf32, #tpu.memory_space<hbm>>) target(%arg15 : memref<64x128xf32, #tpu.memory_space<vmem>>) offsets(%dma_start3A_587 : memref<64xi32, #tpu.memory_space<vmem>>) semaphore(%arg23 : memref<!tpu.dma_semaphore, #tpu.memory_space<semaphore_mem>>)
    %dma_start3A_591 = arith.constant 512 : i32
    %dma_start3A_592 = tpu.memref_slice %arg11[%dma_start3A_591] : memref<768xi32, #tpu.memory_space<vmem>> -> memref<64xi32, #tpu.memory_space<vmem>>
    %dma_start3A_593 = arith.constant 0 : i32
    %dma_start3A_594 = arith.constant 0 : i32
    %dma_start3A_595 = tpu.memref_slice %arg4[%dma_start3A_593, %dma_start3A_594] : memref<10240x128xf32, #tpu.memory_space<hbm>> -> memref<10240x128xf32, #tpu.memory_space<hbm>>
    tpu.enqueue_indirect_dma source(%dma_start3A_595 : memref<10240x128xf32, #tpu.memory_space<hbm>>) target(%arg17 : memref<64x128xf32, #tpu.memory_space<vmem>>) offsets(%dma_start3A_592 : memref<64xi32, #tpu.memory_space<vmem>>) semaphore(%arg25 : memref<!tpu.dma_semaphore, #tpu.memory_space<semaphore_mem>>)
    %dma_start3A_596 = arith.constant 512 : i32
    %dma_start3A_597 = tpu.memref_slice %arg12[%dma_start3A_596] : memref<768xi32, #tpu.memory_space<vmem>> -> memref<64xi32, #tpu.memory_space<vmem>>
    %dma_start3A_598 = arith.constant 0 : i32
    %dma_start3A_599 = arith.constant 0 : i32
    %dma_start3A_600 = tpu.memref_slice %arg4[%dma_start3A_598, %dma_start3A_599] : memref<10240x128xf32, #tpu.memory_space<hbm>> -> memref<10240x128xf32, #tpu.memory_space<hbm>>
    tpu.enqueue_indirect_dma source(%dma_start3A_600 : memref<10240x128xf32, #tpu.memory_space<hbm>>) target(%arg19 : memref<64x128xf32, #tpu.memory_space<vmem>>) offsets(%dma_start3A_597 : memref<64xi32, #tpu.memory_space<vmem>>) semaphore(%arg27 : memref<!tpu.dma_semaphore, #tpu.memory_space<semaphore_mem>>)
    %dma_wait3A_601 = arith.constant 448 : i32
    %dma_wait3A_602 = tpu.memref_slice %arg11[%dma_wait3A_601] : memref<768xi32, #tpu.memory_space<vmem>> -> memref<64xi32, #tpu.memory_space<vmem>>
    %dma_wait3A_603 = arith.constant 0 : i32
    %dma_wait3A_604 = arith.constant 0 : i32
    %dma_wait3A_605 = tpu.memref_slice %arg2[%dma_wait3A_603, %dma_wait3A_604] : memref<10240x128xf32, #tpu.memory_space<hbm>> -> memref<10240x128xf32, #tpu.memory_space<hbm>>
    tpu.wait_indirect_dma semaphore(%arg22 : memref<!tpu.dma_semaphore, #tpu.memory_space<semaphore_mem>>) src(%dma_wait3A_605 : memref<10240x128xf32, #tpu.memory_space<hbm>>) dst(%arg14 : memref<64x128xf32, #tpu.memory_space<vmem>>)
    %dma_wait3A_606 = arith.constant 448 : i32
    %dma_wait3A_607 = tpu.memref_slice %arg12[%dma_wait3A_606] : memref<768xi32, #tpu.memory_space<vmem>> -> memref<64xi32, #tpu.memory_space<vmem>>
    %dma_wait3A_608 = arith.constant 0 : i32
    %dma_wait3A_609 = arith.constant 0 : i32
    %dma_wait3A_610 = tpu.memref_slice %arg3[%dma_wait3A_608, %dma_wait3A_609] : memref<10240x128xf32, #tpu.memory_space<hbm>> -> memref<10240x128xf32, #tpu.memory_space<hbm>>
    tpu.wait_indirect_dma semaphore(%arg24 : memref<!tpu.dma_semaphore, #tpu.memory_space<semaphore_mem>>) src(%dma_wait3A_610 : memref<10240x128xf32, #tpu.memory_space<hbm>>) dst(%arg16 : memref<64x128xf32, #tpu.memory_space<vmem>>)
    %dma_wait3A_611 = arith.constant 448 : i32
    %dma_wait3A_612 = tpu.memref_slice %arg11[%dma_wait3A_611] : memref<768xi32, #tpu.memory_space<vmem>> -> memref<64xi32, #tpu.memory_space<vmem>>
    %dma_wait3A_613 = arith.constant 0 : i32
    %dma_wait3A_614 = arith.constant 0 : i32
    %dma_wait3A_615 = tpu.memref_slice %arg4[%dma_wait3A_613, %dma_wait3A_614] : memref<10240x128xf32, #tpu.memory_space<hbm>> -> memref<10240x128xf32, #tpu.memory_space<hbm>>
    tpu.wait_indirect_dma semaphore(%arg26 : memref<!tpu.dma_semaphore, #tpu.memory_space<semaphore_mem>>) src(%dma_wait3A_615 : memref<10240x128xf32, #tpu.memory_space<hbm>>) dst(%arg18 : memref<64x128xf32, #tpu.memory_space<vmem>>)
    %dma_wait3A_616 = arith.constant 448 : i32
    %dma_wait3A_617 = tpu.memref_slice %arg12[%dma_wait3A_616] : memref<768xi32, #tpu.memory_space<vmem>> -> memref<64xi32, #tpu.memory_space<vmem>>
    %dma_wait3A_618 = arith.constant 0 : i32
    %dma_wait3A_619 = arith.constant 0 : i32
    %dma_wait3A_620 = tpu.memref_slice %arg4[%dma_wait3A_618, %dma_wait3A_619] : memref<10240x128xf32, #tpu.memory_space<hbm>> -> memref<10240x128xf32, #tpu.memory_space<hbm>>
    tpu.wait_indirect_dma semaphore(%arg28 : memref<!tpu.dma_semaphore, #tpu.memory_space<semaphore_mem>>) src(%dma_wait3A_620 : memref<10240x128xf32, #tpu.memory_space<hbm>>) dst(%arg20 : memref<64x128xf32, #tpu.memory_space<vmem>>)
    %add3A_621 = arith.constant 448 : i32
    %add3A_622 = arith.addi %mul3A_2, %add3A_621 : i32
    %dma_start3A_623 = arith.constant 0 : i32
    %dma_start3A_624 = tpu.memref_slice %arg7[%add3A_622, %dma_start3A_623] : memref<24576x128xf32, #tpu.memory_space<hbm>> -> memref<64x128xf32, #tpu.memory_space<hbm>>
    %dma_start3A_625 = arith.constant 0 : i32
    %dma_start3A_626 = tpu.memref_slice %arg7[%add3A_622, %dma_start3A_625] : memref<24576x128xf32, #tpu.memory_space<hbm>> -> memref<64x128xf32, #tpu.memory_space<hbm>>
    tpu.enqueue_dma source(%arg14 : memref<64x128xf32, #tpu.memory_space<vmem>>) target(%dma_start3A_626 : memref<64x128xf32, #tpu.memory_space<hbm>>) target_semaphore(%arg30 : memref<!tpu.dma_semaphore, #tpu.memory_space<semaphore_mem>>)
    %add3A_627 = arith.constant 448 : i32
    %add3A_628 = arith.addi %mul3A_2, %add3A_627 : i32
    %dma_start3A_629 = arith.constant 0 : i32
    %dma_start3A_630 = tpu.memref_slice %arg8[%add3A_628, %dma_start3A_629] : memref<24576x128xf32, #tpu.memory_space<hbm>> -> memref<64x128xf32, #tpu.memory_space<hbm>>
    %dma_start3A_631 = arith.constant 0 : i32
    %dma_start3A_632 = tpu.memref_slice %arg8[%add3A_628, %dma_start3A_631] : memref<24576x128xf32, #tpu.memory_space<hbm>> -> memref<64x128xf32, #tpu.memory_space<hbm>>
    tpu.enqueue_dma source(%arg16 : memref<64x128xf32, #tpu.memory_space<vmem>>) target(%dma_start3A_632 : memref<64x128xf32, #tpu.memory_space<hbm>>) target_semaphore(%arg32 : memref<!tpu.dma_semaphore, #tpu.memory_space<semaphore_mem>>)
    %add3A_633 = arith.constant 448 : i32
    %add3A_634 = arith.addi %mul3A_2, %add3A_633 : i32
    %dma_start3A_635 = arith.constant 0 : i32
    %dma_start3A_636 = tpu.memref_slice %arg9[%add3A_634, %dma_start3A_635] : memref<24576x128xf32, #tpu.memory_space<hbm>> -> memref<64x128xf32, #tpu.memory_space<hbm>>
    %dma_start3A_637 = arith.constant 0 : i32
    %dma_start3A_638 = tpu.memref_slice %arg9[%add3A_634, %dma_start3A_637] : memref<24576x128xf32, #tpu.memory_space<hbm>> -> memref<64x128xf32, #tpu.memory_space<hbm>>
    tpu.enqueue_dma source(%arg18 : memref<64x128xf32, #tpu.memory_space<vmem>>) target(%dma_start3A_638 : memref<64x128xf32, #tpu.memory_space<hbm>>) target_semaphore(%arg34 : memref<!tpu.dma_semaphore, #tpu.memory_space<semaphore_mem>>)
    %add3A_639 = arith.constant 448 : i32
    %add3A_640 = arith.addi %mul3A_2, %add3A_639 : i32
    %dma_start3A_641 = arith.constant 0 : i32
    %dma_start3A_642 = tpu.memref_slice %arg10[%add3A_640, %dma_start3A_641] : memref<24576x128xf32, #tpu.memory_space<hbm>> -> memref<64x128xf32, #tpu.memory_space<hbm>>
    %dma_start3A_643 = arith.constant 0 : i32
    %dma_start3A_644 = tpu.memref_slice %arg10[%add3A_640, %dma_start3A_643] : memref<24576x128xf32, #tpu.memory_space<hbm>> -> memref<64x128xf32, #tpu.memory_space<hbm>>
    tpu.enqueue_dma source(%arg20 : memref<64x128xf32, #tpu.memory_space<vmem>>) target(%dma_start3A_644 : memref<64x128xf32, #tpu.memory_space<hbm>>) target_semaphore(%arg36 : memref<!tpu.dma_semaphore, #tpu.memory_space<semaphore_mem>>)
    %dma_wait3A_645 = arith.constant 0 : i32
    %dma_wait3A_646 = tpu.memref_slice %arg7[%add3A_622, %dma_wait3A_645] : memref<24576x128xf32, #tpu.memory_space<hbm>> -> memref<64x128xf32, #tpu.memory_space<hbm>>
    %dma_wait3A_647 = arith.constant 0 : i32
    %dma_wait3A_648 = tpu.memref_slice %arg7[%add3A_622, %dma_wait3A_647] : memref<24576x128xf32, #tpu.memory_space<hbm>> -> memref<64x128xf32, #tpu.memory_space<hbm>>
    tpu.wait_dma2 semaphore(%arg30 : memref<!tpu.dma_semaphore, #tpu.memory_space<semaphore_mem>>) src(%arg14 : memref<64x128xf32, #tpu.memory_space<vmem>>) dst(%dma_wait3A_648 : memref<64x128xf32, #tpu.memory_space<hbm>>)
    %dma_wait3A_649 = arith.constant 0 : i32
    %dma_wait3A_650 = tpu.memref_slice %arg8[%add3A_628, %dma_wait3A_649] : memref<24576x128xf32, #tpu.memory_space<hbm>> -> memref<64x128xf32, #tpu.memory_space<hbm>>
    %dma_wait3A_651 = arith.constant 0 : i32
    %dma_wait3A_652 = tpu.memref_slice %arg8[%add3A_628, %dma_wait3A_651] : memref<24576x128xf32, #tpu.memory_space<hbm>> -> memref<64x128xf32, #tpu.memory_space<hbm>>
    tpu.wait_dma2 semaphore(%arg32 : memref<!tpu.dma_semaphore, #tpu.memory_space<semaphore_mem>>) src(%arg16 : memref<64x128xf32, #tpu.memory_space<vmem>>) dst(%dma_wait3A_652 : memref<64x128xf32, #tpu.memory_space<hbm>>)
    %dma_wait3A_653 = arith.constant 0 : i32
    %dma_wait3A_654 = tpu.memref_slice %arg9[%add3A_634, %dma_wait3A_653] : memref<24576x128xf32, #tpu.memory_space<hbm>> -> memref<64x128xf32, #tpu.memory_space<hbm>>
    %dma_wait3A_655 = arith.constant 0 : i32
    %dma_wait3A_656 = tpu.memref_slice %arg9[%add3A_634, %dma_wait3A_655] : memref<24576x128xf32, #tpu.memory_space<hbm>> -> memref<64x128xf32, #tpu.memory_space<hbm>>
    tpu.wait_dma2 semaphore(%arg34 : memref<!tpu.dma_semaphore, #tpu.memory_space<semaphore_mem>>) src(%arg18 : memref<64x128xf32, #tpu.memory_space<vmem>>) dst(%dma_wait3A_656 : memref<64x128xf32, #tpu.memory_space<hbm>>)
    %dma_wait3A_657 = arith.constant 0 : i32
    %dma_wait3A_658 = tpu.memref_slice %arg10[%add3A_640, %dma_wait3A_657] : memref<24576x128xf32, #tpu.memory_space<hbm>> -> memref<64x128xf32, #tpu.memory_space<hbm>>
    %dma_wait3A_659 = arith.constant 0 : i32
    %dma_wait3A_660 = tpu.memref_slice %arg10[%add3A_640, %dma_wait3A_659] : memref<24576x128xf32, #tpu.memory_space<hbm>> -> memref<64x128xf32, #tpu.memory_space<hbm>>
    tpu.wait_dma2 semaphore(%arg36 : memref<!tpu.dma_semaphore, #tpu.memory_space<semaphore_mem>>) src(%arg20 : memref<64x128xf32, #tpu.memory_space<vmem>>) dst(%dma_wait3A_660 : memref<64x128xf32, #tpu.memory_space<hbm>>)
    %dma_start3A_661 = arith.constant 576 : i32
    %dma_start3A_662 = tpu.memref_slice %arg11[%dma_start3A_661] : memref<768xi32, #tpu.memory_space<vmem>> -> memref<64xi32, #tpu.memory_space<vmem>>
    %dma_start3A_663 = arith.constant 0 : i32
    %dma_start3A_664 = arith.constant 0 : i32
    %dma_start3A_665 = tpu.memref_slice %arg2[%dma_start3A_663, %dma_start3A_664] : memref<10240x128xf32, #tpu.memory_space<hbm>> -> memref<10240x128xf32, #tpu.memory_space<hbm>>
    tpu.enqueue_indirect_dma source(%dma_start3A_665 : memref<10240x128xf32, #tpu.memory_space<hbm>>) target(%arg14 : memref<64x128xf32, #tpu.memory_space<vmem>>) offsets(%dma_start3A_662 : memref<64xi32, #tpu.memory_space<vmem>>) semaphore(%arg22 : memref<!tpu.dma_semaphore, #tpu.memory_space<semaphore_mem>>)
    %dma_start3A_666 = arith.constant 576 : i32
    %dma_start3A_667 = tpu.memref_slice %arg12[%dma_start3A_666] : memref<768xi32, #tpu.memory_space<vmem>> -> memref<64xi32, #tpu.memory_space<vmem>>
    %dma_start3A_668 = arith.constant 0 : i32
    %dma_start3A_669 = arith.constant 0 : i32
    %dma_start3A_670 = tpu.memref_slice %arg3[%dma_start3A_668, %dma_start3A_669] : memref<10240x128xf32, #tpu.memory_space<hbm>> -> memref<10240x128xf32, #tpu.memory_space<hbm>>
    tpu.enqueue_indirect_dma source(%dma_start3A_670 : memref<10240x128xf32, #tpu.memory_space<hbm>>) target(%arg16 : memref<64x128xf32, #tpu.memory_space<vmem>>) offsets(%dma_start3A_667 : memref<64xi32, #tpu.memory_space<vmem>>) semaphore(%arg24 : memref<!tpu.dma_semaphore, #tpu.memory_space<semaphore_mem>>)
    %dma_start3A_671 = arith.constant 576 : i32
    %dma_start3A_672 = tpu.memref_slice %arg11[%dma_start3A_671] : memref<768xi32, #tpu.memory_space<vmem>> -> memref<64xi32, #tpu.memory_space<vmem>>
    %dma_start3A_673 = arith.constant 0 : i32
    %dma_start3A_674 = arith.constant 0 : i32
    %dma_start3A_675 = tpu.memref_slice %arg4[%dma_start3A_673, %dma_start3A_674] : memref<10240x128xf32, #tpu.memory_space<hbm>> -> memref<10240x128xf32, #tpu.memory_space<hbm>>
    tpu.enqueue_indirect_dma source(%dma_start3A_675 : memref<10240x128xf32, #tpu.memory_space<hbm>>) target(%arg18 : memref<64x128xf32, #tpu.memory_space<vmem>>) offsets(%dma_start3A_672 : memref<64xi32, #tpu.memory_space<vmem>>) semaphore(%arg26 : memref<!tpu.dma_semaphore, #tpu.memory_space<semaphore_mem>>)
    %dma_start3A_676 = arith.constant 576 : i32
    %dma_start3A_677 = tpu.memref_slice %arg12[%dma_start3A_676] : memref<768xi32, #tpu.memory_space<vmem>> -> memref<64xi32, #tpu.memory_space<vmem>>
    %dma_start3A_678 = arith.constant 0 : i32
    %dma_start3A_679 = arith.constant 0 : i32
    %dma_start3A_680 = tpu.memref_slice %arg4[%dma_start3A_678, %dma_start3A_679] : memref<10240x128xf32, #tpu.memory_space<hbm>> -> memref<10240x128xf32, #tpu.memory_space<hbm>>
    tpu.enqueue_indirect_dma source(%dma_start3A_680 : memref<10240x128xf32, #tpu.memory_space<hbm>>) target(%arg20 : memref<64x128xf32, #tpu.memory_space<vmem>>) offsets(%dma_start3A_677 : memref<64xi32, #tpu.memory_space<vmem>>) semaphore(%arg28 : memref<!tpu.dma_semaphore, #tpu.memory_space<semaphore_mem>>)
    %dma_wait3A_681 = arith.constant 512 : i32
    %dma_wait3A_682 = tpu.memref_slice %arg11[%dma_wait3A_681] : memref<768xi32, #tpu.memory_space<vmem>> -> memref<64xi32, #tpu.memory_space<vmem>>
    %dma_wait3A_683 = arith.constant 0 : i32
    %dma_wait3A_684 = arith.constant 0 : i32
    %dma_wait3A_685 = tpu.memref_slice %arg2[%dma_wait3A_683, %dma_wait3A_684] : memref<10240x128xf32, #tpu.memory_space<hbm>> -> memref<10240x128xf32, #tpu.memory_space<hbm>>
    tpu.wait_indirect_dma semaphore(%arg21 : memref<!tpu.dma_semaphore, #tpu.memory_space<semaphore_mem>>) src(%dma_wait3A_685 : memref<10240x128xf32, #tpu.memory_space<hbm>>) dst(%arg13 : memref<64x128xf32, #tpu.memory_space<vmem>>)
    %dma_wait3A_686 = arith.constant 512 : i32
    %dma_wait3A_687 = tpu.memref_slice %arg12[%dma_wait3A_686] : memref<768xi32, #tpu.memory_space<vmem>> -> memref<64xi32, #tpu.memory_space<vmem>>
    %dma_wait3A_688 = arith.constant 0 : i32
    %dma_wait3A_689 = arith.constant 0 : i32
    %dma_wait3A_690 = tpu.memref_slice %arg3[%dma_wait3A_688, %dma_wait3A_689] : memref<10240x128xf32, #tpu.memory_space<hbm>> -> memref<10240x128xf32, #tpu.memory_space<hbm>>
    tpu.wait_indirect_dma semaphore(%arg23 : memref<!tpu.dma_semaphore, #tpu.memory_space<semaphore_mem>>) src(%dma_wait3A_690 : memref<10240x128xf32, #tpu.memory_space<hbm>>) dst(%arg15 : memref<64x128xf32, #tpu.memory_space<vmem>>)
    %dma_wait3A_691 = arith.constant 512 : i32
    %dma_wait3A_692 = tpu.memref_slice %arg11[%dma_wait3A_691] : memref<768xi32, #tpu.memory_space<vmem>> -> memref<64xi32, #tpu.memory_space<vmem>>
    %dma_wait3A_693 = arith.constant 0 : i32
    %dma_wait3A_694 = arith.constant 0 : i32
    %dma_wait3A_695 = tpu.memref_slice %arg4[%dma_wait3A_693, %dma_wait3A_694] : memref<10240x128xf32, #tpu.memory_space<hbm>> -> memref<10240x128xf32, #tpu.memory_space<hbm>>
    tpu.wait_indirect_dma semaphore(%arg25 : memref<!tpu.dma_semaphore, #tpu.memory_space<semaphore_mem>>) src(%dma_wait3A_695 : memref<10240x128xf32, #tpu.memory_space<hbm>>) dst(%arg17 : memref<64x128xf32, #tpu.memory_space<vmem>>)
    %dma_wait3A_696 = arith.constant 512 : i32
    %dma_wait3A_697 = tpu.memref_slice %arg12[%dma_wait3A_696] : memref<768xi32, #tpu.memory_space<vmem>> -> memref<64xi32, #tpu.memory_space<vmem>>
    %dma_wait3A_698 = arith.constant 0 : i32
    %dma_wait3A_699 = arith.constant 0 : i32
    %dma_wait3A_700 = tpu.memref_slice %arg4[%dma_wait3A_698, %dma_wait3A_699] : memref<10240x128xf32, #tpu.memory_space<hbm>> -> memref<10240x128xf32, #tpu.memory_space<hbm>>
    tpu.wait_indirect_dma semaphore(%arg27 : memref<!tpu.dma_semaphore, #tpu.memory_space<semaphore_mem>>) src(%dma_wait3A_700 : memref<10240x128xf32, #tpu.memory_space<hbm>>) dst(%arg19 : memref<64x128xf32, #tpu.memory_space<vmem>>)
    %add3A_701 = arith.constant 512 : i32
    %add3A_702 = arith.addi %mul3A_2, %add3A_701 : i32
    %dma_start3A_703 = arith.constant 0 : i32
    %dma_start3A_704 = tpu.memref_slice %arg7[%add3A_702, %dma_start3A_703] : memref<24576x128xf32, #tpu.memory_space<hbm>> -> memref<64x128xf32, #tpu.memory_space<hbm>>
    %dma_start3A_705 = arith.constant 0 : i32
    %dma_start3A_706 = tpu.memref_slice %arg7[%add3A_702, %dma_start3A_705] : memref<24576x128xf32, #tpu.memory_space<hbm>> -> memref<64x128xf32, #tpu.memory_space<hbm>>
    tpu.enqueue_dma source(%arg13 : memref<64x128xf32, #tpu.memory_space<vmem>>) target(%dma_start3A_706 : memref<64x128xf32, #tpu.memory_space<hbm>>) target_semaphore(%arg29 : memref<!tpu.dma_semaphore, #tpu.memory_space<semaphore_mem>>)
    %add3A_707 = arith.constant 512 : i32
    %add3A_708 = arith.addi %mul3A_2, %add3A_707 : i32
    %dma_start3A_709 = arith.constant 0 : i32
    %dma_start3A_710 = tpu.memref_slice %arg8[%add3A_708, %dma_start3A_709] : memref<24576x128xf32, #tpu.memory_space<hbm>> -> memref<64x128xf32, #tpu.memory_space<hbm>>
    %dma_start3A_711 = arith.constant 0 : i32
    %dma_start3A_712 = tpu.memref_slice %arg8[%add3A_708, %dma_start3A_711] : memref<24576x128xf32, #tpu.memory_space<hbm>> -> memref<64x128xf32, #tpu.memory_space<hbm>>
    tpu.enqueue_dma source(%arg15 : memref<64x128xf32, #tpu.memory_space<vmem>>) target(%dma_start3A_712 : memref<64x128xf32, #tpu.memory_space<hbm>>) target_semaphore(%arg31 : memref<!tpu.dma_semaphore, #tpu.memory_space<semaphore_mem>>)
    %add3A_713 = arith.constant 512 : i32
    %add3A_714 = arith.addi %mul3A_2, %add3A_713 : i32
    %dma_start3A_715 = arith.constant 0 : i32
    %dma_start3A_716 = tpu.memref_slice %arg9[%add3A_714, %dma_start3A_715] : memref<24576x128xf32, #tpu.memory_space<hbm>> -> memref<64x128xf32, #tpu.memory_space<hbm>>
    %dma_start3A_717 = arith.constant 0 : i32
    %dma_start3A_718 = tpu.memref_slice %arg9[%add3A_714, %dma_start3A_717] : memref<24576x128xf32, #tpu.memory_space<hbm>> -> memref<64x128xf32, #tpu.memory_space<hbm>>
    tpu.enqueue_dma source(%arg17 : memref<64x128xf32, #tpu.memory_space<vmem>>) target(%dma_start3A_718 : memref<64x128xf32, #tpu.memory_space<hbm>>) target_semaphore(%arg33 : memref<!tpu.dma_semaphore, #tpu.memory_space<semaphore_mem>>)
    %add3A_719 = arith.constant 512 : i32
    %add3A_720 = arith.addi %mul3A_2, %add3A_719 : i32
    %dma_start3A_721 = arith.constant 0 : i32
    %dma_start3A_722 = tpu.memref_slice %arg10[%add3A_720, %dma_start3A_721] : memref<24576x128xf32, #tpu.memory_space<hbm>> -> memref<64x128xf32, #tpu.memory_space<hbm>>
    %dma_start3A_723 = arith.constant 0 : i32
    %dma_start3A_724 = tpu.memref_slice %arg10[%add3A_720, %dma_start3A_723] : memref<24576x128xf32, #tpu.memory_space<hbm>> -> memref<64x128xf32, #tpu.memory_space<hbm>>
    tpu.enqueue_dma source(%arg19 : memref<64x128xf32, #tpu.memory_space<vmem>>) target(%dma_start3A_724 : memref<64x128xf32, #tpu.memory_space<hbm>>) target_semaphore(%arg35 : memref<!tpu.dma_semaphore, #tpu.memory_space<semaphore_mem>>)
    %dma_wait3A_725 = arith.constant 0 : i32
    %dma_wait3A_726 = tpu.memref_slice %arg7[%add3A_702, %dma_wait3A_725] : memref<24576x128xf32, #tpu.memory_space<hbm>> -> memref<64x128xf32, #tpu.memory_space<hbm>>
    %dma_wait3A_727 = arith.constant 0 : i32
    %dma_wait3A_728 = tpu.memref_slice %arg7[%add3A_702, %dma_wait3A_727] : memref<24576x128xf32, #tpu.memory_space<hbm>> -> memref<64x128xf32, #tpu.memory_space<hbm>>
    tpu.wait_dma2 semaphore(%arg29 : memref<!tpu.dma_semaphore, #tpu.memory_space<semaphore_mem>>) src(%arg13 : memref<64x128xf32, #tpu.memory_space<vmem>>) dst(%dma_wait3A_728 : memref<64x128xf32, #tpu.memory_space<hbm>>)
    %dma_wait3A_729 = arith.constant 0 : i32
    %dma_wait3A_730 = tpu.memref_slice %arg8[%add3A_708, %dma_wait3A_729] : memref<24576x128xf32, #tpu.memory_space<hbm>> -> memref<64x128xf32, #tpu.memory_space<hbm>>
    %dma_wait3A_731 = arith.constant 0 : i32
    %dma_wait3A_732 = tpu.memref_slice %arg8[%add3A_708, %dma_wait3A_731] : memref<24576x128xf32, #tpu.memory_space<hbm>> -> memref<64x128xf32, #tpu.memory_space<hbm>>
    tpu.wait_dma2 semaphore(%arg31 : memref<!tpu.dma_semaphore, #tpu.memory_space<semaphore_mem>>) src(%arg15 : memref<64x128xf32, #tpu.memory_space<vmem>>) dst(%dma_wait3A_732 : memref<64x128xf32, #tpu.memory_space<hbm>>)
    %dma_wait3A_733 = arith.constant 0 : i32
    %dma_wait3A_734 = tpu.memref_slice %arg9[%add3A_714, %dma_wait3A_733] : memref<24576x128xf32, #tpu.memory_space<hbm>> -> memref<64x128xf32, #tpu.memory_space<hbm>>
    %dma_wait3A_735 = arith.constant 0 : i32
    %dma_wait3A_736 = tpu.memref_slice %arg9[%add3A_714, %dma_wait3A_735] : memref<24576x128xf32, #tpu.memory_space<hbm>> -> memref<64x128xf32, #tpu.memory_space<hbm>>
    tpu.wait_dma2 semaphore(%arg33 : memref<!tpu.dma_semaphore, #tpu.memory_space<semaphore_mem>>) src(%arg17 : memref<64x128xf32, #tpu.memory_space<vmem>>) dst(%dma_wait3A_736 : memref<64x128xf32, #tpu.memory_space<hbm>>)
    %dma_wait3A_737 = arith.constant 0 : i32
    %dma_wait3A_738 = tpu.memref_slice %arg10[%add3A_720, %dma_wait3A_737] : memref<24576x128xf32, #tpu.memory_space<hbm>> -> memref<64x128xf32, #tpu.memory_space<hbm>>
    %dma_wait3A_739 = arith.constant 0 : i32
    %dma_wait3A_740 = tpu.memref_slice %arg10[%add3A_720, %dma_wait3A_739] : memref<24576x128xf32, #tpu.memory_space<hbm>> -> memref<64x128xf32, #tpu.memory_space<hbm>>
    tpu.wait_dma2 semaphore(%arg35 : memref<!tpu.dma_semaphore, #tpu.memory_space<semaphore_mem>>) src(%arg19 : memref<64x128xf32, #tpu.memory_space<vmem>>) dst(%dma_wait3A_740 : memref<64x128xf32, #tpu.memory_space<hbm>>)
    %dma_start3A_741 = arith.constant 640 : i32
    %dma_start3A_742 = tpu.memref_slice %arg11[%dma_start3A_741] : memref<768xi32, #tpu.memory_space<vmem>> -> memref<64xi32, #tpu.memory_space<vmem>>
    %dma_start3A_743 = arith.constant 0 : i32
    %dma_start3A_744 = arith.constant 0 : i32
    %dma_start3A_745 = tpu.memref_slice %arg2[%dma_start3A_743, %dma_start3A_744] : memref<10240x128xf32, #tpu.memory_space<hbm>> -> memref<10240x128xf32, #tpu.memory_space<hbm>>
    tpu.enqueue_indirect_dma source(%dma_start3A_745 : memref<10240x128xf32, #tpu.memory_space<hbm>>) target(%arg13 : memref<64x128xf32, #tpu.memory_space<vmem>>) offsets(%dma_start3A_742 : memref<64xi32, #tpu.memory_space<vmem>>) semaphore(%arg21 : memref<!tpu.dma_semaphore, #tpu.memory_space<semaphore_mem>>)
    %dma_start3A_746 = arith.constant 640 : i32
    %dma_start3A_747 = tpu.memref_slice %arg12[%dma_start3A_746] : memref<768xi32, #tpu.memory_space<vmem>> -> memref<64xi32, #tpu.memory_space<vmem>>
    %dma_start3A_748 = arith.constant 0 : i32
    %dma_start3A_749 = arith.constant 0 : i32
    %dma_start3A_750 = tpu.memref_slice %arg3[%dma_start3A_748, %dma_start3A_749] : memref<10240x128xf32, #tpu.memory_space<hbm>> -> memref<10240x128xf32, #tpu.memory_space<hbm>>
    tpu.enqueue_indirect_dma source(%dma_start3A_750 : memref<10240x128xf32, #tpu.memory_space<hbm>>) target(%arg15 : memref<64x128xf32, #tpu.memory_space<vmem>>) offsets(%dma_start3A_747 : memref<64xi32, #tpu.memory_space<vmem>>) semaphore(%arg23 : memref<!tpu.dma_semaphore, #tpu.memory_space<semaphore_mem>>)
    %dma_start3A_751 = arith.constant 640 : i32
    %dma_start3A_752 = tpu.memref_slice %arg11[%dma_start3A_751] : memref<768xi32, #tpu.memory_space<vmem>> -> memref<64xi32, #tpu.memory_space<vmem>>
    %dma_start3A_753 = arith.constant 0 : i32
    %dma_start3A_754 = arith.constant 0 : i32
    %dma_start3A_755 = tpu.memref_slice %arg4[%dma_start3A_753, %dma_start3A_754] : memref<10240x128xf32, #tpu.memory_space<hbm>> -> memref<10240x128xf32, #tpu.memory_space<hbm>>
    tpu.enqueue_indirect_dma source(%dma_start3A_755 : memref<10240x128xf32, #tpu.memory_space<hbm>>) target(%arg17 : memref<64x128xf32, #tpu.memory_space<vmem>>) offsets(%dma_start3A_752 : memref<64xi32, #tpu.memory_space<vmem>>) semaphore(%arg25 : memref<!tpu.dma_semaphore, #tpu.memory_space<semaphore_mem>>)
    %dma_start3A_756 = arith.constant 640 : i32
    %dma_start3A_757 = tpu.memref_slice %arg12[%dma_start3A_756] : memref<768xi32, #tpu.memory_space<vmem>> -> memref<64xi32, #tpu.memory_space<vmem>>
    %dma_start3A_758 = arith.constant 0 : i32
    %dma_start3A_759 = arith.constant 0 : i32
    %dma_start3A_760 = tpu.memref_slice %arg4[%dma_start3A_758, %dma_start3A_759] : memref<10240x128xf32, #tpu.memory_space<hbm>> -> memref<10240x128xf32, #tpu.memory_space<hbm>>
    tpu.enqueue_indirect_dma source(%dma_start3A_760 : memref<10240x128xf32, #tpu.memory_space<hbm>>) target(%arg19 : memref<64x128xf32, #tpu.memory_space<vmem>>) offsets(%dma_start3A_757 : memref<64xi32, #tpu.memory_space<vmem>>) semaphore(%arg27 : memref<!tpu.dma_semaphore, #tpu.memory_space<semaphore_mem>>)
    %dma_wait3A_761 = arith.constant 576 : i32
    %dma_wait3A_762 = tpu.memref_slice %arg11[%dma_wait3A_761] : memref<768xi32, #tpu.memory_space<vmem>> -> memref<64xi32, #tpu.memory_space<vmem>>
    %dma_wait3A_763 = arith.constant 0 : i32
    %dma_wait3A_764 = arith.constant 0 : i32
    %dma_wait3A_765 = tpu.memref_slice %arg2[%dma_wait3A_763, %dma_wait3A_764] : memref<10240x128xf32, #tpu.memory_space<hbm>> -> memref<10240x128xf32, #tpu.memory_space<hbm>>
    tpu.wait_indirect_dma semaphore(%arg22 : memref<!tpu.dma_semaphore, #tpu.memory_space<semaphore_mem>>) src(%dma_wait3A_765 : memref<10240x128xf32, #tpu.memory_space<hbm>>) dst(%arg14 : memref<64x128xf32, #tpu.memory_space<vmem>>)
    %dma_wait3A_766 = arith.constant 576 : i32
    %dma_wait3A_767 = tpu.memref_slice %arg12[%dma_wait3A_766] : memref<768xi32, #tpu.memory_space<vmem>> -> memref<64xi32, #tpu.memory_space<vmem>>
    %dma_wait3A_768 = arith.constant 0 : i32
    %dma_wait3A_769 = arith.constant 0 : i32
    %dma_wait3A_770 = tpu.memref_slice %arg3[%dma_wait3A_768, %dma_wait3A_769] : memref<10240x128xf32, #tpu.memory_space<hbm>> -> memref<10240x128xf32, #tpu.memory_space<hbm>>
    tpu.wait_indirect_dma semaphore(%arg24 : memref<!tpu.dma_semaphore, #tpu.memory_space<semaphore_mem>>) src(%dma_wait3A_770 : memref<10240x128xf32, #tpu.memory_space<hbm>>) dst(%arg16 : memref<64x128xf32, #tpu.memory_space<vmem>>)
    %dma_wait3A_771 = arith.constant 576 : i32
    %dma_wait3A_772 = tpu.memref_slice %arg11[%dma_wait3A_771] : memref<768xi32, #tpu.memory_space<vmem>> -> memref<64xi32, #tpu.memory_space<vmem>>
    %dma_wait3A_773 = arith.constant 0 : i32
    %dma_wait3A_774 = arith.constant 0 : i32
    %dma_wait3A_775 = tpu.memref_slice %arg4[%dma_wait3A_773, %dma_wait3A_774] : memref<10240x128xf32, #tpu.memory_space<hbm>> -> memref<10240x128xf32, #tpu.memory_space<hbm>>
    tpu.wait_indirect_dma semaphore(%arg26 : memref<!tpu.dma_semaphore, #tpu.memory_space<semaphore_mem>>) src(%dma_wait3A_775 : memref<10240x128xf32, #tpu.memory_space<hbm>>) dst(%arg18 : memref<64x128xf32, #tpu.memory_space<vmem>>)
    %dma_wait3A_776 = arith.constant 576 : i32
    %dma_wait3A_777 = tpu.memref_slice %arg12[%dma_wait3A_776] : memref<768xi32, #tpu.memory_space<vmem>> -> memref<64xi32, #tpu.memory_space<vmem>>
    %dma_wait3A_778 = arith.constant 0 : i32
    %dma_wait3A_779 = arith.constant 0 : i32
    %dma_wait3A_780 = tpu.memref_slice %arg4[%dma_wait3A_778, %dma_wait3A_779] : memref<10240x128xf32, #tpu.memory_space<hbm>> -> memref<10240x128xf32, #tpu.memory_space<hbm>>
    tpu.wait_indirect_dma semaphore(%arg28 : memref<!tpu.dma_semaphore, #tpu.memory_space<semaphore_mem>>) src(%dma_wait3A_780 : memref<10240x128xf32, #tpu.memory_space<hbm>>) dst(%arg20 : memref<64x128xf32, #tpu.memory_space<vmem>>)
    %add3A_781 = arith.constant 576 : i32
    %add3A_782 = arith.addi %mul3A_2, %add3A_781 : i32
    %dma_start3A_783 = arith.constant 0 : i32
    %dma_start3A_784 = tpu.memref_slice %arg7[%add3A_782, %dma_start3A_783] : memref<24576x128xf32, #tpu.memory_space<hbm>> -> memref<64x128xf32, #tpu.memory_space<hbm>>
    %dma_start3A_785 = arith.constant 0 : i32
    %dma_start3A_786 = tpu.memref_slice %arg7[%add3A_782, %dma_start3A_785] : memref<24576x128xf32, #tpu.memory_space<hbm>> -> memref<64x128xf32, #tpu.memory_space<hbm>>
    tpu.enqueue_dma source(%arg14 : memref<64x128xf32, #tpu.memory_space<vmem>>) target(%dma_start3A_786 : memref<64x128xf32, #tpu.memory_space<hbm>>) target_semaphore(%arg30 : memref<!tpu.dma_semaphore, #tpu.memory_space<semaphore_mem>>)
    %add3A_787 = arith.constant 576 : i32
    %add3A_788 = arith.addi %mul3A_2, %add3A_787 : i32
    %dma_start3A_789 = arith.constant 0 : i32
    %dma_start3A_790 = tpu.memref_slice %arg8[%add3A_788, %dma_start3A_789] : memref<24576x128xf32, #tpu.memory_space<hbm>> -> memref<64x128xf32, #tpu.memory_space<hbm>>
    %dma_start3A_791 = arith.constant 0 : i32
    %dma_start3A_792 = tpu.memref_slice %arg8[%add3A_788, %dma_start3A_791] : memref<24576x128xf32, #tpu.memory_space<hbm>> -> memref<64x128xf32, #tpu.memory_space<hbm>>
    tpu.enqueue_dma source(%arg16 : memref<64x128xf32, #tpu.memory_space<vmem>>) target(%dma_start3A_792 : memref<64x128xf32, #tpu.memory_space<hbm>>) target_semaphore(%arg32 : memref<!tpu.dma_semaphore, #tpu.memory_space<semaphore_mem>>)
    %add3A_793 = arith.constant 576 : i32
    %add3A_794 = arith.addi %mul3A_2, %add3A_793 : i32
    %dma_start3A_795 = arith.constant 0 : i32
    %dma_start3A_796 = tpu.memref_slice %arg9[%add3A_794, %dma_start3A_795] : memref<24576x128xf32, #tpu.memory_space<hbm>> -> memref<64x128xf32, #tpu.memory_space<hbm>>
    %dma_start3A_797 = arith.constant 0 : i32
    %dma_start3A_798 = tpu.memref_slice %arg9[%add3A_794, %dma_start3A_797] : memref<24576x128xf32, #tpu.memory_space<hbm>> -> memref<64x128xf32, #tpu.memory_space<hbm>>
    tpu.enqueue_dma source(%arg18 : memref<64x128xf32, #tpu.memory_space<vmem>>) target(%dma_start3A_798 : memref<64x128xf32, #tpu.memory_space<hbm>>) target_semaphore(%arg34 : memref<!tpu.dma_semaphore, #tpu.memory_space<semaphore_mem>>)
    %add3A_799 = arith.constant 576 : i32
    %add3A_800 = arith.addi %mul3A_2, %add3A_799 : i32
    %dma_start3A_801 = arith.constant 0 : i32
    %dma_start3A_802 = tpu.memref_slice %arg10[%add3A_800, %dma_start3A_801] : memref<24576x128xf32, #tpu.memory_space<hbm>> -> memref<64x128xf32, #tpu.memory_space<hbm>>
    %dma_start3A_803 = arith.constant 0 : i32
    %dma_start3A_804 = tpu.memref_slice %arg10[%add3A_800, %dma_start3A_803] : memref<24576x128xf32, #tpu.memory_space<hbm>> -> memref<64x128xf32, #tpu.memory_space<hbm>>
    tpu.enqueue_dma source(%arg20 : memref<64x128xf32, #tpu.memory_space<vmem>>) target(%dma_start3A_804 : memref<64x128xf32, #tpu.memory_space<hbm>>) target_semaphore(%arg36 : memref<!tpu.dma_semaphore, #tpu.memory_space<semaphore_mem>>)
    %dma_wait3A_805 = arith.constant 0 : i32
    %dma_wait3A_806 = tpu.memref_slice %arg7[%add3A_782, %dma_wait3A_805] : memref<24576x128xf32, #tpu.memory_space<hbm>> -> memref<64x128xf32, #tpu.memory_space<hbm>>
    %dma_wait3A_807 = arith.constant 0 : i32
    %dma_wait3A_808 = tpu.memref_slice %arg7[%add3A_782, %dma_wait3A_807] : memref<24576x128xf32, #tpu.memory_space<hbm>> -> memref<64x128xf32, #tpu.memory_space<hbm>>
    tpu.wait_dma2 semaphore(%arg30 : memref<!tpu.dma_semaphore, #tpu.memory_space<semaphore_mem>>) src(%arg14 : memref<64x128xf32, #tpu.memory_space<vmem>>) dst(%dma_wait3A_808 : memref<64x128xf32, #tpu.memory_space<hbm>>)
    %dma_wait3A_809 = arith.constant 0 : i32
    %dma_wait3A_810 = tpu.memref_slice %arg8[%add3A_788, %dma_wait3A_809] : memref<24576x128xf32, #tpu.memory_space<hbm>> -> memref<64x128xf32, #tpu.memory_space<hbm>>
    %dma_wait3A_811 = arith.constant 0 : i32
    %dma_wait3A_812 = tpu.memref_slice %arg8[%add3A_788, %dma_wait3A_811] : memref<24576x128xf32, #tpu.memory_space<hbm>> -> memref<64x128xf32, #tpu.memory_space<hbm>>
    tpu.wait_dma2 semaphore(%arg32 : memref<!tpu.dma_semaphore, #tpu.memory_space<semaphore_mem>>) src(%arg16 : memref<64x128xf32, #tpu.memory_space<vmem>>) dst(%dma_wait3A_812 : memref<64x128xf32, #tpu.memory_space<hbm>>)
    %dma_wait3A_813 = arith.constant 0 : i32
    %dma_wait3A_814 = tpu.memref_slice %arg9[%add3A_794, %dma_wait3A_813] : memref<24576x128xf32, #tpu.memory_space<hbm>> -> memref<64x128xf32, #tpu.memory_space<hbm>>
    %dma_wait3A_815 = arith.constant 0 : i32
    %dma_wait3A_816 = tpu.memref_slice %arg9[%add3A_794, %dma_wait3A_815] : memref<24576x128xf32, #tpu.memory_space<hbm>> -> memref<64x128xf32, #tpu.memory_space<hbm>>
    tpu.wait_dma2 semaphore(%arg34 : memref<!tpu.dma_semaphore, #tpu.memory_space<semaphore_mem>>) src(%arg18 : memref<64x128xf32, #tpu.memory_space<vmem>>) dst(%dma_wait3A_816 : memref<64x128xf32, #tpu.memory_space<hbm>>)
    %dma_wait3A_817 = arith.constant 0 : i32
    %dma_wait3A_818 = tpu.memref_slice %arg10[%add3A_800, %dma_wait3A_817] : memref<24576x128xf32, #tpu.memory_space<hbm>> -> memref<64x128xf32, #tpu.memory_space<hbm>>
    %dma_wait3A_819 = arith.constant 0 : i32
    %dma_wait3A_820 = tpu.memref_slice %arg10[%add3A_800, %dma_wait3A_819] : memref<24576x128xf32, #tpu.memory_space<hbm>> -> memref<64x128xf32, #tpu.memory_space<hbm>>
    tpu.wait_dma2 semaphore(%arg36 : memref<!tpu.dma_semaphore, #tpu.memory_space<semaphore_mem>>) src(%arg20 : memref<64x128xf32, #tpu.memory_space<vmem>>) dst(%dma_wait3A_820 : memref<64x128xf32, #tpu.memory_space<hbm>>)
    %dma_start3A_821 = arith.constant 704 : i32
    %dma_start3A_822 = tpu.memref_slice %arg11[%dma_start3A_821] : memref<768xi32, #tpu.memory_space<vmem>> -> memref<64xi32, #tpu.memory_space<vmem>>
    %dma_start3A_823 = arith.constant 0 : i32
    %dma_start3A_824 = arith.constant 0 : i32
    %dma_start3A_825 = tpu.memref_slice %arg2[%dma_start3A_823, %dma_start3A_824] : memref<10240x128xf32, #tpu.memory_space<hbm>> -> memref<10240x128xf32, #tpu.memory_space<hbm>>
    tpu.enqueue_indirect_dma source(%dma_start3A_825 : memref<10240x128xf32, #tpu.memory_space<hbm>>) target(%arg14 : memref<64x128xf32, #tpu.memory_space<vmem>>) offsets(%dma_start3A_822 : memref<64xi32, #tpu.memory_space<vmem>>) semaphore(%arg22 : memref<!tpu.dma_semaphore, #tpu.memory_space<semaphore_mem>>)
    %dma_start3A_826 = arith.constant 704 : i32
    %dma_start3A_827 = tpu.memref_slice %arg12[%dma_start3A_826] : memref<768xi32, #tpu.memory_space<vmem>> -> memref<64xi32, #tpu.memory_space<vmem>>
    %dma_start3A_828 = arith.constant 0 : i32
    %dma_start3A_829 = arith.constant 0 : i32
    %dma_start3A_830 = tpu.memref_slice %arg3[%dma_start3A_828, %dma_start3A_829] : memref<10240x128xf32, #tpu.memory_space<hbm>> -> memref<10240x128xf32, #tpu.memory_space<hbm>>
    tpu.enqueue_indirect_dma source(%dma_start3A_830 : memref<10240x128xf32, #tpu.memory_space<hbm>>) target(%arg16 : memref<64x128xf32, #tpu.memory_space<vmem>>) offsets(%dma_start3A_827 : memref<64xi32, #tpu.memory_space<vmem>>) semaphore(%arg24 : memref<!tpu.dma_semaphore, #tpu.memory_space<semaphore_mem>>)
    %dma_start3A_831 = arith.constant 704 : i32
    %dma_start3A_832 = tpu.memref_slice %arg11[%dma_start3A_831] : memref<768xi32, #tpu.memory_space<vmem>> -> memref<64xi32, #tpu.memory_space<vmem>>
    %dma_start3A_833 = arith.constant 0 : i32
    %dma_start3A_834 = arith.constant 0 : i32
    %dma_start3A_835 = tpu.memref_slice %arg4[%dma_start3A_833, %dma_start3A_834] : memref<10240x128xf32, #tpu.memory_space<hbm>> -> memref<10240x128xf32, #tpu.memory_space<hbm>>
    tpu.enqueue_indirect_dma source(%dma_start3A_835 : memref<10240x128xf32, #tpu.memory_space<hbm>>) target(%arg18 : memref<64x128xf32, #tpu.memory_space<vmem>>) offsets(%dma_start3A_832 : memref<64xi32, #tpu.memory_space<vmem>>) semaphore(%arg26 : memref<!tpu.dma_semaphore, #tpu.memory_space<semaphore_mem>>)
    %dma_start3A_836 = arith.constant 704 : i32
    %dma_start3A_837 = tpu.memref_slice %arg12[%dma_start3A_836] : memref<768xi32, #tpu.memory_space<vmem>> -> memref<64xi32, #tpu.memory_space<vmem>>
    %dma_start3A_838 = arith.constant 0 : i32
    %dma_start3A_839 = arith.constant 0 : i32
    %dma_start3A_840 = tpu.memref_slice %arg4[%dma_start3A_838, %dma_start3A_839] : memref<10240x128xf32, #tpu.memory_space<hbm>> -> memref<10240x128xf32, #tpu.memory_space<hbm>>
    tpu.enqueue_indirect_dma source(%dma_start3A_840 : memref<10240x128xf32, #tpu.memory_space<hbm>>) target(%arg20 : memref<64x128xf32, #tpu.memory_space<vmem>>) offsets(%dma_start3A_837 : memref<64xi32, #tpu.memory_space<vmem>>) semaphore(%arg28 : memref<!tpu.dma_semaphore, #tpu.memory_space<semaphore_mem>>)
    %dma_wait3A_841 = arith.constant 640 : i32
    %dma_wait3A_842 = tpu.memref_slice %arg11[%dma_wait3A_841] : memref<768xi32, #tpu.memory_space<vmem>> -> memref<64xi32, #tpu.memory_space<vmem>>
    %dma_wait3A_843 = arith.constant 0 : i32
    %dma_wait3A_844 = arith.constant 0 : i32
    %dma_wait3A_845 = tpu.memref_slice %arg2[%dma_wait3A_843, %dma_wait3A_844] : memref<10240x128xf32, #tpu.memory_space<hbm>> -> memref<10240x128xf32, #tpu.memory_space<hbm>>
    tpu.wait_indirect_dma semaphore(%arg21 : memref<!tpu.dma_semaphore, #tpu.memory_space<semaphore_mem>>) src(%dma_wait3A_845 : memref<10240x128xf32, #tpu.memory_space<hbm>>) dst(%arg13 : memref<64x128xf32, #tpu.memory_space<vmem>>)
    %dma_wait3A_846 = arith.constant 640 : i32
    %dma_wait3A_847 = tpu.memref_slice %arg12[%dma_wait3A_846] : memref<768xi32, #tpu.memory_space<vmem>> -> memref<64xi32, #tpu.memory_space<vmem>>
    %dma_wait3A_848 = arith.constant 0 : i32
    %dma_wait3A_849 = arith.constant 0 : i32
    %dma_wait3A_850 = tpu.memref_slice %arg3[%dma_wait3A_848, %dma_wait3A_849] : memref<10240x128xf32, #tpu.memory_space<hbm>> -> memref<10240x128xf32, #tpu.memory_space<hbm>>
    tpu.wait_indirect_dma semaphore(%arg23 : memref<!tpu.dma_semaphore, #tpu.memory_space<semaphore_mem>>) src(%dma_wait3A_850 : memref<10240x128xf32, #tpu.memory_space<hbm>>) dst(%arg15 : memref<64x128xf32, #tpu.memory_space<vmem>>)
    %dma_wait3A_851 = arith.constant 640 : i32
    %dma_wait3A_852 = tpu.memref_slice %arg11[%dma_wait3A_851] : memref<768xi32, #tpu.memory_space<vmem>> -> memref<64xi32, #tpu.memory_space<vmem>>
    %dma_wait3A_853 = arith.constant 0 : i32
    %dma_wait3A_854 = arith.constant 0 : i32
    %dma_wait3A_855 = tpu.memref_slice %arg4[%dma_wait3A_853, %dma_wait3A_854] : memref<10240x128xf32, #tpu.memory_space<hbm>> -> memref<10240x128xf32, #tpu.memory_space<hbm>>
    tpu.wait_indirect_dma semaphore(%arg25 : memref<!tpu.dma_semaphore, #tpu.memory_space<semaphore_mem>>) src(%dma_wait3A_855 : memref<10240x128xf32, #tpu.memory_space<hbm>>) dst(%arg17 : memref<64x128xf32, #tpu.memory_space<vmem>>)
    %dma_wait3A_856 = arith.constant 640 : i32
    %dma_wait3A_857 = tpu.memref_slice %arg12[%dma_wait3A_856] : memref<768xi32, #tpu.memory_space<vmem>> -> memref<64xi32, #tpu.memory_space<vmem>>
    %dma_wait3A_858 = arith.constant 0 : i32
    %dma_wait3A_859 = arith.constant 0 : i32
    %dma_wait3A_860 = tpu.memref_slice %arg4[%dma_wait3A_858, %dma_wait3A_859] : memref<10240x128xf32, #tpu.memory_space<hbm>> -> memref<10240x128xf32, #tpu.memory_space<hbm>>
    tpu.wait_indirect_dma semaphore(%arg27 : memref<!tpu.dma_semaphore, #tpu.memory_space<semaphore_mem>>) src(%dma_wait3A_860 : memref<10240x128xf32, #tpu.memory_space<hbm>>) dst(%arg19 : memref<64x128xf32, #tpu.memory_space<vmem>>)
    %add3A_861 = arith.constant 640 : i32
    %add3A_862 = arith.addi %mul3A_2, %add3A_861 : i32
    %dma_start3A_863 = arith.constant 0 : i32
    %dma_start3A_864 = tpu.memref_slice %arg7[%add3A_862, %dma_start3A_863] : memref<24576x128xf32, #tpu.memory_space<hbm>> -> memref<64x128xf32, #tpu.memory_space<hbm>>
    %dma_start3A_865 = arith.constant 0 : i32
    %dma_start3A_866 = tpu.memref_slice %arg7[%add3A_862, %dma_start3A_865] : memref<24576x128xf32, #tpu.memory_space<hbm>> -> memref<64x128xf32, #tpu.memory_space<hbm>>
    tpu.enqueue_dma source(%arg13 : memref<64x128xf32, #tpu.memory_space<vmem>>) target(%dma_start3A_866 : memref<64x128xf32, #tpu.memory_space<hbm>>) target_semaphore(%arg29 : memref<!tpu.dma_semaphore, #tpu.memory_space<semaphore_mem>>)
    %add3A_867 = arith.constant 640 : i32
    %add3A_868 = arith.addi %mul3A_2, %add3A_867 : i32
    %dma_start3A_869 = arith.constant 0 : i32
    %dma_start3A_870 = tpu.memref_slice %arg8[%add3A_868, %dma_start3A_869] : memref<24576x128xf32, #tpu.memory_space<hbm>> -> memref<64x128xf32, #tpu.memory_space<hbm>>
    %dma_start3A_871 = arith.constant 0 : i32
    %dma_start3A_872 = tpu.memref_slice %arg8[%add3A_868, %dma_start3A_871] : memref<24576x128xf32, #tpu.memory_space<hbm>> -> memref<64x128xf32, #tpu.memory_space<hbm>>
    tpu.enqueue_dma source(%arg15 : memref<64x128xf32, #tpu.memory_space<vmem>>) target(%dma_start3A_872 : memref<64x128xf32, #tpu.memory_space<hbm>>) target_semaphore(%arg31 : memref<!tpu.dma_semaphore, #tpu.memory_space<semaphore_mem>>)
    %add3A_873 = arith.constant 640 : i32
    %add3A_874 = arith.addi %mul3A_2, %add3A_873 : i32
    %dma_start3A_875 = arith.constant 0 : i32
    %dma_start3A_876 = tpu.memref_slice %arg9[%add3A_874, %dma_start3A_875] : memref<24576x128xf32, #tpu.memory_space<hbm>> -> memref<64x128xf32, #tpu.memory_space<hbm>>
    %dma_start3A_877 = arith.constant 0 : i32
    %dma_start3A_878 = tpu.memref_slice %arg9[%add3A_874, %dma_start3A_877] : memref<24576x128xf32, #tpu.memory_space<hbm>> -> memref<64x128xf32, #tpu.memory_space<hbm>>
    tpu.enqueue_dma source(%arg17 : memref<64x128xf32, #tpu.memory_space<vmem>>) target(%dma_start3A_878 : memref<64x128xf32, #tpu.memory_space<hbm>>) target_semaphore(%arg33 : memref<!tpu.dma_semaphore, #tpu.memory_space<semaphore_mem>>)
    %add3A_879 = arith.constant 640 : i32
    %add3A_880 = arith.addi %mul3A_2, %add3A_879 : i32
    %dma_start3A_881 = arith.constant 0 : i32
    %dma_start3A_882 = tpu.memref_slice %arg10[%add3A_880, %dma_start3A_881] : memref<24576x128xf32, #tpu.memory_space<hbm>> -> memref<64x128xf32, #tpu.memory_space<hbm>>
    %dma_start3A_883 = arith.constant 0 : i32
    %dma_start3A_884 = tpu.memref_slice %arg10[%add3A_880, %dma_start3A_883] : memref<24576x128xf32, #tpu.memory_space<hbm>> -> memref<64x128xf32, #tpu.memory_space<hbm>>
    tpu.enqueue_dma source(%arg19 : memref<64x128xf32, #tpu.memory_space<vmem>>) target(%dma_start3A_884 : memref<64x128xf32, #tpu.memory_space<hbm>>) target_semaphore(%arg35 : memref<!tpu.dma_semaphore, #tpu.memory_space<semaphore_mem>>)
    %dma_wait3A_885 = arith.constant 704 : i32
    %dma_wait3A_886 = tpu.memref_slice %arg11[%dma_wait3A_885] : memref<768xi32, #tpu.memory_space<vmem>> -> memref<64xi32, #tpu.memory_space<vmem>>
    %dma_wait3A_887 = arith.constant 0 : i32
    %dma_wait3A_888 = arith.constant 0 : i32
    %dma_wait3A_889 = tpu.memref_slice %arg2[%dma_wait3A_887, %dma_wait3A_888] : memref<10240x128xf32, #tpu.memory_space<hbm>> -> memref<10240x128xf32, #tpu.memory_space<hbm>>
    tpu.wait_indirect_dma semaphore(%arg22 : memref<!tpu.dma_semaphore, #tpu.memory_space<semaphore_mem>>) src(%dma_wait3A_889 : memref<10240x128xf32, #tpu.memory_space<hbm>>) dst(%arg14 : memref<64x128xf32, #tpu.memory_space<vmem>>)
    %dma_wait3A_890 = arith.constant 704 : i32
    %dma_wait3A_891 = tpu.memref_slice %arg12[%dma_wait3A_890] : memref<768xi32, #tpu.memory_space<vmem>> -> memref<64xi32, #tpu.memory_space<vmem>>
    %dma_wait3A_892 = arith.constant 0 : i32
    %dma_wait3A_893 = arith.constant 0 : i32
    %dma_wait3A_894 = tpu.memref_slice %arg3[%dma_wait3A_892, %dma_wait3A_893] : memref<10240x128xf32, #tpu.memory_space<hbm>> -> memref<10240x128xf32, #tpu.memory_space<hbm>>
    tpu.wait_indirect_dma semaphore(%arg24 : memref<!tpu.dma_semaphore, #tpu.memory_space<semaphore_mem>>) src(%dma_wait3A_894 : memref<10240x128xf32, #tpu.memory_space<hbm>>) dst(%arg16 : memref<64x128xf32, #tpu.memory_space<vmem>>)
    %dma_wait3A_895 = arith.constant 704 : i32
    %dma_wait3A_896 = tpu.memref_slice %arg11[%dma_wait3A_895] : memref<768xi32, #tpu.memory_space<vmem>> -> memref<64xi32, #tpu.memory_space<vmem>>
    %dma_wait3A_897 = arith.constant 0 : i32
    %dma_wait3A_898 = arith.constant 0 : i32
    %dma_wait3A_899 = tpu.memref_slice %arg4[%dma_wait3A_897, %dma_wait3A_898] : memref<10240x128xf32, #tpu.memory_space<hbm>> -> memref<10240x128xf32, #tpu.memory_space<hbm>>
    tpu.wait_indirect_dma semaphore(%arg26 : memref<!tpu.dma_semaphore, #tpu.memory_space<semaphore_mem>>) src(%dma_wait3A_899 : memref<10240x128xf32, #tpu.memory_space<hbm>>) dst(%arg18 : memref<64x128xf32, #tpu.memory_space<vmem>>)
    %dma_wait3A_900 = arith.constant 704 : i32
    %dma_wait3A_901 = tpu.memref_slice %arg12[%dma_wait3A_900] : memref<768xi32, #tpu.memory_space<vmem>> -> memref<64xi32, #tpu.memory_space<vmem>>
    %dma_wait3A_902 = arith.constant 0 : i32
    %dma_wait3A_903 = arith.constant 0 : i32
    %dma_wait3A_904 = tpu.memref_slice %arg4[%dma_wait3A_902, %dma_wait3A_903] : memref<10240x128xf32, #tpu.memory_space<hbm>> -> memref<10240x128xf32, #tpu.memory_space<hbm>>
    tpu.wait_indirect_dma semaphore(%arg28 : memref<!tpu.dma_semaphore, #tpu.memory_space<semaphore_mem>>) src(%dma_wait3A_904 : memref<10240x128xf32, #tpu.memory_space<hbm>>) dst(%arg20 : memref<64x128xf32, #tpu.memory_space<vmem>>)
    %add3A_905 = arith.constant 704 : i32
    %add3A_906 = arith.addi %mul3A_2, %add3A_905 : i32
    %dma_start3A_907 = arith.constant 0 : i32
    %dma_start3A_908 = tpu.memref_slice %arg7[%add3A_906, %dma_start3A_907] : memref<24576x128xf32, #tpu.memory_space<hbm>> -> memref<64x128xf32, #tpu.memory_space<hbm>>
    %dma_start3A_909 = arith.constant 0 : i32
    %dma_start3A_910 = tpu.memref_slice %arg7[%add3A_906, %dma_start3A_909] : memref<24576x128xf32, #tpu.memory_space<hbm>> -> memref<64x128xf32, #tpu.memory_space<hbm>>
    tpu.enqueue_dma source(%arg14 : memref<64x128xf32, #tpu.memory_space<vmem>>) target(%dma_start3A_910 : memref<64x128xf32, #tpu.memory_space<hbm>>) target_semaphore(%arg30 : memref<!tpu.dma_semaphore, #tpu.memory_space<semaphore_mem>>)
    %add3A_911 = arith.constant 704 : i32
    %add3A_912 = arith.addi %mul3A_2, %add3A_911 : i32
    %dma_start3A_913 = arith.constant 0 : i32
    %dma_start3A_914 = tpu.memref_slice %arg8[%add3A_912, %dma_start3A_913] : memref<24576x128xf32, #tpu.memory_space<hbm>> -> memref<64x128xf32, #tpu.memory_space<hbm>>
    %dma_start3A_915 = arith.constant 0 : i32
    %dma_start3A_916 = tpu.memref_slice %arg8[%add3A_912, %dma_start3A_915] : memref<24576x128xf32, #tpu.memory_space<hbm>> -> memref<64x128xf32, #tpu.memory_space<hbm>>
    tpu.enqueue_dma source(%arg16 : memref<64x128xf32, #tpu.memory_space<vmem>>) target(%dma_start3A_916 : memref<64x128xf32, #tpu.memory_space<hbm>>) target_semaphore(%arg32 : memref<!tpu.dma_semaphore, #tpu.memory_space<semaphore_mem>>)
    %add3A_917 = arith.constant 704 : i32
    %add3A_918 = arith.addi %mul3A_2, %add3A_917 : i32
    %dma_start3A_919 = arith.constant 0 : i32
    %dma_start3A_920 = tpu.memref_slice %arg9[%add3A_918, %dma_start3A_919] : memref<24576x128xf32, #tpu.memory_space<hbm>> -> memref<64x128xf32, #tpu.memory_space<hbm>>
    %dma_start3A_921 = arith.constant 0 : i32
    %dma_start3A_922 = tpu.memref_slice %arg9[%add3A_918, %dma_start3A_921] : memref<24576x128xf32, #tpu.memory_space<hbm>> -> memref<64x128xf32, #tpu.memory_space<hbm>>
    tpu.enqueue_dma source(%arg18 : memref<64x128xf32, #tpu.memory_space<vmem>>) target(%dma_start3A_922 : memref<64x128xf32, #tpu.memory_space<hbm>>) target_semaphore(%arg34 : memref<!tpu.dma_semaphore, #tpu.memory_space<semaphore_mem>>)
    %add3A_923 = arith.constant 704 : i32
    %add3A_924 = arith.addi %mul3A_2, %add3A_923 : i32
    %dma_start3A_925 = arith.constant 0 : i32
    %dma_start3A_926 = tpu.memref_slice %arg10[%add3A_924, %dma_start3A_925] : memref<24576x128xf32, #tpu.memory_space<hbm>> -> memref<64x128xf32, #tpu.memory_space<hbm>>
    %dma_start3A_927 = arith.constant 0 : i32
    %dma_start3A_928 = tpu.memref_slice %arg10[%add3A_924, %dma_start3A_927] : memref<24576x128xf32, #tpu.memory_space<hbm>> -> memref<64x128xf32, #tpu.memory_space<hbm>>
    tpu.enqueue_dma source(%arg20 : memref<64x128xf32, #tpu.memory_space<vmem>>) target(%dma_start3A_928 : memref<64x128xf32, #tpu.memory_space<hbm>>) target_semaphore(%arg36 : memref<!tpu.dma_semaphore, #tpu.memory_space<semaphore_mem>>)
    %dma_wait3A_929 = arith.constant 0 : i32
    %dma_wait3A_930 = tpu.memref_slice %arg7[%add3A_862, %dma_wait3A_929] : memref<24576x128xf32, #tpu.memory_space<hbm>> -> memref<64x128xf32, #tpu.memory_space<hbm>>
    %dma_wait3A_931 = arith.constant 0 : i32
    %dma_wait3A_932 = tpu.memref_slice %arg7[%add3A_862, %dma_wait3A_931] : memref<24576x128xf32, #tpu.memory_space<hbm>> -> memref<64x128xf32, #tpu.memory_space<hbm>>
    tpu.wait_dma2 semaphore(%arg29 : memref<!tpu.dma_semaphore, #tpu.memory_space<semaphore_mem>>) src(%arg13 : memref<64x128xf32, #tpu.memory_space<vmem>>) dst(%dma_wait3A_932 : memref<64x128xf32, #tpu.memory_space<hbm>>)
    %dma_wait3A_933 = arith.constant 0 : i32
    %dma_wait3A_934 = tpu.memref_slice %arg8[%add3A_868, %dma_wait3A_933] : memref<24576x128xf32, #tpu.memory_space<hbm>> -> memref<64x128xf32, #tpu.memory_space<hbm>>
    %dma_wait3A_935 = arith.constant 0 : i32
    %dma_wait3A_936 = tpu.memref_slice %arg8[%add3A_868, %dma_wait3A_935] : memref<24576x128xf32, #tpu.memory_space<hbm>> -> memref<64x128xf32, #tpu.memory_space<hbm>>
    tpu.wait_dma2 semaphore(%arg31 : memref<!tpu.dma_semaphore, #tpu.memory_space<semaphore_mem>>) src(%arg15 : memref<64x128xf32, #tpu.memory_space<vmem>>) dst(%dma_wait3A_936 : memref<64x128xf32, #tpu.memory_space<hbm>>)
    %dma_wait3A_937 = arith.constant 0 : i32
    %dma_wait3A_938 = tpu.memref_slice %arg9[%add3A_874, %dma_wait3A_937] : memref<24576x128xf32, #tpu.memory_space<hbm>> -> memref<64x128xf32, #tpu.memory_space<hbm>>
    %dma_wait3A_939 = arith.constant 0 : i32
    %dma_wait3A_940 = tpu.memref_slice %arg9[%add3A_874, %dma_wait3A_939] : memref<24576x128xf32, #tpu.memory_space<hbm>> -> memref<64x128xf32, #tpu.memory_space<hbm>>
    tpu.wait_dma2 semaphore(%arg33 : memref<!tpu.dma_semaphore, #tpu.memory_space<semaphore_mem>>) src(%arg17 : memref<64x128xf32, #tpu.memory_space<vmem>>) dst(%dma_wait3A_940 : memref<64x128xf32, #tpu.memory_space<hbm>>)
    %dma_wait3A_941 = arith.constant 0 : i32
    %dma_wait3A_942 = tpu.memref_slice %arg10[%add3A_880, %dma_wait3A_941] : memref<24576x128xf32, #tpu.memory_space<hbm>> -> memref<64x128xf32, #tpu.memory_space<hbm>>
    %dma_wait3A_943 = arith.constant 0 : i32
    %dma_wait3A_944 = tpu.memref_slice %arg10[%add3A_880, %dma_wait3A_943] : memref<24576x128xf32, #tpu.memory_space<hbm>> -> memref<64x128xf32, #tpu.memory_space<hbm>>
    tpu.wait_dma2 semaphore(%arg35 : memref<!tpu.dma_semaphore, #tpu.memory_space<semaphore_mem>>) src(%arg19 : memref<64x128xf32, #tpu.memory_space<vmem>>) dst(%dma_wait3A_944 : memref<64x128xf32, #tpu.memory_space<hbm>>)
    %dma_wait3A_945 = arith.constant 0 : i32
    %dma_wait3A_946 = tpu.memref_slice %arg7[%add3A_906, %dma_wait3A_945] : memref<24576x128xf32, #tpu.memory_space<hbm>> -> memref<64x128xf32, #tpu.memory_space<hbm>>
    %dma_wait3A_947 = arith.constant 0 : i32
    %dma_wait3A_948 = tpu.memref_slice %arg7[%add3A_906, %dma_wait3A_947] : memref<24576x128xf32, #tpu.memory_space<hbm>> -> memref<64x128xf32, #tpu.memory_space<hbm>>
    tpu.wait_dma2 semaphore(%arg30 : memref<!tpu.dma_semaphore, #tpu.memory_space<semaphore_mem>>) src(%arg14 : memref<64x128xf32, #tpu.memory_space<vmem>>) dst(%dma_wait3A_948 : memref<64x128xf32, #tpu.memory_space<hbm>>)
    %dma_wait3A_949 = arith.constant 0 : i32
    %dma_wait3A_950 = tpu.memref_slice %arg8[%add3A_912, %dma_wait3A_949] : memref<24576x128xf32, #tpu.memory_space<hbm>> -> memref<64x128xf32, #tpu.memory_space<hbm>>
    %dma_wait3A_951 = arith.constant 0 : i32
    %dma_wait3A_952 = tpu.memref_slice %arg8[%add3A_912, %dma_wait3A_951] : memref<24576x128xf32, #tpu.memory_space<hbm>> -> memref<64x128xf32, #tpu.memory_space<hbm>>
    tpu.wait_dma2 semaphore(%arg32 : memref<!tpu.dma_semaphore, #tpu.memory_space<semaphore_mem>>) src(%arg16 : memref<64x128xf32, #tpu.memory_space<vmem>>) dst(%dma_wait3A_952 : memref<64x128xf32, #tpu.memory_space<hbm>>)
    %dma_wait3A_953 = arith.constant 0 : i32
    %dma_wait3A_954 = tpu.memref_slice %arg9[%add3A_918, %dma_wait3A_953] : memref<24576x128xf32, #tpu.memory_space<hbm>> -> memref<64x128xf32, #tpu.memory_space<hbm>>
    %dma_wait3A_955 = arith.constant 0 : i32
    %dma_wait3A_956 = tpu.memref_slice %arg9[%add3A_918, %dma_wait3A_955] : memref<24576x128xf32, #tpu.memory_space<hbm>> -> memref<64x128xf32, #tpu.memory_space<hbm>>
    tpu.wait_dma2 semaphore(%arg34 : memref<!tpu.dma_semaphore, #tpu.memory_space<semaphore_mem>>) src(%arg18 : memref<64x128xf32, #tpu.memory_space<vmem>>) dst(%dma_wait3A_956 : memref<64x128xf32, #tpu.memory_space<hbm>>)
    %dma_wait3A_957 = arith.constant 0 : i32
    %dma_wait3A_958 = tpu.memref_slice %arg10[%add3A_924, %dma_wait3A_957] : memref<24576x128xf32, #tpu.memory_space<hbm>> -> memref<64x128xf32, #tpu.memory_space<hbm>>
    %dma_wait3A_959 = arith.constant 0 : i32
    %dma_wait3A_960 = tpu.memref_slice %arg10[%add3A_924, %dma_wait3A_959] : memref<24576x128xf32, #tpu.memory_space<hbm>> -> memref<64x128xf32, #tpu.memory_space<hbm>>
    tpu.wait_dma2 semaphore(%arg36 : memref<!tpu.dma_semaphore, #tpu.memory_space<semaphore_mem>>) src(%arg20 : memref<64x128xf32, #tpu.memory_space<vmem>>) dst(%dma_wait3A_960 : memref<64x128xf32, #tpu.memory_space<hbm>>)
    return
  }
}

#map = affine_map<(d0, d1) -> (0, 0)>
#map1 = affine_map<(d0, d1) -> (0)>
module attributes {stable_mosaic.version = 14 : i64} {
  func.func @embed_kernel(%arg0: i32, %arg1: i32, %arg2: memref<101x128xf32, #tpu.memory_space<hbm>>, %arg3: memref<10240xi32, #tpu.memory_space<hbm>>, %arg4: memref<10240x128xf32, #tpu.memory_space<hbm>>, %arg5: memref<320xi32, #tpu.memory_space<vmem>>, %arg6: memref<64x128xf32, #tpu.memory_space<vmem>>, %arg7: memref<!tpu.dma_semaphore, #tpu.memory_space<semaphore_mem>>) attributes {dimension_semantics = [#tpu.dimension_semantics<core_parallel>, #tpu.dimension_semantics<subcore_parallel>], iteration_bounds = array<i64: 2, 16>, scalar_prefetch = 0 : i64, scratch_operands = 3 : i64, tpu.core_type = #tpu.core_type<sc_vector_subcore>, window_params = [{transform_indices = #map}, {transform_indices = #map1}, {transform_indices = #map}]} {
    %mul3A = arith.constant 2 : i32
    %mul3A_0 = arith.muli %arg1, %mul3A : i32
    %add3A = arith.addi %mul3A_0, %arg0 : i32
    %mul3A_1 = arith.constant 320 : i32
    %mul3A_2 = arith.muli %add3A, %mul3A_1 : i32
    "tpu.region"() ({
      %run_scoped3A = tpu.sem_alloc : memref<!tpu.dma_semaphore, #tpu.memory_space<semaphore_mem>>
      %dma_start3A_61 = tpu.memref_slice %arg3[%mul3A_2] : memref<10240xi32, #tpu.memory_space<hbm>> -> memref<320xi32, #tpu.memory_space<hbm>>
      %dma_start3A_62 = tpu.memref_slice %arg3[%mul3A_2] : memref<10240xi32, #tpu.memory_space<hbm>> -> memref<320xi32, #tpu.memory_space<hbm>>
      tpu.enqueue_dma source(%dma_start3A_62 : memref<320xi32, #tpu.memory_space<hbm>>) target(%arg5 : memref<320xi32, #tpu.memory_space<vmem>>) target_semaphore(%run_scoped3A : memref<!tpu.dma_semaphore, #tpu.memory_space<semaphore_mem>>)
      %dma_wait3A_63 = tpu.memref_slice %arg3[%mul3A_2] : memref<10240xi32, #tpu.memory_space<hbm>> -> memref<320xi32, #tpu.memory_space<hbm>>
      %dma_wait3A_64 = tpu.memref_slice %arg3[%mul3A_2] : memref<10240xi32, #tpu.memory_space<hbm>> -> memref<320xi32, #tpu.memory_space<hbm>>
      tpu.wait_dma2 semaphore(%run_scoped3A : memref<!tpu.dma_semaphore, #tpu.memory_space<semaphore_mem>>) src(%dma_wait3A_64 : memref<320xi32, #tpu.memory_space<hbm>>) dst(%arg5 : memref<320xi32, #tpu.memory_space<vmem>>)
      tpu.yield
    }) : () -> ()
    %dma_start3A = arith.constant 0 : i32
    %dma_start3A_3 = tpu.memref_slice %arg5[%dma_start3A] : memref<320xi32, #tpu.memory_space<vmem>> -> memref<64xi32, #tpu.memory_space<vmem>>
    %dma_start3A_4 = arith.constant 0 : i32
    %dma_start3A_5 = arith.constant 0 : i32
    %dma_start3A_6 = tpu.memref_slice %arg2[%dma_start3A_4, %dma_start3A_5] : memref<101x128xf32, #tpu.memory_space<hbm>> -> memref<101x128xf32, #tpu.memory_space<hbm>>
    tpu.enqueue_indirect_dma source(%dma_start3A_6 : memref<101x128xf32, #tpu.memory_space<hbm>>) target(%arg6 : memref<64x128xf32, #tpu.memory_space<vmem>>) offsets(%dma_start3A_3 : memref<64xi32, #tpu.memory_space<vmem>>) semaphore(%arg7 : memref<!tpu.dma_semaphore, #tpu.memory_space<semaphore_mem>>)
    %dma_wait3A = arith.constant 0 : i32
    %dma_wait3A_7 = tpu.memref_slice %arg5[%dma_wait3A] : memref<320xi32, #tpu.memory_space<vmem>> -> memref<64xi32, #tpu.memory_space<vmem>>
    %dma_wait3A_8 = arith.constant 0 : i32
    %dma_wait3A_9 = arith.constant 0 : i32
    %dma_wait3A_10 = tpu.memref_slice %arg2[%dma_wait3A_8, %dma_wait3A_9] : memref<101x128xf32, #tpu.memory_space<hbm>> -> memref<101x128xf32, #tpu.memory_space<hbm>>
    tpu.wait_indirect_dma semaphore(%arg7 : memref<!tpu.dma_semaphore, #tpu.memory_space<semaphore_mem>>) src(%dma_wait3A_10 : memref<101x128xf32, #tpu.memory_space<hbm>>) dst(%arg6 : memref<64x128xf32, #tpu.memory_space<vmem>>)
    %add3A_11 = arith.constant 0 : i32
    %add3A_12 = arith.addi %mul3A_2, %add3A_11 : i32
    "tpu.region"() ({
      %run_scoped3A = tpu.sem_alloc : memref<!tpu.dma_semaphore, #tpu.memory_space<semaphore_mem>>
      %dma_start3A_61 = arith.constant 0 : i32
      %dma_start3A_62 = tpu.memref_slice %arg4[%add3A_12, %dma_start3A_61] : memref<10240x128xf32, #tpu.memory_space<hbm>> -> memref<64x128xf32, #tpu.memory_space<hbm>>
      %dma_start3A_63 = arith.constant 0 : i32
      %dma_start3A_64 = tpu.memref_slice %arg4[%add3A_12, %dma_start3A_63] : memref<10240x128xf32, #tpu.memory_space<hbm>> -> memref<64x128xf32, #tpu.memory_space<hbm>>
      tpu.enqueue_dma source(%arg6 : memref<64x128xf32, #tpu.memory_space<vmem>>) target(%dma_start3A_64 : memref<64x128xf32, #tpu.memory_space<hbm>>) target_semaphore(%run_scoped3A : memref<!tpu.dma_semaphore, #tpu.memory_space<semaphore_mem>>)
      %dma_wait3A_65 = arith.constant 0 : i32
      %dma_wait3A_66 = tpu.memref_slice %arg4[%add3A_12, %dma_wait3A_65] : memref<10240x128xf32, #tpu.memory_space<hbm>> -> memref<64x128xf32, #tpu.memory_space<hbm>>
      %dma_wait3A_67 = arith.constant 0 : i32
      %dma_wait3A_68 = tpu.memref_slice %arg4[%add3A_12, %dma_wait3A_67] : memref<10240x128xf32, #tpu.memory_space<hbm>> -> memref<64x128xf32, #tpu.memory_space<hbm>>
      tpu.wait_dma2 semaphore(%run_scoped3A : memref<!tpu.dma_semaphore, #tpu.memory_space<semaphore_mem>>) src(%arg6 : memref<64x128xf32, #tpu.memory_space<vmem>>) dst(%dma_wait3A_68 : memref<64x128xf32, #tpu.memory_space<hbm>>)
      tpu.yield
    }) : () -> ()
    %dma_start3A_13 = arith.constant 64 : i32
    %dma_start3A_14 = tpu.memref_slice %arg5[%dma_start3A_13] : memref<320xi32, #tpu.memory_space<vmem>> -> memref<64xi32, #tpu.memory_space<vmem>>
    %dma_start3A_15 = arith.constant 0 : i32
    %dma_start3A_16 = arith.constant 0 : i32
    %dma_start3A_17 = tpu.memref_slice %arg2[%dma_start3A_15, %dma_start3A_16] : memref<101x128xf32, #tpu.memory_space<hbm>> -> memref<101x128xf32, #tpu.memory_space<hbm>>
    tpu.enqueue_indirect_dma source(%dma_start3A_17 : memref<101x128xf32, #tpu.memory_space<hbm>>) target(%arg6 : memref<64x128xf32, #tpu.memory_space<vmem>>) offsets(%dma_start3A_14 : memref<64xi32, #tpu.memory_space<vmem>>) semaphore(%arg7 : memref<!tpu.dma_semaphore, #tpu.memory_space<semaphore_mem>>)
    %dma_wait3A_18 = arith.constant 64 : i32
    %dma_wait3A_19 = tpu.memref_slice %arg5[%dma_wait3A_18] : memref<320xi32, #tpu.memory_space<vmem>> -> memref<64xi32, #tpu.memory_space<vmem>>
    %dma_wait3A_20 = arith.constant 0 : i32
    %dma_wait3A_21 = arith.constant 0 : i32
    %dma_wait3A_22 = tpu.memref_slice %arg2[%dma_wait3A_20, %dma_wait3A_21] : memref<101x128xf32, #tpu.memory_space<hbm>> -> memref<101x128xf32, #tpu.memory_space<hbm>>
    tpu.wait_indirect_dma semaphore(%arg7 : memref<!tpu.dma_semaphore, #tpu.memory_space<semaphore_mem>>) src(%dma_wait3A_22 : memref<101x128xf32, #tpu.memory_space<hbm>>) dst(%arg6 : memref<64x128xf32, #tpu.memory_space<vmem>>)
    %add3A_23 = arith.constant 64 : i32
    %add3A_24 = arith.addi %mul3A_2, %add3A_23 : i32
    "tpu.region"() ({
      %run_scoped3A = tpu.sem_alloc : memref<!tpu.dma_semaphore, #tpu.memory_space<semaphore_mem>>
      %dma_start3A_61 = arith.constant 0 : i32
      %dma_start3A_62 = tpu.memref_slice %arg4[%add3A_24, %dma_start3A_61] : memref<10240x128xf32, #tpu.memory_space<hbm>> -> memref<64x128xf32, #tpu.memory_space<hbm>>
      %dma_start3A_63 = arith.constant 0 : i32
      %dma_start3A_64 = tpu.memref_slice %arg4[%add3A_24, %dma_start3A_63] : memref<10240x128xf32, #tpu.memory_space<hbm>> -> memref<64x128xf32, #tpu.memory_space<hbm>>
      tpu.enqueue_dma source(%arg6 : memref<64x128xf32, #tpu.memory_space<vmem>>) target(%dma_start3A_64 : memref<64x128xf32, #tpu.memory_space<hbm>>) target_semaphore(%run_scoped3A : memref<!tpu.dma_semaphore, #tpu.memory_space<semaphore_mem>>)
      %dma_wait3A_65 = arith.constant 0 : i32
      %dma_wait3A_66 = tpu.memref_slice %arg4[%add3A_24, %dma_wait3A_65] : memref<10240x128xf32, #tpu.memory_space<hbm>> -> memref<64x128xf32, #tpu.memory_space<hbm>>
      %dma_wait3A_67 = arith.constant 0 : i32
      %dma_wait3A_68 = tpu.memref_slice %arg4[%add3A_24, %dma_wait3A_67] : memref<10240x128xf32, #tpu.memory_space<hbm>> -> memref<64x128xf32, #tpu.memory_space<hbm>>
      tpu.wait_dma2 semaphore(%run_scoped3A : memref<!tpu.dma_semaphore, #tpu.memory_space<semaphore_mem>>) src(%arg6 : memref<64x128xf32, #tpu.memory_space<vmem>>) dst(%dma_wait3A_68 : memref<64x128xf32, #tpu.memory_space<hbm>>)
      tpu.yield
    }) : () -> ()
    %dma_start3A_25 = arith.constant 128 : i32
    %dma_start3A_26 = tpu.memref_slice %arg5[%dma_start3A_25] : memref<320xi32, #tpu.memory_space<vmem>> -> memref<64xi32, #tpu.memory_space<vmem>>
    %dma_start3A_27 = arith.constant 0 : i32
    %dma_start3A_28 = arith.constant 0 : i32
    %dma_start3A_29 = tpu.memref_slice %arg2[%dma_start3A_27, %dma_start3A_28] : memref<101x128xf32, #tpu.memory_space<hbm>> -> memref<101x128xf32, #tpu.memory_space<hbm>>
    tpu.enqueue_indirect_dma source(%dma_start3A_29 : memref<101x128xf32, #tpu.memory_space<hbm>>) target(%arg6 : memref<64x128xf32, #tpu.memory_space<vmem>>) offsets(%dma_start3A_26 : memref<64xi32, #tpu.memory_space<vmem>>) semaphore(%arg7 : memref<!tpu.dma_semaphore, #tpu.memory_space<semaphore_mem>>)
    %dma_wait3A_30 = arith.constant 128 : i32
    %dma_wait3A_31 = tpu.memref_slice %arg5[%dma_wait3A_30] : memref<320xi32, #tpu.memory_space<vmem>> -> memref<64xi32, #tpu.memory_space<vmem>>
    %dma_wait3A_32 = arith.constant 0 : i32
    %dma_wait3A_33 = arith.constant 0 : i32
    %dma_wait3A_34 = tpu.memref_slice %arg2[%dma_wait3A_32, %dma_wait3A_33] : memref<101x128xf32, #tpu.memory_space<hbm>> -> memref<101x128xf32, #tpu.memory_space<hbm>>
    tpu.wait_indirect_dma semaphore(%arg7 : memref<!tpu.dma_semaphore, #tpu.memory_space<semaphore_mem>>) src(%dma_wait3A_34 : memref<101x128xf32, #tpu.memory_space<hbm>>) dst(%arg6 : memref<64x128xf32, #tpu.memory_space<vmem>>)
    %add3A_35 = arith.constant 128 : i32
    %add3A_36 = arith.addi %mul3A_2, %add3A_35 : i32
    "tpu.region"() ({
      %run_scoped3A = tpu.sem_alloc : memref<!tpu.dma_semaphore, #tpu.memory_space<semaphore_mem>>
      %dma_start3A_61 = arith.constant 0 : i32
      %dma_start3A_62 = tpu.memref_slice %arg4[%add3A_36, %dma_start3A_61] : memref<10240x128xf32, #tpu.memory_space<hbm>> -> memref<64x128xf32, #tpu.memory_space<hbm>>
      %dma_start3A_63 = arith.constant 0 : i32
      %dma_start3A_64 = tpu.memref_slice %arg4[%add3A_36, %dma_start3A_63] : memref<10240x128xf32, #tpu.memory_space<hbm>> -> memref<64x128xf32, #tpu.memory_space<hbm>>
      tpu.enqueue_dma source(%arg6 : memref<64x128xf32, #tpu.memory_space<vmem>>) target(%dma_start3A_64 : memref<64x128xf32, #tpu.memory_space<hbm>>) target_semaphore(%run_scoped3A : memref<!tpu.dma_semaphore, #tpu.memory_space<semaphore_mem>>)
      %dma_wait3A_65 = arith.constant 0 : i32
      %dma_wait3A_66 = tpu.memref_slice %arg4[%add3A_36, %dma_wait3A_65] : memref<10240x128xf32, #tpu.memory_space<hbm>> -> memref<64x128xf32, #tpu.memory_space<hbm>>
      %dma_wait3A_67 = arith.constant 0 : i32
      %dma_wait3A_68 = tpu.memref_slice %arg4[%add3A_36, %dma_wait3A_67] : memref<10240x128xf32, #tpu.memory_space<hbm>> -> memref<64x128xf32, #tpu.memory_space<hbm>>
      tpu.wait_dma2 semaphore(%run_scoped3A : memref<!tpu.dma_semaphore, #tpu.memory_space<semaphore_mem>>) src(%arg6 : memref<64x128xf32, #tpu.memory_space<vmem>>) dst(%dma_wait3A_68 : memref<64x128xf32, #tpu.memory_space<hbm>>)
      tpu.yield
    }) : () -> ()
    %dma_start3A_37 = arith.constant 192 : i32
    %dma_start3A_38 = tpu.memref_slice %arg5[%dma_start3A_37] : memref<320xi32, #tpu.memory_space<vmem>> -> memref<64xi32, #tpu.memory_space<vmem>>
    %dma_start3A_39 = arith.constant 0 : i32
    %dma_start3A_40 = arith.constant 0 : i32
    %dma_start3A_41 = tpu.memref_slice %arg2[%dma_start3A_39, %dma_start3A_40] : memref<101x128xf32, #tpu.memory_space<hbm>> -> memref<101x128xf32, #tpu.memory_space<hbm>>
    tpu.enqueue_indirect_dma source(%dma_start3A_41 : memref<101x128xf32, #tpu.memory_space<hbm>>) target(%arg6 : memref<64x128xf32, #tpu.memory_space<vmem>>) offsets(%dma_start3A_38 : memref<64xi32, #tpu.memory_space<vmem>>) semaphore(%arg7 : memref<!tpu.dma_semaphore, #tpu.memory_space<semaphore_mem>>)
    %dma_wait3A_42 = arith.constant 192 : i32
    %dma_wait3A_43 = tpu.memref_slice %arg5[%dma_wait3A_42] : memref<320xi32, #tpu.memory_space<vmem>> -> memref<64xi32, #tpu.memory_space<vmem>>
    %dma_wait3A_44 = arith.constant 0 : i32
    %dma_wait3A_45 = arith.constant 0 : i32
    %dma_wait3A_46 = tpu.memref_slice %arg2[%dma_wait3A_44, %dma_wait3A_45] : memref<101x128xf32, #tpu.memory_space<hbm>> -> memref<101x128xf32, #tpu.memory_space<hbm>>
    tpu.wait_indirect_dma semaphore(%arg7 : memref<!tpu.dma_semaphore, #tpu.memory_space<semaphore_mem>>) src(%dma_wait3A_46 : memref<101x128xf32, #tpu.memory_space<hbm>>) dst(%arg6 : memref<64x128xf32, #tpu.memory_space<vmem>>)
    %add3A_47 = arith.constant 192 : i32
    %add3A_48 = arith.addi %mul3A_2, %add3A_47 : i32
    "tpu.region"() ({
      %run_scoped3A = tpu.sem_alloc : memref<!tpu.dma_semaphore, #tpu.memory_space<semaphore_mem>>
      %dma_start3A_61 = arith.constant 0 : i32
      %dma_start3A_62 = tpu.memref_slice %arg4[%add3A_48, %dma_start3A_61] : memref<10240x128xf32, #tpu.memory_space<hbm>> -> memref<64x128xf32, #tpu.memory_space<hbm>>
      %dma_start3A_63 = arith.constant 0 : i32
      %dma_start3A_64 = tpu.memref_slice %arg4[%add3A_48, %dma_start3A_63] : memref<10240x128xf32, #tpu.memory_space<hbm>> -> memref<64x128xf32, #tpu.memory_space<hbm>>
      tpu.enqueue_dma source(%arg6 : memref<64x128xf32, #tpu.memory_space<vmem>>) target(%dma_start3A_64 : memref<64x128xf32, #tpu.memory_space<hbm>>) target_semaphore(%run_scoped3A : memref<!tpu.dma_semaphore, #tpu.memory_space<semaphore_mem>>)
      %dma_wait3A_65 = arith.constant 0 : i32
      %dma_wait3A_66 = tpu.memref_slice %arg4[%add3A_48, %dma_wait3A_65] : memref<10240x128xf32, #tpu.memory_space<hbm>> -> memref<64x128xf32, #tpu.memory_space<hbm>>
      %dma_wait3A_67 = arith.constant 0 : i32
      %dma_wait3A_68 = tpu.memref_slice %arg4[%add3A_48, %dma_wait3A_67] : memref<10240x128xf32, #tpu.memory_space<hbm>> -> memref<64x128xf32, #tpu.memory_space<hbm>>
      tpu.wait_dma2 semaphore(%run_scoped3A : memref<!tpu.dma_semaphore, #tpu.memory_space<semaphore_mem>>) src(%arg6 : memref<64x128xf32, #tpu.memory_space<vmem>>) dst(%dma_wait3A_68 : memref<64x128xf32, #tpu.memory_space<hbm>>)
      tpu.yield
    }) : () -> ()
    %dma_start3A_49 = arith.constant 256 : i32
    %dma_start3A_50 = tpu.memref_slice %arg5[%dma_start3A_49] : memref<320xi32, #tpu.memory_space<vmem>> -> memref<64xi32, #tpu.memory_space<vmem>>
    %dma_start3A_51 = arith.constant 0 : i32
    %dma_start3A_52 = arith.constant 0 : i32
    %dma_start3A_53 = tpu.memref_slice %arg2[%dma_start3A_51, %dma_start3A_52] : memref<101x128xf32, #tpu.memory_space<hbm>> -> memref<101x128xf32, #tpu.memory_space<hbm>>
    tpu.enqueue_indirect_dma source(%dma_start3A_53 : memref<101x128xf32, #tpu.memory_space<hbm>>) target(%arg6 : memref<64x128xf32, #tpu.memory_space<vmem>>) offsets(%dma_start3A_50 : memref<64xi32, #tpu.memory_space<vmem>>) semaphore(%arg7 : memref<!tpu.dma_semaphore, #tpu.memory_space<semaphore_mem>>)
    %dma_wait3A_54 = arith.constant 256 : i32
    %dma_wait3A_55 = tpu.memref_slice %arg5[%dma_wait3A_54] : memref<320xi32, #tpu.memory_space<vmem>> -> memref<64xi32, #tpu.memory_space<vmem>>
    %dma_wait3A_56 = arith.constant 0 : i32
    %dma_wait3A_57 = arith.constant 0 : i32
    %dma_wait3A_58 = tpu.memref_slice %arg2[%dma_wait3A_56, %dma_wait3A_57] : memref<101x128xf32, #tpu.memory_space<hbm>> -> memref<101x128xf32, #tpu.memory_space<hbm>>
    tpu.wait_indirect_dma semaphore(%arg7 : memref<!tpu.dma_semaphore, #tpu.memory_space<semaphore_mem>>) src(%dma_wait3A_58 : memref<101x128xf32, #tpu.memory_space<hbm>>) dst(%arg6 : memref<64x128xf32, #tpu.memory_space<vmem>>)
    %add3A_59 = arith.constant 256 : i32
    %add3A_60 = arith.addi %mul3A_2, %add3A_59 : i32
    "tpu.region"() ({
      %run_scoped3A = tpu.sem_alloc : memref<!tpu.dma_semaphore, #tpu.memory_space<semaphore_mem>>
      %dma_start3A_61 = arith.constant 0 : i32
      %dma_start3A_62 = tpu.memref_slice %arg4[%add3A_60, %dma_start3A_61] : memref<10240x128xf32, #tpu.memory_space<hbm>> -> memref<64x128xf32, #tpu.memory_space<hbm>>
      %dma_start3A_63 = arith.constant 0 : i32
      %dma_start3A_64 = tpu.memref_slice %arg4[%add3A_60, %dma_start3A_63] : memref<10240x128xf32, #tpu.memory_space<hbm>> -> memref<64x128xf32, #tpu.memory_space<hbm>>
      tpu.enqueue_dma source(%arg6 : memref<64x128xf32, #tpu.memory_space<vmem>>) target(%dma_start3A_64 : memref<64x128xf32, #tpu.memory_space<hbm>>) target_semaphore(%run_scoped3A : memref<!tpu.dma_semaphore, #tpu.memory_space<semaphore_mem>>)
      %dma_wait3A_65 = arith.constant 0 : i32
      %dma_wait3A_66 = tpu.memref_slice %arg4[%add3A_60, %dma_wait3A_65] : memref<10240x128xf32, #tpu.memory_space<hbm>> -> memref<64x128xf32, #tpu.memory_space<hbm>>
      %dma_wait3A_67 = arith.constant 0 : i32
      %dma_wait3A_68 = tpu.memref_slice %arg4[%add3A_60, %dma_wait3A_67] : memref<10240x128xf32, #tpu.memory_space<hbm>> -> memref<64x128xf32, #tpu.memory_space<hbm>>
      tpu.wait_dma2 semaphore(%run_scoped3A : memref<!tpu.dma_semaphore, #tpu.memory_space<semaphore_mem>>) src(%arg6 : memref<64x128xf32, #tpu.memory_space<vmem>>) dst(%dma_wait3A_68 : memref<64x128xf32, #tpu.memory_space<hbm>>)
      tpu.yield
    }) : () -> ()
    return
  }
}

module attributes {stable_mosaic.version = 14 : i64} {
  func.func @_prep_body(%arg0: memref<10240x128xf32, #tpu.memory_space<vmem>>, %arg1: memref<128x128xf32, #tpu.memory_space<vmem>>, %arg2: memref<128x128xf32, #tpu.memory_space<vmem>>, %arg3: memref<10240x128xf32, #tpu.memory_space<vmem>>, %arg4: memref<10240x128xf32, #tpu.memory_space<vmem>>) attributes {dimension_semantics = [], scalar_prefetch = 0 : i64, scratch_operands = 0 : i64, tpu.core_type = #tpu.core_type<tc>} {
    %get3A = arith.constant 0 : index
    %get3A_0 = arith.constant 0 : index
    %get3A_1 = vector.load %arg0[%get3A, %get3A_0] : memref<10240x128xf32, #tpu.memory_space<vmem>>, vector<10240x128xf32>
    %get3A_2 = arith.constant 0 : index
    %get3A_3 = arith.constant 0 : index
    %get3A_4 = vector.load %arg1[%get3A_2, %get3A_3] : memref<128x128xf32, #tpu.memory_space<vmem>>, vector<128x128xf32>
    %dot_general3A = arith.constant dense<0.000000e+00> : vector<10240x128xf32>
    %dot_general3A_5 = tpu.matmul %get3A_1, %get3A_4, %dot_general3A {dimension_numbers = #tpu.dot_dimension_numbers<[1], [0], [0], [1], [0, 0, 1, 1], [], []>, transpose_lhs_hint = false} : vector<10240x128xf32>, vector<128x128xf32>, vector<10240x128xf32> -> vector<10240x128xf32>
    %swap3A = arith.constant 0 : index
    %swap3A_6 = arith.constant 0 : index
    %swap3A_7 = vector.load %arg3[%swap3A, %swap3A_6] : memref<10240x128xf32, #tpu.memory_space<vmem>>, vector<10240x128xf32>
    tpu.vector_store %arg3[%swap3A, %swap3A_6], %dot_general3A_5 {strides = array<i32>} : memref<10240x128xf32, #tpu.memory_space<vmem>>, vector<10240x128xf32>,
    %get3A_8 = arith.constant 0 : index
    %get3A_9 = arith.constant 0 : index
    %get3A_10 = vector.load %arg0[%get3A_8, %get3A_9] : memref<10240x128xf32, #tpu.memory_space<vmem>>, vector<10240x128xf32>
    %get3A_11 = arith.constant 0 : index
    %get3A_12 = arith.constant 0 : index
    %get3A_13 = vector.load %arg2[%get3A_11, %get3A_12] : memref<128x128xf32, #tpu.memory_space<vmem>>, vector<128x128xf32>
    %dot_general3A_14 = arith.constant dense<0.000000e+00> : vector<10240x128xf32>
    %dot_general3A_15 = tpu.matmul %get3A_10, %get3A_13, %dot_general3A_14 {dimension_numbers = #tpu.dot_dimension_numbers<[1], [0], [0], [1], [0, 0, 1, 1], [], []>, transpose_lhs_hint = false} : vector<10240x128xf32>, vector<128x128xf32>, vector<10240x128xf32> -> vector<10240x128xf32>
    %swap3A_16 = arith.constant 0 : index
    %swap3A_17 = arith.constant 0 : index
    %swap3A_18 = vector.load %arg4[%swap3A_16, %swap3A_17] : memref<10240x128xf32, #tpu.memory_space<vmem>>, vector<10240x128xf32>
    tpu.vector_store %arg4[%swap3A_16, %swap3A_17], %dot_general3A_15 {strides = array<i32>} : memref<10240x128xf32, #tpu.memory_space<vmem>>, vector<10240x128xf32>,
    return
  }
}

module attributes {stable_mosaic.version = 14 : i64} {
  func.func @body(%arg0: i32, %arg1: memref<1024x128xf32, #tpu.memory_space<vmem>>, %arg2: memref<1024x128xf32, #tpu.memory_space<vmem>>, %arg3: memref<1024x128xf32, #tpu.memory_space<vmem>>, %arg4: memref<1024x128xf32, #tpu.memory_space<vmem>>, %arg5: memref<1024x1xf32, #tpu.memory_space<vmem>>, %arg6: memref<1024x1xf32, #tpu.memory_space<vmem>>, %arg7: memref<1024x1xf32, #tpu.memory_space<vmem>>, %arg8: memref<1024x1xf32, #tpu.memory_space<vmem>>, %arg9: memref<1x1x1024xi32, #tpu.memory_space<vmem>>, %arg10: memref<1x1x3072xf32, #tpu.memory_space<vmem>>, %arg11: memref<32x128xf32, #tpu.memory_space<vmem>>, %arg12: memref<32x128xf32, #tpu.memory_space<vmem>>, %arg13: memref<32x128xf32, #tpu.memory_space<vmem>>, %arg14: memref<1x128xf32, #tpu.memory_space<vmem>>, %arg15: memref<1x128xf32, #tpu.memory_space<vmem>>, %arg16: memref<128x128xf32, #tpu.memory_space<vmem>>, %arg17: memref<1x128xf32, #tpu.memory_space<vmem>>, %arg18: memref<128x32xf32, #tpu.memory_space<vmem>>, %arg19: memref<1x32xf32, #tpu.memory_space<vmem>>, %arg20: memref<16x32xf32, #tpu.memory_space<vmem>>, %arg21: memref<16x64xf32, #tpu.memory_space<vmem>>, %arg22: memref<16x64xf32, #tpu.memory_space<vmem>>, %arg23: memref<32x128xf32, #tpu.memory_space<vmem>>, %arg24: memref<1x128xf32, #tpu.memory_space<vmem>>, %arg25: memref<128x128xbf16, #tpu.memory_space<vmem>>, %arg26: memref<1x128xf32, #tpu.memory_space<vmem>>, %arg27: memref<128x64xbf16, #tpu.memory_space<vmem>>, %arg28: memref<1x64xf32, #tpu.memory_space<vmem>>, %arg29: memref<64x1024xf32, #tpu.memory_space<vmem>>, %arg30: memref<64x1xf32, #tpu.memory_space<vmem>>) attributes {dimension_semantics = [#tpu.dimension_semantics<arbitrary>], iteration_bounds = array<i64: 24>, scalar_prefetch = 0 : i64, scratch_operands = 0 : i64, tpu.core_type = #tpu.core_type<tc>, window_params = [{transform_indices = @transform_0, window_bounds = array<i64: 1024, 128>}, {transform_indices = @transform_1, window_bounds = array<i64: 1024, 128>}, {transform_indices = @transform_2, window_bounds = array<i64: 1024, 128>}, {transform_indices = @transform_3, window_bounds = array<i64: 1024, 128>}, {transform_indices = @transform_4, window_bounds = array<i64: 1024, 1>}, {transform_indices = @transform_5, window_bounds = array<i64: 1024, 1>}, {transform_indices = @transform_6, window_bounds = array<i64: 1024, 1>}, {transform_indices = @transform_7, window_bounds = array<i64: 1024, 1>}, {transform_indices = @transform_8, window_bounds = array<i64: 1, 1, 1024>}, {transform_indices = @transform_9, window_bounds = array<i64: 1, 1, 3072>}, {pipeline_mode = #tpu.pipeline_mode<synchronous>, transform_indices = @transform_10, window_bounds = array<i64: 32, 128>}, {pipeline_mode = #tpu.pipeline_mode<synchronous>, transform_indices = @transform_11, window_bounds = array<i64: 32, 128>}, {pipeline_mode = #tpu.pipeline_mode<synchronous>, transform_indices = @transform_12, window_bounds = array<i64: 32, 128>}, {pipeline_mode = #tpu.pipeline_mode<synchronous>, transform_indices = @transform_13, window_bounds = array<i64: 1, 128>}, {pipeline_mode = #tpu.pipeline_mode<synchronous>, transform_indices = @transform_14, window_bounds = array<i64: 1, 128>}, {pipeline_mode = #tpu.pipeline_mode<synchronous>, transform_indices = @transform_15, window_bounds = array<i64: 128, 128>}, {pipeline_mode = #tpu.pipeline_mode<synchronous>, transform_indices = @transform_16, window_bounds = array<i64: 1, 128>}, {pipeline_mode = #tpu.pipeline_mode<synchronous>, transform_indices = @transform_17, window_bounds = array<i64: 128, 32>}, {pipeline_mode = #tpu.pipeline_mode<synchronous>, transform_indices = @transform_18, window_bounds = array<i64: 1, 32>}, {pipeline_mode = #tpu.pipeline_mode<synchronous>, transform_indices = @transform_19, window_bounds = array<i64: 16, 32>}, {pipeline_mode = #tpu.pipeline_mode<synchronous>, transform_indices = @transform_20, window_bounds = array<i64: 16, 64>}, {pipeline_mode = #tpu.pipeline_mode<synchronous>, transform_indices = @transform_21, window_bounds = array<i64: 16, 64>}, {pipeline_mode = #tpu.pipeline_mode<synchronous>, transform_indices = @transform_22, window_bounds = array<i64: 32, 128>}, {pipeline_mode = #tpu.pipeline_mode<synchronous>, transform_indices = @transform_23, window_bounds = array<i64: 1, 128>}, {pipeline_mode = #tpu.pipeline_mode<synchronous>, transform_indices = @transform_24, window_bounds = array<i64: 128, 128>}, {pipeline_mode = #tpu.pipeline_mode<synchronous>, transform_indices = @transform_25, window_bounds = array<i64: 1, 128>}, {pipeline_mode = #tpu.pipeline_mode<synchronous>, transform_indices = @transform_26, window_bounds = array<i64: 128, 64>}, {pipeline_mode = #tpu.pipeline_mode<synchronous>, transform_indices = @transform_27, window_bounds = array<i64: 1, 64>}, {pipeline_mode = #tpu.pipeline_mode<synchronous>, transform_indices = @transform_28, window_bounds = array<i64: 64, 1024>}, {pipeline_mode = #tpu.pipeline_mode<synchronous>, transform_indices = @transform_29, window_bounds = array<i64: 64, 1>}]} {
    %eq3A = arith.constant 0 : i32
    %eq3A_0 = arith.cmpi eq, %arg0, %eq3A : i32
    %convert_element_type3A = arith.extui %eq3A_0 : i1 to i32
    %cond3A = arith.constant 0 : i32
    %cond3A_1 = arith.cmpi ne, %convert_element_type3A, %cond3A : i32
    scf.if %cond3A_1 {
      %broadcast_in_dim3A_362 = arith.constant 0.000000e+00 : f32
      %broadcast_in_dim3A_363 = vector.broadcast %broadcast_in_dim3A_362 : f32 to vector<64x1024xf32>
      %swap3A_364 = arith.constant 0 : index
      %swap3A_365 = arith.constant 0 : index
      %swap3A_366 = vector.load %arg29[%swap3A_364, %swap3A_365] : memref<64x1024xf32, #tpu.memory_space<vmem>>, vector<64x1024xf32>
      tpu.vector_store %arg29[%swap3A_364, %swap3A_365], %broadcast_in_dim3A_363 {strides = array<i32>} : memref<64x1024xf32, #tpu.memory_space<vmem>>, vector<64x1024xf32>,
      %broadcast_in_dim3A_367 = arith.constant 0.000000e+00 : f32
      %broadcast_in_dim3A_368 = vector.broadcast %broadcast_in_dim3A_367 : f32 to vector<64x1xf32>
      %swap3A_369 = arith.constant 0 : index
      %swap3A_370 = arith.constant 0 : index
      %swap3A_371 = vector.load %arg30[%swap3A_369, %swap3A_370] : memref<64x1xf32, #tpu.memory_space<vmem>>, vector<64x1xf32>
      tpu.vector_store %arg30[%swap3A_369, %swap3A_370], %broadcast_in_dim3A_368 {strides = array<i32>} : memref<64x1xf32, #tpu.memory_space<vmem>>, vector<64x1xf32>,
    } else {
    }
    %iota3A = tpu.iota {dimensions = array<i32: 1>} : vector<1x32xi32>
    %convert_element_type3A_2 = arith.sitofp %iota3A : vector<1x32xi32> to vector<1x32xf32>
    %mul3A = arith.constant 0.193548381 : f32
    %mul3A_3 = vector.broadcast %mul3A : f32 to vector<1x32xf32>
    %mul3A_4 = arith.mulf %convert_element_type3A_2, %mul3A_3 : vector<1x32xf32>
    %get3A = arith.constant 0 : index
    %get3A_5 = arith.constant 0 : index
    %get3A_6 = vector.load %arg5[%get3A, %get3A_5] : memref<1024x1xf32, #tpu.memory_space<vmem>>, vector<1024x1xf32>
    %get3A_7 = arith.constant 0 : index
    %get3A_8 = arith.constant 0 : index
    %get3A_9 = vector.load %arg6[%get3A_7, %get3A_8] : memref<1024x1xf32, #tpu.memory_space<vmem>>, vector<1024x1xf32>
    %get3A_10 = arith.constant 0 : index
    %get3A_11 = arith.constant 0 : index
    %get3A_12 = vector.load %arg7[%get3A_10, %get3A_11] : memref<1024x1xf32, #tpu.memory_space<vmem>>, vector<1024x1xf32>
    %get3A_13 = arith.constant 0 : index
    %get3A_14 = arith.constant 0 : index
    %get3A_15 = vector.load %arg1[%get3A_13, %get3A_14] : memref<1024x128xf32, #tpu.memory_space<vmem>>, vector<1024x128xf32>
    %get3A_16 = arith.constant 0 : index
    %get3A_17 = arith.constant 0 : index
    %get3A_18 = vector.load %arg2[%get3A_16, %get3A_17] : memref<1024x128xf32, #tpu.memory_space<vmem>>, vector<1024x128xf32>
    %add3A = arith.addf %get3A_15, %get3A_18 : vector<1024x128xf32>
    %min3A = arith.constant 6.000000e+00 : f32
    %min3A_19 = vector.broadcast %min3A : f32 to vector<1024x1xf32>
    %min3A_20 = arith.minimumf %get3A_6, %min3A_19 : vector<1024x1xf32>
    %sub3A = vector.broadcast %min3A_20 : vector<1024x1xf32> to vector<1024x32xf32>
    %sub3A_21 = vector.broadcast %mul3A_4 : vector<1x32xf32> to vector<1024x32xf32>
    %sub3A_22 = arith.subf %sub3A, %sub3A_21 : vector<1024x32xf32>
    %div3A = arith.constant 0.193548381 : f32
    %div3A_23 = vector.broadcast %div3A : f32 to vector<1024x32xf32>
    %div3A_24 = arith.divf %sub3A_22, %div3A_23 : vector<1024x32xf32>
    %integer_pow3A = arith.mulf %div3A_24, %div3A_24 : vector<1024x32xf32>
    %mul3A_25 = arith.constant -5.000000e-01 : f32
    %mul3A_26 = vector.broadcast %mul3A_25 : f32 to vector<1024x32xf32>
    %mul3A_27 = arith.mulf %mul3A_26, %integer_pow3A : vector<1024x32xf32>
    %exp3A = math.exp %mul3A_27 : vector<1024x32xf32>
    %get3A_28 = arith.constant 0 : index
    %get3A_29 = arith.constant 0 : index
    %get3A_30 = vector.load %arg11[%get3A_28, %get3A_29] : memref<32x128xf32, #tpu.memory_space<vmem>>, vector<32x128xf32>
    %dot_general3A = arith.constant dense<0.000000e+00> : vector<1024x128xf32>
    %dot_general3A_31 = tpu.matmul %exp3A, %get3A_30, %dot_general3A {dimension_numbers = #tpu.dot_dimension_numbers<[1], [0], [0], [1], [0, 0, 1, 1], [], []>, transpose_lhs_hint = false} : vector<1024x32xf32>, vector<32x128xf32>, vector<1024x128xf32> -> vector<1024x128xf32>
    %add3A_32 = arith.addf %add3A, %dot_general3A_31 : vector<1024x128xf32>
    %min3A_33 = arith.constant 6.000000e+00 : f32
    %min3A_34 = vector.broadcast %min3A_33 : f32 to vector<1024x1xf32>
    %min3A_35 = arith.minimumf %get3A_9, %min3A_34 : vector<1024x1xf32>
    %sub3A_36 = vector.broadcast %min3A_35 : vector<1024x1xf32> to vector<1024x32xf32>
    %sub3A_37 = vector.broadcast %mul3A_4 : vector<1x32xf32> to vector<1024x32xf32>
    %sub3A_38 = arith.subf %sub3A_36, %sub3A_37 : vector<1024x32xf32>
    %div3A_39 = arith.constant 0.193548381 : f32
    %div3A_40 = vector.broadcast %div3A_39 : f32 to vector<1024x32xf32>
    %div3A_41 = arith.divf %sub3A_38, %div3A_40 : vector<1024x32xf32>
    %integer_pow3A_42 = arith.mulf %div3A_41, %div3A_41 : vector<1024x32xf32>
    %mul3A_43 = arith.constant -5.000000e-01 : f32
    %mul3A_44 = vector.broadcast %mul3A_43 : f32 to vector<1024x32xf32>
    %mul3A_45 = arith.mulf %mul3A_44, %integer_pow3A_42 : vector<1024x32xf32>
    %exp3A_46 = math.exp %mul3A_45 : vector<1024x32xf32>
    %get3A_47 = arith.constant 0 : index
    %get3A_48 = arith.constant 0 : index
    %get3A_49 = vector.load %arg12[%get3A_47, %get3A_48] : memref<32x128xf32, #tpu.memory_space<vmem>>, vector<32x128xf32>
    %dot_general3A_50 = arith.constant dense<0.000000e+00> : vector<1024x128xf32>
    %dot_general3A_51 = tpu.matmul %exp3A_46, %get3A_49, %dot_general3A_50 {dimension_numbers = #tpu.dot_dimension_numbers<[1], [0], [0], [1], [0, 0, 1, 1], [], []>, transpose_lhs_hint = false} : vector<1024x32xf32>, vector<32x128xf32>, vector<1024x128xf32> -> vector<1024x128xf32>
    %add3A_52 = arith.addf %add3A_32, %dot_general3A_51 : vector<1024x128xf32>
    %min3A_53 = arith.constant 6.000000e+00 : f32
    %min3A_54 = vector.broadcast %min3A_53 : f32 to vector<1024x1xf32>
    %min3A_55 = arith.minimumf %get3A_12, %min3A_54 : vector<1024x1xf32>
    %sub3A_56 = vector.broadcast %min3A_55 : vector<1024x1xf32> to vector<1024x32xf32>
    %sub3A_57 = vector.broadcast %mul3A_4 : vector<1x32xf32> to vector<1024x32xf32>
    %sub3A_58 = arith.subf %sub3A_56, %sub3A_57 : vector<1024x32xf32>
    %div3A_59 = arith.constant 0.193548381 : f32
    %div3A_60 = vector.broadcast %div3A_59 : f32 to vector<1024x32xf32>
    %div3A_61 = arith.divf %sub3A_58, %div3A_60 : vector<1024x32xf32>
    %integer_pow3A_62 = arith.mulf %div3A_61, %div3A_61 : vector<1024x32xf32>
    %mul3A_63 = arith.constant -5.000000e-01 : f32
    %mul3A_64 = vector.broadcast %mul3A_63 : f32 to vector<1024x32xf32>
    %mul3A_65 = arith.mulf %mul3A_64, %integer_pow3A_62 : vector<1024x32xf32>
    %exp3A_66 = math.exp %mul3A_65 : vector<1024x32xf32>
    %get3A_67 = arith.constant 0 : index
    %get3A_68 = arith.constant 0 : index
    %get3A_69 = vector.load %arg13[%get3A_67, %get3A_68] : memref<32x128xf32, #tpu.memory_space<vmem>>, vector<32x128xf32>
    %dot_general3A_70 = arith.constant dense<0.000000e+00> : vector<1024x128xf32>
    %dot_general3A_71 = tpu.matmul %exp3A_66, %get3A_69, %dot_general3A_70 {dimension_numbers = #tpu.dot_dimension_numbers<[1], [0], [0], [1], [0, 0, 1, 1], [], []>, transpose_lhs_hint = false} : vector<1024x32xf32>, vector<32x128xf32>, vector<1024x128xf32> -> vector<1024x128xf32>
    %add3A_72 = arith.addf %add3A_52, %dot_general3A_71 : vector<1024x128xf32>
    %get3A_73 = arith.constant 0 : index
    %get3A_74 = arith.constant 0 : index
    %get3A_75 = vector.load %arg8[%get3A_73, %get3A_74] : memref<1024x1xf32, #tpu.memory_space<vmem>>, vector<1024x1xf32>
    %get3A_76 = arith.constant 0 : index
    %get3A_77 = arith.constant 0 : index
    %get3A_78 = vector.load %arg14[%get3A_76, %get3A_77] : memref<1x128xf32, #tpu.memory_space<vmem>>, vector<1x128xf32>
    %mul3A_79 = vector.broadcast %get3A_75 : vector<1024x1xf32> to vector<1024x128xf32>
    %mul3A_80 = vector.broadcast %get3A_78 : vector<1x128xf32> to vector<1024x128xf32>
    %mul3A_81 = arith.mulf %mul3A_79, %mul3A_80 : vector<1024x128xf32>
    %add3A_82 = arith.addf %add3A_72, %mul3A_81 : vector<1024x128xf32>
    %get3A_83 = arith.constant 0 : index
    %get3A_84 = arith.constant 0 : index
    %get3A_85 = vector.load %arg15[%get3A_83, %get3A_84] : memref<1x128xf32, #tpu.memory_space<vmem>>, vector<1x128xf32>
    %add3A_86 = vector.broadcast %get3A_85 : vector<1x128xf32> to vector<1024x128xf32>
    %add3A_87 = arith.addf %add3A_82, %add3A_86 : vector<1024x128xf32>
    %logistic3A = arith.negf %add3A_87 : vector<1024x128xf32>
    %logistic3A_88 = math.exp %logistic3A : vector<1024x128xf32>
    %logistic3A_89 = arith.constant 1.000000e+00 : f32
    %logistic3A_90 = vector.broadcast %logistic3A_89 : f32 to vector<1024x128xf32>
    %logistic3A_91 = arith.addf %logistic3A_90, %logistic3A_88 : vector<1024x128xf32>
    %logistic3A_92 = arith.divf %logistic3A_90, %logistic3A_91 : vector<1024x128xf32>
    %mul3A_93 = arith.mulf %add3A_87, %logistic3A_92 : vector<1024x128xf32>
    %convert_element_type3A_94 = arith.truncf %mul3A_93 : vector<1024x128xf32> to vector<1024x128xbf16>
    %get3A_95 = arith.constant 0 : index
    %get3A_96 = arith.constant 0 : index
    %get3A_97 = vector.load %arg16[%get3A_95, %get3A_96] : memref<128x128xf32, #tpu.memory_space<vmem>>, vector<128x128xf32>
    %convert_element_type3A_98 = arith.truncf %get3A_97 : vector<128x128xf32> to vector<128x128xbf16>
    %dot_general3A_99 = arith.constant dense<0.000000e+00> : vector<1024x128xf32>
    %dot_general3A_100 = tpu.matmul %convert_element_type3A_94, %convert_element_type3A_98, %dot_general3A_99 {dimension_numbers = #tpu.dot_dimension_numbers<[1], [0], [0], [1], [0, 0, 1, 1], [], []>, transpose_lhs_hint = false} : vector<1024x128xbf16>, vector<128x128xbf16>, vector<1024x128xf32> -> vector<1024x128xf32>
    %get3A_101 = arith.constant 0 : index
    %get3A_102 = arith.constant 0 : index
    %get3A_103 = vector.load %arg17[%get3A_101, %get3A_102] : memref<1x128xf32, #tpu.memory_space<vmem>>, vector<1x128xf32>
    %add3A_104 = vector.broadcast %get3A_103 : vector<1x128xf32> to vector<1024x128xf32>
    %add3A_105 = arith.addf %dot_general3A_100, %add3A_104 : vector<1024x128xf32>
    %logistic3A_106 = arith.negf %add3A_105 : vector<1024x128xf32>
    %logistic3A_107 = math.exp %logistic3A_106 : vector<1024x128xf32>
    %logistic3A_108 = arith.constant 1.000000e+00 : f32
    %logistic3A_109 = vector.broadcast %logistic3A_108 : f32 to vector<1024x128xf32>
    %logistic3A_110 = arith.addf %logistic3A_109, %logistic3A_107 : vector<1024x128xf32>
    %logistic3A_111 = arith.divf %logistic3A_109, %logistic3A_110 : vector<1024x128xf32>
    %mul3A_112 = arith.mulf %add3A_105, %logistic3A_111 : vector<1024x128xf32>
    %convert_element_type3A_113 = arith.truncf %mul3A_112 : vector<1024x128xf32> to vector<1024x128xbf16>
    %get3A_114 = arith.constant 0 : index
    %get3A_115 = arith.constant 0 : index
    %get3A_116 = vector.load %arg18[%get3A_114, %get3A_115] : memref<128x32xf32, #tpu.memory_space<vmem>>, vector<128x32xf32>
    %convert_element_type3A_117 = arith.truncf %get3A_116 : vector<128x32xf32> to vector<128x32xbf16>
    %dot_general3A_118 = arith.constant dense<0.000000e+00> : vector<1024x32xf32>
    %dot_general3A_119 = tpu.matmul %convert_element_type3A_113, %convert_element_type3A_117, %dot_general3A_118 {dimension_numbers = #tpu.dot_dimension_numbers<[1], [0], [0], [1], [0, 0, 1, 1], [], []>, transpose_lhs_hint = false} : vector<1024x128xbf16>, vector<128x32xbf16>, vector<1024x32xf32> -> vector<1024x32xf32>
    %get3A_120 = arith.constant 0 : index
    %get3A_121 = arith.constant 0 : index
    %get3A_122 = vector.load %arg19[%get3A_120, %get3A_121] : memref<1x32xf32, #tpu.memory_space<vmem>>, vector<1x32xf32>
    %add3A_123 = vector.broadcast %get3A_122 : vector<1x32xf32> to vector<1024x32xf32>
    %add3A_124 = arith.addf %dot_general3A_119, %add3A_123 : vector<1024x32xf32>
    %get3A_125 = arith.constant 0 : index
    %get3A_126 = arith.constant 0 : index
    %get3A_127 = arith.constant 0 : index
    %get3A_128 = vector.load %arg10[%get3A_125, %get3A_126, %get3A_127] : memref<1x1x3072xf32, #tpu.memory_space<vmem>>, vector<1x1x3072xf32>
    %reshape3A = vector.shape_cast %get3A_128 : vector<1x1x3072xf32> to vector<1x3072xf32>
    %mul3A_129 = arith.constant 3.14159274 : f32
    %mul3A_130 = vector.broadcast %mul3A_129 : f32 to vector<1x3072xf32>
    %mul3A_131 = arith.mulf %mul3A_130, %reshape3A : vector<1x3072xf32>
    %div3A_132 = arith.constant 6.000000e+00 : f32
    %div3A_133 = vector.broadcast %div3A_132 : f32 to vector<1x3072xf32>
    %div3A_134 = arith.divf %mul3A_131, %div3A_133 : vector<1x3072xf32>
    %cos3A = math.cos %div3A_134 : vector<1x3072xf32>
    %add3A_135 = arith.constant 1.000000e+00 : f32
    %add3A_136 = vector.broadcast %add3A_135 : f32 to vector<1x3072xf32>
    %add3A_137 = arith.addf %cos3A, %add3A_136 : vector<1x3072xf32>
    %mul3A_138 = arith.constant 5.000000e-01 : f32
    %mul3A_139 = vector.broadcast %mul3A_138 : f32 to vector<1x3072xf32>
    %mul3A_140 = arith.mulf %mul3A_139, %add3A_137 : vector<1x3072xf32>
    %lt3A = arith.constant 6.000000e+00 : f32
    %lt3A_141 = vector.broadcast %lt3A : f32 to vector<1x3072xf32>
    %lt3A_142 = arith.cmpf olt, %reshape3A, %lt3A_141 : vector<1x3072xf32>
    %convert_element_type3A_143 = arith.extui %lt3A_142 : vector<1x3072xi1> to vector<1x3072xi32>
    %convert_element_type3A_144 = arith.sitofp %convert_element_type3A_143 : vector<1x3072xi32> to vector<1x3072xf32>
    %mul3A_145 = arith.mulf %mul3A_140, %convert_element_type3A_144 : vector<1x3072xf32>
    %slice3A = vector.extract_strided_slice %mul3A_145 {offsets = [0, 0], sizes = [1, 1024], strides = [1, 1]} : vector<1x3072xf32> to vector<1x1024xf32>
    %slice3A_146 = vector.extract_strided_slice %mul3A_145 {offsets = [0, 1024], sizes = [1, 1024], strides = [1, 1]} : vector<1x3072xf32> to vector<1x1024xf32>
    %mul3A_147 = arith.mulf %slice3A, %slice3A_146 : vector<1x1024xf32>
    %slice3A_148 = vector.extract_strided_slice %mul3A_145 {offsets = [0, 2048], sizes = [1, 1024], strides = [1, 1]} : vector<1x3072xf32> to vector<1x1024xf32>
    %mul3A_149 = arith.mulf %mul3A_147, %slice3A_148 : vector<1x1024xf32>
    %get3A_150 = arith.constant 0 : index
    %get3A_151 = arith.constant 0 : index
    %get3A_152 = arith.constant 0 : index
    %get3A_153 = vector.load %arg9[%get3A_150, %get3A_151, %get3A_152] : memref<1x1x1024xi32, #tpu.memory_space<vmem>>, vector<1x1x1024xi32>
    %reshape3A_154 = vector.shape_cast %get3A_153 : vector<1x1x1024xi32> to vector<1x1024xi32>
    %iota3A_155 = tpu.iota {dimensions = array<i32: 0>} : vector<64x1xi32>
    %eq3A_156 = vector.broadcast %reshape3A_154 : vector<1x1024xi32> to vector<64x1024xi32>
    %eq3A_157 = vector.broadcast %iota3A_155 : vector<64x1xi32> to vector<64x1024xi32>
    %eq3A_158 = arith.cmpi eq, %eq3A_156, %eq3A_157 : vector<64x1024xi32>
    %jit3A = arith.constant 0.000000e+00 : f32
    %broadcast_in_dim3A = vector.shape_cast %mul3A_149 : vector<1x1024xf32> to vector<1x1024xf32>
    %broadcast_in_dim3A_159 = vector.broadcast %broadcast_in_dim3A : vector<1x1024xf32> to vector<64x1024xf32>
    %broadcast_in_dim3A_160 = vector.broadcast %jit3A : f32 to vector<64x1024xf32>
    %select_n3A = arith.select %eq3A_158, %broadcast_in_dim3A_159, %broadcast_in_dim3A_160 : vector<64x1024xi1>, vector<64x1024xf32>
    %get3A_161 = arith.constant 0 : index
    %get3A_162 = arith.constant 0 : index
    %get3A_163 = vector.load %arg20[%get3A_161, %get3A_162] : memref<16x32xf32, #tpu.memory_space<vmem>>, vector<16x32xf32>
    %get3A_164 = arith.constant 0 : index
    %get3A_165 = arith.constant 0 : index
    %get3A_166 = vector.load %arg23[%get3A_164, %get3A_165] : memref<32x128xf32, #tpu.memory_space<vmem>>, vector<32x128xf32>
    %dot_general3A_167 = arith.constant dense<0.000000e+00> : vector<16x128xf32>
    %dot_general3A_168 = tpu.matmul %get3A_163, %get3A_166, %dot_general3A_167 {dimension_numbers = #tpu.dot_dimension_numbers<[1], [0], [0], [1], [0, 0, 1, 1], [], []>, transpose_lhs_hint = false} : vector<16x32xf32>, vector<32x128xf32>, vector<16x128xf32> -> vector<16x128xf32>
    %get3A_169 = arith.constant 0 : index
    %get3A_170 = arith.constant 0 : index
    %get3A_171 = vector.load %arg24[%get3A_169, %get3A_170] : memref<1x128xf32, #tpu.memory_space<vmem>>, vector<1x128xf32>
    %add3A_172 = vector.broadcast %get3A_171 : vector<1x128xf32> to vector<16x128xf32>
    %add3A_173 = arith.addf %dot_general3A_168, %add3A_172 : vector<16x128xf32>
    %get3A_174 = arith.constant 0 : index
    %get3A_175 = arith.constant 0 : index
    %get3A_176 = vector.load %arg3[%get3A_174, %get3A_175] : memref<1024x128xf32, #tpu.memory_space<vmem>>, vector<1024x128xf32>
    %slice3A_177 = vector.extract_strided_slice %get3A_176 {offsets = [0, 0], sizes = [1024, 16], strides = [1, 1]} : vector<1024x128xf32> to vector<1024x16xf32>
    %get3A_178 = arith.constant 0 : index
    %get3A_179 = arith.constant 0 : index
    %get3A_180 = vector.load %arg21[%get3A_178, %get3A_179] : memref<16x64xf32, #tpu.memory_space<vmem>>, vector<16x64xf32>
    %dot_general3A_181 = arith.constant dense<0.000000e+00> : vector<1024x64xf32>
    %dot_general3A_182 = tpu.matmul %slice3A_177, %get3A_180, %dot_general3A_181 {dimension_numbers = #tpu.dot_dimension_numbers<[1], [0], [0], [1], [0, 0, 1, 1], [], []>, transpose_lhs_hint = false} : vector<1024x16xf32>, vector<16x64xf32>, vector<1024x64xf32> -> vector<1024x64xf32>
    %get3A_183 = arith.constant 0 : index
    %get3A_184 = arith.constant 0 : index
    %get3A_185 = vector.load %arg4[%get3A_183, %get3A_184] : memref<1024x128xf32, #tpu.memory_space<vmem>>, vector<1024x128xf32>
    %slice3A_186 = vector.extract_strided_slice %get3A_185 {offsets = [0, 0], sizes = [1024, 16], strides = [1, 1]} : vector<1024x128xf32> to vector<1024x16xf32>
    %get3A_187 = arith.constant 0 : index
    %get3A_188 = arith.constant 0 : index
    %get3A_189 = vector.load %arg22[%get3A_187, %get3A_188] : memref<16x64xf32, #tpu.memory_space<vmem>>, vector<16x64xf32>
    %dot_general3A_190 = arith.constant dense<0.000000e+00> : vector<1024x64xf32>
    %dot_general3A_191 = tpu.matmul %slice3A_186, %get3A_189, %dot_general3A_190 {dimension_numbers = #tpu.dot_dimension_numbers<[1], [0], [0], [1], [0, 0, 1, 1], [], []>, transpose_lhs_hint = false} : vector<1024x16xf32>, vector<16x64xf32>, vector<1024x64xf32> -> vector<1024x64xf32>
    %add3A_192 = arith.addf %dot_general3A_182, %dot_general3A_191 : vector<1024x64xf32>
    %concatenate3A = tpu.concatenate %add3A_192, %add3A_192 in 1 : vector<1024x64xf32>, vector<1024x64xf32> -> vector<1024x128xf32>
    %slice3A_193 = vector.extract_strided_slice %add3A_173 {offsets = [0, 0], sizes = [1, 128], strides = [1, 1]} : vector<16x128xf32> to vector<1x128xf32>
    %add3A_194 = vector.broadcast %slice3A_193 : vector<1x128xf32> to vector<1024x128xf32>
    %add3A_195 = arith.addf %concatenate3A, %add3A_194 : vector<1024x128xf32>
    %slice3A_196 = vector.extract_strided_slice %add3A_173 {offsets = [1, 0], sizes = [1, 128], strides = [1, 1]} : vector<16x128xf32> to vector<1x128xf32>
    %add3A_197 = vector.broadcast %slice3A_196 : vector<1x128xf32> to vector<1024x128xf32>
    %add3A_198 = arith.addf %concatenate3A, %add3A_197 : vector<1024x128xf32>
    %slice3A_199 = vector.extract_strided_slice %add3A_173 {offsets = [2, 0], sizes = [1, 128], strides = [1, 1]} : vector<16x128xf32> to vector<1x128xf32>
    %add3A_200 = vector.broadcast %slice3A_199 : vector<1x128xf32> to vector<1024x128xf32>
    %add3A_201 = arith.addf %concatenate3A, %add3A_200 : vector<1024x128xf32>
    %slice3A_202 = vector.extract_strided_slice %add3A_173 {offsets = [3, 0], sizes = [1, 128], strides = [1, 1]} : vector<16x128xf32> to vector<1x128xf32>
    %add3A_203 = vector.broadcast %slice3A_202 : vector<1x128xf32> to vector<1024x128xf32>
    %add3A_204 = arith.addf %concatenate3A, %add3A_203 : vector<1024x128xf32>
    %slice3A_205 = vector.extract_strided_slice %add3A_173 {offsets = [4, 0], sizes = [1, 128], strides = [1, 1]} : vector<16x128xf32> to vector<1x128xf32>
    %add3A_206 = vector.broadcast %slice3A_205 : vector<1x128xf32> to vector<1024x128xf32>
    %add3A_207 = arith.addf %concatenate3A, %add3A_206 : vector<1024x128xf32>
    %slice3A_208 = vector.extract_strided_slice %add3A_173 {offsets = [5, 0], sizes = [1, 128], strides = [1, 1]} : vector<16x128xf32> to vector<1x128xf32>
    %add3A_209 = vector.broadcast %slice3A_208 : vector<1x128xf32> to vector<1024x128xf32>
    %add3A_210 = arith.addf %concatenate3A, %add3A_209 : vector<1024x128xf32>
    %slice3A_211 = vector.extract_strided_slice %add3A_173 {offsets = [6, 0], sizes = [1, 128], strides = [1, 1]} : vector<16x128xf32> to vector<1x128xf32>
    %add3A_212 = vector.broadcast %slice3A_211 : vector<1x128xf32> to vector<1024x128xf32>
    %add3A_213 = arith.addf %concatenate3A, %add3A_212 : vector<1024x128xf32>
    %slice3A_214 = vector.extract_strided_slice %add3A_173 {offsets = [7, 0], sizes = [1, 128], strides = [1, 1]} : vector<16x128xf32> to vector<1x128xf32>
    %add3A_215 = vector.broadcast %slice3A_214 : vector<1x128xf32> to vector<1024x128xf32>
    %add3A_216 = arith.addf %concatenate3A, %add3A_215 : vector<1024x128xf32>
    %slice3A_217 = vector.extract_strided_slice %add3A_173 {offsets = [8, 0], sizes = [1, 128], strides = [1, 1]} : vector<16x128xf32> to vector<1x128xf32>
    %add3A_218 = vector.broadcast %slice3A_217 : vector<1x128xf32> to vector<1024x128xf32>
    %add3A_219 = arith.addf %concatenate3A, %add3A_218 : vector<1024x128xf32>
    %slice3A_220 = vector.extract_strided_slice %add3A_173 {offsets = [9, 0], sizes = [1, 128], strides = [1, 1]} : vector<16x128xf32> to vector<1x128xf32>
    %add3A_221 = vector.broadcast %slice3A_220 : vector<1x128xf32> to vector<1024x128xf32>
    %add3A_222 = arith.addf %concatenate3A, %add3A_221 : vector<1024x128xf32>
    %slice3A_223 = vector.extract_strided_slice %add3A_173 {offsets = [10, 0], sizes = [1, 128], strides = [1, 1]} : vector<16x128xf32> to vector<1x128xf32>
    %add3A_224 = vector.broadcast %slice3A_223 : vector<1x128xf32> to vector<1024x128xf32>
    %add3A_225 = arith.addf %concatenate3A, %add3A_224 : vector<1024x128xf32>
    %slice3A_226 = vector.extract_strided_slice %add3A_173 {offsets = [11, 0], sizes = [1, 128], strides = [1, 1]} : vector<16x128xf32> to vector<1x128xf32>
    %add3A_227 = vector.broadcast %slice3A_226 : vector<1x128xf32> to vector<1024x128xf32>
    %add3A_228 = arith.addf %concatenate3A, %add3A_227 : vector<1024x128xf32>
    %slice3A_229 = vector.extract_strided_slice %add3A_173 {offsets = [12, 0], sizes = [1, 128], strides = [1, 1]} : vector<16x128xf32> to vector<1x128xf32>
    %add3A_230 = vector.broadcast %slice3A_229 : vector<1x128xf32> to vector<1024x128xf32>
    %add3A_231 = arith.addf %concatenate3A, %add3A_230 : vector<1024x128xf32>
    %slice3A_232 = vector.extract_strided_slice %add3A_173 {offsets = [13, 0], sizes = [1, 128], strides = [1, 1]} : vector<16x128xf32> to vector<1x128xf32>
    %add3A_233 = vector.broadcast %slice3A_232 : vector<1x128xf32> to vector<1024x128xf32>
    %add3A_234 = arith.addf %concatenate3A, %add3A_233 : vector<1024x128xf32>
    %slice3A_235 = vector.extract_strided_slice %add3A_173 {offsets = [14, 0], sizes = [1, 128], strides = [1, 1]} : vector<16x128xf32> to vector<1x128xf32>
    %add3A_236 = vector.broadcast %slice3A_235 : vector<1x128xf32> to vector<1024x128xf32>
    %add3A_237 = arith.addf %concatenate3A, %add3A_236 : vector<1024x128xf32>
    %slice3A_238 = vector.extract_strided_slice %add3A_173 {offsets = [15, 0], sizes = [1, 128], strides = [1, 1]} : vector<16x128xf32> to vector<1x128xf32>
    %add3A_239 = vector.broadcast %slice3A_238 : vector<1x128xf32> to vector<1024x128xf32>
    %add3A_240 = arith.addf %concatenate3A, %add3A_239 : vector<1024x128xf32>
    %concatenate3A_241 = tpu.concatenate %add3A_195, %add3A_198, %add3A_201, %add3A_204, %add3A_207, %add3A_210, %add3A_213, %add3A_216, %add3A_219, %add3A_222, %add3A_225, %add3A_228, %add3A_231, %add3A_234, %add3A_237, %add3A_240 in 0 : vector<1024x128xf32>, vector<1024x128xf32>, vector<1024x128xf32>, vector<1024x128xf32>, vector<1024x128xf32>, vector<1024x128xf32>, vector<1024x128xf32>, vector<1024x128xf32>, vector<1024x128xf32>, vector<1024x128xf32>, vector<1024x128xf32>, vector<1024x128xf32>, vector<1024x128xf32>, vector<1024x128xf32>, vector<1024x128xf32>, vector<1024x128xf32> -> vector<16384x128xf32>
    %convert_element_type3A_242 = arith.truncf %concatenate3A_241 : vector<16384x128xf32> to vector<16384x128xbf16>
    %logistic3A_243 = arith.negf %convert_element_type3A_242 : vector<16384x128xbf16>
    %logistic3A_244 = math.exp %logistic3A_243 : vector<16384x128xbf16>
    %logistic3A_245 = arith.constant 1.000000e+00 : bf16
    %logistic3A_246 = vector.broadcast %logistic3A_245 : bf16 to vector<16384x128xbf16>
    %logistic3A_247 = arith.addf %logistic3A_246, %logistic3A_244 : vector<16384x128xbf16>
    %logistic3A_248 = arith.divf %logistic3A_246, %logistic3A_247 : vector<16384x128xbf16>
    %mul3A_249 = arith.mulf %convert_element_type3A_242, %logistic3A_248 : vector<16384x128xbf16>
    %get3A_250 = arith.constant 0 : index
    %get3A_251 = arith.constant 0 : index
    %get3A_252 = vector.load %arg25[%get3A_250, %get3A_251] : memref<128x128xbf16, #tpu.memory_space<vmem>>, vector<128x128xbf16>
    %dot_general3A_253 = arith.constant dense<0.000000e+00> : vector<16384x128xf32>
    %dot_general3A_254 = tpu.matmul %mul3A_249, %get3A_252, %dot_general3A_253 {dimension_numbers = #tpu.dot_dimension_numbers<[1], [0], [0], [1], [0, 0, 1, 1], [], []>, transpose_lhs_hint = false} : vector<16384x128xbf16>, vector<128x128xbf16>, vector<16384x128xf32> -> vector<16384x128xf32>
    %get3A_255 = arith.constant 0 : index
    %get3A_256 = arith.constant 0 : index
    %get3A_257 = vector.load %arg26[%get3A_255, %get3A_256] : memref<1x128xf32, #tpu.memory_space<vmem>>, vector<1x128xf32>
    %add3A_258 = vector.broadcast %get3A_257 : vector<1x128xf32> to vector<16384x128xf32>
    %add3A_259 = arith.addf %dot_general3A_254, %add3A_258 : vector<16384x128xf32>
    %convert_element_type3A_260 = arith.truncf %add3A_259 : vector<16384x128xf32> to vector<16384x128xbf16>
    %logistic3A_261 = arith.negf %convert_element_type3A_260 : vector<16384x128xbf16>
    %logistic3A_262 = math.exp %logistic3A_261 : vector<16384x128xbf16>
    %logistic3A_263 = arith.constant 1.000000e+00 : bf16
    %logistic3A_264 = vector.broadcast %logistic3A_263 : bf16 to vector<16384x128xbf16>
    %logistic3A_265 = arith.addf %logistic3A_264, %logistic3A_262 : vector<16384x128xbf16>
    %logistic3A_266 = arith.divf %logistic3A_264, %logistic3A_265 : vector<16384x128xbf16>
    %mul3A_267 = arith.mulf %convert_element_type3A_260, %logistic3A_266 : vector<16384x128xbf16>
    %get3A_268 = arith.constant 0 : index
    %get3A_269 = arith.constant 0 : index
    %get3A_270 = vector.load %arg27[%get3A_268, %get3A_269] : memref<128x64xbf16, #tpu.memory_space<vmem>>, vector<128x64xbf16>
    %dot_general3A_271 = arith.constant dense<0.000000e+00> : vector<16384x64xf32>
    %dot_general3A_272 = tpu.matmul %mul3A_267, %get3A_270, %dot_general3A_271 {dimension_numbers = #tpu.dot_dimension_numbers<[1], [0], [0], [1], [0, 0, 1, 1], [], []>, transpose_lhs_hint = false} : vector<16384x128xbf16>, vector<128x64xbf16>, vector<16384x64xf32> -> vector<16384x64xf32>
    %get3A_273 = arith.constant 0 : index
    %get3A_274 = arith.constant 0 : index
    %get3A_275 = vector.load %arg28[%get3A_273, %get3A_274] : memref<1x64xf32, #tpu.memory_space<vmem>>, vector<1x64xf32>
    %add3A_276 = vector.broadcast %get3A_275 : vector<1x64xf32> to vector<16384x64xf32>
    %add3A_277 = arith.addf %dot_general3A_272, %add3A_276 : vector<16384x64xf32>
    %slice3A_278 = vector.extract_strided_slice %add3A_277 {offsets = [0, 0], sizes = [1024, 32], strides = [1, 1]} : vector<16384x64xf32> to vector<1024x32xf32>
    %mul3A_279 = arith.mulf %slice3A_278, %add3A_124 : vector<1024x32xf32>
    %slice3A_280 = vector.extract_strided_slice %add3A_277 {offsets = [0, 32], sizes = [1024, 32], strides = [1, 1]} : vector<16384x64xf32> to vector<1024x32xf32>
    %mul3A_281 = arith.mulf %slice3A_280, %add3A_124 : vector<1024x32xf32>
    %slice3A_282 = vector.extract_strided_slice %add3A_277 {offsets = [1024, 0], sizes = [1024, 32], strides = [1, 1]} : vector<16384x64xf32> to vector<1024x32xf32>
    %mul3A_283 = arith.mulf %slice3A_282, %add3A_124 : vector<1024x32xf32>
    %slice3A_284 = vector.extract_strided_slice %add3A_277 {offsets = [1024, 32], sizes = [1024, 32], strides = [1, 1]} : vector<16384x64xf32> to vector<1024x32xf32>
    %mul3A_285 = arith.mulf %slice3A_284, %add3A_124 : vector<1024x32xf32>
    %slice3A_286 = vector.extract_strided_slice %add3A_277 {offsets = [2048, 0], sizes = [1024, 32], strides = [1, 1]} : vector<16384x64xf32> to vector<1024x32xf32>
    %mul3A_287 = arith.mulf %slice3A_286, %add3A_124 : vector<1024x32xf32>
    %slice3A_288 = vector.extract_strided_slice %add3A_277 {offsets = [2048, 32], sizes = [1024, 32], strides = [1, 1]} : vector<16384x64xf32> to vector<1024x32xf32>
    %mul3A_289 = arith.mulf %slice3A_288, %add3A_124 : vector<1024x32xf32>
    %slice3A_290 = vector.extract_strided_slice %add3A_277 {offsets = [3072, 0], sizes = [1024, 32], strides = [1, 1]} : vector<16384x64xf32> to vector<1024x32xf32>
    %mul3A_291 = arith.mulf %slice3A_290, %add3A_124 : vector<1024x32xf32>
    %slice3A_292 = vector.extract_strided_slice %add3A_277 {offsets = [3072, 32], sizes = [1024, 32], strides = [1, 1]} : vector<16384x64xf32> to vector<1024x32xf32>
    %mul3A_293 = arith.mulf %slice3A_292, %add3A_124 : vector<1024x32xf32>
    %slice3A_294 = vector.extract_strided_slice %add3A_277 {offsets = [4096, 0], sizes = [1024, 32], strides = [1, 1]} : vector<16384x64xf32> to vector<1024x32xf32>
    %mul3A_295 = arith.mulf %slice3A_294, %add3A_124 : vector<1024x32xf32>
    %slice3A_296 = vector.extract_strided_slice %add3A_277 {offsets = [4096, 32], sizes = [1024, 32], strides = [1, 1]} : vector<16384x64xf32> to vector<1024x32xf32>
    %mul3A_297 = arith.mulf %slice3A_296, %add3A_124 : vector<1024x32xf32>
    %slice3A_298 = vector.extract_strided_slice %add3A_277 {offsets = [5120, 0], sizes = [1024, 32], strides = [1, 1]} : vector<16384x64xf32> to vector<1024x32xf32>
    %mul3A_299 = arith.mulf %slice3A_298, %add3A_124 : vector<1024x32xf32>
    %slice3A_300 = vector.extract_strided_slice %add3A_277 {offsets = [5120, 32], sizes = [1024, 32], strides = [1, 1]} : vector<16384x64xf32> to vector<1024x32xf32>
    %mul3A_301 = arith.mulf %slice3A_300, %add3A_124 : vector<1024x32xf32>
    %slice3A_302 = vector.extract_strided_slice %add3A_277 {offsets = [6144, 0], sizes = [1024, 32], strides = [1, 1]} : vector<16384x64xf32> to vector<1024x32xf32>
    %mul3A_303 = arith.mulf %slice3A_302, %add3A_124 : vector<1024x32xf32>
    %slice3A_304 = vector.extract_strided_slice %add3A_277 {offsets = [6144, 32], sizes = [1024, 32], strides = [1, 1]} : vector<16384x64xf32> to vector<1024x32xf32>
    %mul3A_305 = arith.mulf %slice3A_304, %add3A_124 : vector<1024x32xf32>
    %slice3A_306 = vector.extract_strided_slice %add3A_277 {offsets = [7168, 0], sizes = [1024, 32], strides = [1, 1]} : vector<16384x64xf32> to vector<1024x32xf32>
    %mul3A_307 = arith.mulf %slice3A_306, %add3A_124 : vector<1024x32xf32>
    %slice3A_308 = vector.extract_strided_slice %add3A_277 {offsets = [7168, 32], sizes = [1024, 32], strides = [1, 1]} : vector<16384x64xf32> to vector<1024x32xf32>
    %mul3A_309 = arith.mulf %slice3A_308, %add3A_124 : vector<1024x32xf32>
    %slice3A_310 = vector.extract_strided_slice %add3A_277 {offsets = [8192, 0], sizes = [1024, 32], strides = [1, 1]} : vector<16384x64xf32> to vector<1024x32xf32>
    %mul3A_311 = arith.mulf %slice3A_310, %add3A_124 : vector<1024x32xf32>
    %slice3A_312 = vector.extract_strided_slice %add3A_277 {offsets = [8192, 32], sizes = [1024, 32], strides = [1, 1]} : vector<16384x64xf32> to vector<1024x32xf32>
    %mul3A_313 = arith.mulf %slice3A_312, %add3A_124 : vector<1024x32xf32>
    %slice3A_314 = vector.extract_strided_slice %add3A_277 {offsets = [9216, 0], sizes = [1024, 32], strides = [1, 1]} : vector<16384x64xf32> to vector<1024x32xf32>
    %mul3A_315 = arith.mulf %slice3A_314, %add3A_124 : vector<1024x32xf32>
    %slice3A_316 = vector.extract_strided_slice %add3A_277 {offsets = [9216, 32], sizes = [1024, 32], strides = [1, 1]} : vector<16384x64xf32> to vector<1024x32xf32>
    %mul3A_317 = arith.mulf %slice3A_316, %add3A_124 : vector<1024x32xf32>
    %slice3A_318 = vector.extract_strided_slice %add3A_277 {offsets = [10240, 0], sizes = [1024, 32], strides = [1, 1]} : vector<16384x64xf32> to vector<1024x32xf32>
    %mul3A_319 = arith.mulf %slice3A_318, %add3A_124 : vector<1024x32xf32>
    %slice3A_320 = vector.extract_strided_slice %add3A_277 {offsets = [10240, 32], sizes = [1024, 32], strides = [1, 1]} : vector<16384x64xf32> to vector<1024x32xf32>
    %mul3A_321 = arith.mulf %slice3A_320, %add3A_124 : vector<1024x32xf32>
    %slice3A_322 = vector.extract_strided_slice %add3A_277 {offsets = [11264, 0], sizes = [1024, 32], strides = [1, 1]} : vector<16384x64xf32> to vector<1024x32xf32>
    %mul3A_323 = arith.mulf %slice3A_322, %add3A_124 : vector<1024x32xf32>
    %slice3A_324 = vector.extract_strided_slice %add3A_277 {offsets = [11264, 32], sizes = [1024, 32], strides = [1, 1]} : vector<16384x64xf32> to vector<1024x32xf32>
    %mul3A_325 = arith.mulf %slice3A_324, %add3A_124 : vector<1024x32xf32>
    %slice3A_326 = vector.extract_strided_slice %add3A_277 {offsets = [12288, 0], sizes = [1024, 32], strides = [1, 1]} : vector<16384x64xf32> to vector<1024x32xf32>
    %mul3A_327 = arith.mulf %slice3A_326, %add3A_124 : vector<1024x32xf32>
    %slice3A_328 = vector.extract_strided_slice %add3A_277 {offsets = [12288, 32], sizes = [1024, 32], strides = [1, 1]} : vector<16384x64xf32> to vector<1024x32xf32>
    %mul3A_329 = arith.mulf %slice3A_328, %add3A_124 : vector<1024x32xf32>
    %slice3A_330 = vector.extract_strided_slice %add3A_277 {offsets = [13312, 0], sizes = [1024, 32], strides = [1, 1]} : vector<16384x64xf32> to vector<1024x32xf32>
    %mul3A_331 = arith.mulf %slice3A_330, %add3A_124 : vector<1024x32xf32>
    %slice3A_332 = vector.extract_strided_slice %add3A_277 {offsets = [13312, 32], sizes = [1024, 32], strides = [1, 1]} : vector<16384x64xf32> to vector<1024x32xf32>
    %mul3A_333 = arith.mulf %slice3A_332, %add3A_124 : vector<1024x32xf32>
    %slice3A_334 = vector.extract_strided_slice %add3A_277 {offsets = [14336, 0], sizes = [1024, 32], strides = [1, 1]} : vector<16384x64xf32> to vector<1024x32xf32>
    %mul3A_335 = arith.mulf %slice3A_334, %add3A_124 : vector<1024x32xf32>
    %slice3A_336 = vector.extract_strided_slice %add3A_277 {offsets = [14336, 32], sizes = [1024, 32], strides = [1, 1]} : vector<16384x64xf32> to vector<1024x32xf32>
    %mul3A_337 = arith.mulf %slice3A_336, %add3A_124 : vector<1024x32xf32>
    %slice3A_338 = vector.extract_strided_slice %add3A_277 {offsets = [15360, 0], sizes = [1024, 32], strides = [1, 1]} : vector<16384x64xf32> to vector<1024x32xf32>
    %mul3A_339 = arith.mulf %slice3A_338, %add3A_124 : vector<1024x32xf32>
    %slice3A_340 = vector.extract_strided_slice %add3A_277 {offsets = [15360, 32], sizes = [1024, 32], strides = [1, 1]} : vector<16384x64xf32> to vector<1024x32xf32>
    %mul3A_341 = arith.mulf %slice3A_340, %add3A_124 : vector<1024x32xf32>
    %concatenate3A_342 = tpu.concatenate %mul3A_279, %mul3A_281, %mul3A_283, %mul3A_285, %mul3A_287, %mul3A_289, %mul3A_291, %mul3A_293, %mul3A_295, %mul3A_297, %mul3A_299, %mul3A_301, %mul3A_303, %mul3A_305, %mul3A_307, %mul3A_309, %mul3A_311, %mul3A_313, %mul3A_315, %mul3A_317, %mul3A_319, %mul3A_321, %mul3A_323, %mul3A_325, %mul3A_327, %mul3A_329, %mul3A_331, %mul3A_333, %mul3A_335, %mul3A_337, %mul3A_339, %mul3A_341 in 1 : vector<1024x32xf32>, vector<1024x32xf32>, vector<1024x32xf32>, vector<1024x32xf32>, vector<1024x32xf32>, vector<1024x32xf32>, vector<1024x32xf32>, vector<1024x32xf32>, vector<1024x32xf32>, vector<1024x32xf32>, vector<1024x32xf32>, vector<1024x32xf32>, vector<1024x32xf32>, vector<1024x32xf32>, vector<1024x32xf32>, vector<1024x32xf32>, vector<1024x32xf32>, vector<1024x32xf32>, vector<1024x32xf32>, vector<1024x32xf32>, vector<1024x32xf32>, vector<1024x32xf32>, vector<1024x32xf32>, vector<1024x32xf32>, vector<1024x32xf32>, vector<1024x32xf32>, vector<1024x32xf32>, vector<1024x32xf32>, vector<1024x32xf32>, vector<1024x32xf32>, vector<1024x32xf32>, vector<1024x32xf32> -> vector<1024x1024xf32>
    %get3A_343 = arith.constant 0 : index
    %get3A_344 = arith.constant 0 : index
    %get3A_345 = vector.load %arg29[%get3A_343, %get3A_344] : memref<64x1024xf32, #tpu.memory_space<vmem>>, vector<64x1024xf32>
    %convert_element_type3A_346 = arith.truncf %select_n3A : vector<64x1024xf32> to vector<64x1024xbf16>
    %convert_element_type3A_347 = arith.truncf %concatenate3A_342 : vector<1024x1024xf32> to vector<1024x1024xbf16>
    %dot_general3A_348 = arith.constant dense<0.000000e+00> : vector<64x1024xf32>
    %dot_general3A_349 = tpu.matmul %convert_element_type3A_346, %convert_element_type3A_347, %dot_general3A_348 {dimension_numbers = #tpu.dot_dimension_numbers<[1], [0], [0], [1], [0, 0, 1, 1], [], []>, transpose_lhs_hint = false} : vector<64x1024xbf16>, vector<1024x1024xbf16>, vector<64x1024xf32> -> vector<64x1024xf32>
    %add3A_350 = arith.addf %get3A_345, %dot_general3A_349 : vector<64x1024xf32>
    %swap3A = arith.constant 0 : index
    %swap3A_351 = arith.constant 0 : index
    %swap3A_352 = vector.load %arg29[%swap3A, %swap3A_351] : memref<64x1024xf32, #tpu.memory_space<vmem>>, vector<64x1024xf32>
    tpu.vector_store %arg29[%swap3A, %swap3A_351], %add3A_350 {strides = array<i32>} : memref<64x1024xf32, #tpu.memory_space<vmem>>, vector<64x1024xf32>,
    %get3A_353 = arith.constant 0 : index
    %get3A_354 = arith.constant 0 : index
    %get3A_355 = vector.load %arg30[%get3A_353, %get3A_354] : memref<64x1xf32, #tpu.memory_space<vmem>>, vector<64x1xf32>
    %reduce_sum3A = arith.constant dense<0.000000e+00> : vector<64xf32>
    %reduce_sum3A_356 = vector.multi_reduction <add>, %select_n3A, %reduce_sum3A [1] : vector<64x1024xf32> to vector<64xf32>
    %broadcast_in_dim3A_357 = vector.shape_cast %reduce_sum3A_356 : vector<64xf32> to vector<64x1xf32>
    %add3A_358 = arith.addf %get3A_355, %broadcast_in_dim3A_357 : vector<64x1xf32>
    %swap3A_359 = arith.constant 0 : index
    %swap3A_360 = arith.constant 0 : index
    %swap3A_361 = vector.load %arg30[%swap3A_359, %swap3A_360] : memref<64x1xf32, #tpu.memory_space<vmem>>, vector<64x1xf32>
    tpu.vector_store %arg30[%swap3A_359, %swap3A_360], %add3A_358 {strides = array<i32>} : memref<64x1xf32, #tpu.memory_space<vmem>>, vector<64x1xf32>,
    return
  }
  func.func @transform_0(%arg0: i32) -> (i32, i32) {
    %c0_i32 = arith.constant 0 : i32
    %c0_i32_0 = arith.constant 0 : i32
    return %arg0, %c0_i32 : i32, i32
  }
  func.func @transform_1(%arg0: i32) -> (i32, i32) {
    %c0_i32 = arith.constant 0 : i32
    %c0_i32_0 = arith.constant 0 : i32
    return %arg0, %c0_i32 : i32, i32
  }
  func.func @transform_2(%arg0: i32) -> (i32, i32) {
    %c0_i32 = arith.constant 0 : i32
    %c0_i32_0 = arith.constant 0 : i32
    return %arg0, %c0_i32 : i32, i32
  }
  func.func @transform_3(%arg0: i32) -> (i32, i32) {
    %c0_i32 = arith.constant 0 : i32
    %c0_i32_0 = arith.constant 0 : i32
    return %arg0, %c0_i32 : i32, i32
  }
  func.func @transform_4(%arg0: i32) -> (i32, i32) {
    %c0_i32 = arith.constant 0 : i32
    %c0_i32_0 = arith.constant 0 : i32
    return %arg0, %c0_i32 : i32, i32
  }
  func.func @transform_5(%arg0: i32) -> (i32, i32) {
    %c0_i32 = arith.constant 0 : i32
    %c0_i32_0 = arith.constant 0 : i32
    return %arg0, %c0_i32 : i32, i32
  }
  func.func @transform_6(%arg0: i32) -> (i32, i32) {
    %c0_i32 = arith.constant 0 : i32
    %c0_i32_0 = arith.constant 0 : i32
    return %arg0, %c0_i32 : i32, i32
  }
  func.func @transform_7(%arg0: i32) -> (i32, i32) {
    %c0_i32 = arith.constant 0 : i32
    %c0_i32_0 = arith.constant 0 : i32
    return %arg0, %c0_i32 : i32, i32
  }
  func.func @transform_8(%arg0: i32) -> (i32, i32, i32) {
    %c0_i32 = arith.constant 0 : i32
    %c0_i32_0 = arith.constant 0 : i32
    %c0_i32_1 = arith.constant 0 : i32
    return %arg0, %c0_i32, %c0_i32_0 : i32, i32, i32
  }
  func.func @transform_9(%arg0: i32) -> (i32, i32, i32) {
    %c0_i32 = arith.constant 0 : i32
    %c0_i32_0 = arith.constant 0 : i32
    %c0_i32_1 = arith.constant 0 : i32
    return %arg0, %c0_i32, %c0_i32_0 : i32, i32, i32
  }
  func.func @transform_10(%arg0: i32) -> (i32, i32) {
    %c0_i32 = arith.constant 0 : i32
    %c0_i32_0 = arith.constant 0 : i32
    %c0_i32_1 = arith.constant 0 : i32
    return %c0_i32, %c0_i32_0 : i32, i32
  }
  func.func @transform_11(%arg0: i32) -> (i32, i32) {
    %c0_i32 = arith.constant 0 : i32
    %c0_i32_0 = arith.constant 0 : i32
    %c0_i32_1 = arith.constant 0 : i32
    return %c0_i32, %c0_i32_0 : i32, i32
  }
  func.func @transform_12(%arg0: i32) -> (i32, i32) {
    %c0_i32 = arith.constant 0 : i32
    %c0_i32_0 = arith.constant 0 : i32
    %c0_i32_1 = arith.constant 0 : i32
    return %c0_i32, %c0_i32_0 : i32, i32
  }
  func.func @transform_13(%arg0: i32) -> (i32, i32) {
    %c0_i32 = arith.constant 0 : i32
    %c0_i32_0 = arith.constant 0 : i32
    %c0_i32_1 = arith.constant 0 : i32
    return %c0_i32, %c0_i32_0 : i32, i32
  }
  func.func @transform_14(%arg0: i32) -> (i32, i32) {
    %c0_i32 = arith.constant 0 : i32
    %c0_i32_0 = arith.constant 0 : i32
    %c0_i32_1 = arith.constant 0 : i32
    return %c0_i32, %c0_i32_0 : i32, i32
  }
  func.func @transform_15(%arg0: i32) -> (i32, i32) {
    %c0_i32 = arith.constant 0 : i32
    %c0_i32_0 = arith.constant 0 : i32
    %c0_i32_1 = arith.constant 0 : i32
    return %c0_i32, %c0_i32_0 : i32, i32
  }
  func.func @transform_16(%arg0: i32) -> (i32, i32) {
    %c0_i32 = arith.constant 0 : i32
    %c0_i32_0 = arith.constant 0 : i32
    %c0_i32_1 = arith.constant 0 : i32
    return %c0_i32, %c0_i32_0 : i32, i32
  }
  func.func @transform_17(%arg0: i32) -> (i32, i32) {
    %c0_i32 = arith.constant 0 : i32
    %c0_i32_0 = arith.constant 0 : i32
    %c0_i32_1 = arith.constant 0 : i32
    return %c0_i32, %c0_i32_0 : i32, i32
  }
  func.func @transform_18(%arg0: i32) -> (i32, i32) {
    %c0_i32 = arith.constant 0 : i32
    %c0_i32_0 = arith.constant 0 : i32
    %c0_i32_1 = arith.constant 0 : i32
    return %c0_i32, %c0_i32_0 : i32, i32
  }
  func.func @transform_19(%arg0: i32) -> (i32, i32) {
    %c0_i32 = arith.constant 0 : i32
    %c0_i32_0 = arith.constant 0 : i32
    %c0_i32_1 = arith.constant 0 : i32
    return %c0_i32, %c0_i32_0 : i32, i32
  }
  func.func @transform_20(%arg0: i32) -> (i32, i32) {
    %c0_i32 = arith.constant 0 : i32
    %c0_i32_0 = arith.constant 0 : i32
    %c0_i32_1 = arith.constant 0 : i32
    return %c0_i32, %c0_i32_0 : i32, i32
  }
  func.func @transform_21(%arg0: i32) -> (i32, i32) {
    %c0_i32 = arith.constant 0 : i32
    %c0_i32_0 = arith.constant 0 : i32
    %c0_i32_1 = arith.constant 0 : i32
    return %c0_i32, %c0_i32_0 : i32, i32
  }
  func.func @transform_22(%arg0: i32) -> (i32, i32) {
    %c0_i32 = arith.constant 0 : i32
    %c0_i32_0 = arith.constant 0 : i32
    %c0_i32_1 = arith.constant 0 : i32
    return %c0_i32, %c0_i32_0 : i32, i32
  }
  func.func @transform_23(%arg0: i32) -> (i32, i32) {
    %c0_i32 = arith.constant 0 : i32
    %c0_i32_0 = arith.constant 0 : i32
    %c0_i32_1 = arith.constant 0 : i32
    return %c0_i32, %c0_i32_0 : i32, i32
  }
  func.func @transform_24(%arg0: i32) -> (i32, i32) {
    %c0_i32 = arith.constant 0 : i32
    %c0_i32_0 = arith.constant 0 : i32
    %c0_i32_1 = arith.constant 0 : i32
    return %c0_i32, %c0_i32_0 : i32, i32
  }
  func.func @transform_25(%arg0: i32) -> (i32, i32) {
    %c0_i32 = arith.constant 0 : i32
    %c0_i32_0 = arith.constant 0 : i32
    %c0_i32_1 = arith.constant 0 : i32
    return %c0_i32, %c0_i32_0 : i32, i32
  }
  func.func @transform_26(%arg0: i32) -> (i32, i32) {
    %c0_i32 = arith.constant 0 : i32
    %c0_i32_0 = arith.constant 0 : i32
    %c0_i32_1 = arith.constant 0 : i32
    return %c0_i32, %c0_i32_0 : i32, i32
  }
  func.func @transform_27(%arg0: i32) -> (i32, i32) {
    %c0_i32 = arith.constant 0 : i32
    %c0_i32_0 = arith.constant 0 : i32
    %c0_i32_1 = arith.constant 0 : i32
    return %c0_i32, %c0_i32_0 : i32, i32
  }
  func.func @transform_28(%arg0: i32) -> (i32, i32) {
    %c0_i32 = arith.constant 0 : i32
    %c0_i32_0 = arith.constant 0 : i32
    %c0_i32_1 = arith.constant 0 : i32
    return %c0_i32, %c0_i32_0 : i32, i32
  }
  func.func @transform_29(%arg0: i32) -> (i32, i32) {
    %c0_i32 = arith.constant 0 : i32
    %c0_i32_0 = arith.constant 0 : i32
    %c0_i32_1 = arith.constant 0 : i32
    return %c0_i32, %c0_i32_0 : i32, i32
  }
}

module attributes {stable_mosaic.version = 14 : i64} {
  func.func @_out_body(%arg0: memref<2048x32xf32, #tpu.memory_space<vmem>>, %arg1: memref<2048x1xf32, #tpu.memory_space<vmem>>, %arg2: memref<32x128xf32, #tpu.memory_space<vmem>>, %arg3: memref<1x128xf32, #tpu.memory_space<vmem>>, %arg4: memref<128x64xf32, #tpu.memory_space<vmem>>, %arg5: memref<1x64xf32, #tpu.memory_space<vmem>>, %arg6: memref<2048x64xf32, #tpu.memory_space<vmem>>) attributes {dimension_semantics = [], scalar_prefetch = 0 : i64, scratch_operands = 0 : i64, tpu.core_type = #tpu.core_type<tc>} {
    %get3A = arith.constant 0 : index
    %get3A_0 = arith.constant 0 : index
    %get3A_1 = vector.load %arg0[%get3A, %get3A_0] : memref<2048x32xf32, #tpu.memory_space<vmem>>, vector<2048x32xf32>
    %get3A_2 = arith.constant 0 : index
    %get3A_3 = arith.constant 0 : index
    %get3A_4 = vector.load %arg1[%get3A_2, %get3A_3] : memref<2048x1xf32, #tpu.memory_space<vmem>>, vector<2048x1xf32>
    %max3A = arith.constant 9.99999993E-9 : f32
    %max3A_5 = vector.broadcast %max3A : f32 to vector<2048x1xf32>
    %max3A_6 = arith.maximumf %get3A_4, %max3A_5 : vector<2048x1xf32>
    %div3A = vector.broadcast %max3A_6 : vector<2048x1xf32> to vector<2048x32xf32>
    %div3A_7 = arith.divf %get3A_1, %div3A : vector<2048x32xf32>
    %get3A_8 = arith.constant 0 : index
    %get3A_9 = arith.constant 0 : index
    %get3A_10 = vector.load %arg2[%get3A_8, %get3A_9] : memref<32x128xf32, #tpu.memory_space<vmem>>, vector<32x128xf32>
    %dot_general3A = arith.constant dense<0.000000e+00> : vector<2048x128xf32>
    %dot_general3A_11 = tpu.matmul %div3A_7, %get3A_10, %dot_general3A {dimension_numbers = #tpu.dot_dimension_numbers<[1], [0], [0], [1], [0, 0, 1, 1], [], []>, transpose_lhs_hint = false} : vector<2048x32xf32>, vector<32x128xf32>, vector<2048x128xf32> -> vector<2048x128xf32>
    %get3A_12 = arith.constant 0 : index
    %get3A_13 = arith.constant 0 : index
    %get3A_14 = vector.load %arg3[%get3A_12, %get3A_13] : memref<1x128xf32, #tpu.memory_space<vmem>>, vector<1x128xf32>
    %add3A = vector.broadcast %get3A_14 : vector<1x128xf32> to vector<2048x128xf32>
    %add3A_15 = arith.addf %dot_general3A_11, %add3A : vector<2048x128xf32>
    %logistic3A = arith.negf %add3A_15 : vector<2048x128xf32>
    %logistic3A_16 = math.exp %logistic3A : vector<2048x128xf32>
    %logistic3A_17 = arith.constant 1.000000e+00 : f32
    %logistic3A_18 = vector.broadcast %logistic3A_17 : f32 to vector<2048x128xf32>
    %logistic3A_19 = arith.addf %logistic3A_18, %logistic3A_16 : vector<2048x128xf32>
    %logistic3A_20 = arith.divf %logistic3A_18, %logistic3A_19 : vector<2048x128xf32>
    %mul3A = arith.mulf %add3A_15, %logistic3A_20 : vector<2048x128xf32>
    %get3A_21 = arith.constant 0 : index
    %get3A_22 = arith.constant 0 : index
    %get3A_23 = vector.load %arg4[%get3A_21, %get3A_22] : memref<128x64xf32, #tpu.memory_space<vmem>>, vector<128x64xf32>
    %dot_general3A_24 = arith.constant dense<0.000000e+00> : vector<2048x64xf32>
    %dot_general3A_25 = tpu.matmul %mul3A, %get3A_23, %dot_general3A_24 {dimension_numbers = #tpu.dot_dimension_numbers<[1], [0], [0], [1], [0, 0, 1, 1], [], []>, transpose_lhs_hint = false} : vector<2048x128xf32>, vector<128x64xf32>, vector<2048x64xf32> -> vector<2048x64xf32>
    %get3A_26 = arith.constant 0 : index
    %get3A_27 = arith.constant 0 : index
    %get3A_28 = vector.load %arg5[%get3A_26, %get3A_27] : memref<1x64xf32, #tpu.memory_space<vmem>>, vector<1x64xf32>
    %add3A_29 = vector.broadcast %get3A_28 : vector<1x64xf32> to vector<2048x64xf32>
    %add3A_30 = arith.addf %dot_general3A_25, %add3A_29 : vector<2048x64xf32>
    %swap3A = arith.constant 0 : index
    %swap3A_31 = arith.constant 0 : index
    %swap3A_32 = vector.load %arg6[%swap3A, %swap3A_31] : memref<2048x64xf32, #tpu.memory_space<vmem>>, vector<2048x64xf32>
    tpu.vector_store %arg6[%swap3A, %swap3A_31], %add3A_30 {strides = array<i32>} : memref<2048x64xf32, #tpu.memory_space<vmem>>, vector<2048x64xf32>,
    return
  }
}

</mosaic_0001>

<sc_bundles>
// kernel: kernel.10.cloned.1.call-start
scs
__scs_entry_jumppad:
0x0: {  	(pc) =	sbr.rel $0x88, $3  }
0x1: {  	(tag) =	ssettag $0x0;
	lr =	simm.s32 $0x1  }
0x2: {  	[smem:$0x3F85] =	sst lr;
	_ =	strace $0xD0000000  }
0x3: {  	_ = 	snop  }
0x4: {  	_ = 	snop  }
0x5: {  	_ = 	snop  }
0x6: {  	_ = 	snop  }
0x7: {  	_ = 	snop  }
__scs_overlays_trampoline_lowered:
0x8: {  	[smem:$0x3F94] =	sst s0  }
0x9: {  	[smem:$0x3F95] =	sst s1  }
0xa: {  	[smem:$0x3F96] =	sst s2  }
0xb: {  	[smem:$0x3F97] =	sst s3  }
0xc: {  	[smem:$0x3F98] =	sst s4  }
0xd: {  	[smem:$0x3F99] =	sst s5  }
0xe: {  	[smem:$0x3F9A] =	sst s6  }
0xf: {  	[smem:$0x3F9B] =	sst s7  }
0x10: {  	[smem:$0x3F9C] =	sst s8  }
0x11: {  	[smem:$0x3F9D] =	sst s9;
	s0 =	simm.s32 @!p0 $0x0  }
0x12: {  	s1 =	sld [smem:$0x3F83];
	s0 =	simm.s32 @p0 $0x1  }
0x13: {  	[smem:$0x3F9E] =	sst s0;
	s0 =	simm.s32 @!p1 $0x0  }
0x14: {  	s2 =	sld [smem:$0x3F82];
	s0 =	simm.s32 @p1 $0x1  }
0x15: {  	[smem:$0x3F9F] =	sst s0;
	s0 =	simm.s32 @!p2 $0x0  }
0x16: {  	s3 =	sld [smem:$0x3FDB];
	s0 =	simm.s32 @p2 $0x1  }
0x17: {  	s4 =	simm.s32 $0x1BF5;
	[smem:$0x3FA1] =	sst s0  }
0x18: {  	s0 =	sld [smem:$0x3F84];
	_ =	swait.ge [sflag:s4], $0x0  }
0x19: {  	s7 =	sld [smem:$0x3F85]  }
0x1a: {  	s8 =	sadd.s32 $0xFFFFE003, lr  }
0x1b: {  	s9 =	sadd.s32 $0xFFFFFEF7, lr;
	s5 =	simm.s32 $0xFFFFFFFF;
	p2 =	slt.u32 s8, $0xFFFFF086  }
0x1c: {  	p1 =	slt.u32 s9, $0xF7A;
	s5 =	simm.s32 @!p2 $0x0  }
0x1d: {  	s5 =	simm.s32 @p1 $0x1;
	p0 =	seq.s32 s7, s2  }
0x1e: {  	s7 =	smul.u32 @!p0 $0xF7A, s2;
	p2 =	seq.s32 @!p0 s5, $0x0  }
0x1f: {  	s9 =	smul.u32 $0xF7A, s1;
	s8 =	simm.s32 @!p0 $0x1BF5;
	p2 =	por !p2, p0  }
0x20: {  	[sflag:s8] =	ssyncset.s32 @!p0 $0xFFFFF086;
	s6 =	sadd.s32 @!p0 s3, s7;
	s7 =	simm.s32 @!p0 $0x108  }
0x21: {  	s3 =	sadd.s32 s3, s9;
	s6 =	sadd.s32 @!p0 $0x88, s6;
	s7 =	simm.s32 @p2 $0x1082  }
0x22: {  	[simem:s7], [sflag:s8] =	dma.local @!p0 [hbm:s6], $0xF7A  }
0x23: {  	s9 =	sor.u32 $0xD0000000, s2;
	s6 =	simm.s32 $0x108;
	_ =	swait.ge @!p0 [sflag:s8], $0x0  }
0x24: {  	s3 =	sadd.s32 $0x88, s3;
	s6 =	simm.s32 @!p1 $0x1082;
	[sflag:s4] =	ssyncset.s32 $0xFFFFF086  }
0x25: {  	[simem:s6], [sflag:s4] =	dma.local [hbm:s3], $0xF7A  }
0x26: {  	[smem:$0x3F85] =	sst s1;
	(tag) =	ssettag s2;
	_ =	strace s9  }
0x27: {  	s1 =	sld [smem:$0x3F95]  }
0x28: {  	s2 =	sld [smem:$0x3F96]  }
0x29: {  	s4 =	sld [smem:$0x3F98]  }
0x2a: {  	p0 =	seq.s32 s5, $0x0;
	s5 =	sld [smem:$0x3F99]  }
0x2b: {  	s6 =	sld [smem:$0x3F9A]  }
0x2c: {  	s7 =	sld [smem:$0x3F9B]  }
0x2d: {  	s3 =	simm.s32 $0x108;
	s8 =	sld [smem:$0x3F9C]  }
0x2e: {  	s3 =	simm.s32 @!p0 $0x1082;
	s9 =	sld [smem:$0x3F9D]  }
0x2f: {  	lr =	sadd.s32 s0, s3;
	s0 =	sld [smem:$0x3F94]  }
0x30: {  	s3 =	sld [smem:$0x3F97]  }
0x31: {  	[smem:$0x3FA0] =	sst s10  }
0x32: {  	s10 =	sld [smem:$0x3F9E];
	_ =	sdelay $0x3  }
0x33: {  	p0 =	seq.s32 s10, $0x1;
	s10 =	sld [smem:$0x3FA0];
	_ =	sdelay $0x3  }
0x34: {  	[smem:$0x3FA0] =	sst s10  }
0x35: {  	s10 =	sld [smem:$0x3F9F];
	_ =	sdelay $0x3  }
0x36: {  	p1 =	seq.s32 s10, $0x1;
	s10 =	sld [smem:$0x3FA0];
	_ =	sdelay $0x3  }
0x37: {  	[smem:$0x3FA0] =	sst s10  }
0x38: {  	s10 =	sld [smem:$0x3FA1]  }
0x39: {  	_ = 	snop;
	(pc) =	sbr.ind lr, $3  }
0x3a: {  	_ = 	snop  }
0x3b: {  	_ = 	snop  }
0x3c: {  	p2 =	seq.s32 s10, $0x1;
	s10 =	sld [smem:$0x3FA0]  }
0x3d: {  	_ =	shalt  }
0x3e: {  	_ =	shalt  }
0x3f: {  	_ =	shalt  }
0x40: {  	_ =	shalt  }
0x41: {  	_ =	shalt  }
0x42: {  	_ =	shalt  }
0x43: {  	_ =	shalt  }
0x44: {  	_ =	shalt  }
0x45: {  	_ =	shalt  }
0x46: {  	_ =	shalt  }
0x47: {  	_ =	shalt  }
0x48: {  	_ =	shalt  }
0x49: {  	_ =	shalt  }
0x4a: {  	_ =	shalt  }
0x4b: {  	_ =	shalt  }
0x4c: {  	_ =	shalt  }
0x4d: {  	_ =	shalt  }
0x4e: {  	_ =	shalt  }
0x4f: {  	_ =	shalt  }
0x50: {  	_ =	shalt  }
0x51: {  	_ =	shalt  }
0x52: {  	_ =	shalt  }
0x53: {  	_ =	shalt  }
0x54: {  	_ =	shalt  }
0x55: {  	_ =	shalt  }
0x56: {  	_ =	shalt  }
0x57: {  	_ =	shalt  }
0x58: {  	_ =	shalt  }
0x59: {  	_ =	shalt  }
0x5a: {  	_ =	shalt  }
0x5b: {  	_ =	shalt  }
0x5c: {  	_ =	shalt  }
0x5d: {  	_ =	shalt  }
0x5e: {  	_ =	shalt  }
0x5f: {  	_ =	shalt  }
0x60: {  	_ =	shalt  }
0x61: {  	_ =	shalt  }
0x62: {  	_ =	shalt  }
0x63: {  	_ =	shalt  }
0x64: {  	_ =	shalt  }
0x65: {  	_ =	shalt  }
0x66: {  	_ =	shalt  }
0x67: {  	_ =	shalt  }
0x68: {  	_ =	shalt  }
0x69: {  	_ =	shalt  }
0x6a: {  	_ =	shalt  }
0x6b: {  	_ =	shalt  }
0x6c: {  	_ =	shalt  }
0x6d: {  	_ =	shalt  }
0x6e: {  	_ =	shalt  }
0x6f: {  	_ =	shalt  }
0x70: {  	_ =	shalt  }
0x71: {  	_ =	shalt  }
0x72: {  	_ =	shalt  }
0x73: {  	_ =	shalt  }
0x74: {  	_ =	shalt  }
0x75: {  	_ =	shalt  }
0x76: {  	_ =	shalt  }
0x77: {  	_ =	shalt  }
0x78: {  	_ =	shalt  }
0x79: {  	_ =	shalt  }
0x7a: {  	_ =	shalt  }
0x7b: {  	_ =	shalt  }
0x7c: {  	_ =	shalt  }
0x7d: {  	_ =	shalt  }
0x7e: {  	_ =	shalt  }
0x7f: {  	_ =	shalt  }
0x80: {  	_ =	shalt  }
0x81: {  	_ =	shalt  }
0x82: {  	_ =	shalt  }
0x83: {  	_ =	shalt  }
0x84: {  	_ =	shalt  }
0x85: {  	_ =	shalt  }
0x86: {  	_ =	shalt  }
0x87: {  	_ =	shalt  }
.Lfunc_end0:
.L_simem_size_0:
called_computation.1_lowered:
.L_overlay_start_0:
0x88: {  	s2 =	sld [smem:$0x3FD9]  }
0x89: {  	s3 =	sld [smem:$0x3FFE];
	_ =	sdelay $0x1  }
0x8a: {  	s1 =	srdreg.scid  }
0x8b: {  	s0 =	sand.u32 $0x1, s1  }
0x8c: {  	s17 =	sshll.u32 s0, $0xA;
	s2 =	sadd.s32 s3, s2  }
0x8d: {  	s2 =	sadd.s32 s2, s17  }
0x8e: {  	[smem:$0x3FAC] =	sst s2  }
0x8f: {  	_ = 	snop  }
0x90: {  	s2 =	sld [smem:$0x3FD0];
	(tm) =	ssettm $0x1  }
0x91: {  	s18 =	sld [smem:$0x3FFB];
	_ =	sdelay $0x3  }
0x92: {  	_ =	strace s18  }
0x93: {  	s3 =	sld [smem:$0x3FFC];
	_ =	sdelay $0x3  }
0x94: {  	_ =	strace s3  }
0x95: {  	s3 =	sld [smem:$0x3FFD];
	_ =	sdelay $0x3  }
0x96: {  	_ =	strace s3  }
0x97: {  	_ =	strace $0x8FFFFFFF  }
0x98: {  	s19 =	sld [smem:$0x3FDB];
	_ =	sdelay $0x1  }
0x99: {  	s4 =	simm.s32 $_scs_section_size  }
0x9a: {  	s5 =	simm.s32 $_size__tile_overlayer_lowered;
	s6 =	simm.s32 $_tile_overlayer_lowered  }
0x9b: {  	s22 =	simm.s32 $0x1BFF;
	s21 =	sshll.u32 s6, $0x1;
	s3 =	sadd.s32 s4, s19  }
0x9c: {  	s7 =	simm.s32 $0x0;
	s20 =	sshll.u32 s5, $0x1;
	s5 =	sadd.s32 s21, s3  }
0x9d: {  	[timem:s7], [sflag:s22] =	dma.local [hbm:s5], s20  }
0x9e: {  	_ =	swait.ge [sflag:s22], s20  }
0x9f: {  	s4 =	ssub.s32 $0x0, s20;
	[sflag:s22] =	ssyncset.done $0x0  }
0xa0: {  	[sflag:s22] =	ssyncadd.s32 s4;
	_ =	sdelay $0x1  }
0xa1: {  	s23 =	simm.s32 $0x1B8B  }
0xa2: {  	_ =	swait.ge [sflag:s23], $0x1  }
0xa3: {  	[sflag:s23] =	ssyncset.done $0x0  }
0xa4: {  	s25 =	simm.s32 $0x1B8E;
	s24 =	sld [smem:$0x3FFE];
	[sflag:s23] =	ssyncadd.s32 $0xFFFFFFFF  }
0xa5: {  	s26 =	simm.s32 $execute0_lowered;
	[smem:$0x3FD2] =	sst s25  }
0xa6: {  	s5 =	sshll.u32 s26, $0x1;
	_ =	strace $0x80000049;
	[dreg:$0x1] =	wrdreg $0xFFFFFFFF  }
0xa7: {  	s28 =	simm.s32 $_size_execute0_lowered;
	s3 =	sadd.s32 s3, s5;
	[dreg:$0x0] =	wrdreg $0x0  }
0xa8: {  	s5 =	sshll.u32 s28, $0x1;
	[dreg:$0x2] =	wrdreg s3  }
0xa9: {  	[dreg:$0x3] =	wrdreg s5  }
0xaa: {  	[dreg:$0x4] =	wrdreg $0xC0  }
0xab: {  	_ =	task [dreg:s7], $0x5FFFF  }
0xac: {  	[dreg:$0x1] =	wrdreg $0xFFFFFFFF  }
0xad: {  	[dreg:$0x0] =	wrdreg $0x60  }
0xae: {  	[dreg:$0x2] =	wrdreg s24  }
0xaf: {  	[dreg:$0x3] =	wrdreg s2  }
0xb0: {  	[dreg:$0x4] =	wrdreg $0x9  }
0xb1: {  	_ =	task.clear_ibuf [dreg:s7], $0x5FFFF;
	_ =	strace $0x90000049  }
0xb2: {  	s29 =	simm.s32 $0x9;
	_ =	strace $0x8000004B  }
0xb3: {  	_ =	swait.ge [sflag:s29], $0x1  }
0xb4: {  	[sflag:s29] =	ssyncadd.s32 $0xFFFFFFFF  }
0xb5: {  	_ =	strace $0x9000004B  }
0xb6: {  	_ =	sfence  }
0xb7: {  	s30 =	sld [smem:$0x0];
	_ =	sdelay $0x2  }
0xb8: {  	s31 =	sshll.u32 s1, $0xD;
	s1 =	sshrl.u32 s1, $0x2  }
0xb9: {  	s3 =	sand.u32 $0x4000, s31;
	s1 =	sadd.s32 s1, s30  }
0xba: {  	s0 =	sor.u32 s3, s0;
	s1 =	sshll.u32 s1, $0x11  }
0xbb: {  	s0 =	sor.u32 s1, s0  }
0xbc: {  	s0 =	sadd.s32 $0x8F2B, s0  }
0xbd: {  	[sflag:s0] =	ssyncadd.remote.s32 $0x1  }
0xbe: {  	_ =	sfence.sel $0xFFFF  }
0xbf: {  	[dreg:$0x0] =	wrdreg $0xFFFFFFFF;
	(pc) =	sbr.abs _section_cstart, $3  }
0xc0: {  	[dreg:$0x1] =	wrdreg $0xFFFFFFFF  }
0xc1: {  	_ =	task.clear_ibuf [dreg:s7], $0x2FFFF;
	_ =	strace $0x9FFFFFFF  }
0xc2: {  	(tm) =	ssettm $0x7FFFFFFF  }
0xc3: {  	_ =	shalt  }
tec
execute0_lowered:
.L_overlay_start_1:
0x0: {  	(tag) =	ssettag $0x1  }
0x1: {  	s1 =	srdreg.scid;
	s2 =	stileid.u32  }
0x2: {  	s1 =	sand.u32 $0x1, s1;
	s4 =	sshll.u32 s2, $0x1  }
0x3: {  	s0 =	rddreg [dreg:$0x0];
	s2 =	simm.s32 $0x0;
	s7 =	sor.u32 s1, s4  }
0x4: {  	[smem:$0x7FF] =	sst s2;
	s4 =	smul.u32 $0x60, s7  }
0x5: {  	s3 =	rddreg [dreg:$0x1];
	_ =	strace $0x8000004A;
	s8 =	smul.u32 $0x3000, s7  }
0x6: {  	s7 =	smul.u32 $0x18000, s7;
	s5 =	sadd.s32 s4, s0;
	s4 =	sadd.s32 s3, s4  }
0x7: {  	s3 =	sadd.s32 $0x7E600, s0;
	[dreg:$0x3] =	wrdreg s4;
	s5 =	sadd.s32 $0x2DA00, s5  }
0x8: {  	s10 =	sor.u32 $0x400, s8;
	s6 =	sadd.s32 s3, s8;
	[dreg:$0x4] =	wrdreg s5  }
0x9: {  	s24 =	sor.u32 $0x800, s8;
	s20 =	sadd.s32 s3, s10;
	[dreg:$0x5] =	wrdreg s6  }
0xa: {  	s4 =	sadd.s32 $0xDE600, s0;
	s25 =	sadd.s32 s3, s24;
	[dreg:$0x9] =	wrdreg s20  }
0xb: {  	s9 =	sadd.s32 s4, s8;
	[dreg:$0xd] =	wrdreg s25  }
0xc: {  	s7 =	sshrl.u32 s7, $0x3;
	s21 =	sadd.s32 s4, s10;
	[dreg:$0x6] =	wrdreg s9  }
0xd: {  	s16 =	sadd.s32 $0x1000, s7;
	s26 =	sadd.s32 s4, s24;
	[dreg:$0xa] =	wrdreg s21  }
0xe: {  	s5 =	sadd.s32 $0x13E600, s0;
	s17 =	sadd.s32 s3, s16;
	[dreg:$0xe] =	wrdreg s26  }
0xf: {  	s6 =	sadd.s32 $0x19E600, s0;
	s18 =	sadd.s32 s5, s8;
	[dreg:$0x15] =	wrdreg s17  }
0x10: {  	s19 =	sadd.s32 s6, s8;
	[dreg:$0x7] =	wrdreg s18  }
0x11: {  	s22 =	sadd.s32 s5, s10;
	[dreg:$0x8] =	wrdreg s19  }
0x12: {  	s23 =	sadd.s32 s6, s10;
	[dreg:$0xb] =	wrdreg s22  }
0x13: {  	s11 =	sadd.s32 s5, s24;
	[dreg:$0xc] =	wrdreg s23  }
0x14: {  	s12 =	sadd.s32 s6, s24;
	[dreg:$0xf] =	wrdreg s11  }
0x15: {  	s8 =	sor.u32 $0xC00, s8;
	s20 =	sadd.s32 s6, s16;
	[dreg:$0x10] =	wrdreg s12  }
0x16: {  	s13 =	sadd.s32 s3, s8;
	[dreg:$0x18] =	wrdreg s20  }
0x17: {  	s14 =	sadd.s32 s4, s8;
	[dreg:$0x11] =	wrdreg s13  }
0x18: {  	s15 =	sadd.s32 s5, s8;
	[dreg:$0x12] =	wrdreg s14  }
0x19: {  	s8 =	sadd.s32 s6, s8;
	[dreg:$0x13] =	wrdreg s15  }
0x1a: {  	s18 =	sadd.s32 s4, s16;
	[dreg:$0x14] =	wrdreg s8  }
0x1b: {  	s21 =	sadd.s32 $0x1400, s7;
	s19 =	sadd.s32 s5, s16;
	[dreg:$0x16] =	wrdreg s18  }
0x1c: {  	s22 =	sadd.s32 s3, s21;
	[dreg:$0x17] =	wrdreg s19  }
0x1d: {  	s23 =	sadd.s32 s4, s21;
	[dreg:$0x19] =	wrdreg s22  }
0x1e: {  	s24 =	sadd.s32 s5, s21;
	[dreg:$0x1a] =	wrdreg s23  }
0x1f: {  	s26 =	sadd.s32 $0x1800, s7;
	s25 =	sadd.s32 s6, s21;
	[dreg:$0x1b] =	wrdreg s24  }
0x20: {  	s10 =	sadd.s32 s3, s26;
	[dreg:$0x1c] =	wrdreg s25  }
0x21: {  	s11 =	sadd.s32 s4, s26;
	[dreg:$0x1d] =	wrdreg s10  }
0x22: {  	s31 =	simm.s32 $0x1;
	s12 =	sadd.s32 s5, s26;
	[dreg:$0x1e] =	wrdreg s11  }
0x23: {  	[dreg:$0x1f] =	wrdreg s12;
	s13 =	sadd.s32 s6, s26;
	s14 =	sadd.s32 $0x1C00, s7  }
0x24: {  	s30 =	simm.s32 $0x3;
	[smem:$0x7E9] =	sst s13;
	s15 =	sadd.s32 s3, s14  }
0x25: {  	s29 =	simm.s32 $0x5;
	s16 =	sadd.s32 s4, s14;
	[smem:$0x7EA] =	sst s15  }
0x26: {  	p0 =	por $0x0, $0x0;
	s17 =	sadd.s32 s5, s14;
	[smem:$0x7EB] =	sst s16  }
0x27: {  	s19 =	sadd.s32 $0x2000, s7;
	s18 =	sadd.s32 s6, s14;
	[smem:$0x7EC] =	sst s17  }
0x28: {  	s28 =	simm.s32 $0x2;
	s20 =	sadd.s32 s3, s19;
	[smem:$0x7ED] =	sst s18  }
0x29: {  	s1 =	ssub.s32 $0x2, s1;
	s21 =	sadd.s32 s4, s19;
	[smem:$0x7EE] =	sst s20  }
0x2a: {  	s9 =	simm.s32 $0xB;
	s22 =	sadd.s32 s5, s19;
	[smem:$0x7EF] =	sst s21  }
0x2b: {  	s24 =	sadd.s32 $0x2400, s7;
	s23 =	sadd.s32 s6, s19;
	[smem:$0x7F0] =	sst s22  }
0x2c: {  	s12 =	sadd.s32 $0x2800, s7;
	s25 =	sadd.s32 s3, s24;
	[smem:$0x7F1] =	sst s23  }
0x2d: {  	s7 =	sadd.s32 $0x2C00, s7;
	s26 =	sadd.s32 s4, s24;
	[smem:$0x7F2] =	sst s25  }
0x2e: {  	s8 =	simm.s32 $0xE600;
	s10 =	sadd.s32 s5, s24;
	[smem:$0x7F3] =	sst s26  }
0x2f: {  	s11 =	sadd.s32 s6, s24;
	s13 =	sadd.s32 s3, s12;
	[smem:$0x7F4] =	sst s10  }
0x30: {  	s14 =	sadd.s32 s4, s12;
	s19 =	sadd.s32 s3, s7;
	[smem:$0x7F5] =	sst s11  }
0x31: {  	s3 =	simm.s32 $0x10;
	s15 =	sadd.s32 $0x2E600, s0;
	[smem:$0x7F6] =	sst s13  }
0x32: {  	s16 =	sadd.s32 $0x56600, s0;
	[smem:$0x7F7] =	sst s14;
	s17 =	sadd.s32 s5, s12  }
0x33: {  	s18 =	sadd.s32 s6, s12;
	[smem:$0x7FA] =	sst s19;
	s20 =	sadd.s32 s4, s7  }
0x34: {  	s21 =	sshrl.u32 s1, $0x1;
	s22 =	sadd.s32 s5, s7;
	s23 =	sadd.s32 s6, s7  }
0x35: {  	s25 =	simm.s32 $0x40;
	s19 =	simm.s32 $0xC600;
	s10 =	simm.s32 $0x2600  }
0x36: {  	s11 =	simm.s32 $0x6600;
	s7 =	simm.s32 $0xA600;
	s26 =	simm.s32 $0x7  }
0x37: {  	s13 =	simm.s32 $0x9;
	s4 =	simm.s32 $0xD;
	s1 =	ssub.s32 s1, s21  }
0x38: {  	s5 =	simm.s32 $0xF;
	[smem:$0x7F8] =	sst s17;
	s24 =	smax.u32 s1, $0x1  }
0x39: {  	s14 =	simm.s32 $0xA;
	[smem:$0x7F9] =	sst s18;
	p1 =	sne.s32 s24, $0x1  }
.Ltmp0:
0x3a: {  	s12 =	simm.s32 $0xC;
	[smem:$0x7FB] =	sst s20;
	(pc) =	sbr.rel @!p1 .LBB2_3-.Ltmp0, $4  }
0x3b: {  	s6 =	simm.s32 $0xE;
	s17 =	sadd.s32 $0x5A00, s0;
	[smem:$0x7FC] =	sst s22  }
0x3c: {  	[smem:$0x7FD] =	sst s23;
	s21 =	simm.s32 $0x600;
	s20 =	simm.s32 $0x4600  }
0x3d: {  	s18 =	simm.s32 $0x8600;
	s23 =	simm.s32 $0x6;
	s22 =	simm.s32 $0x8  }
0x3e: {  	s1 =	rddreg [dreg:$0x3];
	s0 =	sadd.s32 $0xFFFFFFFF, s24;
	s24 =	simm.s32 $0x4  }
0x3f: {  	[tilespmem:s2], [sflag:$0x11] =	stream.linear.gather [hbm4b:s1+s2], $0x300, $0x38;
	[tilespmem:$0x10600] =	vst v63  }
0x40: {  	[smem:$0x7E8] =	sst s0;
	s1 =	simm.s32 $0x11  }
0x41: {  	_ =	swait.ge [sflag:s1], $0x300  }
0x42: {  	s0 =	rddreg [dreg:$0x4]  }
0x43: {  	[smem:$0x7E7] =	sst s0  }
0x44: {  	s0 =	sld [smem:$0x7E7]  }
0x45: {  	[sflag:s1] =	ssyncset.done $0x0  }
0x46: {  	[sflag:s1] =	ssyncadd.s32 $0xFFFFFD00;
	s1 =	simm.s32 $0x300  }
0x47: {  	[tilespmem:s1], [sflag:$0x11] =	stream.linear.gather [hbm4b:s0+s2], $0x300, $0x38;
	[tilespmem:$0x10600] =	vst v63  }
0x48: {  	s1 =	simm.s32 $0x11  }
0x49: {  	_ =	swait.ge [sflag:s1], $0x300  }
0x4a: {  	[sflag:s1] =	ssyncset.done $0x0  }
0x4b: {  	[sflag:s1] =	ssyncadd.s32 $0xFFFFFD00  }
0x4c: {  	[tilespmem:s21], [sflag:$0x1] =	stream.indirect.gather [hbm4b:s15+s25], $0x80, s2, s25, $0xb8;
	[tilespmem:$0x10600] =	vst v63  }
0x4d: {  	s1 =	simm.s32 $0x300  }
0x4e: {  	[tilespmem:s20], [sflag:$0x3] =	stream.indirect.gather [hbm4b:s16+s25], $0x80, s1, s25, $0xb8;
	[tilespmem:$0x10600] =	vst v63  }
0x4f: {  	_ = 	snop  }
0x50: {  	[tilespmem:s18], [sflag:$0x5] =	stream.indirect.gather [hbm4b:s17+s25], $0x80, s2, s25, $0xb8;
	[tilespmem:$0x10600] =	vst v63  }
0x51: {  	s1 =	simm.s32 $0x300  }
0x52: {  	[tilespmem:s19], [sflag:$0x7] =	stream.indirect.gather [hbm4b:s17+s25], $0x80, s1, s25, $0xb8;
	[tilespmem:$0x10600] =	vst v63  }
0x53: {  	_ = 	snop  }
0x54: {  	[tilespmem:s10], [sflag:$0x2] =	stream.indirect.gather [hbm4b:s15+s25], $0x80, s25, s25, $0xb8;
	[tilespmem:$0x10600] =	vst v63  }
0x55: {  	s1 =	simm.s32 $0x340  }
0x56: {  	[tilespmem:s11], [sflag:$0x4] =	stream.indirect.gather [hbm4b:s16+s25], $0x80, s1, s25, $0xb8;
	[tilespmem:$0x10600] =	vst v63  }
0x57: {  	_ = 	snop  }
0x58: {  	[tilespmem:s7], [sflag:$0x6] =	stream.indirect.gather [hbm4b:s17+s25], $0x80, s25, s25, $0xb8;
	[tilespmem:$0x10600] =	vst v63  }
0x59: {  	_ = 	snop  }
0x5a: {  	[tilespmem:s8], [sflag:$0x8] =	stream.indirect.gather [hbm4b:s17+s25], $0x80, s1, s25, $0xb8;
	[tilespmem:$0x10600] =	vst v63  }
0x5b: {  	_ =	swait.ge [sflag:s31], $0x2000  }
0x5c: {  	[sflag:s31] =	ssyncset.done $0x0  }
0x5d: {  	[sflag:s31] =	ssyncadd.s32 $0xFFFFE000  }
0x5e: {  	_ =	swait.ge [sflag:s30], $0x2000  }
0x5f: {  	[sflag:s30] =	ssyncset.done $0x0  }
0x60: {  	[sflag:s30] =	ssyncadd.s32 $0xFFFFE000  }
0x61: {  	_ =	swait.ge [sflag:s29], $0x2000  }
0x62: {  	[sflag:s29] =	ssyncset.done $0x0  }
0x63: {  	[sflag:s29] =	ssyncadd.s32 $0xFFFFE000  }
0x64: {  	_ =	swait.ge [sflag:s26], $0x2000  }
0x65: {  	[sflag:s26] =	ssyncset.done $0x0  }
0x66: {  	s1 =	rddreg [dreg:$0x5];
	[sflag:s26] =	ssyncadd.s32 $0xFFFFE000  }
0x67: {  	[hbm4b:s1+s2] =	stream.linear.scatter [tilespmem:s21], [sflag:$0x9], $0x2000, $0x38;
	[tilespmem:$0x10600] =	vst v63  }
0x68: {  	s0 =	rddreg [dreg:$0x6]  }
0x69: {  	[hbm4b:s0+s2] =	stream.linear.scatter [tilespmem:s20], [sflag:$0xB], $0x2000, $0x38;
	[tilespmem:$0x10600] =	vst v63  }
0x6a: {  	s1 =	rddreg [dreg:$0x7]  }
0x6b: {  	[hbm4b:s1+s2] =	stream.linear.scatter [tilespmem:s18], [sflag:$0xD], $0x2000, $0x38;
	[tilespmem:$0x10600] =	vst v63  }
0x6c: {  	s0 =	rddreg [dreg:$0x8]  }
0x6d: {  	[hbm4b:s0+s2] =	stream.linear.scatter [tilespmem:s19], [sflag:$0xF], $0x2000, $0x38;
	[tilespmem:$0x10600] =	vst v63  }
0x6e: {  	_ =	swait.ge [sflag:s13], $0x2000  }
0x6f: {  	[sflag:s13] =	ssyncset.done $0x0  }
0x70: {  	[sflag:s13] =	ssyncadd.s32 $0xFFFFE000  }
0x71: {  	_ =	swait.ge [sflag:s9], $0x2000  }
0x72: {  	[sflag:s9] =	ssyncset.done $0x0  }
0x73: {  	[sflag:s9] =	ssyncadd.s32 $0xFFFFE000  }
0x74: {  	_ =	swait.ge [sflag:s4], $0x2000  }
0x75: {  	[sflag:s4] =	ssyncset.done $0x0  }
0x76: {  	[sflag:s4] =	ssyncadd.s32 $0xFFFFE000  }
0x77: {  	_ =	swait.ge [sflag:s5], $0x2000  }
0x78: {  	[sflag:s5] =	ssyncset.done $0x0  }
0x79: {  	s0 =	simm.s32 $0x80;
	[sflag:s5] =	ssyncadd.s32 $0xFFFFE000  }
0x7a: {  	[tilespmem:s21], [sflag:$0x1] =	stream.indirect.gather [hbm4b:s15+s25], $0x80, s0, s25, $0xb8;
	[tilespmem:$0x10600] =	vst v63  }
0x7b: {  	s1 =	simm.s32 $0x380  }
0x7c: {  	[tilespmem:s20], [sflag:$0x3] =	stream.indirect.gather [hbm4b:s16+s25], $0x80, s1, s25, $0xb8;
	[tilespmem:$0x10600] =	vst v63  }
0x7d: {  	_ = 	snop  }
0x7e: {  	[tilespmem:s18], [sflag:$0x5] =	stream.indirect.gather [hbm4b:s17+s25], $0x80, s0, s25, $0xb8;
	[tilespmem:$0x10600] =	vst v63  }
0x7f: {  	_ = 	snop  }
0x80: {  	[tilespmem:s19], [sflag:$0x7] =	stream.indirect.gather [hbm4b:s17+s25], $0x80, s1, s25, $0xb8;
	[tilespmem:$0x10600] =	vst v63  }
0x81: {  	_ =	swait.ge [sflag:s28], $0x2000  }
0x82: {  	[sflag:s28] =	ssyncset.done $0x0  }
0x83: {  	[sflag:s28] =	ssyncadd.s32 $0xFFFFE000  }
0x84: {  	_ =	swait.ge [sflag:s24], $0x2000  }
0x85: {  	[sflag:s24] =	ssyncset.done $0x0  }
0x86: {  	[sflag:s24] =	ssyncadd.s32 $0xFFFFE000  }
0x87: {  	_ =	swait.ge [sflag:s23], $0x2000  }
0x88: {  	[sflag:s23] =	ssyncset.done $0x0  }
0x89: {  	[sflag:s23] =	ssyncadd.s32 $0xFFFFE000  }
0x8a: {  	_ =	swait.ge [sflag:s22], $0x2000  }
0x8b: {  	[sflag:s22] =	ssyncset.done $0x0  }
0x8c: {  	s0 =	rddreg [dreg:$0x9];
	[sflag:s22] =	ssyncadd.s32 $0xFFFFE000  }
0x8d: {  	[hbm4b:s0+s2] =	stream.linear.scatter [tilespmem:s10], [sflag:$0xA], $0x2000, $0x38;
	[tilespmem:$0x10600] =	vst v63  }
0x8e: {  	s1 =	rddreg [dreg:$0xa]  }
0x8f: {  	[hbm4b:s1+s2] =	stream.linear.scatter [tilespmem:s11], [sflag:$0xC], $0x2000, $0x38;
	[tilespmem:$0x10600] =	vst v63  }
0x90: {  	s0 =	rddreg [dreg:$0xb]  }
0x91: {  	[hbm4b:s0+s2] =	stream.linear.scatter [tilespmem:s7], [sflag:$0xE], $0x2000, $0x38;
	[tilespmem:$0x10600] =	vst v63  }
0x92: {  	s1 =	rddreg [dreg:$0xc]  }
0x93: {  	[hbm4b:s1+s2] =	stream.linear.scatter [tilespmem:s8], [sflag:$0x10], $0x2000, $0x38;
	[tilespmem:$0x10600] =	vst v63  }
0x94: {  	_ =	swait.ge [sflag:s14], $0x2000  }
0x95: {  	[sflag:s14] =	ssyncset.done $0x0  }
0x96: {  	[sflag:s14] =	ssyncadd.s32 $0xFFFFE000  }
0x97: {  	_ =	swait.ge [sflag:s12], $0x2000  }
0x98: {  	[sflag:s12] =	ssyncset.done $0x0  }
0x99: {  	[sflag:s12] =	ssyncadd.s32 $0xFFFFE000  }
0x9a: {  	_ =	swait.ge [sflag:s6], $0x2000  }
0x9b: {  	[sflag:s6] =	ssyncset.done $0x0  }
0x9c: {  	[sflag:s6] =	ssyncadd.s32 $0xFFFFE000  }
0x9d: {  	_ =	swait.ge [sflag:s3], $0x2000  }
0x9e: {  	[sflag:s3] =	ssyncset.done $0x0  }
0x9f: {  	s0 =	simm.s32 $0xC0;
	[sflag:s3] =	ssyncadd.s32 $0xFFFFE000  }
0xa0: {  	[tilespmem:s10], [sflag:$0x2] =	stream.indirect.gather [hbm4b:s15+s25], $0x80, s0, s25, $0xb8;
	[tilespmem:$0x10600] =	vst v63  }
0xa1: {  	s1 =	simm.s32 $0x3C0  }
0xa2: {  	[tilespmem:s11], [sflag:$0x4] =	stream.indirect.gather [hbm4b:s16+s25], $0x80, s1, s25, $0xb8;
	[tilespmem:$0x10600] =	vst v63  }
0xa3: {  	_ = 	snop  }
0xa4: {  	[tilespmem:s7], [sflag:$0x6] =	stream.indirect.gather [hbm4b:s17+s25], $0x80, s0, s25, $0xb8;
	[tilespmem:$0x10600] =	vst v63  }
0xa5: {  	_ = 	snop  }
0xa6: {  	[tilespmem:s8], [sflag:$0x8] =	stream.indirect.gather [hbm4b:s17+s25], $0x80, s1, s25, $0xb8;
	[tilespmem:$0x10600] =	vst v63  }
0xa7: {  	_ =	swait.ge [sflag:s31], $0x2000  }
0xa8: {  	[sflag:s31] =	ssyncset.done $0x0  }
0xa9: {  	[sflag:s31] =	ssyncadd.s32 $0xFFFFE000  }
0xaa: {  	_ =	swait.ge [sflag:s30], $0x2000  }
0xab: {  	[sflag:s30] =	ssyncset.done $0x0  }
0xac: {  	[sflag:s30] =	ssyncadd.s32 $0xFFFFE000  }
0xad: {  	_ =	swait.ge [sflag:s29], $0x2000  }
0xae: {  	[sflag:s29] =	ssyncset.done $0x0  }
0xaf: {  	[sflag:s29] =	ssyncadd.s32 $0xFFFFE000  }
0xb0: {  	_ =	swait.ge [sflag:s26], $0x2000  }
0xb1: {  	[sflag:s26] =	ssyncset.done $0x0  }
0xb2: {  	s0 =	rddreg [dreg:$0xd];
	[sflag:s26] =	ssyncadd.s32 $0xFFFFE000  }
0xb3: {  	[hbm4b:s0+s2] =	stream.linear.scatter [tilespmem:s21], [sflag:$0x9], $0x2000, $0x38;
	[tilespmem:$0x10600] =	vst v63  }
0xb4: {  	s1 =	rddreg [dreg:$0xe]  }
0xb5: {  	[hbm4b:s1+s2] =	stream.linear.scatter [tilespmem:s20], [sflag:$0xB], $0x2000, $0x38;
	[tilespmem:$0x10600] =	vst v63  }
0xb6: {  	s0 =	rddreg [dreg:$0xf]  }
0xb7: {  	[hbm4b:s0+s2] =	stream.linear.scatter [tilespmem:s18], [sflag:$0xD], $0x2000, $0x38;
	[tilespmem:$0x10600] =	vst v63  }
0xb8: {  	s1 =	rddreg [dreg:$0x10]  }
0xb9: {  	[hbm4b:s1+s2] =	stream.linear.scatter [tilespmem:s19], [sflag:$0xF], $0x2000, $0x38;
	[tilespmem:$0x10600] =	vst v63  }
0xba: {  	_ =	swait.ge [sflag:s13], $0x2000  }
0xbb: {  	[sflag:s13] =	ssyncset.done $0x0  }
0xbc: {  	[sflag:s13] =	ssyncadd.s32 $0xFFFFE000  }
0xbd: {  	_ =	swait.ge [sflag:s9], $0x2000  }
0xbe: {  	[sflag:s9] =	ssyncset.done $0x0  }
0xbf: {  	[sflag:s9] =	ssyncadd.s32 $0xFFFFE000  }
0xc0: {  	_ =	swait.ge [sflag:s4], $0x2000  }
0xc1: {  	[sflag:s4] =	ssyncset.done $0x0  }
0xc2: {  	[sflag:s4] =	ssyncadd.s32 $0xFFFFE000  }
0xc3: {  	_ =	swait.ge [sflag:s5], $0x2000  }
0xc4: {  	[sflag:s5] =	ssyncset.done $0x0  }
0xc5: {  	s0 =	simm.s32 $0x100;
	[sflag:s5] =	ssyncadd.s32 $0xFFFFE000  }
0xc6: {  	[tilespmem:s21], [sflag:$0x1] =	stream.indirect.gather [hbm4b:s15+s25], $0x80, s0, s25, $0xb8;
	[tilespmem:$0x10600] =	vst v63  }
0xc7: {  	s1 =	simm.s32 $0x400  }
0xc8: {  	[tilespmem:s20], [sflag:$0x3] =	stream.indirect.gather [hbm4b:s16+s25], $0x80, s1, s25, $0xb8;
	[tilespmem:$0x10600] =	vst v63  }
0xc9: {  	_ = 	snop  }
0xca: {  	[tilespmem:s18], [sflag:$0x5] =	stream.indirect.gather [hbm4b:s17+s25], $0x80, s0, s25, $0xb8;
	[tilespmem:$0x10600] =	vst v63  }
0xcb: {  	_ = 	snop  }
0xcc: {  	[tilespmem:s19], [sflag:$0x7] =	stream.indirect.gather [hbm4b:s17+s25], $0x80, s1, s25, $0xb8;
	[tilespmem:$0x10600] =	vst v63  }
0xcd: {  	_ =	swait.ge [sflag:s28], $0x2000  }
0xce: {  	[sflag:s28] =	ssyncset.done $0x0  }
0xcf: {  	[sflag:s28] =	ssyncadd.s32 $0xFFFFE000  }
0xd0: {  	_ =	swait.ge [sflag:s24], $0x2000  }
0xd1: {  	[sflag:s24] =	ssyncset.done $0x0  }
0xd2: {  	[sflag:s24] =	ssyncadd.s32 $0xFFFFE000  }
0xd3: {  	_ =	swait.ge [sflag:s23], $0x2000  }
0xd4: {  	[sflag:s23] =	ssyncset.done $0x0  }
0xd5: {  	[sflag:s23] =	ssyncadd.s32 $0xFFFFE000  }
0xd6: {  	_ =	swait.ge [sflag:s22], $0x2000  }
0xd7: {  	[sflag:s22] =	ssyncset.done $0x0  }
0xd8: {  	s0 =	rddreg [dreg:$0x11];
	[sflag:s22] =	ssyncadd.s32 $0xFFFFE000  }
0xd9: {  	[hbm4b:s0+s2] =	stream.linear.scatter [tilespmem:s10], [sflag:$0xA], $0x2000, $0x38;
	[tilespmem:$0x10600] =	vst v63  }
0xda: {  	s1 =	rddreg [dreg:$0x12]  }
0xdb: {  	[hbm4b:s1+s2] =	stream.linear.scatter [tilespmem:s11], [sflag:$0xC], $0x2000, $0x38;
	[tilespmem:$0x10600] =	vst v63  }
0xdc: {  	s0 =	rddreg [dreg:$0x13]  }
0xdd: {  	[hbm4b:s0+s2] =	stream.linear.scatter [tilespmem:s7], [sflag:$0xE], $0x2000, $0x38;
	[tilespmem:$0x10600] =	vst v63  }
0xde: {  	s1 =	rddreg [dreg:$0x14]  }
0xdf: {  	[hbm4b:s1+s2] =	stream.linear.scatter [tilespmem:s8], [sflag:$0x10], $0x2000, $0x38;
	[tilespmem:$0x10600] =	vst v63  }
0xe0: {  	_ =	swait.ge [sflag:s14], $0x2000  }
0xe1: {  	[sflag:s14] =	ssyncset.done $0x0  }
0xe2: {  	[sflag:s14] =	ssyncadd.s32 $0xFFFFE000  }
0xe3: {  	_ =	swait.ge [sflag:s12], $0x2000  }
0xe4: {  	[sflag:s12] =	ssyncset.done $0x0  }
0xe5: {  	[sflag:s12] =	ssyncadd.s32 $0xFFFFE000  }
0xe6: {  	_ =	swait.ge [sflag:s6], $0x2000  }
0xe7: {  	[sflag:s6] =	ssyncset.done $0x0  }
0xe8: {  	[sflag:s6] =	ssyncadd.s32 $0xFFFFE000  }
0xe9: {  	_ =	swait.ge [sflag:s3], $0x2000  }
0xea: {  	[sflag:s3] =	ssyncset.done $0x0  }
0xeb: {  	s0 =	simm.s32 $0x140;
	[sflag:s3] =	ssyncadd.s32 $0xFFFFE000  }
0xec: {  	[tilespmem:s10], [sflag:$0x2] =	stream.indirect.gather [hbm4b:s15+s25], $0x80, s0, s25, $0xb8;
	[tilespmem:$0x10600] =	vst v63  }
0xed: {  	s1 =	simm.s32 $0x440  }
0xee: {  	[tilespmem:s11], [sflag:$0x4] =	stream.indirect.gather [hbm4b:s16+s25], $0x80, s1, s25, $0xb8;
	[tilespmem:$0x10600] =	vst v63  }
0xef: {  	_ = 	snop  }
0xf0: {  	[tilespmem:s7], [sflag:$0x6] =	stream.indirect.gather [hbm4b:s17+s25], $0x80, s0, s25, $0xb8;
	[tilespmem:$0x10600] =	vst v63  }
0xf1: {  	_ = 	snop  }
0xf2: {  	[tilespmem:s8], [sflag:$0x8] =	stream.indirect.gather [hbm4b:s17+s25], $0x80, s1, s25, $0xb8;
	[tilespmem:$0x10600] =	vst v63  }
0xf3: {  	_ =	swait.ge [sflag:s31], $0x2000  }
0xf4: {  	[sflag:s31] =	ssyncset.done $0x0  }
0xf5: {  	[sflag:s31] =	ssyncadd.s32 $0xFFFFE000  }
0xf6: {  	_ =	swait.ge [sflag:s30], $0x2000  }
0xf7: {  	[sflag:s30] =	ssyncset.done $0x0  }
0xf8: {  	[sflag:s30] =	ssyncadd.s32 $0xFFFFE000  }
0xf9: {  	_ =	swait.ge [sflag:s29], $0x2000  }
0xfa: {  	[sflag:s29] =	ssyncset.done $0x0  }
0xfb: {  	[sflag:s29] =	ssyncadd.s32 $0xFFFFE000  }
0xfc: {  	_ =	swait.ge [sflag:s26], $0x2000  }
0xfd: {  	[sflag:s26] =	ssyncset.done $0x0  }
0xfe: {  	s0 =	rddreg [dreg:$0x15];
	[sflag:s26] =	ssyncadd.s32 $0xFFFFE000  }
0xff: {  	[hbm4b:s0+s2] =	stream.linear.scatter [tilespmem:s21], [sflag:$0x9], $0x2000, $0x38;
	[tilespmem:$0x10600] =	vst v63  }
0x100: {  	s1 =	rddreg [dreg:$0x16]  }
0x101: {  	[hbm4b:s1+s2] =	stream.linear.scatter [tilespmem:s20], [sflag:$0xB], $0x2000, $0x38;
	[tilespmem:$0x10600] =	vst v63  }
0x102: {  	s0 =	rddreg [dreg:$0x17]  }
0x103: {  	[hbm4b:s0+s2] =	stream.linear.scatter [tilespmem:s18], [sflag:$0xD], $0x2000, $0x38;
	[tilespmem:$0x10600] =	vst v63  }
0x104: {  	s1 =	rddreg [dreg:$0x18]  }
0x105: {  	[hbm4b:s1+s2] =	stream.linear.scatter [tilespmem:s19], [sflag:$0xF], $0x2000, $0x38;
	[tilespmem:$0x10600] =	vst v63  }
0x106: {  	_ =	swait.ge [sflag:s13], $0x2000  }
0x107: {  	[sflag:s13] =	ssyncset.done $0x0  }
0x108: {  	[sflag:s13] =	ssyncadd.s32 $0xFFFFE000  }
0x109: {  	_ =	swait.ge [sflag:s9], $0x2000  }
0x10a: {  	[sflag:s9] =	ssyncset.done $0x0  }
0x10b: {  	[sflag:s9] =	ssyncadd.s32 $0xFFFFE000  }
0x10c: {  	_ =	swait.ge [sflag:s4], $0x2000  }
0x10d: {  	[sflag:s4] =	ssyncset.done $0x0  }
0x10e: {  	[sflag:s4] =	ssyncadd.s32 $0xFFFFE000  }
0x10f: {  	_ =	swait.ge [sflag:s5], $0x2000  }
0x110: {  	[sflag:s5] =	ssyncset.done $0x0  }
0x111: {  	s0 =	simm.s32 $0x180;
	[sflag:s5] =	ssyncadd.s32 $0xFFFFE000  }
0x112: {  	[tilespmem:s21], [sflag:$0x1] =	stream.indirect.gather [hbm4b:s15+s25], $0x80, s0, s25, $0xb8;
	[tilespmem:$0x10600] =	vst v63  }
0x113: {  	s1 =	simm.s32 $0x480  }
0x114: {  	[tilespmem:s20], [sflag:$0x3] =	stream.indirect.gather [hbm4b:s16+s25], $0x80, s1, s25, $0xb8;
	[tilespmem:$0x10600] =	vst v63  }
0x115: {  	_ = 	snop  }
0x116: {  	[tilespmem:s18], [sflag:$0x5] =	stream.indirect.gather [hbm4b:s17+s25], $0x80, s0, s25, $0xb8;
	[tilespmem:$0x10600] =	vst v63  }
0x117: {  	_ = 	snop  }
0x118: {  	[tilespmem:s19], [sflag:$0x7] =	stream.indirect.gather [hbm4b:s17+s25], $0x80, s1, s25, $0xb8;
	[tilespmem:$0x10600] =	vst v63  }
0x119: {  	_ =	swait.ge [sflag:s28], $0x2000  }
0x11a: {  	[sflag:s28] =	ssyncset.done $0x0  }
0x11b: {  	[sflag:s28] =	ssyncadd.s32 $0xFFFFE000  }
0x11c: {  	_ =	swait.ge [sflag:s24], $0x2000  }
0x11d: {  	[sflag:s24] =	ssyncset.done $0x0  }
0x11e: {  	[sflag:s24] =	ssyncadd.s32 $0xFFFFE000  }
0x11f: {  	_ =	swait.ge [sflag:s23], $0x2000  }
0x120: {  	[sflag:s23] =	ssyncset.done $0x0  }
0x121: {  	[sflag:s23] =	ssyncadd.s32 $0xFFFFE000  }
0x122: {  	_ =	swait.ge [sflag:s22], $0x2000  }
0x123: {  	[sflag:s22] =	ssyncset.done $0x0  }
0x124: {  	s0 =	rddreg [dreg:$0x19];
	[sflag:s22] =	ssyncadd.s32 $0xFFFFE000  }
0x125: {  	[hbm4b:s0+s2] =	stream.linear.scatter [tilespmem:s10], [sflag:$0xA], $0x2000, $0x38;
	[tilespmem:$0x10600] =	vst v63  }
0x126: {  	s1 =	rddreg [dreg:$0x1a]  }
0x127: {  	[hbm4b:s1+s2] =	stream.linear.scatter [tilespmem:s11], [sflag:$0xC], $0x2000, $0x38;
	[tilespmem:$0x10600] =	vst v63  }
0x128: {  	s0 =	rddreg [dreg:$0x1b]  }
0x129: {  	[hbm4b:s0+s2] =	stream.linear.scatter [tilespmem:s7], [sflag:$0xE], $0x2000, $0x38;
	[tilespmem:$0x10600] =	vst v63  }
0x12a: {  	s1 =	rddreg [dreg:$0x1c]  }
0x12b: {  	[hbm4b:s1+s2] =	stream.linear.scatter [tilespmem:s8], [sflag:$0x10], $0x2000, $0x38;
	[tilespmem:$0x10600] =	vst v63  }
0x12c: {  	_ =	swait.ge [sflag:s14], $0x2000  }
0x12d: {  	[sflag:s14] =	ssyncset.done $0x0  }
0x12e: {  	[sflag:s14] =	ssyncadd.s32 $0xFFFFE000  }
0x12f: {  	_ =	swait.ge [sflag:s12], $0x2000  }
0x130: {  	[sflag:s12] =	ssyncset.done $0x0  }
0x131: {  	[sflag:s12] =	ssyncadd.s32 $0xFFFFE000  }
0x132: {  	_ =	swait.ge [sflag:s6], $0x2000  }
0x133: {  	[sflag:s6] =	ssyncset.done $0x0  }
0x134: {  	[sflag:s6] =	ssyncadd.s32 $0xFFFFE000  }
0x135: {  	_ =	swait.ge [sflag:s3], $0x2000  }
0x136: {  	[sflag:s3] =	ssyncset.done $0x0  }
0x137: {  	s0 =	simm.s32 $0x1C0;
	[sflag:s3] =	ssyncadd.s32 $0xFFFFE000  }
0x138: {  	[tilespmem:s10], [sflag:$0x2] =	stream.indirect.gather [hbm4b:s15+s25], $0x80, s0, s25, $0xb8;
	[tilespmem:$0x10600] =	vst v63  }
0x139: {  	s1 =	simm.s32 $0x4C0  }
0x13a: {  	[tilespmem:s11], [sflag:$0x4] =	stream.indirect.gather [hbm4b:s16+s25], $0x80, s1, s25, $0xb8;
	[tilespmem:$0x10600] =	vst v63  }
0x13b: {  	_ = 	snop  }
0x13c: {  	[tilespmem:s7], [sflag:$0x6] =	stream.indirect.gather [hbm4b:s17+s25], $0x80, s0, s25, $0xb8;
	[tilespmem:$0x10600] =	vst v63  }
0x13d: {  	_ = 	snop  }
0x13e: {  	[tilespmem:s8], [sflag:$0x8] =	stream.indirect.gather [hbm4b:s17+s25], $0x80, s1, s25, $0xb8;
	[tilespmem:$0x10600] =	vst v63  }
0x13f: {  	_ =	swait.ge [sflag:s31], $0x2000  }
0x140: {  	[sflag:s31] =	ssyncset.done $0x0  }
0x141: {  	[sflag:s31] =	ssyncadd.s32 $0xFFFFE000  }
0x142: {  	_ =	swait.ge [sflag:s30], $0x2000  }
0x143: {  	[sflag:s30] =	ssyncset.done $0x0  }
0x144: {  	[sflag:s30] =	ssyncadd.s32 $0xFFFFE000  }
0x145: {  	_ =	swait.ge [sflag:s29], $0x2000  }
0x146: {  	[sflag:s29] =	ssyncset.done $0x0  }
0x147: {  	[sflag:s29] =	ssyncadd.s32 $0xFFFFE000  }
0x148: {  	_ =	swait.ge [sflag:s26], $0x2000  }
0x149: {  	s0 =	rddreg [dreg:$0x1d];
	[sflag:s26] =	ssyncset.done $0x0  }
0x14a: {  	s1 =	rddreg [dreg:$0x1e];
	[sflag:s26] =	ssyncadd.s32 $0xFFFFE000  }
0x14b: {  	[hbm4b:s0+s2] =	stream.linear.scatter [tilespmem:s21], [sflag:$0x9], $0x2000, $0x38;
	[tilespmem:$0x10600] =	vst v63  }
0x14c: {  	s0 =	rddreg [dreg:$0x1f]  }
0x14d: {  	[hbm4b:s1+s2] =	stream.linear.scatter [tilespmem:s20], [sflag:$0xB], $0x2000, $0x38;
	[tilespmem:$0x10600] =	vst v63  }
0x14e: {  	s1 =	sld [smem:$0x7E9]  }
0x14f: {  	[hbm4b:s0+s2] =	stream.linear.scatter [tilespmem:s18], [sflag:$0xD], $0x2000, $0x38;
	[tilespmem:$0x10600] =	vst v63  }
0x150: {  	_ = 	snop  }
0x151: {  	[hbm4b:s1+s2] =	stream.linear.scatter [tilespmem:s19], [sflag:$0xF], $0x2000, $0x38;
	[tilespmem:$0x10600] =	vst v63  }
0x152: {  	_ =	swait.ge [sflag:s13], $0x2000  }
0x153: {  	[sflag:s13] =	ssyncset.done $0x0  }
0x154: {  	[sflag:s13] =	ssyncadd.s32 $0xFFFFE000  }
0x155: {  	_ =	swait.ge [sflag:s9], $0x2000  }
0x156: {  	[sflag:s9] =	ssyncset.done $0x0  }
0x157: {  	[sflag:s9] =	ssyncadd.s32 $0xFFFFE000  }
0x158: {  	_ =	swait.ge [sflag:s4], $0x2000  }
0x159: {  	[sflag:s4] =	ssyncset.done $0x0  }
0x15a: {  	[sflag:s4] =	ssyncadd.s32 $0xFFFFE000  }
0x15b: {  	_ =	swait.ge [sflag:s5], $0x2000  }
0x15c: {  	[sflag:s5] =	ssyncset.done $0x0  }
0x15d: {  	s0 =	simm.s32 $0x200;
	[sflag:s5] =	ssyncadd.s32 $0xFFFFE000  }
0x15e: {  	[tilespmem:s21], [sflag:$0x1] =	stream.indirect.gather [hbm4b:s15+s25], $0x80, s0, s25, $0xb8;
	[tilespmem:$0x10600] =	vst v63  }
0x15f: {  	s1 =	simm.s32 $0x500  }
0x160: {  	[tilespmem:s20], [sflag:$0x3] =	stream.indirect.gather [hbm4b:s16+s25], $0x80, s1, s25, $0xb8;
	[tilespmem:$0x10600] =	vst v63  }
0x161: {  	_ = 	snop  }
0x162: {  	[tilespmem:s18], [sflag:$0x5] =	stream.indirect.gather [hbm4b:s17+s25], $0x80, s0, s25, $0xb8;
	[tilespmem:$0x10600] =	vst v63  }
0x163: {  	_ = 	snop  }
0x164: {  	[tilespmem:s19], [sflag:$0x7] =	stream.indirect.gather [hbm4b:s17+s25], $0x80, s1, s25, $0xb8;
	[tilespmem:$0x10600] =	vst v63  }
0x165: {  	_ =	swait.ge [sflag:s28], $0x2000  }
0x166: {  	[sflag:s28] =	ssyncset.done $0x0  }
0x167: {  	[sflag:s28] =	ssyncadd.s32 $0xFFFFE000  }
0x168: {  	_ =	swait.ge [sflag:s24], $0x2000  }
0x169: {  	[sflag:s24] =	ssyncset.done $0x0  }
0x16a: {  	[sflag:s24] =	ssyncadd.s32 $0xFFFFE000  }
0x16b: {  	_ =	swait.ge [sflag:s23], $0x2000  }
0x16c: {  	[sflag:s23] =	ssyncset.done $0x0  }
0x16d: {  	[sflag:s23] =	ssyncadd.s32 $0xFFFFE000  }
0x16e: {  	_ =	swait.ge [sflag:s22], $0x2000  }
0x16f: {  	s0 =	sld [smem:$0x7EA]  }
0x170: {  	[sflag:s22] =	ssyncset.done $0x0  }
0x171: {  	s1 =	sld [smem:$0x7EB];
	[sflag:s22] =	ssyncadd.s32 $0xFFFFE000  }
0x172: {  	[hbm4b:s0+s2] =	stream.linear.scatter [tilespmem:s10], [sflag:$0xA], $0x2000, $0x38;
	[tilespmem:$0x10600] =	vst v63  }
0x173: {  	s0 =	sld [smem:$0x7EC]  }
0x174: {  	[hbm4b:s1+s2] =	stream.linear.scatter [tilespmem:s11], [sflag:$0xC], $0x2000, $0x38;
	[tilespmem:$0x10600] =	vst v63  }
0x175: {  	s1 =	sld [smem:$0x7ED]  }
0x176: {  	[hbm4b:s0+s2] =	stream.linear.scatter [tilespmem:s7], [sflag:$0xE], $0x2000, $0x38;
	[tilespmem:$0x10600] =	vst v63  }
0x177: {  	_ = 	snop  }
0x178: {  	[hbm4b:s1+s2] =	stream.linear.scatter [tilespmem:s8], [sflag:$0x10], $0x2000, $0x38;
	[tilespmem:$0x10600] =	vst v63  }
0x179: {  	_ =	swait.ge [sflag:s14], $0x2000  }
0x17a: {  	[sflag:s14] =	ssyncset.done $0x0  }
0x17b: {  	[sflag:s14] =	ssyncadd.s32 $0xFFFFE000  }
0x17c: {  	_ =	swait.ge [sflag:s12], $0x2000  }
0x17d: {  	[sflag:s12] =	ssyncset.done $0x0  }
0x17e: {  	[sflag:s12] =	ssyncadd.s32 $0xFFFFE000  }
0x17f: {  	_ =	swait.ge [sflag:s6], $0x2000  }
0x180: {  	[sflag:s6] =	ssyncset.done $0x0  }
0x181: {  	[sflag:s6] =	ssyncadd.s32 $0xFFFFE000  }
0x182: {  	_ =	swait.ge [sflag:s3], $0x2000  }
0x183: {  	[sflag:s3] =	ssyncset.done $0x0  }
0x184: {  	s0 =	simm.s32 $0x240;
	[sflag:s3] =	ssyncadd.s32 $0xFFFFE000  }
0x185: {  	[tilespmem:s10], [sflag:$0x2] =	stream.indirect.gather [hbm4b:s15+s25], $0x80, s0, s25, $0xb8;
	[tilespmem:$0x10600] =	vst v63  }
0x186: {  	s1 =	simm.s32 $0x540  }
0x187: {  	[tilespmem:s11], [sflag:$0x4] =	stream.indirect.gather [hbm4b:s16+s25], $0x80, s1, s25, $0xb8;
	[tilespmem:$0x10600] =	vst v63  }
0x188: {  	_ = 	snop  }
0x189: {  	[tilespmem:s7], [sflag:$0x6] =	stream.indirect.gather [hbm4b:s17+s25], $0x80, s0, s25, $0xb8;
	[tilespmem:$0x10600] =	vst v63  }
0x18a: {  	_ = 	snop  }
0x18b: {  	[tilespmem:s8], [sflag:$0x8] =	stream.indirect.gather [hbm4b:s17+s25], $0x80, s1, s25, $0xb8;
	[tilespmem:$0x10600] =	vst v63  }
0x18c: {  	_ =	swait.ge [sflag:s31], $0x2000  }
0x18d: {  	[sflag:s31] =	ssyncset.done $0x0  }
0x18e: {  	[sflag:s31] =	ssyncadd.s32 $0xFFFFE000  }
0x18f: {  	_ =	swait.ge [sflag:s30], $0x2000  }
0x190: {  	[sflag:s30] =	ssyncset.done $0x0  }
0x191: {  	[sflag:s30] =	ssyncadd.s32 $0xFFFFE000  }
0x192: {  	_ =	swait.ge [sflag:s29], $0x2000  }
0x193: {  	[sflag:s29] =	ssyncset.done $0x0  }
0x194: {  	[sflag:s29] =	ssyncadd.s32 $0xFFFFE000  }
0x195: {  	_ =	swait.ge [sflag:s26], $0x2000  }
0x196: {  	s0 =	sld [smem:$0x7EE]  }
0x197: {  	[sflag:s26] =	ssyncset.done $0x0  }
0x198: {  	s1 =	sld [smem:$0x7EF];
	[sflag:s26] =	ssyncadd.s32 $0xFFFFE000  }
0x199: {  	[hbm4b:s0+s2] =	stream.linear.scatter [tilespmem:s21], [sflag:$0x9], $0x2000, $0x38;
	[tilespmem:$0x10600] =	vst v63  }
0x19a: {  	s0 =	sld [smem:$0x7F0]  }
0x19b: {  	[hbm4b:s1+s2] =	stream.linear.scatter [tilespmem:s20], [sflag:$0xB], $0x2000, $0x38;
	[tilespmem:$0x10600] =	vst v63  }
0x19c: {  	s1 =	sld [smem:$0x7F1]  }
0x19d: {  	[hbm4b:s0+s2] =	stream.linear.scatter [tilespmem:s18], [sflag:$0xD], $0x2000, $0x38;
	[tilespmem:$0x10600] =	vst v63  }
0x19e: {  	_ = 	snop  }
0x19f: {  	[hbm4b:s1+s2] =	stream.linear.scatter [tilespmem:s19], [sflag:$0xF], $0x2000, $0x38;
	[tilespmem:$0x10600] =	vst v63  }
0x1a0: {  	_ =	swait.ge [sflag:s13], $0x2000  }
0x1a1: {  	[sflag:s13] =	ssyncset.done $0x0  }
0x1a2: {  	[sflag:s13] =	ssyncadd.s32 $0xFFFFE000  }
0x1a3: {  	_ =	swait.ge [sflag:s9], $0x2000  }
0x1a4: {  	[sflag:s9] =	ssyncset.done $0x0  }
0x1a5: {  	[sflag:s9] =	ssyncadd.s32 $0xFFFFE000  }
0x1a6: {  	_ =	swait.ge [sflag:s4], $0x2000  }
0x1a7: {  	[sflag:s4] =	ssyncset.done $0x0  }
0x1a8: {  	[sflag:s4] =	ssyncadd.s32 $0xFFFFE000  }
0x1a9: {  	_ =	swait.ge [sflag:s5], $0x2000  }
0x1aa: {  	[sflag:s5] =	ssyncset.done $0x0  }
0x1ab: {  	s0 =	simm.s32 $0x280;
	[sflag:s5] =	ssyncadd.s32 $0xFFFFE000  }
0x1ac: {  	[tilespmem:s21], [sflag:$0x1] =	stream.indirect.gather [hbm4b:s15+s25], $0x80, s0, s25, $0xb8;
	[tilespmem:$0x10600] =	vst v63  }
0x1ad: {  	s1 =	simm.s32 $0x580  }
0x1ae: {  	[tilespmem:s20], [sflag:$0x3] =	stream.indirect.gather [hbm4b:s16+s25], $0x80, s1, s25, $0xb8;
	[tilespmem:$0x10600] =	vst v63  }
0x1af: {  	_ = 	snop  }
0x1b0: {  	[tilespmem:s18], [sflag:$0x5] =	stream.indirect.gather [hbm4b:s17+s25], $0x80, s0, s25, $0xb8;
	[tilespmem:$0x10600] =	vst v63  }
0x1b1: {  	_ = 	snop  }
0x1b2: {  	[tilespmem:s19], [sflag:$0x7] =	stream.indirect.gather [hbm4b:s17+s25], $0x80, s1, s25, $0xb8;
	[tilespmem:$0x10600] =	vst v63  }
0x1b3: {  	_ =	swait.ge [sflag:s28], $0x2000  }
0x1b4: {  	[sflag:s28] =	ssyncset.done $0x0  }
0x1b5: {  	[sflag:s28] =	ssyncadd.s32 $0xFFFFE000  }
0x1b6: {  	_ =	swait.ge [sflag:s24], $0x2000  }
0x1b7: {  	[sflag:s24] =	ssyncset.done $0x0  }
0x1b8: {  	[sflag:s24] =	ssyncadd.s32 $0xFFFFE000  }
0x1b9: {  	_ =	swait.ge [sflag:s23], $0x2000  }
0x1ba: {  	[sflag:s23] =	ssyncset.done $0x0  }
0x1bb: {  	[sflag:s23] =	ssyncadd.s32 $0xFFFFE000  }
0x1bc: {  	_ =	swait.ge [sflag:s22], $0x2000  }
0x1bd: {  	s0 =	sld [smem:$0x7F2]  }
0x1be: {  	[sflag:s22] =	ssyncset.done $0x0  }
0x1bf: {  	s1 =	sld [smem:$0x7F3];
	[sflag:s22] =	ssyncadd.s32 $0xFFFFE000  }
0x1c0: {  	[hbm4b:s0+s2] =	stream.linear.scatter [tilespmem:s10], [sflag:$0xA], $0x2000, $0x38;
	[tilespmem:$0x10600] =	vst v63  }
0x1c1: {  	s0 =	sld [smem:$0x7F4]  }
0x1c2: {  	[hbm4b:s1+s2] =	stream.linear.scatter [tilespmem:s11], [sflag:$0xC], $0x2000, $0x38;
	[tilespmem:$0x10600] =	vst v63  }
0x1c3: {  	s1 =	sld [smem:$0x7F5]  }
0x1c4: {  	[hbm4b:s0+s2] =	stream.linear.scatter [tilespmem:s7], [sflag:$0xE], $0x2000, $0x38;
	[tilespmem:$0x10600] =	vst v63  }
0x1c5: {  	_ = 	snop  }
0x1c6: {  	[hbm4b:s1+s2] =	stream.linear.scatter [tilespmem:s8], [sflag:$0x10], $0x2000, $0x38;
	[tilespmem:$0x10600] =	vst v63  }
0x1c7: {  	_ =	swait.ge [sflag:s14], $0x2000  }
0x1c8: {  	[sflag:s14] =	ssyncset.done $0x0  }
0x1c9: {  	[sflag:s14] =	ssyncadd.s32 $0xFFFFE000  }
0x1ca: {  	_ =	swait.ge [sflag:s12], $0x2000  }
0x1cb: {  	[sflag:s12] =	ssyncset.done $0x0  }
0x1cc: {  	[sflag:s12] =	ssyncadd.s32 $0xFFFFE000  }
0x1cd: {  	_ =	swait.ge [sflag:s6], $0x2000  }
0x1ce: {  	[sflag:s6] =	ssyncset.done $0x0  }
0x1cf: {  	[sflag:s6] =	ssyncadd.s32 $0xFFFFE000  }
0x1d0: {  	_ =	swait.ge [sflag:s3], $0x2000  }
0x1d1: {  	[sflag:s3] =	ssyncset.done $0x0  }
0x1d2: {  	s0 =	simm.s32 $0x2C0;
	[sflag:s3] =	ssyncadd.s32 $0xFFFFE000  }
0x1d3: {  	[tilespmem:s10], [sflag:$0x2] =	stream.indirect.gather [hbm4b:s15+s25], $0x80, s0, s25, $0xb8;
	[tilespmem:$0x10600] =	vst v63  }
0x1d4: {  	s1 =	simm.s32 $0x5C0  }
0x1d5: {  	[tilespmem:s11], [sflag:$0x4] =	stream.indirect.gather [hbm4b:s16+s25], $0x80, s1, s25, $0xb8;
	[tilespmem:$0x10600] =	vst v63  }
0x1d6: {  	_ = 	snop  }
0x1d7: {  	[tilespmem:s7], [sflag:$0x6] =	stream.indirect.gather [hbm4b:s17+s25], $0x80, s0, s25, $0xb8;
	[tilespmem:$0x10600] =	vst v63  }
0x1d8: {  	_ = 	snop  }
0x1d9: {  	[tilespmem:s8], [sflag:$0x8] =	stream.indirect.gather [hbm4b:s17+s25], $0x80, s1, s25, $0xb8;
	[tilespmem:$0x10600] =	vst v63  }
0x1da: {  	_ =	swait.ge [sflag:s31], $0x2000  }
0x1db: {  	[sflag:s31] =	ssyncset.done $0x0  }
0x1dc: {  	[sflag:s31] =	ssyncadd.s32 $0xFFFFE000  }
0x1dd: {  	_ =	swait.ge [sflag:s30], $0x2000  }
0x1de: {  	[sflag:s30] =	ssyncset.done $0x0  }
0x1df: {  	[sflag:s30] =	ssyncadd.s32 $0xFFFFE000  }
0x1e0: {  	_ =	swait.ge [sflag:s29], $0x2000  }
0x1e1: {  	[sflag:s29] =	ssyncset.done $0x0  }
0x1e2: {  	[sflag:s29] =	ssyncadd.s32 $0xFFFFE000  }
0x1e3: {  	_ =	swait.ge [sflag:s26], $0x2000  }
0x1e4: {  	s0 =	sld [smem:$0x7F6]  }
0x1e5: {  	[sflag:s26] =	ssyncset.done $0x0  }
0x1e6: {  	s1 =	sld [smem:$0x7F7];
	[sflag:s26] =	ssyncadd.s32 $0xFFFFE000  }
0x1e7: {  	[hbm4b:s0+s2] =	stream.linear.scatter [tilespmem:s21], [sflag:$0x9], $0x2000, $0x38;
	[tilespmem:$0x10600] =	vst v63  }
0x1e8: {  	s0 =	sld [smem:$0x7F8]  }
0x1e9: {  	[hbm4b:s1+s2] =	stream.linear.scatter [tilespmem:s20], [sflag:$0xB], $0x2000, $0x38;
	[tilespmem:$0x10600] =	vst v63  }
0x1ea: {  	s1 =	sld [smem:$0x7F9]  }
0x1eb: {  	[hbm4b:s0+s2] =	stream.linear.scatter [tilespmem:s18], [sflag:$0xD], $0x2000, $0x38;
	[tilespmem:$0x10600] =	vst v63  }
0x1ec: {  	_ = 	snop  }
0x1ed: {  	[hbm4b:s1+s2] =	stream.linear.scatter [tilespmem:s19], [sflag:$0xF], $0x2000, $0x38;
	[tilespmem:$0x10600] =	vst v63  }
0x1ee: {  	_ =	swait.ge [sflag:s28], $0x2000  }
0x1ef: {  	[sflag:s28] =	ssyncset.done $0x0  }
0x1f0: {  	[sflag:s28] =	ssyncadd.s32 $0xFFFFE000  }
0x1f1: {  	_ =	swait.ge [sflag:s24], $0x2000  }
0x1f2: {  	[sflag:s24] =	ssyncset.done $0x0  }
0x1f3: {  	[sflag:s24] =	ssyncadd.s32 $0xFFFFE000  }
0x1f4: {  	_ =	swait.ge [sflag:s23], $0x2000  }
0x1f5: {  	[sflag:s23] =	ssyncset.done $0x0  }
0x1f6: {  	[sflag:s23] =	ssyncadd.s32 $0xFFFFE000  }
0x1f7: {  	_ =	swait.ge [sflag:s22], $0x2000  }
0x1f8: {  	s0 =	sld [smem:$0x7FA]  }
0x1f9: {  	[sflag:s22] =	ssyncset.done $0x0  }
0x1fa: {  	s1 =	sld [smem:$0x7FB];
	[sflag:s22] =	ssyncadd.s32 $0xFFFFE000  }
0x1fb: {  	[hbm4b:s0+s2] =	stream.linear.scatter [tilespmem:s10], [sflag:$0xA], $0x2000, $0x38;
	[tilespmem:$0x10600] =	vst v63  }
0x1fc: {  	s0 =	sld [smem:$0x7FC]  }
0x1fd: {  	[hbm4b:s1+s2] =	stream.linear.scatter [tilespmem:s11], [sflag:$0xC], $0x2000, $0x38;
	[tilespmem:$0x10600] =	vst v63  }
0x1fe: {  	s1 =	sld [smem:$0x7FD]  }
0x1ff: {  	[hbm4b:s0+s2] =	stream.linear.scatter [tilespmem:s7], [sflag:$0xE], $0x2000, $0x38;
	[tilespmem:$0x10600] =	vst v63  }
0x200: {  	_ = 	snop  }
0x201: {  	[hbm4b:s1+s2] =	stream.linear.scatter [tilespmem:s8], [sflag:$0x10], $0x2000, $0x38;
	[tilespmem:$0x10600] =	vst v63  }
0x202: {  	_ =	swait.ge [sflag:s13], $0x2000  }
0x203: {  	[sflag:s13] =	ssyncset.done $0x0  }
0x204: {  	[sflag:s13] =	ssyncadd.s32 $0xFFFFE000  }
0x205: {  	_ =	swait.ge [sflag:s9], $0x2000  }
0x206: {  	[sflag:s9] =	ssyncset.done $0x0  }
0x207: {  	[sflag:s9] =	ssyncadd.s32 $0xFFFFE000  }
0x208: {  	_ =	swait.ge [sflag:s4], $0x2000  }
0x209: {  	[sflag:s4] =	ssyncset.done $0x0  }
0x20a: {  	[sflag:s4] =	ssyncadd.s32 $0xFFFFE000  }
0x20b: {  	_ =	swait.ge [sflag:s5], $0x2000  }
0x20c: {  	[sflag:s5] =	ssyncset.done $0x0  }
0x20d: {  	[sflag:s5] =	ssyncadd.s32 $0xFFFFE000  }
0x20e: {  	_ =	swait.ge [sflag:s14], $0x2000  }
0x20f: {  	[sflag:s14] =	ssyncset.done $0x0  }
0x210: {  	[sflag:s14] =	ssyncadd.s32 $0xFFFFE000  }
0x211: {  	_ =	swait.ge [sflag:s12], $0x2000  }
0x212: {  	[sflag:s12] =	ssyncset.done $0x0  }
0x213: {  	[sflag:s12] =	ssyncadd.s32 $0xFFFFE000  }
0x214: {  	_ =	swait.ge [sflag:s6], $0x2000  }
0x215: {  	s1 =	sld [smem:$0x7E8];
	_ =	sdelay $0x2  }
0x216: {  	p1 =	sne.s32 s1, $0x1  }
.Ltmp1:
0x217: {  	_ = 	snop;
	(pc) =	sbr.rel @!p1 .LBB2_3-.Ltmp1, $4  }
0x218: {  	[sflag:s6] =	ssyncset.done $0x0  }
0x219: {  	[sflag:s6] =	ssyncadd.s32 $0xFFFFE000  }
0x21a: {  	p0 =	por $0x1, $0x1;
	_ =	swait.ge [sflag:s3], $0x2000  }
0x21b: {  	s0 =	sadd.s32 $0xFFFFFFFF, s1;
	s1 =	rddreg [dreg:$0x3];
	[sflag:s3] =	ssyncset.done $0x0  }
.LBB2_2:
0x21c: {  	[sflag:s3] =	ssyncadd.s32 $0xFFFFE000;
	s13 =	simm.s32 $0x11  }
0x21d: {  	[tilespmem:s2], [sflag:$0x11] =	stream.linear.gather [hbm4b:s1+s2], $0x300, $0x38;
	[tilespmem:$0x10600] =	vst v63  }
0x21e: {  	_ =	swait.ge [sflag:s13], $0x300  }
0x21f: {  	[sflag:s13] =	ssyncset.done $0x0  }
0x220: {  	s4 =	simm.s32 $0x300;
	s14 =	rddreg [dreg:$0x4];
	[sflag:s13] =	ssyncadd.s32 $0xFFFFFD00  }
0x221: {  	[tilespmem:s4], [sflag:$0x11] =	stream.linear.gather [hbm4b:s14+s2], $0x300, $0x38;
	[tilespmem:$0x10600] =	vst v63  }
0x222: {  	_ =	swait.ge [sflag:s13], $0x300  }
0x223: {  	[sflag:s13] =	ssyncset.done $0x0  }
0x224: {  	[sflag:s13] =	ssyncadd.s32 $0xFFFFFD00  }
0x225: {  	[tilespmem:s21], [sflag:$0x1] =	stream.indirect.gather [hbm4b:s15+s25], $0x80, s2, s25, $0xb8;
	[tilespmem:$0x10600] =	vst v63  }
0x226: {  	_ = 	snop  }
0x227: {  	[tilespmem:s20], [sflag:$0x3] =	stream.indirect.gather [hbm4b:s16+s25], $0x80, s4, s25, $0xb8;
	[tilespmem:$0x10600] =	vst v63  }
0x228: {  	_ = 	snop  }
0x229: {  	[tilespmem:s18], [sflag:$0x5] =	stream.indirect.gather [hbm4b:s17+s25], $0x80, s2, s25, $0xb8;
	[tilespmem:$0x10600] =	vst v63  }
0x22a: {  	_ = 	snop  }
0x22b: {  	[tilespmem:s19], [sflag:$0x7] =	stream.indirect.gather [hbm4b:s17+s25], $0x80, s4, s25, $0xb8;
	[tilespmem:$0x10600] =	vst v63  }
0x22c: {  	_ = 	snop  }
0x22d: {  	[tilespmem:s10], [sflag:$0x2] =	stream.indirect.gather [hbm4b:s15+s25], $0x80, s25, s25, $0xb8;
	[tilespmem:$0x10600] =	vst v63  }
0x22e: {  	s21 =	simm.s32 $0x340  }
0x22f: {  	[tilespmem:s11], [sflag:$0x4] =	stream.indirect.gather [hbm4b:s16+s25], $0x80, s21, s25, $0xb8;
	[tilespmem:$0x10600] =	vst v63  }
0x230: {  	_ = 	snop  }
0x231: {  	[tilespmem:s7], [sflag:$0x6] =	stream.indirect.gather [hbm4b:s17+s25], $0x80, s25, s25, $0xb8;
	[tilespmem:$0x10600] =	vst v63  }
0x232: {  	_ = 	snop  }
0x233: {  	[tilespmem:s8], [sflag:$0x8] =	stream.indirect.gather [hbm4b:s17+s25], $0x80, s21, s25, $0xb8;
	[tilespmem:$0x10600] =	vst v63  }
0x234: {  	_ =	swait.ge [sflag:s31], $0x2000  }
0x235: {  	[sflag:s31] =	ssyncset.done $0x0  }
0x236: {  	[sflag:s31] =	ssyncadd.s32 $0xFFFFE000  }
0x237: {  	_ =	swait.ge [sflag:s30], $0x2000  }
0x238: {  	[sflag:s30] =	ssyncset.done $0x0  }
0x239: {  	[sflag:s30] =	ssyncadd.s32 $0xFFFFE000  }
0x23a: {  	_ =	swait.ge [sflag:s29], $0x2000  }
0x23b: {  	[sflag:s29] =	ssyncset.done $0x0  }
0x23c: {  	[sflag:s29] =	ssyncadd.s32 $0xFFFFE000  }
0x23d: {  	_ =	swait.ge [sflag:s26], $0x2000  }
0x23e: {  	[sflag:s26] =	ssyncset.done $0x0  }
0x23f: {  	s3 =	simm.s32 $0x600;
	s1 =	rddreg [dreg:$0x5];
	[sflag:s26] =	ssyncadd.s32 $0xFFFFE000  }
0x240: {  	[hbm4b:s1+s2] =	stream.linear.scatter [tilespmem:s3], [sflag:$0x9], $0x2000, $0x38;
	[tilespmem:$0x10600] =	vst v63  }
0x241: {  	s21 =	simm.s32 $0x4600;
	s7 =	rddreg [dreg:$0x6]  }
0x242: {  	[hbm4b:s7+s2] =	stream.linear.scatter [tilespmem:s21], [sflag:$0xB], $0x2000, $0x38;
	[tilespmem:$0x10600] =	vst v63  }
0x243: {  	s19 =	simm.s32 $0x8600;
	s1 =	rddreg [dreg:$0x7]  }
0x244: {  	[hbm4b:s1+s2] =	stream.linear.scatter [tilespmem:s19], [sflag:$0xD], $0x2000, $0x38;
	[tilespmem:$0x10600] =	vst v63  }
0x245: {  	s14 =	simm.s32 $0x9;
	s20 =	simm.s32 $0xC600;
	s7 =	rddreg [dreg:$0x8]  }
0x246: {  	[hbm4b:s7+s2] =	stream.linear.scatter [tilespmem:s20], [sflag:$0xF], $0x2000, $0x38;
	[tilespmem:$0x10600] =	vst v63  }
0x247: {  	_ =	swait.ge [sflag:s14], $0x2000  }
0x248: {  	[sflag:s14] =	ssyncset.done $0x0  }
0x249: {  	s12 =	simm.s32 $0xB;
	[sflag:s14] =	ssyncadd.s32 $0xFFFFE000  }
0x24a: {  	_ =	swait.ge [sflag:s12], $0x2000  }
0x24b: {  	[sflag:s12] =	ssyncset.done $0x0  }
0x24c: {  	s5 =	simm.s32 $0xD;
	[sflag:s12] =	ssyncadd.s32 $0xFFFFE000  }
0x24d: {  	_ =	swait.ge [sflag:s5], $0x2000  }
0x24e: {  	[sflag:s5] =	ssyncset.done $0x0  }
0x24f: {  	s6 =	simm.s32 $0xF;
	[sflag:s5] =	ssyncadd.s32 $0xFFFFE000  }
0x250: {  	_ =	swait.ge [sflag:s6], $0x2000  }
0x251: {  	[sflag:s6] =	ssyncset.done $0x0  }
0x252: {  	s1 =	simm.s32 $0x80;
	[sflag:s6] =	ssyncadd.s32 $0xFFFFE000  }
0x253: {  	[tilespmem:s3], [sflag:$0x1] =	stream.indirect.gather [hbm4b:s15+s25], $0x80, s1, s25, $0xb8;
	[tilespmem:$0x10600] =	vst v63  }
0x254: {  	s7 =	simm.s32 $0x380  }
0x255: {  	[tilespmem:s21], [sflag:$0x3] =	stream.indirect.gather [hbm4b:s16+s25], $0x80, s7, s25, $0xb8;
	[tilespmem:$0x10600] =	vst v63  }
0x256: {  	_ = 	snop  }
0x257: {  	[tilespmem:s19], [sflag:$0x5] =	stream.indirect.gather [hbm4b:s17+s25], $0x80, s1, s25, $0xb8;
	[tilespmem:$0x10600] =	vst v63  }
0x258: {  	_ = 	snop  }
0x259: {  	[tilespmem:s20], [sflag:$0x7] =	stream.indirect.gather [hbm4b:s17+s25], $0x80, s7, s25, $0xb8;
	[tilespmem:$0x10600] =	vst v63  }
0x25a: {  	_ =	swait.ge [sflag:s28], $0x2000  }
0x25b: {  	[sflag:s28] =	ssyncset.done $0x0  }
0x25c: {  	[sflag:s28] =	ssyncadd.s32 $0xFFFFE000  }
0x25d: {  	_ =	swait.ge [sflag:s24], $0x2000  }
0x25e: {  	[sflag:s24] =	ssyncset.done $0x0  }
0x25f: {  	[sflag:s24] =	ssyncadd.s32 $0xFFFFE000  }
0x260: {  	_ =	swait.ge [sflag:s23], $0x2000  }
0x261: {  	[sflag:s23] =	ssyncset.done $0x0  }
0x262: {  	[sflag:s23] =	ssyncadd.s32 $0xFFFFE000  }
0x263: {  	_ =	swait.ge [sflag:s22], $0x2000  }
0x264: {  	[sflag:s22] =	ssyncset.done $0x0  }
0x265: {  	s11 =	simm.s32 $0x2600;
	s1 =	rddreg [dreg:$0x9];
	[sflag:s22] =	ssyncadd.s32 $0xFFFFE000  }
0x266: {  	[hbm4b:s1+s2] =	stream.linear.scatter [tilespmem:s11], [sflag:$0xA], $0x2000, $0x38;
	[tilespmem:$0x10600] =	vst v63  }
0x267: {  	s18 =	simm.s32 $0x6600;
	s7 =	rddreg [dreg:$0xa]  }
0x268: {  	[hbm4b:s7+s2] =	stream.linear.scatter [tilespmem:s18], [sflag:$0xC], $0x2000, $0x38;
	[tilespmem:$0x10600] =	vst v63  }
0x269: {  	s8 =	simm.s32 $0xA600;
	s1 =	rddreg [dreg:$0xb]  }
0x26a: {  	[hbm4b:s1+s2] =	stream.linear.scatter [tilespmem:s8], [sflag:$0xE], $0x2000, $0x38;
	[tilespmem:$0x10600] =	vst v63  }
0x26b: {  	s10 =	simm.s32 $0xE600;
	s14 =	simm.s32 $0xA;
	s7 =	rddreg [dreg:$0xc]  }
0x26c: {  	[hbm4b:s7+s2] =	stream.linear.scatter [tilespmem:s10], [sflag:$0x10], $0x2000, $0x38;
	[tilespmem:$0x10600] =	vst v63  }
0x26d: {  	_ =	swait.ge [sflag:s14], $0x2000  }
0x26e: {  	[sflag:s14] =	ssyncset.done $0x0  }
0x26f: {  	s13 =	simm.s32 $0xC;
	[sflag:s14] =	ssyncadd.s32 $0xFFFFE000  }
0x270: {  	_ =	swait.ge [sflag:s13], $0x2000  }
0x271: {  	[sflag:s13] =	ssyncset.done $0x0  }
0x272: {  	s9 =	simm.s32 $0xE;
	[sflag:s13] =	ssyncadd.s32 $0xFFFFE000  }
0x273: {  	_ =	swait.ge [sflag:s9], $0x2000  }
0x274: {  	[sflag:s9] =	ssyncset.done $0x0  }
0x275: {  	s4 =	simm.s32 $0x10;
	[sflag:s9] =	ssyncadd.s32 $0xFFFFE000  }
0x276: {  	_ =	swait.ge [sflag:s4], $0x2000  }
0x277: {  	[sflag:s4] =	ssyncset.done $0x0  }
0x278: {  	s1 =	simm.s32 $0xC0;
	[sflag:s4] =	ssyncadd.s32 $0xFFFFE000  }
0x279: {  	[tilespmem:s11], [sflag:$0x2] =	stream.indirect.gather [hbm4b:s15+s25], $0x80, s1, s25, $0xb8;
	[tilespmem:$0x10600] =	vst v63  }
0x27a: {  	s7 =	simm.s32 $0x3C0  }
0x27b: {  	[tilespmem:s18], [sflag:$0x4] =	stream.indirect.gather [hbm4b:s16+s25], $0x80, s7, s25, $0xb8;
	[tilespmem:$0x10600] =	vst v63  }
0x27c: {  	_ = 	snop  }
0x27d: {  	[tilespmem:s8], [sflag:$0x6] =	stream.indirect.gather [hbm4b:s17+s25], $0x80, s1, s25, $0xb8;
	[tilespmem:$0x10600] =	vst v63  }
0x27e: {  	_ = 	snop  }
0x27f: {  	[tilespmem:s10], [sflag:$0x8] =	stream.indirect.gather [hbm4b:s17+s25], $0x80, s7, s25, $0xb8;
	[tilespmem:$0x10600] =	vst v63  }
0x280: {  	_ =	swait.ge [sflag:s31], $0x2000  }
0x281: {  	[sflag:s31] =	ssyncset.done $0x0  }
0x282: {  	[sflag:s31] =	ssyncadd.s32 $0xFFFFE000  }
0x283: {  	_ =	swait.ge [sflag:s30], $0x2000  }
0x284: {  	[sflag:s30] =	ssyncset.done $0x0  }
0x285: {  	[sflag:s30] =	ssyncadd.s32 $0xFFFFE000  }
0x286: {  	_ =	swait.ge [sflag:s29], $0x2000  }
0x287: {  	[sflag:s29] =	ssyncset.done $0x0  }
0x288: {  	[sflag:s29] =	ssyncadd.s32 $0xFFFFE000  }
0x289: {  	_ =	swait.ge [sflag:s26], $0x2000  }
0x28a: {  	[sflag:s26] =	ssyncset.done $0x0  }
0x28b: {  	s1 =	rddreg [dreg:$0xd];
	[sflag:s26] =	ssyncadd.s32 $0xFFFFE000  }
0x28c: {  	[hbm4b:s1+s2] =	stream.linear.scatter [tilespmem:s3], [sflag:$0x9], $0x2000, $0x38;
	[tilespmem:$0x10600] =	vst v63  }
0x28d: {  	s7 =	rddreg [dreg:$0xe]  }
0x28e: {  	[hbm4b:s7+s2] =	stream.linear.scatter [tilespmem:s21], [sflag:$0xB], $0x2000, $0x38;
	[tilespmem:$0x10600] =	vst v63  }
0x28f: {  	s1 =	rddreg [dreg:$0xf]  }
0x290: {  	[hbm4b:s1+s2] =	stream.linear.scatter [tilespmem:s19], [sflag:$0xD], $0x2000, $0x38;
	[tilespmem:$0x10600] =	vst v63  }
0x291: {  	s13 =	simm.s32 $0x9;
	s7 =	rddreg [dreg:$0x10]  }
0x292: {  	[hbm4b:s7+s2] =	stream.linear.scatter [tilespmem:s20], [sflag:$0xF], $0x2000, $0x38;
	[tilespmem:$0x10600] =	vst v63  }
0x293: {  	_ =	swait.ge [sflag:s13], $0x2000  }
0x294: {  	[sflag:s13] =	ssyncset.done $0x0  }
0x295: {  	[sflag:s13] =	ssyncadd.s32 $0xFFFFE000  }
0x296: {  	_ =	swait.ge [sflag:s12], $0x2000  }
0x297: {  	[sflag:s12] =	ssyncset.done $0x0  }
0x298: {  	[sflag:s12] =	ssyncadd.s32 $0xFFFFE000  }
0x299: {  	_ =	swait.ge [sflag:s5], $0x2000  }
0x29a: {  	[sflag:s5] =	ssyncset.done $0x0  }
0x29b: {  	[sflag:s5] =	ssyncadd.s32 $0xFFFFE000  }
0x29c: {  	_ =	swait.ge [sflag:s6], $0x2000  }
0x29d: {  	[sflag:s6] =	ssyncset.done $0x0  }
0x29e: {  	s1 =	simm.s32 $0x100;
	[sflag:s6] =	ssyncadd.s32 $0xFFFFE000  }
0x29f: {  	[tilespmem:s3], [sflag:$0x1] =	stream.indirect.gather [hbm4b:s15+s25], $0x80, s1, s25, $0xb8;
	[tilespmem:$0x10600] =	vst v63  }
0x2a0: {  	s7 =	simm.s32 $0x400  }
0x2a1: {  	[tilespmem:s21], [sflag:$0x3] =	stream.indirect.gather [hbm4b:s16+s25], $0x80, s7, s25, $0xb8;
	[tilespmem:$0x10600] =	vst v63  }
0x2a2: {  	_ = 	snop  }
0x2a3: {  	[tilespmem:s19], [sflag:$0x5] =	stream.indirect.gather [hbm4b:s17+s25], $0x80, s1, s25, $0xb8;
	[tilespmem:$0x10600] =	vst v63  }
0x2a4: {  	_ = 	snop  }
0x2a5: {  	[tilespmem:s20], [sflag:$0x7] =	stream.indirect.gather [hbm4b:s17+s25], $0x80, s7, s25, $0xb8;
	[tilespmem:$0x10600] =	vst v63  }
0x2a6: {  	_ =	swait.ge [sflag:s28], $0x2000  }
0x2a7: {  	[sflag:s28] =	ssyncset.done $0x0  }
0x2a8: {  	[sflag:s28] =	ssyncadd.s32 $0xFFFFE000  }
0x2a9: {  	_ =	swait.ge [sflag:s24], $0x2000  }
0x2aa: {  	[sflag:s24] =	ssyncset.done $0x0  }
0x2ab: {  	[sflag:s24] =	ssyncadd.s32 $0xFFFFE000  }
0x2ac: {  	_ =	swait.ge [sflag:s23], $0x2000  }
0x2ad: {  	[sflag:s23] =	ssyncset.done $0x0  }
0x2ae: {  	[sflag:s23] =	ssyncadd.s32 $0xFFFFE000  }
0x2af: {  	_ =	swait.ge [sflag:s22], $0x2000  }
0x2b0: {  	[sflag:s22] =	ssyncset.done $0x0  }
0x2b1: {  	s1 =	rddreg [dreg:$0x11];
	[sflag:s22] =	ssyncadd.s32 $0xFFFFE000  }
0x2b2: {  	[hbm4b:s1+s2] =	stream.linear.scatter [tilespmem:s11], [sflag:$0xA], $0x2000, $0x38;
	[tilespmem:$0x10600] =	vst v63  }
0x2b3: {  	s7 =	rddreg [dreg:$0x12]  }
0x2b4: {  	[hbm4b:s7+s2] =	stream.linear.scatter [tilespmem:s18], [sflag:$0xC], $0x2000, $0x38;
	[tilespmem:$0x10600] =	vst v63  }
0x2b5: {  	s1 =	rddreg [dreg:$0x13]  }
0x2b6: {  	[hbm4b:s1+s2] =	stream.linear.scatter [tilespmem:s8], [sflag:$0xE], $0x2000, $0x38;
	[tilespmem:$0x10600] =	vst v63  }
0x2b7: {  	s7 =	rddreg [dreg:$0x14]  }
0x2b8: {  	[hbm4b:s7+s2] =	stream.linear.scatter [tilespmem:s10], [sflag:$0x10], $0x2000, $0x38;
	[tilespmem:$0x10600] =	vst v63  }
0x2b9: {  	_ =	swait.ge [sflag:s14], $0x2000  }
0x2ba: {  	[sflag:s14] =	ssyncset.done $0x0  }
0x2bb: {  	s12 =	simm.s32 $0xC;
	[sflag:s14] =	ssyncadd.s32 $0xFFFFE000  }
0x2bc: {  	_ =	swait.ge [sflag:s12], $0x2000  }
0x2bd: {  	[sflag:s12] =	ssyncset.done $0x0  }
0x2be: {  	[sflag:s12] =	ssyncadd.s32 $0xFFFFE000  }
0x2bf: {  	_ =	swait.ge [sflag:s9], $0x2000  }
0x2c0: {  	[sflag:s9] =	ssyncset.done $0x0  }
0x2c1: {  	[sflag:s9] =	ssyncadd.s32 $0xFFFFE000  }
0x2c2: {  	_ =	swait.ge [sflag:s4], $0x2000  }
0x2c3: {  	[sflag:s4] =	ssyncset.done $0x0  }
0x2c4: {  	s1 =	simm.s32 $0x140;
	[sflag:s4] =	ssyncadd.s32 $0xFFFFE000  }
0x2c5: {  	[tilespmem:s11], [sflag:$0x2] =	stream.indirect.gather [hbm4b:s15+s25], $0x80, s1, s25, $0xb8;
	[tilespmem:$0x10600] =	vst v63  }
0x2c6: {  	s7 =	simm.s32 $0x440  }
0x2c7: {  	[tilespmem:s18], [sflag:$0x4] =	stream.indirect.gather [hbm4b:s16+s25], $0x80, s7, s25, $0xb8;
	[tilespmem:$0x10600] =	vst v63  }
0x2c8: {  	_ = 	snop  }
0x2c9: {  	[tilespmem:s8], [sflag:$0x6] =	stream.indirect.gather [hbm4b:s17+s25], $0x80, s1, s25, $0xb8;
	[tilespmem:$0x10600] =	vst v63  }
0x2ca: {  	_ = 	snop  }
0x2cb: {  	[tilespmem:s10], [sflag:$0x8] =	stream.indirect.gather [hbm4b:s17+s25], $0x80, s7, s25, $0xb8;
	[tilespmem:$0x10600] =	vst v63  }
0x2cc: {  	_ =	swait.ge [sflag:s31], $0x2000  }
0x2cd: {  	[sflag:s31] =	ssyncset.done $0x0  }
0x2ce: {  	[sflag:s31] =	ssyncadd.s32 $0xFFFFE000  }
0x2cf: {  	_ =	swait.ge [sflag:s30], $0x2000  }
0x2d0: {  	[sflag:s30] =	ssyncset.done $0x0  }
0x2d1: {  	[sflag:s30] =	ssyncadd.s32 $0xFFFFE000  }
0x2d2: {  	_ =	swait.ge [sflag:s29], $0x2000  }
0x2d3: {  	[sflag:s29] =	ssyncset.done $0x0  }
0x2d4: {  	[sflag:s29] =	ssyncadd.s32 $0xFFFFE000  }
0x2d5: {  	_ =	swait.ge [sflag:s26], $0x2000  }
0x2d6: {  	[sflag:s26] =	ssyncset.done $0x0  }
0x2d7: {  	s1 =	rddreg [dreg:$0x15];
	[sflag:s26] =	ssyncadd.s32 $0xFFFFE000  }
0x2d8: {  	[hbm4b:s1+s2] =	stream.linear.scatter [tilespmem:s3], [sflag:$0x9], $0x2000, $0x38;
	[tilespmem:$0x10600] =	vst v63  }
0x2d9: {  	s7 =	rddreg [dreg:$0x16]  }
0x2da: {  	[hbm4b:s7+s2] =	stream.linear.scatter [tilespmem:s21], [sflag:$0xB], $0x2000, $0x38;
	[tilespmem:$0x10600] =	vst v63  }
0x2db: {  	s1 =	rddreg [dreg:$0x17]  }
0x2dc: {  	[hbm4b:s1+s2] =	stream.linear.scatter [tilespmem:s19], [sflag:$0xD], $0x2000, $0x38;
	[tilespmem:$0x10600] =	vst v63  }
0x2dd: {  	s7 =	rddreg [dreg:$0x18]  }
0x2de: {  	[hbm4b:s7+s2] =	stream.linear.scatter [tilespmem:s20], [sflag:$0xF], $0x2000, $0x38;
	[tilespmem:$0x10600] =	vst v63  }
0x2df: {  	_ =	swait.ge [sflag:s13], $0x2000  }
0x2e0: {  	[sflag:s13] =	ssyncset.done $0x0  }
0x2e1: {  	s9 =	simm.s32 $0xB;
	[sflag:s13] =	ssyncadd.s32 $0xFFFFE000  }
0x2e2: {  	_ =	swait.ge [sflag:s9], $0x2000  }
0x2e3: {  	[sflag:s9] =	ssyncset.done $0x0  }
0x2e4: {  	[sflag:s9] =	ssyncadd.s32 $0xFFFFE000  }
0x2e5: {  	_ =	swait.ge [sflag:s5], $0x2000  }
0x2e6: {  	[sflag:s5] =	ssyncset.done $0x0  }
0x2e7: {  	[sflag:s5] =	ssyncadd.s32 $0xFFFFE000  }
0x2e8: {  	_ =	swait.ge [sflag:s6], $0x2000  }
0x2e9: {  	[sflag:s6] =	ssyncset.done $0x0  }
0x2ea: {  	s1 =	simm.s32 $0x180;
	[sflag:s6] =	ssyncadd.s32 $0xFFFFE000  }
0x2eb: {  	[tilespmem:s3], [sflag:$0x1] =	stream.indirect.gather [hbm4b:s15+s25], $0x80, s1, s25, $0xb8;
	[tilespmem:$0x10600] =	vst v63  }
0x2ec: {  	s7 =	simm.s32 $0x480  }
0x2ed: {  	[tilespmem:s21], [sflag:$0x3] =	stream.indirect.gather [hbm4b:s16+s25], $0x80, s7, s25, $0xb8;
	[tilespmem:$0x10600] =	vst v63  }
0x2ee: {  	_ = 	snop  }
0x2ef: {  	[tilespmem:s19], [sflag:$0x5] =	stream.indirect.gather [hbm4b:s17+s25], $0x80, s1, s25, $0xb8;
	[tilespmem:$0x10600] =	vst v63  }
0x2f0: {  	_ = 	snop  }
0x2f1: {  	[tilespmem:s20], [sflag:$0x7] =	stream.indirect.gather [hbm4b:s17+s25], $0x80, s7, s25, $0xb8;
	[tilespmem:$0x10600] =	vst v63  }
0x2f2: {  	_ =	swait.ge [sflag:s28], $0x2000  }
0x2f3: {  	[sflag:s28] =	ssyncset.done $0x0  }
0x2f4: {  	[sflag:s28] =	ssyncadd.s32 $0xFFFFE000  }
0x2f5: {  	_ =	swait.ge [sflag:s24], $0x2000  }
0x2f6: {  	[sflag:s24] =	ssyncset.done $0x0  }
0x2f7: {  	[sflag:s24] =	ssyncadd.s32 $0xFFFFE000  }
0x2f8: {  	_ =	swait.ge [sflag:s23], $0x2000  }
0x2f9: {  	[sflag:s23] =	ssyncset.done $0x0  }
0x2fa: {  	[sflag:s23] =	ssyncadd.s32 $0xFFFFE000  }
0x2fb: {  	_ =	swait.ge [sflag:s22], $0x2000  }
0x2fc: {  	[sflag:s22] =	ssyncset.done $0x0  }
0x2fd: {  	s1 =	rddreg [dreg:$0x19];
	[sflag:s22] =	ssyncadd.s32 $0xFFFFE000  }
0x2fe: {  	[hbm4b:s1+s2] =	stream.linear.scatter [tilespmem:s11], [sflag:$0xA], $0x2000, $0x38;
	[tilespmem:$0x10600] =	vst v63  }
0x2ff: {  	s7 =	rddreg [dreg:$0x1a]  }
0x300: {  	[hbm4b:s7+s2] =	stream.linear.scatter [tilespmem:s18], [sflag:$0xC], $0x2000, $0x38;
	[tilespmem:$0x10600] =	vst v63  }
0x301: {  	s1 =	rddreg [dreg:$0x1b]  }
0x302: {  	[hbm4b:s1+s2] =	stream.linear.scatter [tilespmem:s8], [sflag:$0xE], $0x2000, $0x38;
	[tilespmem:$0x10600] =	vst v63  }
0x303: {  	s7 =	rddreg [dreg:$0x1c]  }
0x304: {  	[hbm4b:s7+s2] =	stream.linear.scatter [tilespmem:s10], [sflag:$0x10], $0x2000, $0x38;
	[tilespmem:$0x10600] =	vst v63  }
0x305: {  	_ =	swait.ge [sflag:s14], $0x2000  }
0x306: {  	[sflag:s14] =	ssyncset.done $0x0  }
0x307: {  	[sflag:s14] =	ssyncadd.s32 $0xFFFFE000  }
0x308: {  	_ =	swait.ge [sflag:s12], $0x2000  }
0x309: {  	[sflag:s12] =	ssyncset.done $0x0  }
0x30a: {  	s6 =	simm.s32 $0xE;
	[sflag:s12] =	ssyncadd.s32 $0xFFFFE000  }
0x30b: {  	_ =	swait.ge [sflag:s6], $0x2000  }
0x30c: {  	[sflag:s6] =	ssyncset.done $0x0  }
0x30d: {  	[sflag:s6] =	ssyncadd.s32 $0xFFFFE000  }
0x30e: {  	_ =	swait.ge [sflag:s4], $0x2000  }
0x30f: {  	[sflag:s4] =	ssyncset.done $0x0  }
0x310: {  	s1 =	simm.s32 $0x1C0;
	[sflag:s4] =	ssyncadd.s32 $0xFFFFE000  }
0x311: {  	[tilespmem:s11], [sflag:$0x2] =	stream.indirect.gather [hbm4b:s15+s25], $0x80, s1, s25, $0xb8;
	[tilespmem:$0x10600] =	vst v63  }
0x312: {  	s7 =	simm.s32 $0x4C0  }
0x313: {  	[tilespmem:s18], [sflag:$0x4] =	stream.indirect.gather [hbm4b:s16+s25], $0x80, s7, s25, $0xb8;
	[tilespmem:$0x10600] =	vst v63  }
0x314: {  	_ = 	snop  }
0x315: {  	[tilespmem:s8], [sflag:$0x6] =	stream.indirect.gather [hbm4b:s17+s25], $0x80, s1, s25, $0xb8;
	[tilespmem:$0x10600] =	vst v63  }
0x316: {  	_ = 	snop  }
0x317: {  	[tilespmem:s10], [sflag:$0x8] =	stream.indirect.gather [hbm4b:s17+s25], $0x80, s7, s25, $0xb8;
	[tilespmem:$0x10600] =	vst v63  }
0x318: {  	_ =	swait.ge [sflag:s31], $0x2000  }
0x319: {  	[sflag:s31] =	ssyncset.done $0x0  }
0x31a: {  	[sflag:s31] =	ssyncadd.s32 $0xFFFFE000  }
0x31b: {  	_ =	swait.ge [sflag:s30], $0x2000  }
0x31c: {  	[sflag:s30] =	ssyncset.done $0x0  }
0x31d: {  	[sflag:s30] =	ssyncadd.s32 $0xFFFFE000  }
0x31e: {  	_ =	swait.ge [sflag:s29], $0x2000  }
0x31f: {  	[sflag:s29] =	ssyncset.done $0x0  }
0x320: {  	[sflag:s29] =	ssyncadd.s32 $0xFFFFE000  }
0x321: {  	_ =	swait.ge [sflag:s26], $0x2000  }
0x322: {  	s1 =	rddreg [dreg:$0x1d];
	[sflag:s26] =	ssyncset.done $0x0  }
0x323: {  	s7 =	rddreg [dreg:$0x1e];
	[sflag:s26] =	ssyncadd.s32 $0xFFFFE000  }
0x324: {  	[hbm4b:s1+s2] =	stream.linear.scatter [tilespmem:s3], [sflag:$0x9], $0x2000, $0x38;
	[tilespmem:$0x10600] =	vst v63  }
0x325: {  	s1 =	rddreg [dreg:$0x1f]  }
0x326: {  	[hbm4b:s7+s2] =	stream.linear.scatter [tilespmem:s21], [sflag:$0xB], $0x2000, $0x38;
	[tilespmem:$0x10600] =	vst v63  }
0x327: {  	s7 =	sld [smem:$0x7E9]  }
0x328: {  	[hbm4b:s1+s2] =	stream.linear.scatter [tilespmem:s19], [sflag:$0xD], $0x2000, $0x38;
	[tilespmem:$0x10600] =	vst v63  }
0x329: {  	_ = 	snop  }
0x32a: {  	[hbm4b:s7+s2] =	stream.linear.scatter [tilespmem:s20], [sflag:$0xF], $0x2000, $0x38;
	[tilespmem:$0x10600] =	vst v63  }
0x32b: {  	_ =	swait.ge [sflag:s13], $0x2000  }
0x32c: {  	[sflag:s13] =	ssyncset.done $0x0  }
0x32d: {  	[sflag:s13] =	ssyncadd.s32 $0xFFFFE000  }
0x32e: {  	_ =	swait.ge [sflag:s9], $0x2000  }
0x32f: {  	[sflag:s9] =	ssyncset.done $0x0  }
0x330: {  	[sflag:s9] =	ssyncadd.s32 $0xFFFFE000  }
0x331: {  	_ =	swait.ge [sflag:s5], $0x2000  }
0x332: {  	[sflag:s5] =	ssyncset.done $0x0  }
0x333: {  	[sflag:s5] =	ssyncadd.s32 $0xFFFFE000;
	s5 =	simm.s32 $0xF  }
0x334: {  	_ =	swait.ge [sflag:s5], $0x2000  }
0x335: {  	[sflag:s5] =	ssyncset.done $0x0  }
0x336: {  	s1 =	simm.s32 $0x200;
	[sflag:s5] =	ssyncadd.s32 $0xFFFFE000  }
0x337: {  	[tilespmem:s3], [sflag:$0x1] =	stream.indirect.gather [hbm4b:s15+s25], $0x80, s1, s25, $0xb8;
	[tilespmem:$0x10600] =	vst v63  }
0x338: {  	s7 =	simm.s32 $0x500  }
0x339: {  	[tilespmem:s21], [sflag:$0x3] =	stream.indirect.gather [hbm4b:s16+s25], $0x80, s7, s25, $0xb8;
	[tilespmem:$0x10600] =	vst v63  }
0x33a: {  	_ = 	snop  }
0x33b: {  	[tilespmem:s19], [sflag:$0x5] =	stream.indirect.gather [hbm4b:s17+s25], $0x80, s1, s25, $0xb8;
	[tilespmem:$0x10600] =	vst v63  }
0x33c: {  	_ = 	snop  }
0x33d: {  	[tilespmem:s20], [sflag:$0x7] =	stream.indirect.gather [hbm4b:s17+s25], $0x80, s7, s25, $0xb8;
	[tilespmem:$0x10600] =	vst v63  }
0x33e: {  	_ =	swait.ge [sflag:s28], $0x2000  }
0x33f: {  	[sflag:s28] =	ssyncset.done $0x0  }
0x340: {  	[sflag:s28] =	ssyncadd.s32 $0xFFFFE000  }
0x341: {  	_ =	swait.ge [sflag:s24], $0x2000  }
0x342: {  	[sflag:s24] =	ssyncset.done $0x0  }
0x343: {  	[sflag:s24] =	ssyncadd.s32 $0xFFFFE000  }
0x344: {  	_ =	swait.ge [sflag:s23], $0x2000  }
0x345: {  	[sflag:s23] =	ssyncset.done $0x0  }
0x346: {  	[sflag:s23] =	ssyncadd.s32 $0xFFFFE000  }
0x347: {  	_ =	swait.ge [sflag:s22], $0x2000  }
0x348: {  	s1 =	sld [smem:$0x7EA]  }
0x349: {  	[sflag:s22] =	ssyncset.done $0x0  }
0x34a: {  	s7 =	sld [smem:$0x7EB];
	[sflag:s22] =	ssyncadd.s32 $0xFFFFE000  }
0x34b: {  	[hbm4b:s1+s2] =	stream.linear.scatter [tilespmem:s11], [sflag:$0xA], $0x2000, $0x38;
	[tilespmem:$0x10600] =	vst v63  }
0x34c: {  	s1 =	sld [smem:$0x7EC]  }
0x34d: {  	[hbm4b:s7+s2] =	stream.linear.scatter [tilespmem:s18], [sflag:$0xC], $0x2000, $0x38;
	[tilespmem:$0x10600] =	vst v63  }
0x34e: {  	s7 =	sld [smem:$0x7ED]  }
0x34f: {  	[hbm4b:s1+s2] =	stream.linear.scatter [tilespmem:s8], [sflag:$0xE], $0x2000, $0x38;
	[tilespmem:$0x10600] =	vst v63  }
0x350: {  	_ = 	snop  }
0x351: {  	[hbm4b:s7+s2] =	stream.linear.scatter [tilespmem:s10], [sflag:$0x10], $0x2000, $0x38;
	[tilespmem:$0x10600] =	vst v63  }
0x352: {  	_ =	swait.ge [sflag:s14], $0x2000  }
0x353: {  	[sflag:s14] =	ssyncset.done $0x0  }
0x354: {  	[sflag:s14] =	ssyncadd.s32 $0xFFFFE000  }
0x355: {  	_ =	swait.ge [sflag:s12], $0x2000  }
0x356: {  	[sflag:s12] =	ssyncset.done $0x0  }
0x357: {  	[sflag:s12] =	ssyncadd.s32 $0xFFFFE000  }
0x358: {  	_ =	swait.ge [sflag:s6], $0x2000  }
0x359: {  	[sflag:s6] =	ssyncset.done $0x0  }
0x35a: {  	[sflag:s6] =	ssyncadd.s32 $0xFFFFE000  }
0x35b: {  	_ =	swait.ge [sflag:s4], $0x2000  }
0x35c: {  	[sflag:s4] =	ssyncset.done $0x0  }
0x35d: {  	s1 =	simm.s32 $0x240;
	[sflag:s4] =	ssyncadd.s32 $0xFFFFE000  }
0x35e: {  	[tilespmem:s11], [sflag:$0x2] =	stream.indirect.gather [hbm4b:s15+s25], $0x80, s1, s25, $0xb8;
	[tilespmem:$0x10600] =	vst v63  }
0x35f: {  	s7 =	simm.s32 $0x540  }
0x360: {  	[tilespmem:s18], [sflag:$0x4] =	stream.indirect.gather [hbm4b:s16+s25], $0x80, s7, s25, $0xb8;
	[tilespmem:$0x10600] =	vst v63  }
0x361: {  	_ = 	snop  }
0x362: {  	[tilespmem:s8], [sflag:$0x6] =	stream.indirect.gather [hbm4b:s17+s25], $0x80, s1, s25, $0xb8;
	[tilespmem:$0x10600] =	vst v63  }
0x363: {  	_ = 	snop  }
0x364: {  	[tilespmem:s10], [sflag:$0x8] =	stream.indirect.gather [hbm4b:s17+s25], $0x80, s7, s25, $0xb8;
	[tilespmem:$0x10600] =	vst v63  }
0x365: {  	_ =	swait.ge [sflag:s31], $0x2000  }
0x366: {  	[sflag:s31] =	ssyncset.done $0x0  }
0x367: {  	[sflag:s31] =	ssyncadd.s32 $0xFFFFE000  }
0x368: {  	_ =	swait.ge [sflag:s30], $0x2000  }
0x369: {  	[sflag:s30] =	ssyncset.done $0x0  }
0x36a: {  	[sflag:s30] =	ssyncadd.s32 $0xFFFFE000  }
0x36b: {  	_ =	swait.ge [sflag:s29], $0x2000  }
0x36c: {  	[sflag:s29] =	ssyncset.done $0x0  }
0x36d: {  	[sflag:s29] =	ssyncadd.s32 $0xFFFFE000  }
0x36e: {  	_ =	swait.ge [sflag:s26], $0x2000  }
0x36f: {  	s1 =	sld [smem:$0x7EE]  }
0x370: {  	[sflag:s26] =	ssyncset.done $0x0  }
0x371: {  	s7 =	sld [smem:$0x7EF];
	[sflag:s26] =	ssyncadd.s32 $0xFFFFE000  }
0x372: {  	[hbm4b:s1+s2] =	stream.linear.scatter [tilespmem:s3], [sflag:$0x9], $0x2000, $0x38;
	[tilespmem:$0x10600] =	vst v63  }
0x373: {  	s1 =	sld [smem:$0x7F0]  }
0x374: {  	[hbm4b:s7+s2] =	stream.linear.scatter [tilespmem:s21], [sflag:$0xB], $0x2000, $0x38;
	[tilespmem:$0x10600] =	vst v63  }
0x375: {  	s7 =	sld [smem:$0x7F1]  }
0x376: {  	[hbm4b:s1+s2] =	stream.linear.scatter [tilespmem:s19], [sflag:$0xD], $0x2000, $0x38;
	[tilespmem:$0x10600] =	vst v63  }
0x377: {  	_ = 	snop  }
0x378: {  	[hbm4b:s7+s2] =	stream.linear.scatter [tilespmem:s20], [sflag:$0xF], $0x2000, $0x38;
	[tilespmem:$0x10600] =	vst v63  }
0x379: {  	_ =	swait.ge [sflag:s13], $0x2000  }
0x37a: {  	[sflag:s13] =	ssyncset.done $0x0  }
0x37b: {  	[sflag:s13] =	ssyncadd.s32 $0xFFFFE000  }
0x37c: {  	_ =	swait.ge [sflag:s9], $0x2000  }
0x37d: {  	[sflag:s9] =	ssyncset.done $0x0  }
0x37e: {  	s4 =	simm.s32 $0xD;
	[sflag:s9] =	ssyncadd.s32 $0xFFFFE000  }
0x37f: {  	_ =	swait.ge [sflag:s4], $0x2000  }
0x380: {  	[sflag:s4] =	ssyncset.done $0x0  }
0x381: {  	[sflag:s4] =	ssyncadd.s32 $0xFFFFE000  }
0x382: {  	_ =	swait.ge [sflag:s5], $0x2000  }
0x383: {  	[sflag:s5] =	ssyncset.done $0x0  }
0x384: {  	s21 =	simm.s32 $0x600;
	s1 =	simm.s32 $0x280;
	[sflag:s5] =	ssyncadd.s32 $0xFFFFE000  }
0x385: {  	[tilespmem:s21], [sflag:$0x1] =	stream.indirect.gather [hbm4b:s15+s25], $0x80, s1, s25, $0xb8;
	[tilespmem:$0x10600] =	vst v63  }
0x386: {  	s20 =	simm.s32 $0x4600;
	s7 =	simm.s32 $0x580  }
0x387: {  	[tilespmem:s20], [sflag:$0x3] =	stream.indirect.gather [hbm4b:s16+s25], $0x80, s7, s25, $0xb8;
	[tilespmem:$0x10600] =	vst v63  }
0x388: {  	_ = 	snop  }
0x389: {  	[tilespmem:s19], [sflag:$0x5] =	stream.indirect.gather [hbm4b:s17+s25], $0x80, s1, s25, $0xb8;
	[tilespmem:$0x10600] =	vst v63  }
0x38a: {  	s19 =	simm.s32 $0xC600  }
0x38b: {  	[tilespmem:s19], [sflag:$0x7] =	stream.indirect.gather [hbm4b:s17+s25], $0x80, s7, s25, $0xb8;
	[tilespmem:$0x10600] =	vst v63  }
0x38c: {  	_ =	swait.ge [sflag:s28], $0x2000  }
0x38d: {  	[sflag:s28] =	ssyncset.done $0x0  }
0x38e: {  	[sflag:s28] =	ssyncadd.s32 $0xFFFFE000  }
0x38f: {  	_ =	swait.ge [sflag:s24], $0x2000  }
0x390: {  	[sflag:s24] =	ssyncset.done $0x0  }
0x391: {  	[sflag:s24] =	ssyncadd.s32 $0xFFFFE000  }
0x392: {  	_ =	swait.ge [sflag:s23], $0x2000  }
0x393: {  	[sflag:s23] =	ssyncset.done $0x0  }
0x394: {  	[sflag:s23] =	ssyncadd.s32 $0xFFFFE000  }
0x395: {  	_ =	swait.ge [sflag:s22], $0x2000  }
0x396: {  	s1 =	sld [smem:$0x7F2]  }
0x397: {  	[sflag:s22] =	ssyncset.done $0x0  }
0x398: {  	s7 =	sld [smem:$0x7F3];
	[sflag:s22] =	ssyncadd.s32 $0xFFFFE000  }
0x399: {  	[hbm4b:s1+s2] =	stream.linear.scatter [tilespmem:s11], [sflag:$0xA], $0x2000, $0x38;
	[tilespmem:$0x10600] =	vst v63  }
0x39a: {  	s1 =	sld [smem:$0x7F4]  }
0x39b: {  	[hbm4b:s7+s2] =	stream.linear.scatter [tilespmem:s18], [sflag:$0xC], $0x2000, $0x38;
	[tilespmem:$0x10600] =	vst v63  }
0x39c: {  	s7 =	sld [smem:$0x7F5]  }
0x39d: {  	[hbm4b:s1+s2] =	stream.linear.scatter [tilespmem:s8], [sflag:$0xE], $0x2000, $0x38;
	[tilespmem:$0x10600] =	vst v63  }
0x39e: {  	_ = 	snop  }
0x39f: {  	[hbm4b:s7+s2] =	stream.linear.scatter [tilespmem:s10], [sflag:$0x10], $0x2000, $0x38;
	[tilespmem:$0x10600] =	vst v63  }
0x3a0: {  	_ =	swait.ge [sflag:s14], $0x2000  }
0x3a1: {  	[sflag:s14] =	ssyncset.done $0x0  }
0x3a2: {  	[sflag:s14] =	ssyncadd.s32 $0xFFFFE000  }
0x3a3: {  	_ =	swait.ge [sflag:s12], $0x2000  }
0x3a4: {  	[sflag:s12] =	ssyncset.done $0x0  }
0x3a5: {  	[sflag:s12] =	ssyncadd.s32 $0xFFFFE000  }
0x3a6: {  	_ =	swait.ge [sflag:s6], $0x2000  }
0x3a7: {  	[sflag:s6] =	ssyncset.done $0x0  }
0x3a8: {  	s3 =	simm.s32 $0x10;
	[sflag:s6] =	ssyncadd.s32 $0xFFFFE000  }
0x3a9: {  	_ =	swait.ge [sflag:s3], $0x2000  }
0x3aa: {  	[sflag:s3] =	ssyncset.done $0x0  }
0x3ab: {  	s1 =	simm.s32 $0x2C0;
	[sflag:s3] =	ssyncadd.s32 $0xFFFFE000  }
0x3ac: {  	[tilespmem:s11], [sflag:$0x2] =	stream.indirect.gather [hbm4b:s15+s25], $0x80, s1, s25, $0xb8;
	[tilespmem:$0x10600] =	vst v63  }
0x3ad: {  	s7 =	simm.s32 $0x5C0;
	s11 =	simm.s32 $0x6600  }
0x3ae: {  	[tilespmem:s11], [sflag:$0x4] =	stream.indirect.gather [hbm4b:s16+s25], $0x80, s7, s25, $0xb8;
	[tilespmem:$0x10600] =	vst v63  }
0x3af: {  	_ = 	snop  }
0x3b0: {  	[tilespmem:s8], [sflag:$0x6] =	stream.indirect.gather [hbm4b:s17+s25], $0x80, s1, s25, $0xb8;
	[tilespmem:$0x10600] =	vst v63  }
0x3b1: {  	_ = 	snop  }
0x3b2: {  	[tilespmem:s10], [sflag:$0x8] =	stream.indirect.gather [hbm4b:s17+s25], $0x80, s7, s25, $0xb8;
	[tilespmem:$0x10600] =	vst v63  }
0x3b3: {  	_ =	swait.ge [sflag:s31], $0x2000  }
0x3b4: {  	[sflag:s31] =	ssyncset.done $0x0  }
0x3b5: {  	[sflag:s31] =	ssyncadd.s32 $0xFFFFE000  }
0x3b6: {  	_ =	swait.ge [sflag:s30], $0x2000  }
0x3b7: {  	[sflag:s30] =	ssyncset.done $0x0  }
0x3b8: {  	[sflag:s30] =	ssyncadd.s32 $0xFFFFE000  }
0x3b9: {  	_ =	swait.ge [sflag:s29], $0x2000  }
0x3ba: {  	[sflag:s29] =	ssyncset.done $0x0  }
0x3bb: {  	[sflag:s29] =	ssyncadd.s32 $0xFFFFE000  }
0x3bc: {  	_ =	swait.ge [sflag:s26], $0x2000  }
0x3bd: {  	s1 =	sld [smem:$0x7F6]  }
0x3be: {  	[sflag:s26] =	ssyncset.done $0x0  }
0x3bf: {  	s7 =	sld [smem:$0x7F7];
	[sflag:s26] =	ssyncadd.s32 $0xFFFFE000  }
0x3c0: {  	[hbm4b:s1+s2] =	stream.linear.scatter [tilespmem:s21], [sflag:$0x9], $0x2000, $0x38;
	[tilespmem:$0x10600] =	vst v63  }
0x3c1: {  	s1 =	sld [smem:$0x7F8]  }
0x3c2: {  	[hbm4b:s7+s2] =	stream.linear.scatter [tilespmem:s20], [sflag:$0xB], $0x2000, $0x38;
	[tilespmem:$0x10600] =	vst v63  }
0x3c3: {  	s18 =	simm.s32 $0x8600;
	s7 =	sld [smem:$0x7F9]  }
0x3c4: {  	[hbm4b:s1+s2] =	stream.linear.scatter [tilespmem:s18], [sflag:$0xD], $0x2000, $0x38;
	[tilespmem:$0x10600] =	vst v63  }
0x3c5: {  	_ = 	snop  }
0x3c6: {  	[hbm4b:s7+s2] =	stream.linear.scatter [tilespmem:s19], [sflag:$0xF], $0x2000, $0x38;
	[tilespmem:$0x10600] =	vst v63  }
0x3c7: {  	_ =	swait.ge [sflag:s28], $0x2000  }
0x3c8: {  	[sflag:s28] =	ssyncset.done $0x0  }
0x3c9: {  	[sflag:s28] =	ssyncadd.s32 $0xFFFFE000  }
0x3ca: {  	_ =	swait.ge [sflag:s24], $0x2000  }
0x3cb: {  	[sflag:s24] =	ssyncset.done $0x0  }
0x3cc: {  	[sflag:s24] =	ssyncadd.s32 $0xFFFFE000  }
0x3cd: {  	_ =	swait.ge [sflag:s23], $0x2000  }
0x3ce: {  	[sflag:s23] =	ssyncset.done $0x0  }
0x3cf: {  	[sflag:s23] =	ssyncadd.s32 $0xFFFFE000  }
0x3d0: {  	_ =	swait.ge [sflag:s22], $0x2000  }
0x3d1: {  	s1 =	sld [smem:$0x7FA]  }
0x3d2: {  	[sflag:s22] =	ssyncset.done $0x0  }
0x3d3: {  	s10 =	simm.s32 $0x2600;
	s7 =	sld [smem:$0x7FB];
	[sflag:s22] =	ssyncadd.s32 $0xFFFFE000  }
0x3d4: {  	[hbm4b:s1+s2] =	stream.linear.scatter [tilespmem:s10], [sflag:$0xA], $0x2000, $0x38;
	[tilespmem:$0x10600] =	vst v63  }
0x3d5: {  	s1 =	sld [smem:$0x7FC]  }
0x3d6: {  	[hbm4b:s7+s2] =	stream.linear.scatter [tilespmem:s11], [sflag:$0xC], $0x2000, $0x38;
	[tilespmem:$0x10600] =	vst v63  }
0x3d7: {  	s7 =	sld [smem:$0x7FD]  }
0x3d8: {  	[hbm4b:s1+s2] =	stream.linear.scatter [tilespmem:s8], [sflag:$0xE], $0x2000, $0x38;
	[tilespmem:$0x10600] =	vst v63  }
0x3d9: {  	s8 =	simm.s32 $0xE600  }
0x3da: {  	[hbm4b:s7+s2] =	stream.linear.scatter [tilespmem:s8], [sflag:$0x10], $0x2000, $0x38;
	[tilespmem:$0x10600] =	vst v63  }
0x3db: {  	_ =	swait.ge [sflag:s13], $0x2000  }
0x3dc: {  	[sflag:s13] =	ssyncset.done $0x0  }
0x3dd: {  	[sflag:s13] =	ssyncadd.s32 $0xFFFFE000  }
0x3de: {  	_ =	swait.ge [sflag:s9], $0x2000  }
0x3df: {  	[sflag:s9] =	ssyncset.done $0x0  }
0x3e0: {  	[sflag:s9] =	ssyncadd.s32 $0xFFFFE000  }
0x3e1: {  	_ =	swait.ge [sflag:s4], $0x2000  }
0x3e2: {  	[sflag:s4] =	ssyncset.done $0x0  }
0x3e3: {  	[sflag:s4] =	ssyncadd.s32 $0xFFFFE000  }
0x3e4: {  	_ =	swait.ge [sflag:s5], $0x2000  }
0x3e5: {  	[sflag:s5] =	ssyncset.done $0x0  }
0x3e6: {  	[sflag:s5] =	ssyncadd.s32 $0xFFFFE000  }
0x3e7: {  	_ =	swait.ge [sflag:s14], $0x2000  }
0x3e8: {  	[sflag:s14] =	ssyncset.done $0x0  }
0x3e9: {  	[sflag:s14] =	ssyncadd.s32 $0xFFFFE000  }
0x3ea: {  	_ =	swait.ge [sflag:s12], $0x2000  }
0x3eb: {  	[sflag:s12] =	ssyncset.done $0x0  }
0x3ec: {  	p1 =	sne.s32 s0, $0x1;
	[sflag:s12] =	ssyncadd.s32 $0xFFFFE000  }
.Ltmp2:
0x3ed: {  	_ =	swait.ge [sflag:s6], $0x2000;
	(pc) =	sbr.rel @p1 .LBB2_2-.Ltmp2, $4  }
0x3ee: {  	[sflag:s6] =	ssyncset.done $0x0  }
0x3ef: {  	[sflag:s6] =	ssyncadd.s32 $0xFFFFE000  }
0x3f0: {  	s0 =	sadd.s32 $0xFFFFFFFF, s0;
	_ =	swait.ge [sflag:s3], $0x2000  }
0x3f1: {  	s7 =	simm.s32 $0xA600;
	s1 =	rddreg [dreg:$0x3];
	[sflag:s3] =	ssyncset.done $0x0  }
.LBB2_3:
0x3f2: {  	[sflag:s3] =	ssyncadd.s32 @p0 $0xFFFFE000  }
0x3f3: {  	[tilespmem:s2], [sflag:$0x11] =	stream.linear.gather [hbm4b:s1+s2], $0x300, $0x38;
	[tilespmem:$0x10600] =	vst v63  }
0x3f4: {  	s1 =	simm.s32 $0x11  }
0x3f5: {  	_ =	swait.ge [sflag:s1], $0x300  }
0x3f6: {  	s0 =	rddreg [dreg:$0x4]  }
0x3f7: {  	[smem:$0x7E6] =	sst s0  }
0x3f8: {  	s0 =	sld [smem:$0x7E6]  }
0x3f9: {  	[sflag:s1] =	ssyncset.done $0x0  }
0x3fa: {  	[sflag:s1] =	ssyncadd.s32 $0xFFFFFD00;
	s1 =	simm.s32 $0x300  }
0x3fb: {  	[tilespmem:s1], [sflag:$0x11] =	stream.linear.gather [hbm4b:s0+s2], $0x300, $0x38;
	[tilespmem:$0x10600] =	vst v63  }
0x3fc: {  	s1 =	simm.s32 $0x11  }
0x3fd: {  	_ =	swait.ge [sflag:s1], $0x300  }
0x3fe: {  	[sflag:s1] =	ssyncset.done $0x0  }
0x3ff: {  	[sflag:s1] =	ssyncadd.s32 $0xFFFFFD00  }
0x400: {  	[tilespmem:s21], [sflag:$0x1] =	stream.indirect.gather [hbm4b:s15+s25], $0x80, s2, s25, $0xb8;
	[tilespmem:$0x10600] =	vst v63  }
0x401: {  	s1 =	simm.s32 $0x300  }
0x402: {  	[tilespmem:s20], [sflag:$0x3] =	stream.indirect.gather [hbm4b:s16+s25], $0x80, s1, s25, $0xb8;
	[tilespmem:$0x10600] =	vst v63  }
0x403: {  	_ = 	snop  }
0x404: {  	[tilespmem:s18], [sflag:$0x5] =	stream.indirect.gather [hbm4b:s17+s25], $0x80, s2, s25, $0xb8;
	[tilespmem:$0x10600] =	vst v63  }
0x405: {  	s1 =	simm.s32 $0x300  }
0x406: {  	[tilespmem:s19], [sflag:$0x7] =	stream.indirect.gather [hbm4b:s17+s25], $0x80, s1, s25, $0xb8;
	[tilespmem:$0x10600] =	vst v63  }
0x407: {  	_ = 	snop  }
0x408: {  	[tilespmem:s10], [sflag:$0x2] =	stream.indirect.gather [hbm4b:s15+s25], $0x80, s25, s25, $0xb8;
	[tilespmem:$0x10600] =	vst v63  }
0x409: {  	s1 =	simm.s32 $0x340  }
0x40a: {  	[tilespmem:s11], [sflag:$0x4] =	stream.indirect.gather [hbm4b:s16+s25], $0x80, s1, s25, $0xb8;
	[tilespmem:$0x10600] =	vst v63  }
0x40b: {  	_ = 	snop  }
0x40c: {  	[tilespmem:s7], [sflag:$0x6] =	stream.indirect.gather [hbm4b:s17+s25], $0x80, s25, s25, $0xb8;
	[tilespmem:$0x10600] =	vst v63  }
0x40d: {  	_ = 	snop  }
0x40e: {  	[tilespmem:s8], [sflag:$0x8] =	stream.indirect.gather [hbm4b:s17+s25], $0x80, s1, s25, $0xb8;
	[tilespmem:$0x10600] =	vst v63  }
0x40f: {  	_ =	swait.ge [sflag:s31], $0x2000  }
0x410: {  	[sflag:s31] =	ssyncset.done $0x0  }
0x411: {  	[sflag:s31] =	ssyncadd.s32 $0xFFFFE000  }
0x412: {  	_ =	swait.ge [sflag:s30], $0x2000  }
0x413: {  	[sflag:s30] =	ssyncset.done $0x0  }
0x414: {  	[sflag:s30] =	ssyncadd.s32 $0xFFFFE000  }
0x415: {  	_ =	swait.ge [sflag:s29], $0x2000  }
0x416: {  	[sflag:s29] =	ssyncset.done $0x0  }
0x417: {  	[sflag:s29] =	ssyncadd.s32 $0xFFFFE000  }
0x418: {  	_ =	swait.ge [sflag:s26], $0x2000  }
0x419: {  	[sflag:s26] =	ssyncset.done $0x0  }
0x41a: {  	s0 =	rddreg [dreg:$0x5];
	[sflag:s26] =	ssyncadd.s32 $0xFFFFE000  }
0x41b: {  	[hbm4b:s0+s2] =	stream.linear.scatter [tilespmem:s21], [sflag:$0x9], $0x2000, $0x38;
	[tilespmem:$0x10600] =	vst v63  }
0x41c: {  	s1 =	rddreg [dreg:$0x6]  }
0x41d: {  	[hbm4b:s1+s2] =	stream.linear.scatter [tilespmem:s20], [sflag:$0xB], $0x2000, $0x38;
	[tilespmem:$0x10600] =	vst v63  }
0x41e: {  	s0 =	rddreg [dreg:$0x7]  }
0x41f: {  	[hbm4b:s0+s2] =	stream.linear.scatter [tilespmem:s18], [sflag:$0xD], $0x2000, $0x38;
	[tilespmem:$0x10600] =	vst v63  }
0x420: {  	s1 =	rddreg [dreg:$0x8]  }
0x421: {  	[hbm4b:s1+s2] =	stream.linear.scatter [tilespmem:s19], [sflag:$0xF], $0x2000, $0x38;
	[tilespmem:$0x10600] =	vst v63  }
0x422: {  	_ =	swait.ge [sflag:s13], $0x2000  }
0x423: {  	[sflag:s13] =	ssyncset.done $0x0  }
0x424: {  	[sflag:s13] =	ssyncadd.s32 $0xFFFFE000  }
0x425: {  	_ =	swait.ge [sflag:s9], $0x2000  }
0x426: {  	[sflag:s9] =	ssyncset.done $0x0  }
0x427: {  	[sflag:s9] =	ssyncadd.s32 $0xFFFFE000  }
0x428: {  	_ =	swait.ge [sflag:s4], $0x2000  }
0x429: {  	[sflag:s4] =	ssyncset.done $0x0  }
0x42a: {  	[sflag:s4] =	ssyncadd.s32 $0xFFFFE000  }
0x42b: {  	_ =	swait.ge [sflag:s5], $0x2000  }
0x42c: {  	[sflag:s5] =	ssyncset.done $0x0  }
0x42d: {  	s0 =	simm.s32 $0x80;
	[sflag:s5] =	ssyncadd.s32 $0xFFFFE000  }
0x42e: {  	[tilespmem:s21], [sflag:$0x1] =	stream.indirect.gather [hbm4b:s15+s25], $0x80, s0, s25, $0xb8;
	[tilespmem:$0x10600] =	vst v63  }
0x42f: {  	s1 =	simm.s32 $0x380  }
0x430: {  	[tilespmem:s20], [sflag:$0x3] =	stream.indirect.gather [hbm4b:s16+s25], $0x80, s1, s25, $0xb8;
	[tilespmem:$0x10600] =	vst v63  }
0x431: {  	_ = 	snop  }
0x432: {  	[tilespmem:s18], [sflag:$0x5] =	stream.indirect.gather [hbm4b:s17+s25], $0x80, s0, s25, $0xb8;
	[tilespmem:$0x10600] =	vst v63  }
0x433: {  	_ = 	snop  }
0x434: {  	[tilespmem:s19], [sflag:$0x7] =	stream.indirect.gather [hbm4b:s17+s25], $0x80, s1, s25, $0xb8;
	[tilespmem:$0x10600] =	vst v63  }
0x435: {  	_ =	swait.ge [sflag:s28], $0x2000  }
0x436: {  	[sflag:s28] =	ssyncset.done $0x0  }
0x437: {  	[sflag:s28] =	ssyncadd.s32 $0xFFFFE000  }
0x438: {  	_ =	swait.ge [sflag:s24], $0x2000  }
0x439: {  	[sflag:s24] =	ssyncset.done $0x0  }
0x43a: {  	[sflag:s24] =	ssyncadd.s32 $0xFFFFE000  }
0x43b: {  	_ =	swait.ge [sflag:s23], $0x2000  }
0x43c: {  	[sflag:s23] =	ssyncset.done $0x0  }
0x43d: {  	[sflag:s23] =	ssyncadd.s32 $0xFFFFE000  }
0x43e: {  	_ =	swait.ge [sflag:s22], $0x2000  }
0x43f: {  	[sflag:s22] =	ssyncset.done $0x0  }
0x440: {  	s0 =	rddreg [dreg:$0x9];
	[sflag:s22] =	ssyncadd.s32 $0xFFFFE000  }
0x441: {  	[hbm4b:s0+s2] =	stream.linear.scatter [tilespmem:s10], [sflag:$0xA], $0x2000, $0x38;
	[tilespmem:$0x10600] =	vst v63  }
0x442: {  	s1 =	rddreg [dreg:$0xa]  }
0x443: {  	[hbm4b:s1+s2] =	stream.linear.scatter [tilespmem:s11], [sflag:$0xC], $0x2000, $0x38;
	[tilespmem:$0x10600] =	vst v63  }
0x444: {  	s0 =	rddreg [dreg:$0xb]  }
0x445: {  	[hbm4b:s0+s2] =	stream.linear.scatter [tilespmem:s7], [sflag:$0xE], $0x2000, $0x38;
	[tilespmem:$0x10600] =	vst v63  }
0x446: {  	s1 =	rddreg [dreg:$0xc]  }
0x447: {  	[hbm4b:s1+s2] =	stream.linear.scatter [tilespmem:s8], [sflag:$0x10], $0x2000, $0x38;
	[tilespmem:$0x10600] =	vst v63  }
0x448: {  	_ =	swait.ge [sflag:s14], $0x2000  }
0x449: {  	[sflag:s14] =	ssyncset.done $0x0  }
0x44a: {  	[sflag:s14] =	ssyncadd.s32 $0xFFFFE000  }
0x44b: {  	_ =	swait.ge [sflag:s12], $0x2000  }
0x44c: {  	[sflag:s12] =	ssyncset.done $0x0  }
0x44d: {  	[sflag:s12] =	ssyncadd.s32 $0xFFFFE000  }
0x44e: {  	_ =	swait.ge [sflag:s6], $0x2000  }
0x44f: {  	[sflag:s6] =	ssyncset.done $0x0  }
0x450: {  	[sflag:s6] =	ssyncadd.s32 $0xFFFFE000  }
0x451: {  	_ =	swait.ge [sflag:s3], $0x2000  }
0x452: {  	[sflag:s3] =	ssyncset.done $0x0  }
0x453: {  	s0 =	simm.s32 $0xC0;
	[sflag:s3] =	ssyncadd.s32 $0xFFFFE000  }
0x454: {  	[tilespmem:s10], [sflag:$0x2] =	stream.indirect.gather [hbm4b:s15+s25], $0x80, s0, s25, $0xb8;
	[tilespmem:$0x10600] =	vst v63  }
0x455: {  	s1 =	simm.s32 $0x3C0  }
0x456: {  	[tilespmem:s11], [sflag:$0x4] =	stream.indirect.gather [hbm4b:s16+s25], $0x80, s1, s25, $0xb8;
	[tilespmem:$0x10600] =	vst v63  }
0x457: {  	_ = 	snop  }
0x458: {  	[tilespmem:s7], [sflag:$0x6] =	stream.indirect.gather [hbm4b:s17+s25], $0x80, s0, s25, $0xb8;
	[tilespmem:$0x10600] =	vst v63  }
0x459: {  	_ = 	snop  }
0x45a: {  	[tilespmem:s8], [sflag:$0x8] =	stream.indirect.gather [hbm4b:s17+s25], $0x80, s1, s25, $0xb8;
	[tilespmem:$0x10600] =	vst v63  }
0x45b: {  	_ =	swait.ge [sflag:s31], $0x2000  }
0x45c: {  	[sflag:s31] =	ssyncset.done $0x0  }
0x45d: {  	[sflag:s31] =	ssyncadd.s32 $0xFFFFE000  }
0x45e: {  	_ =	swait.ge [sflag:s30], $0x2000  }
0x45f: {  	[sflag:s30] =	ssyncset.done $0x0  }
0x460: {  	[sflag:s30] =	ssyncadd.s32 $0xFFFFE000  }
0x461: {  	_ =	swait.ge [sflag:s29], $0x2000  }
0x462: {  	[sflag:s29] =	ssyncset.done $0x0  }
0x463: {  	[sflag:s29] =	ssyncadd.s32 $0xFFFFE000  }
0x464: {  	_ =	swait.ge [sflag:s26], $0x2000  }
0x465: {  	[sflag:s26] =	ssyncset.done $0x0  }
0x466: {  	s0 =	rddreg [dreg:$0xd];
	[sflag:s26] =	ssyncadd.s32 $0xFFFFE000  }
0x467: {  	[hbm4b:s0+s2] =	stream.linear.scatter [tilespmem:s21], [sflag:$0x9], $0x2000, $0x38;
	[tilespmem:$0x10600] =	vst v63  }
0x468: {  	s1 =	rddreg [dreg:$0xe]  }
0x469: {  	[hbm4b:s1+s2] =	stream.linear.scatter [tilespmem:s20], [sflag:$0xB], $0x2000, $0x38;
	[tilespmem:$0x10600] =	vst v63  }
0x46a: {  	s0 =	rddreg [dreg:$0xf]  }
0x46b: {  	[hbm4b:s0+s2] =	stream.linear.scatter [tilespmem:s18], [sflag:$0xD], $0x2000, $0x38;
	[tilespmem:$0x10600] =	vst v63  }
0x46c: {  	s1 =	rddreg [dreg:$0x10]  }
0x46d: {  	[hbm4b:s1+s2] =	stream.linear.scatter [tilespmem:s19], [sflag:$0xF], $0x2000, $0x38;
	[tilespmem:$0x10600] =	vst v63  }
0x46e: {  	_ =	swait.ge [sflag:s13], $0x2000  }
0x46f: {  	[sflag:s13] =	ssyncset.done $0x0  }
0x470: {  	[sflag:s13] =	ssyncadd.s32 $0xFFFFE000  }
0x471: {  	_ =	swait.ge [sflag:s9], $0x2000  }
0x472: {  	[sflag:s9] =	ssyncset.done $0x0  }
0x473: {  	[sflag:s9] =	ssyncadd.s32 $0xFFFFE000  }
0x474: {  	_ =	swait.ge [sflag:s4], $0x2000  }
0x475: {  	[sflag:s4] =	ssyncset.done $0x0  }
0x476: {  	[sflag:s4] =	ssyncadd.s32 $0xFFFFE000  }
0x477: {  	_ =	swait.ge [sflag:s5], $0x2000  }
0x478: {  	[sflag:s5] =	ssyncset.done $0x0  }
0x479: {  	s0 =	simm.s32 $0x100;
	[sflag:s5] =	ssyncadd.s32 $0xFFFFE000  }
0x47a: {  	[tilespmem:s21], [sflag:$0x1] =	stream.indirect.gather [hbm4b:s15+s25], $0x80, s0, s25, $0xb8;
	[tilespmem:$0x10600] =	vst v63  }
0x47b: {  	s1 =	simm.s32 $0x400  }
0x47c: {  	[tilespmem:s20], [sflag:$0x3] =	stream.indirect.gather [hbm4b:s16+s25], $0x80, s1, s25, $0xb8;
	[tilespmem:$0x10600] =	vst v63  }
0x47d: {  	_ = 	snop  }
0x47e: {  	[tilespmem:s18], [sflag:$0x5] =	stream.indirect.gather [hbm4b:s17+s25], $0x80, s0, s25, $0xb8;
	[tilespmem:$0x10600] =	vst v63  }
0x47f: {  	_ = 	snop  }
0x480: {  	[tilespmem:s19], [sflag:$0x7] =	stream.indirect.gather [hbm4b:s17+s25], $0x80, s1, s25, $0xb8;
	[tilespmem:$0x10600] =	vst v63  }
0x481: {  	_ =	swait.ge [sflag:s28], $0x2000  }
0x482: {  	[sflag:s28] =	ssyncset.done $0x0  }
0x483: {  	[sflag:s28] =	ssyncadd.s32 $0xFFFFE000  }
0x484: {  	_ =	swait.ge [sflag:s24], $0x2000  }
0x485: {  	[sflag:s24] =	ssyncset.done $0x0  }
0x486: {  	[sflag:s24] =	ssyncadd.s32 $0xFFFFE000  }
0x487: {  	_ =	swait.ge [sflag:s23], $0x2000  }
0x488: {  	[sflag:s23] =	ssyncset.done $0x0  }
0x489: {  	[sflag:s23] =	ssyncadd.s32 $0xFFFFE000  }
0x48a: {  	_ =	swait.ge [sflag:s22], $0x2000  }
0x48b: {  	[sflag:s22] =	ssyncset.done $0x0  }
0x48c: {  	s0 =	rddreg [dreg:$0x11];
	[sflag:s22] =	ssyncadd.s32 $0xFFFFE000  }
0x48d: {  	[hbm4b:s0+s2] =	stream.linear.scatter [tilespmem:s10], [sflag:$0xA], $0x2000, $0x38;
	[tilespmem:$0x10600] =	vst v63  }
0x48e: {  	s1 =	rddreg [dreg:$0x12]  }
0x48f: {  	[hbm4b:s1+s2] =	stream.linear.scatter [tilespmem:s11], [sflag:$0xC], $0x2000, $0x38;
	[tilespmem:$0x10600] =	vst v63  }
0x490: {  	s0 =	rddreg [dreg:$0x13]  }
0x491: {  	[hbm4b:s0+s2] =	stream.linear.scatter [tilespmem:s7], [sflag:$0xE], $0x2000, $0x38;
	[tilespmem:$0x10600] =	vst v63  }
0x492: {  	s1 =	rddreg [dreg:$0x14]  }
0x493: {  	[hbm4b:s1+s2] =	stream.linear.scatter [tilespmem:s8], [sflag:$0x10], $0x2000, $0x38;
	[tilespmem:$0x10600] =	vst v63  }
0x494: {  	_ =	swait.ge [sflag:s14], $0x2000  }
0x495: {  	[sflag:s14] =	ssyncset.done $0x0  }
0x496: {  	[sflag:s14] =	ssyncadd.s32 $0xFFFFE000  }
0x497: {  	_ =	swait.ge [sflag:s12], $0x2000  }
0x498: {  	[sflag:s12] =	ssyncset.done $0x0  }
0x499: {  	[sflag:s12] =	ssyncadd.s32 $0xFFFFE000  }
0x49a: {  	_ =	swait.ge [sflag:s6], $0x2000  }
0x49b: {  	[sflag:s6] =	ssyncset.done $0x0  }
0x49c: {  	[sflag:s6] =	ssyncadd.s32 $0xFFFFE000  }
0x49d: {  	_ =	swait.ge [sflag:s3], $0x2000  }
0x49e: {  	[sflag:s3] =	ssyncset.done $0x0  }
0x49f: {  	s0 =	simm.s32 $0x140;
	[sflag:s3] =	ssyncadd.s32 $0xFFFFE000  }
0x4a0: {  	[tilespmem:s10], [sflag:$0x2] =	stream.indirect.gather [hbm4b:s15+s25], $0x80, s0, s25, $0xb8;
	[tilespmem:$0x10600] =	vst v63  }
0x4a1: {  	s1 =	simm.s32 $0x440  }
0x4a2: {  	[tilespmem:s11], [sflag:$0x4] =	stream.indirect.gather [hbm4b:s16+s25], $0x80, s1, s25, $0xb8;
	[tilespmem:$0x10600] =	vst v63  }
0x4a3: {  	_ = 	snop  }
0x4a4: {  	[tilespmem:s7], [sflag:$0x6] =	stream.indirect.gather [hbm4b:s17+s25], $0x80, s0, s25, $0xb8;
	[tilespmem:$0x10600] =	vst v63  }
0x4a5: {  	_ = 	snop  }
0x4a6: {  	[tilespmem:s8], [sflag:$0x8] =	stream.indirect.gather [hbm4b:s17+s25], $0x80, s1, s25, $0xb8;
	[tilespmem:$0x10600] =	vst v63  }
0x4a7: {  	_ =	swait.ge [sflag:s31], $0x2000  }
0x4a8: {  	[sflag:s31] =	ssyncset.done $0x0  }
0x4a9: {  	[sflag:s31] =	ssyncadd.s32 $0xFFFFE000  }
0x4aa: {  	_ =	swait.ge [sflag:s30], $0x2000  }
0x4ab: {  	[sflag:s30] =	ssyncset.done $0x0  }
0x4ac: {  	[sflag:s30] =	ssyncadd.s32 $0xFFFFE000  }
0x4ad: {  	_ =	swait.ge [sflag:s29], $0x2000  }
0x4ae: {  	[sflag:s29] =	ssyncset.done $0x0  }
0x4af: {  	[sflag:s29] =	ssyncadd.s32 $0xFFFFE000  }
0x4b0: {  	_ =	swait.ge [sflag:s26], $0x2000  }
0x4b1: {  	[sflag:s26] =	ssyncset.done $0x0  }
0x4b2: {  	s0 =	rddreg [dreg:$0x15];
	[sflag:s26] =	ssyncadd.s32 $0xFFFFE000  }
0x4b3: {  	[hbm4b:s0+s2] =	stream.linear.scatter [tilespmem:s21], [sflag:$0x9], $0x2000, $0x38;
	[tilespmem:$0x10600] =	vst v63  }
0x4b4: {  	s1 =	rddreg [dreg:$0x16]  }
0x4b5: {  	[hbm4b:s1+s2] =	stream.linear.scatter [tilespmem:s20], [sflag:$0xB], $0x2000, $0x38;
	[tilespmem:$0x10600] =	vst v63  }
0x4b6: {  	s0 =	rddreg [dreg:$0x17]  }
0x4b7: {  	[hbm4b:s0+s2] =	stream.linear.scatter [tilespmem:s18], [sflag:$0xD], $0x2000, $0x38;
	[tilespmem:$0x10600] =	vst v63  }
0x4b8: {  	s1 =	rddreg [dreg:$0x18]  }
0x4b9: {  	[hbm4b:s1+s2] =	stream.linear.scatter [tilespmem:s19], [sflag:$0xF], $0x2000, $0x38;
	[tilespmem:$0x10600] =	vst v63  }
0x4ba: {  	_ =	swait.ge [sflag:s13], $0x2000  }
0x4bb: {  	[sflag:s13] =	ssyncset.done $0x0  }
0x4bc: {  	[sflag:s13] =	ssyncadd.s32 $0xFFFFE000  }
0x4bd: {  	_ =	swait.ge [sflag:s9], $0x2000  }
0x4be: {  	[sflag:s9] =	ssyncset.done $0x0  }
0x4bf: {  	[sflag:s9] =	ssyncadd.s32 $0xFFFFE000  }
0x4c0: {  	_ =	swait.ge [sflag:s4], $0x2000  }
0x4c1: {  	[sflag:s4] =	ssyncset.done $0x0  }
0x4c2: {  	[sflag:s4] =	ssyncadd.s32 $0xFFFFE000  }
0x4c3: {  	_ =	swait.ge [sflag:s5], $0x2000  }
0x4c4: {  	[sflag:s5] =	ssyncset.done $0x0  }
0x4c5: {  	s0 =	simm.s32 $0x180;
	[sflag:s5] =	ssyncadd.s32 $0xFFFFE000  }
0x4c6: {  	[tilespmem:s21], [sflag:$0x1] =	stream.indirect.gather [hbm4b:s15+s25], $0x80, s0, s25, $0xb8;
	[tilespmem:$0x10600] =	vst v63  }
0x4c7: {  	s1 =	simm.s32 $0x480  }
0x4c8: {  	[tilespmem:s20], [sflag:$0x3] =	stream.indirect.gather [hbm4b:s16+s25], $0x80, s1, s25, $0xb8;
	[tilespmem:$0x10600] =	vst v63  }
0x4c9: {  	_ = 	snop  }
0x4ca: {  	[tilespmem:s18], [sflag:$0x5] =	stream.indirect.gather [hbm4b:s17+s25], $0x80, s0, s25, $0xb8;
	[tilespmem:$0x10600] =	vst v63  }
0x4cb: {  	_ = 	snop  }
0x4cc: {  	[tilespmem:s19], [sflag:$0x7] =	stream.indirect.gather [hbm4b:s17+s25], $0x80, s1, s25, $0xb8;
	[tilespmem:$0x10600] =	vst v63  }
0x4cd: {  	_ =	swait.ge [sflag:s28], $0x2000  }
0x4ce: {  	[sflag:s28] =	ssyncset.done $0x0  }
0x4cf: {  	[sflag:s28] =	ssyncadd.s32 $0xFFFFE000  }
0x4d0: {  	_ =	swait.ge [sflag:s24], $0x2000  }
0x4d1: {  	[sflag:s24] =	ssyncset.done $0x0  }
0x4d2: {  	[sflag:s24] =	ssyncadd.s32 $0xFFFFE000  }
0x4d3: {  	_ =	swait.ge [sflag:s23], $0x2000  }
0x4d4: {  	[sflag:s23] =	ssyncset.done $0x0  }
0x4d5: {  	[sflag:s23] =	ssyncadd.s32 $0xFFFFE000  }
0x4d6: {  	_ =	swait.ge [sflag:s22], $0x2000  }
0x4d7: {  	[sflag:s22] =	ssyncset.done $0x0  }
0x4d8: {  	s0 =	rddreg [dreg:$0x19];
	[sflag:s22] =	ssyncadd.s32 $0xFFFFE000  }
0x4d9: {  	[hbm4b:s0+s2] =	stream.linear.scatter [tilespmem:s10], [sflag:$0xA], $0x2000, $0x38;
	[tilespmem:$0x10600] =	vst v63  }
0x4da: {  	s1 =	rddreg [dreg:$0x1a]  }
0x4db: {  	[hbm4b:s1+s2] =	stream.linear.scatter [tilespmem:s11], [sflag:$0xC], $0x2000, $0x38;
	[tilespmem:$0x10600] =	vst v63  }
0x4dc: {  	s0 =	rddreg [dreg:$0x1b]  }
0x4dd: {  	[hbm4b:s0+s2] =	stream.linear.scatter [tilespmem:s7], [sflag:$0xE], $0x2000, $0x38;
	[tilespmem:$0x10600] =	vst v63  }
0x4de: {  	s1 =	rddreg [dreg:$0x1c]  }
0x4df: {  	[hbm4b:s1+s2] =	stream.linear.scatter [tilespmem:s8], [sflag:$0x10], $0x2000, $0x38;
	[tilespmem:$0x10600] =	vst v63  }
0x4e0: {  	_ =	swait.ge [sflag:s14], $0x2000  }
0x4e1: {  	[sflag:s14] =	ssyncset.done $0x0  }
0x4e2: {  	[sflag:s14] =	ssyncadd.s32 $0xFFFFE000  }
0x4e3: {  	_ =	swait.ge [sflag:s12], $0x2000  }
0x4e4: {  	[sflag:s12] =	ssyncset.done $0x0  }
0x4e5: {  	[sflag:s12] =	ssyncadd.s32 $0xFFFFE000  }
0x4e6: {  	_ =	swait.ge [sflag:s6], $0x2000  }
0x4e7: {  	[sflag:s6] =	ssyncset.done $0x0  }
0x4e8: {  	[sflag:s6] =	ssyncadd.s32 $0xFFFFE000  }
0x4e9: {  	_ =	swait.ge [sflag:s3], $0x2000  }
0x4ea: {  	[sflag:s3] =	ssyncset.done $0x0  }
0x4eb: {  	s0 =	simm.s32 $0x1C0;
	[sflag:s3] =	ssyncadd.s32 $0xFFFFE000  }
0x4ec: {  	[tilespmem:s10], [sflag:$0x2] =	stream.indirect.gather [hbm4b:s15+s25], $0x80, s0, s25, $0xb8;
	[tilespmem:$0x10600] =	vst v63  }
0x4ed: {  	s1 =	simm.s32 $0x4C0  }
0x4ee: {  	[tilespmem:s11], [sflag:$0x4] =	stream.indirect.gather [hbm4b:s16+s25], $0x80, s1, s25, $0xb8;
	[tilespmem:$0x10600] =	vst v63  }
0x4ef: {  	_ = 	snop  }
0x4f0: {  	[tilespmem:s7], [sflag:$0x6] =	stream.indirect.gather [hbm4b:s17+s25], $0x80, s0, s25, $0xb8;
	[tilespmem:$0x10600] =	vst v63  }
0x4f1: {  	_ = 	snop  }
0x4f2: {  	[tilespmem:s8], [sflag:$0x8] =	stream.indirect.gather [hbm4b:s17+s25], $0x80, s1, s25, $0xb8;
	[tilespmem:$0x10600] =	vst v63  }
0x4f3: {  	_ =	swait.ge [sflag:s31], $0x2000  }
0x4f4: {  	[sflag:s31] =	ssyncset.done $0x0  }
0x4f5: {  	[sflag:s31] =	ssyncadd.s32 $0xFFFFE000  }
0x4f6: {  	_ =	swait.ge [sflag:s30], $0x2000  }
0x4f7: {  	[sflag:s30] =	ssyncset.done $0x0  }
0x4f8: {  	[sflag:s30] =	ssyncadd.s32 $0xFFFFE000  }
0x4f9: {  	_ =	swait.ge [sflag:s29], $0x2000  }
0x4fa: {  	[sflag:s29] =	ssyncset.done $0x0  }
0x4fb: {  	[sflag:s29] =	ssyncadd.s32 $0xFFFFE000  }
0x4fc: {  	_ =	swait.ge [sflag:s26], $0x2000  }
0x4fd: {  	s0 =	rddreg [dreg:$0x1d];
	[sflag:s26] =	ssyncset.done $0x0  }
0x4fe: {  	s1 =	rddreg [dreg:$0x1e];
	[sflag:s26] =	ssyncadd.s32 $0xFFFFE000  }
0x4ff: {  	[hbm4b:s0+s2] =	stream.linear.scatter [tilespmem:s21], [sflag:$0x9], $0x2000, $0x38;
	[tilespmem:$0x10600] =	vst v63  }
0x500: {  	s0 =	rddreg [dreg:$0x1f]  }
0x501: {  	[hbm4b:s1+s2] =	stream.linear.scatter [tilespmem:s20], [sflag:$0xB], $0x2000, $0x38;
	[tilespmem:$0x10600] =	vst v63  }
0x502: {  	s1 =	sld [smem:$0x7E9]  }
0x503: {  	[hbm4b:s0+s2] =	stream.linear.scatter [tilespmem:s18], [sflag:$0xD], $0x2000, $0x38;
	[tilespmem:$0x10600] =	vst v63  }
0x504: {  	_ = 	snop  }
0x505: {  	[hbm4b:s1+s2] =	stream.linear.scatter [tilespmem:s19], [sflag:$0xF], $0x2000, $0x38;
	[tilespmem:$0x10600] =	vst v63  }
0x506: {  	_ =	swait.ge [sflag:s13], $0x2000  }
0x507: {  	[sflag:s13] =	ssyncset.done $0x0  }
0x508: {  	[sflag:s13] =	ssyncadd.s32 $0xFFFFE000  }
0x509: {  	_ =	swait.ge [sflag:s9], $0x2000  }
0x50a: {  	[sflag:s9] =	ssyncset.done $0x0  }
0x50b: {  	[sflag:s9] =	ssyncadd.s32 $0xFFFFE000  }
0x50c: {  	_ =	swait.ge [sflag:s4], $0x2000  }
0x50d: {  	[sflag:s4] =	ssyncset.done $0x0  }
0x50e: {  	[sflag:s4] =	ssyncadd.s32 $0xFFFFE000  }
0x50f: {  	_ =	swait.ge [sflag:s5], $0x2000  }
0x510: {  	[sflag:s5] =	ssyncset.done $0x0  }
0x511: {  	s0 =	simm.s32 $0x200;
	[sflag:s5] =	ssyncadd.s32 $0xFFFFE000  }
0x512: {  	[tilespmem:s21], [sflag:$0x1] =	stream.indirect.gather [hbm4b:s15+s25], $0x80, s0, s25, $0xb8;
	[tilespmem:$0x10600] =	vst v63  }
0x513: {  	s1 =	simm.s32 $0x500  }
0x514: {  	[tilespmem:s20], [sflag:$0x3] =	stream.indirect.gather [hbm4b:s16+s25], $0x80, s1, s25, $0xb8;
	[tilespmem:$0x10600] =	vst v63  }
0x515: {  	_ = 	snop  }
0x516: {  	[tilespmem:s18], [sflag:$0x5] =	stream.indirect.gather [hbm4b:s17+s25], $0x80, s0, s25, $0xb8;
	[tilespmem:$0x10600] =	vst v63  }
0x517: {  	_ = 	snop  }
0x518: {  	[tilespmem:s19], [sflag:$0x7] =	stream.indirect.gather [hbm4b:s17+s25], $0x80, s1, s25, $0xb8;
	[tilespmem:$0x10600] =	vst v63  }
0x519: {  	_ =	swait.ge [sflag:s28], $0x2000  }
0x51a: {  	[sflag:s28] =	ssyncset.done $0x0  }
0x51b: {  	[sflag:s28] =	ssyncadd.s32 $0xFFFFE000  }
0x51c: {  	_ =	swait.ge [sflag:s24], $0x2000  }
0x51d: {  	[sflag:s24] =	ssyncset.done $0x0  }
0x51e: {  	[sflag:s24] =	ssyncadd.s32 $0xFFFFE000  }
0x51f: {  	_ =	swait.ge [sflag:s23], $0x2000  }
0x520: {  	[sflag:s23] =	ssyncset.done $0x0  }
0x521: {  	[sflag:s23] =	ssyncadd.s32 $0xFFFFE000  }
0x522: {  	_ =	swait.ge [sflag:s22], $0x2000  }
0x523: {  	s0 =	sld [smem:$0x7EA]  }
0x524: {  	[sflag:s22] =	ssyncset.done $0x0  }
0x525: {  	s1 =	sld [smem:$0x7EB];
	[sflag:s22] =	ssyncadd.s32 $0xFFFFE000  }
0x526: {  	[hbm4b:s0+s2] =	stream.linear.scatter [tilespmem:s10], [sflag:$0xA], $0x2000, $0x38;
	[tilespmem:$0x10600] =	vst v63  }
0x527: {  	s0 =	sld [smem:$0x7EC]  }
0x528: {  	[hbm4b:s1+s2] =	stream.linear.scatter [tilespmem:s11], [sflag:$0xC], $0x2000, $0x38;
	[tilespmem:$0x10600] =	vst v63  }
0x529: {  	s1 =	sld [smem:$0x7ED]  }
0x52a: {  	[hbm4b:s0+s2] =	stream.linear.scatter [tilespmem:s7], [sflag:$0xE], $0x2000, $0x38;
	[tilespmem:$0x10600] =	vst v63  }
0x52b: {  	_ = 	snop  }
0x52c: {  	[hbm4b:s1+s2] =	stream.linear.scatter [tilespmem:s8], [sflag:$0x10], $0x2000, $0x38;
	[tilespmem:$0x10600] =	vst v63  }
0x52d: {  	_ =	swait.ge [sflag:s14], $0x2000  }
0x52e: {  	[sflag:s14] =	ssyncset.done $0x0  }
0x52f: {  	[sflag:s14] =	ssyncadd.s32 $0xFFFFE000  }
0x530: {  	_ =	swait.ge [sflag:s12], $0x2000  }
0x531: {  	[sflag:s12] =	ssyncset.done $0x0  }
0x532: {  	[sflag:s12] =	ssyncadd.s32 $0xFFFFE000  }
0x533: {  	_ =	swait.ge [sflag:s6], $0x2000  }
0x534: {  	[sflag:s6] =	ssyncset.done $0x0  }
0x535: {  	[sflag:s6] =	ssyncadd.s32 $0xFFFFE000  }
0x536: {  	_ =	swait.ge [sflag:s3], $0x2000  }
0x537: {  	[sflag:s3] =	ssyncset.done $0x0  }
0x538: {  	s0 =	simm.s32 $0x240;
	[sflag:s3] =	ssyncadd.s32 $0xFFFFE000  }
0x539: {  	[tilespmem:s10], [sflag:$0x2] =	stream.indirect.gather [hbm4b:s15+s25], $0x80, s0, s25, $0xb8;
	[tilespmem:$0x10600] =	vst v63  }
0x53a: {  	s1 =	simm.s32 $0x540  }
0x53b: {  	[tilespmem:s11], [sflag:$0x4] =	stream.indirect.gather [hbm4b:s16+s25], $0x80, s1, s25, $0xb8;
	[tilespmem:$0x10600] =	vst v63  }
0x53c: {  	_ = 	snop  }
0x53d: {  	[tilespmem:s7], [sflag:$0x6] =	stream.indirect.gather [hbm4b:s17+s25], $0x80, s0, s25, $0xb8;
	[tilespmem:$0x10600] =	vst v63  }
0x53e: {  	_ = 	snop  }
0x53f: {  	[tilespmem:s8], [sflag:$0x8] =	stream.indirect.gather [hbm4b:s17+s25], $0x80, s1, s25, $0xb8;
	[tilespmem:$0x10600] =	vst v63  }
0x540: {  	_ =	swait.ge [sflag:s31], $0x2000  }
0x541: {  	[sflag:s31] =	ssyncset.done $0x0  }
0x542: {  	[sflag:s31] =	ssyncadd.s32 $0xFFFFE000  }
0x543: {  	_ =	swait.ge [sflag:s30], $0x2000  }
0x544: {  	[sflag:s30] =	ssyncset.done $0x0  }
0x545: {  	[sflag:s30] =	ssyncadd.s32 $0xFFFFE000  }
0x546: {  	_ =	swait.ge [sflag:s29], $0x2000  }
0x547: {  	[sflag:s29] =	ssyncset.done $0x0  }
0x548: {  	[sflag:s29] =	ssyncadd.s32 $0xFFFFE000  }
0x549: {  	_ =	swait.ge [sflag:s26], $0x2000  }
0x54a: {  	s0 =	sld [smem:$0x7EE]  }
0x54b: {  	[sflag:s26] =	ssyncset.done $0x0  }
0x54c: {  	s1 =	sld [smem:$0x7EF];
	[sflag:s26] =	ssyncadd.s32 $0xFFFFE000  }
0x54d: {  	[hbm4b:s0+s2] =	stream.linear.scatter [tilespmem:s21], [sflag:$0x9], $0x2000, $0x38;
	[tilespmem:$0x10600] =	vst v63  }
0x54e: {  	s0 =	sld [smem:$0x7F0]  }
0x54f: {  	[hbm4b:s1+s2] =	stream.linear.scatter [tilespmem:s20], [sflag:$0xB], $0x2000, $0x38;
	[tilespmem:$0x10600] =	vst v63  }
0x550: {  	s1 =	sld [smem:$0x7F1]  }
0x551: {  	[hbm4b:s0+s2] =	stream.linear.scatter [tilespmem:s18], [sflag:$0xD], $0x2000, $0x38;
	[tilespmem:$0x10600] =	vst v63  }
0x552: {  	_ = 	snop  }
0x553: {  	[hbm4b:s1+s2] =	stream.linear.scatter [tilespmem:s19], [sflag:$0xF], $0x2000, $0x38;
	[tilespmem:$0x10600] =	vst v63  }
0x554: {  	_ =	swait.ge [sflag:s13], $0x2000  }
0x555: {  	[sflag:s13] =	ssyncset.done $0x0  }
0x556: {  	[sflag:s13] =	ssyncadd.s32 $0xFFFFE000  }
0x557: {  	_ =	swait.ge [sflag:s9], $0x2000  }
0x558: {  	[sflag:s9] =	ssyncset.done $0x0  }
0x559: {  	[sflag:s9] =	ssyncadd.s32 $0xFFFFE000  }
0x55a: {  	_ =	swait.ge [sflag:s4], $0x2000  }
0x55b: {  	[sflag:s4] =	ssyncset.done $0x0  }
0x55c: {  	[sflag:s4] =	ssyncadd.s32 $0xFFFFE000  }
0x55d: {  	_ =	swait.ge [sflag:s5], $0x2000  }
0x55e: {  	[sflag:s5] =	ssyncset.done $0x0  }
0x55f: {  	s0 =	simm.s32 $0x280;
	[sflag:s5] =	ssyncadd.s32 $0xFFFFE000  }
0x560: {  	[tilespmem:s21], [sflag:$0x1] =	stream.indirect.gather [hbm4b:s15+s25], $0x80, s0, s25, $0xb8;
	[tilespmem:$0x10600] =	vst v63  }
0x561: {  	s1 =	simm.s32 $0x580  }
0x562: {  	[tilespmem:s20], [sflag:$0x3] =	stream.indirect.gather [hbm4b:s16+s25], $0x80, s1, s25, $0xb8;
	[tilespmem:$0x10600] =	vst v63  }
0x563: {  	_ = 	snop  }
0x564: {  	[tilespmem:s18], [sflag:$0x5] =	stream.indirect.gather [hbm4b:s17+s25], $0x80, s0, s25, $0xb8;
	[tilespmem:$0x10600] =	vst v63  }
0x565: {  	_ = 	snop  }
0x566: {  	[tilespmem:s19], [sflag:$0x7] =	stream.indirect.gather [hbm4b:s17+s25], $0x80, s1, s25, $0xb8;
	[tilespmem:$0x10600] =	vst v63  }
0x567: {  	_ =	swait.ge [sflag:s28], $0x2000  }
0x568: {  	[sflag:s28] =	ssyncset.done $0x0  }
0x569: {  	[sflag:s28] =	ssyncadd.s32 $0xFFFFE000  }
0x56a: {  	_ =	swait.ge [sflag:s24], $0x2000  }
0x56b: {  	[sflag:s24] =	ssyncset.done $0x0  }
0x56c: {  	[sflag:s24] =	ssyncadd.s32 $0xFFFFE000  }
0x56d: {  	_ =	swait.ge [sflag:s23], $0x2000  }
0x56e: {  	[sflag:s23] =	ssyncset.done $0x0  }
0x56f: {  	[sflag:s23] =	ssyncadd.s32 $0xFFFFE000  }
0x570: {  	_ =	swait.ge [sflag:s22], $0x2000  }
0x571: {  	s0 =	sld [smem:$0x7F2]  }
0x572: {  	[sflag:s22] =	ssyncset.done $0x0  }
0x573: {  	s1 =	sld [smem:$0x7F3];
	[sflag:s22] =	ssyncadd.s32 $0xFFFFE000  }
0x574: {  	[hbm4b:s0+s2] =	stream.linear.scatter [tilespmem:s10], [sflag:$0xA], $0x2000, $0x38;
	[tilespmem:$0x10600] =	vst v63  }
0x575: {  	s0 =	sld [smem:$0x7F4]  }
0x576: {  	[hbm4b:s1+s2] =	stream.linear.scatter [tilespmem:s11], [sflag:$0xC], $0x2000, $0x38;
	[tilespmem:$0x10600] =	vst v63  }
0x577: {  	s1 =	sld [smem:$0x7F5]  }
0x578: {  	[hbm4b:s0+s2] =	stream.linear.scatter [tilespmem:s7], [sflag:$0xE], $0x2000, $0x38;
	[tilespmem:$0x10600] =	vst v63  }
0x579: {  	_ = 	snop  }
0x57a: {  	[hbm4b:s1+s2] =	stream.linear.scatter [tilespmem:s8], [sflag:$0x10], $0x2000, $0x38;
	[tilespmem:$0x10600] =	vst v63  }
0x57b: {  	_ =	swait.ge [sflag:s14], $0x2000  }
0x57c: {  	[sflag:s14] =	ssyncset.done $0x0  }
0x57d: {  	[sflag:s14] =	ssyncadd.s32 $0xFFFFE000  }
0x57e: {  	_ =	swait.ge [sflag:s12], $0x2000  }
0x57f: {  	[sflag:s12] =	ssyncset.done $0x0  }
0x580: {  	[sflag:s12] =	ssyncadd.s32 $0xFFFFE000  }
0x581: {  	_ =	swait.ge [sflag:s6], $0x2000  }
0x582: {  	[sflag:s6] =	ssyncset.done $0x0  }
0x583: {  	[sflag:s6] =	ssyncadd.s32 $0xFFFFE000  }
0x584: {  	_ =	swait.ge [sflag:s3], $0x2000  }
0x585: {  	[sflag:s3] =	ssyncset.done $0x0  }
0x586: {  	s1 =	simm.s32 $0x2C0;
	[sflag:s3] =	ssyncadd.s32 $0xFFFFE000  }
0x587: {  	[tilespmem:s10], [sflag:$0x2] =	stream.indirect.gather [hbm4b:s15+s25], $0x80, s1, s25, $0xb8;
	[tilespmem:$0x10600] =	vst v63  }
0x588: {  	s15 =	simm.s32 $0x5C0  }
0x589: {  	[tilespmem:s11], [sflag:$0x4] =	stream.indirect.gather [hbm4b:s16+s25], $0x80, s15, s25, $0xb8;
	[tilespmem:$0x10600] =	vst v63  }
0x58a: {  	_ = 	snop  }
0x58b: {  	[tilespmem:s7], [sflag:$0x6] =	stream.indirect.gather [hbm4b:s17+s25], $0x80, s1, s25, $0xb8;
	[tilespmem:$0x10600] =	vst v63  }
0x58c: {  	_ = 	snop  }
0x58d: {  	[tilespmem:s8], [sflag:$0x8] =	stream.indirect.gather [hbm4b:s17+s25], $0x80, s15, s25, $0xb8;
	[tilespmem:$0x10600] =	vst v63  }
0x58e: {  	_ =	swait.ge [sflag:s31], $0x2000  }
0x58f: {  	[sflag:s31] =	ssyncset.done $0x0  }
0x590: {  	[sflag:s31] =	ssyncadd.s32 $0xFFFFE000  }
0x591: {  	_ =	swait.ge [sflag:s30], $0x2000  }
0x592: {  	[sflag:s30] =	ssyncset.done $0x0  }
0x593: {  	[sflag:s30] =	ssyncadd.s32 $0xFFFFE000  }
0x594: {  	_ =	swait.ge [sflag:s29], $0x2000  }
0x595: {  	[sflag:s29] =	ssyncset.done $0x0  }
0x596: {  	[sflag:s29] =	ssyncadd.s32 $0xFFFFE000  }
0x597: {  	_ =	swait.ge [sflag:s26], $0x2000  }
0x598: {  	s16 =	sld [smem:$0x7F6]  }
0x599: {  	[sflag:s26] =	ssyncset.done $0x0  }
0x59a: {  	s17 =	sld [smem:$0x7F7];
	[sflag:s26] =	ssyncadd.s32 $0xFFFFE000  }
0x59b: {  	[hbm4b:s16+s2] =	stream.linear.scatter [tilespmem:s21], [sflag:$0x9], $0x2000, $0x38;
	[tilespmem:$0x10600] =	vst v63  }
0x59c: {  	s21 =	sld [smem:$0x7F8]  }
0x59d: {  	[hbm4b:s17+s2] =	stream.linear.scatter [tilespmem:s20], [sflag:$0xB], $0x2000, $0x38;
	[tilespmem:$0x10600] =	vst v63  }
0x59e: {  	s25 =	sld [smem:$0x7F9]  }
0x59f: {  	[hbm4b:s21+s2] =	stream.linear.scatter [tilespmem:s18], [sflag:$0xD], $0x2000, $0x38;
	[tilespmem:$0x10600] =	vst v63  }
0x5a0: {  	_ = 	snop  }
0x5a1: {  	[hbm4b:s25+s2] =	stream.linear.scatter [tilespmem:s19], [sflag:$0xF], $0x2000, $0x38;
	[tilespmem:$0x10600] =	vst v63  }
0x5a2: {  	_ =	swait.ge [sflag:s28], $0x2000  }
0x5a3: {  	[sflag:s28] =	ssyncset.done $0x0  }
0x5a4: {  	[sflag:s28] =	ssyncadd.s32 $0xFFFFE000  }
0x5a5: {  	_ =	swait.ge [sflag:s24], $0x2000  }
0x5a6: {  	[sflag:s24] =	ssyncset.done $0x0  }
0x5a7: {  	[sflag:s24] =	ssyncadd.s32 $0xFFFFE000  }
0x5a8: {  	_ =	swait.ge [sflag:s23], $0x2000  }
0x5a9: {  	[sflag:s23] =	ssyncset.done $0x0  }
0x5aa: {  	[sflag:s23] =	ssyncadd.s32 $0xFFFFE000  }
0x5ab: {  	_ =	swait.ge [sflag:s22], $0x2000  }
0x5ac: {  	s26 =	sld [smem:$0x7FA]  }
0x5ad: {  	[sflag:s22] =	ssyncset.done $0x0  }
0x5ae: {  	s28 =	sld [smem:$0x7FB];
	[sflag:s22] =	ssyncadd.s32 $0xFFFFE000  }
0x5af: {  	[hbm4b:s26+s2] =	stream.linear.scatter [tilespmem:s10], [sflag:$0xA], $0x2000, $0x38;
	[tilespmem:$0x10600] =	vst v63  }
0x5b0: {  	s29 =	sld [smem:$0x7FC]  }
0x5b1: {  	[hbm4b:s28+s2] =	stream.linear.scatter [tilespmem:s11], [sflag:$0xC], $0x2000, $0x38;
	[tilespmem:$0x10600] =	vst v63  }
0x5b2: {  	s30 =	sld [smem:$0x7FD]  }
0x5b3: {  	[hbm4b:s29+s2] =	stream.linear.scatter [tilespmem:s7], [sflag:$0xE], $0x2000, $0x38;
	[tilespmem:$0x10600] =	vst v63  }
0x5b4: {  	_ = 	snop  }
0x5b5: {  	[hbm4b:s30+s2] =	stream.linear.scatter [tilespmem:s8], [sflag:$0x10], $0x2000, $0x38;
	[tilespmem:$0x10600] =	vst v63  }
0x5b6: {  	_ =	swait.ge [sflag:s13], $0x2000  }
0x5b7: {  	[sflag:s13] =	ssyncset.done $0x0  }
0x5b8: {  	[sflag:s13] =	ssyncadd.s32 $0xFFFFE000  }
0x5b9: {  	_ =	swait.ge [sflag:s9], $0x2000  }
0x5ba: {  	[sflag:s9] =	ssyncset.done $0x0  }
0x5bb: {  	[sflag:s9] =	ssyncadd.s32 $0xFFFFE000  }
0x5bc: {  	_ =	swait.ge [sflag:s4], $0x2000  }
0x5bd: {  	[sflag:s4] =	ssyncset.done $0x0  }
0x5be: {  	[sflag:s4] =	ssyncadd.s32 $0xFFFFE000  }
0x5bf: {  	_ =	swait.ge [sflag:s5], $0x2000  }
0x5c0: {  	[sflag:s5] =	ssyncset.done $0x0  }
0x5c1: {  	[sflag:s5] =	ssyncadd.s32 $0xFFFFE000  }
0x5c2: {  	_ =	swait.ge [sflag:s14], $0x2000  }
0x5c3: {  	[sflag:s14] =	ssyncset.done $0x0  }
0x5c4: {  	[sflag:s14] =	ssyncadd.s32 $0xFFFFE000  }
0x5c5: {  	_ =	swait.ge [sflag:s12], $0x2000  }
0x5c6: {  	[sflag:s12] =	ssyncset.done $0x0  }
0x5c7: {  	[sflag:s12] =	ssyncadd.s32 $0xFFFFE000  }
0x5c8: {  	_ =	swait.ge [sflag:s6], $0x2000  }
0x5c9: {  	[sflag:s6] =	ssyncset.done $0x0  }
0x5ca: {  	[sflag:s6] =	ssyncadd.s32 $0xFFFFE000  }
0x5cb: {  	_ =	swait.ge [sflag:s3], $0x2000  }
0x5cc: {  	[sflag:s3] =	ssyncset.done $0x0  }
0x5cd: {  	[sflag:s3] =	ssyncadd.s32 $0xFFFFE000  }
0x5ce: {  	_ =	sfence.sel $0x180000  }
0x5cf: {  	[bflag:$0x0] =	sbarrier.arrive $0xFFFF  }
0x5d0: {  	_ =	strace $0x9000004A  }
0x5d1: {  	s31 =	stileid.u32;
	[bflag:$0x2] =	sbarrier.arrive $0xFFFF  }
0x5d2: {  	p0 =	sne.s32 s31, $0x0;
	s0 =	rddreg [dreg:$0x2]  }
0x5d3: {  	s0 =	sadd.s32 @!p0 $0x100000, s0  }
0x5d4: {  	[sflag:s0] =	ssyncadd.tile.s32 @!p0 $0x1;
	_ =	shalt  }
.Lfunc_end2:
_tile_overlayer_lowered:
.L_overlay_start_2:
0x5d5: {  	(tag) =	ssettag $0x2  }
0x5d6: {  	s0 =	rddreg [dreg:$0x0];
	s2 =	stileid.u32  }
0x5d7: {  	s1 =	rddreg [dreg:$0x1];
	p0 =	sne.s32 s2, $0x0  }
0x5d8: {  	s3 =	rddreg [dreg:$0x2];
	[bflag:$0x3] =	sbarrier.arrive $0xFFFF;
	s2 =	simm.s32 @!p0 $0x1C11  }
0x5d9: {  	[timem:s3], [sflag:s2] =	dma.local @!p0 [hbm:s0], s1  }
0x5da: {  	s0 =	simm.s32 @!p0 $0x11  }
0x5db: {  	_ =	swait.ge @!p0 [sflag:s0], s1  }
0x5dc: {  	s1 =	ssub.s32 @!p0 $0x0, s1;
	[sflag:s0] =	ssyncset.done @!p0 $0x0  }
0x5dd: {  	[sflag:s0] =	ssyncadd.s32 @!p0 s1  }
0x5de: {  	[bflag:$0x3] =	sbarrier.arrive $0xFFFF  }
0x5df: {  	_ =	shalt  }

// kernel: kernel.7.cloned.1.call-start
scs
__scs_entry_jumppad:
0x0: {  	(pc) =	sbr.rel $0x88, $3  }
0x1: {  	(tag) =	ssettag $0x0;
	lr =	simm.s32 $0x1  }
0x2: {  	[smem:$0x3F85] =	sst lr;
	_ =	strace $0xD0000000  }
0x3: {  	_ = 	snop  }
0x4: {  	_ = 	snop  }
0x5: {  	_ = 	snop  }
0x6: {  	_ = 	snop  }
0x7: {  	_ = 	snop  }
__scs_overlays_trampoline_lowered:
0x8: {  	[smem:$0x3F94] =	sst s0  }
0x9: {  	[smem:$0x3F95] =	sst s1  }
0xa: {  	[smem:$0x3F96] =	sst s2  }
0xb: {  	[smem:$0x3F97] =	sst s3  }
0xc: {  	[smem:$0x3F98] =	sst s4  }
0xd: {  	[smem:$0x3F99] =	sst s5  }
0xe: {  	[smem:$0x3F9A] =	sst s6  }
0xf: {  	[smem:$0x3F9B] =	sst s7  }
0x10: {  	[smem:$0x3F9C] =	sst s8  }
0x11: {  	[smem:$0x3F9D] =	sst s9;
	s0 =	simm.s32 @!p0 $0x0  }
0x12: {  	s1 =	sld [smem:$0x3F83];
	s0 =	simm.s32 @p0 $0x1  }
0x13: {  	[smem:$0x3F9E] =	sst s0;
	s0 =	simm.s32 @!p1 $0x0  }
0x14: {  	s2 =	sld [smem:$0x3F82];
	s0 =	simm.s32 @p1 $0x1  }
0x15: {  	[smem:$0x3F9F] =	sst s0;
	s0 =	simm.s32 @!p2 $0x0  }
0x16: {  	s3 =	sld [smem:$0x3FDB];
	s0 =	simm.s32 @p2 $0x1  }
0x17: {  	s4 =	simm.s32 $0x1BF5;
	[smem:$0x3FA1] =	sst s0  }
0x18: {  	s0 =	sld [smem:$0x3F84];
	_ =	swait.ge [sflag:s4], $0x0  }
0x19: {  	s7 =	sld [smem:$0x3F85]  }
0x1a: {  	s8 =	sadd.s32 $0xFFFFE003, lr  }
0x1b: {  	s9 =	sadd.s32 $0xFFFFFEF7, lr;
	s5 =	simm.s32 $0xFFFFFFFF;
	p2 =	slt.u32 s8, $0xFFFFF086  }
0x1c: {  	p1 =	slt.u32 s9, $0xF7A;
	s5 =	simm.s32 @!p2 $0x0  }
0x1d: {  	s5 =	simm.s32 @p1 $0x1;
	p0 =	seq.s32 s7, s2  }
0x1e: {  	s7 =	smul.u32 @!p0 $0xF7A, s2;
	p2 =	seq.s32 @!p0 s5, $0x0  }
0x1f: {  	s9 =	smul.u32 $0xF7A, s1;
	s8 =	simm.s32 @!p0 $0x1BF5;
	p2 =	por !p2, p0  }
0x20: {  	[sflag:s8] =	ssyncset.s32 @!p0 $0xFFFFF086;
	s6 =	sadd.s32 @!p0 s3, s7;
	s7 =	simm.s32 @!p0 $0x108  }
0x21: {  	s3 =	sadd.s32 s3, s9;
	s6 =	sadd.s32 @!p0 $0x88, s6;
	s7 =	simm.s32 @p2 $0x1082  }
0x22: {  	[simem:s7], [sflag:s8] =	dma.local @!p0 [hbm:s6], $0xF7A  }
0x23: {  	s9 =	sor.u32 $0xD0000000, s2;
	s6 =	simm.s32 $0x108;
	_ =	swait.ge @!p0 [sflag:s8], $0x0  }
0x24: {  	s3 =	sadd.s32 $0x88, s3;
	s6 =	simm.s32 @!p1 $0x1082;
	[sflag:s4] =	ssyncset.s32 $0xFFFFF086  }
0x25: {  	[simem:s6], [sflag:s4] =	dma.local [hbm:s3], $0xF7A  }
0x26: {  	[smem:$0x3F85] =	sst s1;
	(tag) =	ssettag s2;
	_ =	strace s9  }
0x27: {  	s1 =	sld [smem:$0x3F95]  }
0x28: {  	s2 =	sld [smem:$0x3F96]  }
0x29: {  	s4 =	sld [smem:$0x3F98]  }
0x2a: {  	p0 =	seq.s32 s5, $0x0;
	s5 =	sld [smem:$0x3F99]  }
0x2b: {  	s6 =	sld [smem:$0x3F9A]  }
0x2c: {  	s7 =	sld [smem:$0x3F9B]  }
0x2d: {  	s3 =	simm.s32 $0x108;
	s8 =	sld [smem:$0x3F9C]  }
0x2e: {  	s3 =	simm.s32 @!p0 $0x1082;
	s9 =	sld [smem:$0x3F9D]  }
0x2f: {  	lr =	sadd.s32 s0, s3;
	s0 =	sld [smem:$0x3F94]  }
0x30: {  	s3 =	sld [smem:$0x3F97]  }
0x31: {  	[smem:$0x3FA0] =	sst s10  }
0x32: {  	s10 =	sld [smem:$0x3F9E];
	_ =	sdelay $0x3  }
0x33: {  	p0 =	seq.s32 s10, $0x1;
	s10 =	sld [smem:$0x3FA0];
	_ =	sdelay $0x3  }
0x34: {  	[smem:$0x3FA0] =	sst s10  }
0x35: {  	s10 =	sld [smem:$0x3F9F];
	_ =	sdelay $0x3  }
0x36: {  	p1 =	seq.s32 s10, $0x1;
	s10 =	sld [smem:$0x3FA0];
	_ =	sdelay $0x3  }
0x37: {  	[smem:$0x3FA0] =	sst s10  }
0x38: {  	s10 =	sld [smem:$0x3FA1]  }
0x39: {  	_ = 	snop;
	(pc) =	sbr.ind lr, $3  }
0x3a: {  	_ = 	snop  }
0x3b: {  	_ = 	snop  }
0x3c: {  	p2 =	seq.s32 s10, $0x1;
	s10 =	sld [smem:$0x3FA0]  }
0x3d: {  	_ =	shalt  }
0x3e: {  	_ =	shalt  }
0x3f: {  	_ =	shalt  }
0x40: {  	_ =	shalt  }
0x41: {  	_ =	shalt  }
0x42: {  	_ =	shalt  }
0x43: {  	_ =	shalt  }
0x44: {  	_ =	shalt  }
0x45: {  	_ =	shalt  }
0x46: {  	_ =	shalt  }
0x47: {  	_ =	shalt  }
0x48: {  	_ =	shalt  }
0x49: {  	_ =	shalt  }
0x4a: {  	_ =	shalt  }
0x4b: {  	_ =	shalt  }
0x4c: {  	_ =	shalt  }
0x4d: {  	_ =	shalt  }
0x4e: {  	_ =	shalt  }
0x4f: {  	_ =	shalt  }
0x50: {  	_ =	shalt  }
0x51: {  	_ =	shalt  }
0x52: {  	_ =	shalt  }
0x53: {  	_ =	shalt  }
0x54: {  	_ =	shalt  }
0x55: {  	_ =	shalt  }
0x56: {  	_ =	shalt  }
0x57: {  	_ =	shalt  }
0x58: {  	_ =	shalt  }
0x59: {  	_ =	shalt  }
0x5a: {  	_ =	shalt  }
0x5b: {  	_ =	shalt  }
0x5c: {  	_ =	shalt  }
0x5d: {  	_ =	shalt  }
0x5e: {  	_ =	shalt  }
0x5f: {  	_ =	shalt  }
0x60: {  	_ =	shalt  }
0x61: {  	_ =	shalt  }
0x62: {  	_ =	shalt  }
0x63: {  	_ =	shalt  }
0x64: {  	_ =	shalt  }
0x65: {  	_ =	shalt  }
0x66: {  	_ =	shalt  }
0x67: {  	_ =	shalt  }
0x68: {  	_ =	shalt  }
0x69: {  	_ =	shalt  }
0x6a: {  	_ =	shalt  }
0x6b: {  	_ =	shalt  }
0x6c: {  	_ =	shalt  }
0x6d: {  	_ =	shalt  }
0x6e: {  	_ =	shalt  }
0x6f: {  	_ =	shalt  }
0x70: {  	_ =	shalt  }
0x71: {  	_ =	shalt  }
0x72: {  	_ =	shalt  }
0x73: {  	_ =	shalt  }
0x74: {  	_ =	shalt  }
0x75: {  	_ =	shalt  }
0x76: {  	_ =	shalt  }
0x77: {  	_ =	shalt  }
0x78: {  	_ =	shalt  }
0x79: {  	_ =	shalt  }
0x7a: {  	_ =	shalt  }
0x7b: {  	_ =	shalt  }
0x7c: {  	_ =	shalt  }
0x7d: {  	_ =	shalt  }
0x7e: {  	_ =	shalt  }
0x7f: {  	_ =	shalt  }
0x80: {  	_ =	shalt  }
0x81: {  	_ =	shalt  }
0x82: {  	_ =	shalt  }
0x83: {  	_ =	shalt  }
0x84: {  	_ =	shalt  }
0x85: {  	_ =	shalt  }
0x86: {  	_ =	shalt  }
0x87: {  	_ =	shalt  }
.Lfunc_end0:
.L_simem_size_0:
called_computation_lowered:
.L_overlay_start_0:
0x88: {  	s2 =	sld [smem:$0x3FD9]  }
0x89: {  	s3 =	sld [smem:$0x3FFE];
	_ =	sdelay $0x1  }
0x8a: {  	s1 =	srdreg.scid  }
0x8b: {  	s0 =	sand.u32 $0x1, s1  }
0x8c: {  	s17 =	sshll.u32 s0, $0xA;
	s2 =	sadd.s32 s3, s2  }
0x8d: {  	s2 =	sadd.s32 s2, s17  }
0x8e: {  	[smem:$0x3FAC] =	sst s2  }
0x8f: {  	_ = 	snop  }
0x90: {  	s2 =	sld [smem:$0x3FC8];
	(tm) =	ssettm $0x1  }
0x91: {  	s18 =	sld [smem:$0x3FFB];
	_ =	sdelay $0x3  }
0x92: {  	_ =	strace s18  }
0x93: {  	s3 =	sld [smem:$0x3FFC];
	_ =	sdelay $0x3  }
0x94: {  	_ =	strace s3  }
0x95: {  	s3 =	sld [smem:$0x3FFD];
	_ =	sdelay $0x3  }
0x96: {  	_ =	strace s3  }
0x97: {  	_ =	strace $0x8FFFFFFF  }
0x98: {  	s19 =	sld [smem:$0x3FDB];
	_ =	sdelay $0x1  }
0x99: {  	s4 =	simm.s32 $_scs_section_size  }
0x9a: {  	s5 =	simm.s32 $_size__tile_overlayer_lowered;
	s6 =	simm.s32 $_tile_overlayer_lowered  }
0x9b: {  	s22 =	simm.s32 $0x1BFF;
	s21 =	sshll.u32 s6, $0x1;
	s3 =	sadd.s32 s4, s19  }
0x9c: {  	s7 =	simm.s32 $0x0;
	s20 =	sshll.u32 s5, $0x1;
	s5 =	sadd.s32 s21, s3  }
0x9d: {  	[timem:s7], [sflag:s22] =	dma.local [hbm:s5], s20  }
0x9e: {  	_ =	swait.ge [sflag:s22], s20  }
0x9f: {  	s4 =	ssub.s32 $0x0, s20;
	[sflag:s22] =	ssyncset.done $0x0  }
0xa0: {  	[sflag:s22] =	ssyncadd.s32 s4;
	_ =	sdelay $0x1  }
0xa1: {  	s23 =	simm.s32 $0x1B8B  }
0xa2: {  	_ =	swait.ge [sflag:s23], $0x1  }
0xa3: {  	[sflag:s23] =	ssyncset.done $0x0  }
0xa4: {  	s25 =	simm.s32 $0x1B8E;
	s24 =	sld [smem:$0x3FFE];
	[sflag:s23] =	ssyncadd.s32 $0xFFFFFFFF  }
0xa5: {  	s26 =	simm.s32 $execute0_lowered;
	[smem:$0x3FD2] =	sst s25  }
0xa6: {  	s5 =	sshll.u32 s26, $0x1;
	_ =	strace $0x80000046;
	[dreg:$0x1] =	wrdreg $0xFFFFFFFF  }
0xa7: {  	s28 =	simm.s32 $_size_execute0_lowered;
	s3 =	sadd.s32 s3, s5;
	[dreg:$0x0] =	wrdreg $0x0  }
0xa8: {  	s5 =	sshll.u32 s28, $0x1;
	[dreg:$0x2] =	wrdreg s3  }
0xa9: {  	[dreg:$0x3] =	wrdreg s5  }
0xaa: {  	[dreg:$0x4] =	wrdreg $0xC0  }
0xab: {  	_ =	task [dreg:s7], $0x5FFFF  }
0xac: {  	[dreg:$0x1] =	wrdreg $0xFFFFFFFF  }
0xad: {  	[dreg:$0x0] =	wrdreg $0x60  }
0xae: {  	[dreg:$0x2] =	wrdreg s24  }
0xaf: {  	[dreg:$0x3] =	wrdreg s2  }
0xb0: {  	[dreg:$0x4] =	wrdreg $0x9  }
0xb1: {  	_ =	task.clear_ibuf [dreg:s7], $0x5FFFF;
	_ =	strace $0x90000046  }
0xb2: {  	s29 =	simm.s32 $0x9;
	_ =	strace $0x80000048  }
0xb3: {  	_ =	swait.ge [sflag:s29], $0x1  }
0xb4: {  	[sflag:s29] =	ssyncadd.s32 $0xFFFFFFFF  }
0xb5: {  	_ =	strace $0x90000048  }
0xb6: {  	_ =	sfence  }
0xb7: {  	s30 =	sld [smem:$0x0];
	_ =	sdelay $0x2  }
0xb8: {  	s31 =	sshll.u32 s1, $0xD;
	s1 =	sshrl.u32 s1, $0x2  }
0xb9: {  	s3 =	sand.u32 $0x4000, s31;
	s1 =	sadd.s32 s1, s30  }
0xba: {  	s0 =	sor.u32 s3, s0;
	s1 =	sshll.u32 s1, $0x11  }
0xbb: {  	s0 =	sor.u32 s1, s0  }
0xbc: {  	s0 =	sadd.s32 $0x8F2B, s0  }
0xbd: {  	[sflag:s0] =	ssyncadd.remote.s32 $0x1  }
0xbe: {  	_ =	sfence.sel $0xFFFF  }
0xbf: {  	[dreg:$0x0] =	wrdreg $0xFFFFFFFF;
	(pc) =	sbr.abs _section_cstart, $3  }
0xc0: {  	[dreg:$0x1] =	wrdreg $0xFFFFFFFF  }
0xc1: {  	_ =	task.clear_ibuf [dreg:s7], $0x2FFFF;
	_ =	strace $0x9FFFFFFF  }
0xc2: {  	(tm) =	ssettm $0x7FFFFFFF  }
0xc3: {  	_ =	shalt  }
tec
execute0_lowered:
.L_overlay_start_1:
0x0: {  	(tag) =	ssettag $0x1  }
0x1: {  	s1 =	srdreg.scid;
	s0 =	stileid.u32  }
0x2: {  	s9 =	rddreg [dreg:$0x0];
	s15 =	sand.u32 $0x1, s1;
	s31 =	sshll.u32 s0, $0x1  }
0x3: {  	s3 =	rddreg [dreg:$0x1];
	s10 =	sor.u32 s15, s31  }
0x4: {  	s2 =	simm.s32 $0x0;
	s1 =	rddreg [dreg:$0x2];
	s4 =	smul.u32 $0x28, s10  }
0x5: {  	[smem:$0x7FF] =	sst s2  }
0x6: {  	_ =	strace $0x80000047;
	s4 =	sadd.s32 s3, s4;
	s3 =	simm.s32 $0x2  }
0x7: {  	[tilespmem:s2], [sflag:$0x2] =	stream.linear.gather [hbm4b:s4+s2], $0x140, $0x38;
	[tilespmem:$0x2180] =	vst v63  }
0x8: {  	_ =	swait.ge [sflag:s3], $0x140  }
0x9: {  	s6 =	simm.s32 $0x40;
	s7 =	simm.s32 $0x180;
	[sflag:s3] =	ssyncset.done $0x0  }
0xa: {  	s8 =	simm.s32 $0x1;
	s5 =	sadd.s32 $0x5200, s9;
	[sflag:s3] =	ssyncadd.s32 $0xFFFFFEC0  }
0xb: {  	[tilespmem:s7], [sflag:$0x1] =	stream.indirect.gather [hbm4b:s5+s6], $0x80, s2, s6, $0xb8;
	[tilespmem:$0x2180] =	vst v63  }
0xc: {  	s11 =	smul.u32 $0x1400, s10;
	_ =	swait.ge [sflag:s8], $0x2000  }
0xd: {  	s12 =	sadd.s32 $0x5A00, s9;
	[sflag:s8] =	ssyncset.done $0x0  }
0xe: {  	s9 =	sadd.s32 s12, s11;
	[sflag:s8] =	ssyncadd.s32 $0xFFFFE000  }
0xf: {  	[hbm4b:s9+s2] =	stream.linear.scatter [tilespmem:s7], [sflag:$0x2], $0x2000, $0x38;
	[tilespmem:$0x2180] =	vst v63  }
0x10: {  	_ =	swait.ge [sflag:s3], $0x2000  }
0x11: {  	[sflag:s3] =	ssyncset.done $0x0  }
0x12: {  	s10 =	smul.u32 $0xA000, s10;
	[sflag:s3] =	ssyncadd.s32 $0xFFFFE000  }
0x13: {  	[tilespmem:s7], [sflag:$0x1] =	stream.indirect.gather [hbm4b:s5+s6], $0x80, s6, s6, $0xb8;
	[tilespmem:$0x2180] =	vst v63  }
0x14: {  	s10 =	sshrl.u32 s10, $0x3;
	_ =	swait.ge [sflag:s8], $0x2000  }
0x15: {  	s16 =	sadd.s32 s12, s10;
	[sflag:s8] =	ssyncset.done $0x0  }
0x16: {  	s10 =	sadd.s32 $0x400, s16;
	[sflag:s8] =	ssyncadd.s32 $0xFFFFE000  }
0x17: {  	[hbm4b:s10+s2] =	stream.linear.scatter [tilespmem:s7], [sflag:$0x2], $0x2000, $0x38;
	[tilespmem:$0x2180] =	vst v63  }
0x18: {  	_ =	swait.ge [sflag:s3], $0x2000  }
0x19: {  	[sflag:s3] =	ssyncset.done $0x0  }
0x1a: {  	s11 =	simm.s32 $0x80;
	[sflag:s3] =	ssyncadd.s32 $0xFFFFE000  }
0x1b: {  	[tilespmem:s7], [sflag:$0x1] =	stream.indirect.gather [hbm4b:s5+s6], $0x80, s11, s6, $0xb8;
	[tilespmem:$0x2180] =	vst v63  }
0x1c: {  	_ =	swait.ge [sflag:s8], $0x2000  }
0x1d: {  	[sflag:s8] =	ssyncset.done $0x0  }
0x1e: {  	s12 =	sadd.s32 $0x800, s16;
	[sflag:s8] =	ssyncadd.s32 $0xFFFFE000  }
0x1f: {  	[hbm4b:s12+s2] =	stream.linear.scatter [tilespmem:s7], [sflag:$0x2], $0x2000, $0x38;
	[tilespmem:$0x2180] =	vst v63  }
0x20: {  	_ =	swait.ge [sflag:s3], $0x2000  }
0x21: {  	[sflag:s3] =	ssyncset.done $0x0  }
0x22: {  	s13 =	simm.s32 $0xC0;
	[sflag:s3] =	ssyncadd.s32 $0xFFFFE000  }
0x23: {  	[tilespmem:s7], [sflag:$0x1] =	stream.indirect.gather [hbm4b:s5+s6], $0x80, s13, s6, $0xb8;
	[tilespmem:$0x2180] =	vst v63  }
0x24: {  	_ =	swait.ge [sflag:s8], $0x2000  }
0x25: {  	[sflag:s8] =	ssyncset.done $0x0  }
0x26: {  	s17 =	ssub.s32 $0x2, s15;
	s14 =	sadd.s32 $0xC00, s16;
	[sflag:s8] =	ssyncadd.s32 $0xFFFFE000  }
0x27: {  	[hbm4b:s14+s2] =	stream.linear.scatter [tilespmem:s7], [sflag:$0x2], $0x2000, $0x38;
	[tilespmem:$0x2180] =	vst v63  }
0x28: {  	s18 =	sshrl.u32 s17, $0x1;
	_ =	swait.ge [sflag:s3], $0x2000  }
0x29: {  	s17 =	ssub.s32 s17, s18;
	[sflag:s3] =	ssyncset.done $0x0  }
0x2a: {  	s15 =	simm.s32 $0x100;
	s17 =	smax.u32 s17, $0x1;
	[sflag:s3] =	ssyncadd.s32 $0xFFFFE000  }
0x2b: {  	[tilespmem:s7], [sflag:$0x1] =	stream.indirect.gather [hbm4b:s5+s6], $0x80, s15, s6, $0xb8;
	[tilespmem:$0x2180] =	vst v63  }
0x2c: {  	p0 =	sne.s32 s17, $0x1;
	_ =	swait.ge [sflag:s8], $0x2000  }
.Ltmp0:
0x2d: {  	[sflag:s8] =	ssyncset.done $0x0;
	(pc) =	sbr.rel @!p0 .LBB2_2-.Ltmp0, $4  }
0x2e: {  	s16 =	sadd.s32 $0x1000, s16;
	[sflag:s8] =	ssyncadd.s32 $0xFFFFE000  }
0x2f: {  	[hbm4b:s16+s2] =	stream.linear.scatter [tilespmem:s7], [sflag:$0x2], $0x2000, $0x38;
	[tilespmem:$0x2180] =	vst v63  }
0x30: {  	_ =	swait.ge [sflag:s3], $0x2000  }
0x31: {  	s17 =	sadd.s32 $0xFFFFFFFF, s17;
	[sflag:s3] =	ssyncset.done $0x0  }
.LBB2_1:
0x32: {  	p0 =	sne.s32 s17, $0x1;
	s17 =	sadd.s32 $0xFFFFFFFF, s17;
	[sflag:s3] =	ssyncadd.s32 $0xFFFFE000  }
0x33: {  	[tilespmem:s2], [sflag:$0x2] =	stream.linear.gather [hbm4b:s4+s2], $0x140, $0x38;
	[tilespmem:$0x2180] =	vst v63  }
0x34: {  	_ =	swait.ge [sflag:s3], $0x140  }
0x35: {  	[sflag:s3] =	ssyncset.done $0x0  }
0x36: {  	[sflag:s3] =	ssyncadd.s32 $0xFFFFFEC0  }
0x37: {  	[tilespmem:s7], [sflag:$0x1] =	stream.indirect.gather [hbm4b:s5+s6], $0x80, s2, s6, $0xb8;
	[tilespmem:$0x2180] =	vst v63  }
0x38: {  	_ =	swait.ge [sflag:s8], $0x2000  }
0x39: {  	[sflag:s8] =	ssyncset.done $0x0  }
0x3a: {  	[sflag:s8] =	ssyncadd.s32 $0xFFFFE000  }
0x3b: {  	[hbm4b:s9+s2] =	stream.linear.scatter [tilespmem:s7], [sflag:$0x2], $0x2000, $0x38;
	[tilespmem:$0x2180] =	vst v63  }
0x3c: {  	_ =	swait.ge [sflag:s3], $0x2000  }
0x3d: {  	[sflag:s3] =	ssyncset.done $0x0  }
0x3e: {  	[sflag:s3] =	ssyncadd.s32 $0xFFFFE000  }
0x3f: {  	[tilespmem:s7], [sflag:$0x1] =	stream.indirect.gather [hbm4b:s5+s6], $0x80, s6, s6, $0xb8;
	[tilespmem:$0x2180] =	vst v63  }
0x40: {  	_ =	swait.ge [sflag:s8], $0x2000  }
0x41: {  	[sflag:s8] =	ssyncset.done $0x0  }
0x42: {  	[sflag:s8] =	ssyncadd.s32 $0xFFFFE000  }
0x43: {  	[hbm4b:s10+s2] =	stream.linear.scatter [tilespmem:s7], [sflag:$0x2], $0x2000, $0x38;
	[tilespmem:$0x2180] =	vst v63  }
0x44: {  	_ =	swait.ge [sflag:s3], $0x2000  }
0x45: {  	[sflag:s3] =	ssyncset.done $0x0  }
0x46: {  	[sflag:s3] =	ssyncadd.s32 $0xFFFFE000  }
0x47: {  	[tilespmem:s7], [sflag:$0x1] =	stream.indirect.gather [hbm4b:s5+s6], $0x80, s11, s6, $0xb8;
	[tilespmem:$0x2180] =	vst v63  }
0x48: {  	_ =	swait.ge [sflag:s8], $0x2000  }
0x49: {  	[sflag:s8] =	ssyncset.done $0x0  }
0x4a: {  	[sflag:s8] =	ssyncadd.s32 $0xFFFFE000  }
0x4b: {  	[hbm4b:s12+s2] =	stream.linear.scatter [tilespmem:s7], [sflag:$0x2], $0x2000, $0x38;
	[tilespmem:$0x2180] =	vst v63  }
0x4c: {  	_ =	swait.ge [sflag:s3], $0x2000  }
0x4d: {  	[sflag:s3] =	ssyncset.done $0x0  }
0x4e: {  	[sflag:s3] =	ssyncadd.s32 $0xFFFFE000  }
0x4f: {  	[tilespmem:s7], [sflag:$0x1] =	stream.indirect.gather [hbm4b:s5+s6], $0x80, s13, s6, $0xb8;
	[tilespmem:$0x2180] =	vst v63  }
0x50: {  	_ =	swait.ge [sflag:s8], $0x2000  }
0x51: {  	[sflag:s8] =	ssyncset.done $0x0  }
0x52: {  	[sflag:s8] =	ssyncadd.s32 $0xFFFFE000  }
0x53: {  	[hbm4b:s14+s2] =	stream.linear.scatter [tilespmem:s7], [sflag:$0x2], $0x2000, $0x38;
	[tilespmem:$0x2180] =	vst v63  }
0x54: {  	_ =	swait.ge [sflag:s3], $0x2000  }
0x55: {  	[sflag:s3] =	ssyncset.done $0x0  }
0x56: {  	[sflag:s3] =	ssyncadd.s32 $0xFFFFE000  }
0x57: {  	[tilespmem:s7], [sflag:$0x1] =	stream.indirect.gather [hbm4b:s5+s6], $0x80, s15, s6, $0xb8;
	[tilespmem:$0x2180] =	vst v63  }
0x58: {  	_ =	swait.ge [sflag:s8], $0x2000  }
.Ltmp1:
0x59: {  	[sflag:s8] =	ssyncset.done $0x0;
	(pc) =	sbr.rel @p0 .LBB2_1-.Ltmp1, $4  }
0x5a: {  	[sflag:s8] =	ssyncadd.s32 $0xFFFFE000  }
0x5b: {  	[hbm4b:s16+s2] =	stream.linear.scatter [tilespmem:s7], [sflag:$0x2], $0x2000, $0x38;
	[tilespmem:$0x2180] =	vst v63  }
0x5c: {  	_ =	swait.ge [sflag:s3], $0x2000  }
0x5d: {  	[sflag:s3] =	ssyncset.done $0x0  }
.LBB2_2:
0x5e: {  	[sflag:s3] =	ssyncadd.s32 $0xFFFFE000  }
0x5f: {  	_ =	sfence.sel $0x180000  }
0x60: {  	[bflag:$0x0] =	sbarrier.arrive $0xFFFF  }
0x61: {  	p0 =	sne.s32 s0, $0x0;
	_ =	strace $0x90000047  }
0x62: {  	s0 =	sadd.s32 @!p0 $0x100000, s1;
	[bflag:$0x2] =	sbarrier.arrive $0xFFFF  }
0x63: {  	[sflag:s0] =	ssyncadd.tile.s32 @!p0 $0x1;
	_ =	shalt  }
.Lfunc_end2:
_tile_overlayer_lowered:
.L_overlay_start_2:
0x64: {  	(tag) =	ssettag $0x2  }
0x65: {  	s0 =	rddreg [dreg:$0x0];
	s2 =	stileid.u32  }
0x66: {  	s1 =	rddreg [dreg:$0x1];
	p0 =	sne.s32 s2, $0x0  }
0x67: {  	s3 =	rddreg [dreg:$0x2];
	[bflag:$0x3] =	sbarrier.arrive $0xFFFF;
	s2 =	simm.s32 @!p0 $0x1C02  }
0x68: {  	[timem:s3], [sflag:s2] =	dma.local @!p0 [hbm:s0], s1  }
0x69: {  	s0 =	simm.s32 @!p0 $0x2  }
0x6a: {  	_ =	swait.ge @!p0 [sflag:s0], s1  }
0x6b: {  	s1 =	ssub.s32 @!p0 $0x0, s1;
	[sflag:s0] =	ssyncset.done @!p0 $0x0  }
0x6c: {  	[sflag:s0] =	ssyncadd.s32 @!p0 s1  }
0x6d: {  	[bflag:$0x3] =	sbarrier.arrive $0xFFFF  }
0x6e: {  	_ =	shalt  }

</sc_bundles>
